<compile_context>
chip_gen: v7x
topology: tpu7x:2x2x1
jax: 0.10.2.dev20260603
libtpu: 0.0.44.dev20260713+nightly
codegen_flags: <defaults>
</compile_context>

<pallas_src>
import functools

import jax
import jax.numpy as jnp
from jax import lax
from jax.experimental import pallas as pl
from jax.experimental.pallas import tpu as pltpu
from jax.experimental.pallas import tpu_sc as plsc

_INFO = plsc.get_sparse_core_info()
_NC = _INFO.num_cores
_NS = _INFO.num_subcores
_NW = _NC * _NS
_L = _INFO.num_lanes

_CHUNK = 32


def _table_body(protos_ref, out_ref):
    s, p, d = protos_ref.shape
    means = jnp.sum(protos_ref[...], axis=1) * (0.5 / p)
    out_ref[...] = jnp.broadcast_to(means, (_NW, s, d)).reshape(_NW * s, d)


def _make_sc_lookup(batch, dim):
    assert batch % (_NW * _CHUNK) == 0
    bpw = batch // _NW
    steps = bpw // _CHUNK
    mesh = plsc.VectorSubcoreMesh(core_axis_name="c", subcore_axis_name="s")

    @functools.partial(
        pl.kernel,
        out_type=jax.ShapeDtypeStruct((batch, dim), jnp.float32),
        mesh=mesh,
        scratch_types=[
            [pltpu.VMEM((_CHUNK,), jnp.int32)] * 2,
            [pltpu.VMEM((_CHUNK, dim), jnp.float32)] * 2,
            [pltpu.VMEM((_CHUNK, dim), jnp.float32)] * 2,
            [pltpu.SemaphoreType.DMA] * 2,
            [pltpu.SemaphoreType.DMA] * 2,
            [pltpu.SemaphoreType.DMA] * 2,
        ],
    )
    def sc_lookup(feat_hbm, stages_hbm, table_hbm, out_hbm, idx_v, feat_v,
                  rows_v, gsem, fsem, osem):
        wid = lax.axis_index("s") * _NC + lax.axis_index("c")
        base = wid * bpw

        def start_in(step, b):
            row0 = base + step * _CHUNK
            if step >= 2:
                pltpu.make_async_copy(
                    feat_v[b], out_hbm.at[pl.ds(0, _CHUNK)], osem[b]).wait()
            pltpu.sync_copy(stages_hbm.at[pl.ds(row0, _CHUNK)], idx_v[b])
            for c in range(_CHUNK // _L):
                s = pl.ds(c * _L, _L)
                idx_v[b][s] = idx_v[b][s] + wid * 8
            pltpu.async_copy(feat_hbm.at[pl.ds(row0, _CHUNK)], feat_v[b],
                             fsem[b])
            pltpu.async_copy(table_hbm.at[idx_v[b]], rows_v[b], gsem[b])

        def wait_in(b):
            pltpu.make_async_copy(feat_hbm.at[pl.ds(0, _CHUNK)], feat_v[b],
                                  fsem[b]).wait()
            pltpu.make_async_copy(table_hbm.at[idx_v[b]], rows_v[b],
                                  gsem[b]).wait()

        start_in(0, 0)
        for step in range(steps):
            b = step % 2
            if step + 1 < steps:
                start_in(step + 1, 1 - b)
            wait_in(b)

            @plsc.parallel_loop(0, _CHUNK, unroll=2)
            def add_row(r):
                for c in range(dim // _L):
                    s = pl.ds(c * _L, _L)
                    plsc.addupdate(feat_v[b].at[r, s], rows_v[b][r, s])

            row0 = base + step * _CHUNK
            pltpu.async_copy(feat_v[b], out_hbm.at[pl.ds(row0, _CHUNK)],
                             osem[b])
        for b in range(2):
            pltpu.make_async_copy(
                feat_v[b], out_hbm.at[pl.ds(0, _CHUNK)], osem[b]).wait()

    return sc_lookup


def kernel(features, class_ids, stages, shared_protos):
    del class_ids
    table = pl.pallas_call(
        _table_body,
        out_shape=jax.ShapeDtypeStruct(
            (_NW * shared_protos.shape[0], shared_protos.shape[2]),
            jnp.float32),
    )(shared_protos)
    batch, dim = features.shape
    return _make_sc_lookup(batch, dim)(features, stages, table)

# --- scband reference (transcript-rebuilt; emitter-appended) ---
"""Pipeline reference for scband-insect-aware-proto-pool-1700807049524 (READ-ONLY COPY).

The authoritative reference and input builder live on the scoring server;
editing this copy changes nothing except your own understanding.
"""

import jax, jax.numpy as jnp
import numpy as np

MAX_STAGES = 8
SHARED_PER_STAGE = 16
EMBED_DIM = 768
B = 4096


def setup_inputs(seed: int = 0) -> dict:
    key = jax.random.key(seed)
    k1, k2, k3, k4 = jax.random.split(key, 4)
    features = jax.random.normal(k1, (B, EMBED_DIM), dtype=jnp.float32)
    class_ids = jax.random.randint(k2, (B,), 0, 1000, dtype=jnp.int32)
    stages = jax.random.randint(k3, (B,), 0, MAX_STAGES, dtype=jnp.int32)
    # learned shared stage prototypes: one bank of [shared_proto_per_stage, embed_dim] per stage
    shared_protos = jax.random.normal(k4, (MAX_STAGES, SHARED_PER_STAGE, EMBED_DIM), dtype=jnp.float32)
    return {"features": features, "class_ids": class_ids, "stages": stages, "shared_protos": shared_protos}


def reference(features, class_ids, stages, shared_protos):
    # Class-specific prototype pools start empty (init_class never called before forward),
    # so _get_class_proto returns zeros for every sample -> class_proto contribution is 0.
    class_proto = jnp.zeros_like(features)
    # _get_shared_stage_proto: mean over the prototypes of the sample's stage bank.
    stage_means = jnp.mean(shared_protos, axis=1)  # [MAX_STAGES, EMBED_DIM]
    shared = jnp.take(stage_means, stages, axis=0)  # [B, EMBED_DIM] gather by stage id
    enhanced = features + 0.5 * (class_proto + shared)
    return enhanced

if __name__ == "__main__":
    import jax
    _d = setup_inputs()
    print(jax.jit(kernel)(*tuple(_d.values())))

</pallas_src>

<mosaic_0001>
#map = affine_map<(d0, d1) -> (0, 0)>
#map1 = affine_map<(d0, d1) -> (0)>
module attributes {stable_mosaic.version = 14 : i64} {
  func.func @sc_lookup(%arg0: i32, %arg1: i32, %arg2: memref<4096x768xf32, #tpu.memory_space<hbm>>, %arg3: memref<4096xi32, #tpu.memory_space<hbm>>, %arg4: memref<256x768xf32, #tpu.memory_space<hbm>>, %arg5: memref<4096x768xf32, #tpu.memory_space<hbm>>, %arg6: memref<32xi32, #tpu.memory_space<vmem>>, %arg7: memref<32xi32, #tpu.memory_space<vmem>>, %arg8: memref<32x768xf32, #tpu.memory_space<vmem>>, %arg9: memref<32x768xf32, #tpu.memory_space<vmem>>, %arg10: memref<32x768xf32, #tpu.memory_space<vmem>>, %arg11: memref<32x768xf32, #tpu.memory_space<vmem>>, %arg12: memref<!tpu.dma_semaphore, #tpu.memory_space<semaphore_mem>>, %arg13: memref<!tpu.dma_semaphore, #tpu.memory_space<semaphore_mem>>, %arg14: memref<!tpu.dma_semaphore, #tpu.memory_space<semaphore_mem>>, %arg15: memref<!tpu.dma_semaphore, #tpu.memory_space<semaphore_mem>>, %arg16: memref<!tpu.dma_semaphore, #tpu.memory_space<semaphore_mem>>, %arg17: memref<!tpu.dma_semaphore, #tpu.memory_space<semaphore_mem>>) attributes {dimension_semantics = [#tpu.dimension_semantics<core_parallel>, #tpu.dimension_semantics<subcore_parallel>], iteration_bounds = array<i64: 2, 16>, scalar_prefetch = 0 : i64, scratch_operands = 12 : i64, tpu.core_type = #tpu.core_type<sc_vector_subcore>, window_params = [{transform_indices = #map}, {transform_indices = #map1}, {transform_indices = #map}, {transform_indices = #map}]} {
    %mul3A = arith.constant 2 : i32
    %mul3A_0 = arith.muli %arg1, %mul3A : i32
    %add3A = arith.addi %mul3A_0, %arg0 : i32
    %mul3A_1 = arith.constant 128 : i32
    %mul3A_2 = arith.muli %add3A, %mul3A_1 : i32
    %add3A_3 = arith.constant 0 : i32
    %add3A_4 = arith.addi %mul3A_2, %add3A_3 : i32
    "tpu.region"() ({
      %run_scoped3A = tpu.sem_alloc : memref<!tpu.dma_semaphore, #tpu.memory_space<semaphore_mem>>
      %dma_start3A_218 = tpu.memref_slice %arg3[%add3A_4] : memref<4096xi32, #tpu.memory_space<hbm>> -> memref<32xi32, #tpu.memory_space<hbm>>
      %dma_start3A_219 = tpu.memref_slice %arg3[%add3A_4] : memref<4096xi32, #tpu.memory_space<hbm>> -> memref<32xi32, #tpu.memory_space<hbm>>
      tpu.enqueue_dma source(%dma_start3A_219 : memref<32xi32, #tpu.memory_space<hbm>>) target(%arg6 : memref<32xi32, #tpu.memory_space<vmem>>) target_semaphore(%run_scoped3A : memref<!tpu.dma_semaphore, #tpu.memory_space<semaphore_mem>>)
      %dma_wait3A_220 = tpu.memref_slice %arg3[%add3A_4] : memref<4096xi32, #tpu.memory_space<hbm>> -> memref<32xi32, #tpu.memory_space<hbm>>
      %dma_wait3A_221 = tpu.memref_slice %arg3[%add3A_4] : memref<4096xi32, #tpu.memory_space<hbm>> -> memref<32xi32, #tpu.memory_space<hbm>>
      tpu.wait_dma2 semaphore(%run_scoped3A : memref<!tpu.dma_semaphore, #tpu.memory_space<semaphore_mem>>) src(%dma_wait3A_221 : memref<32xi32, #tpu.memory_space<hbm>>) dst(%arg6 : memref<32xi32, #tpu.memory_space<vmem>>)
      tpu.yield
    }) : () -> ()
    %get3A = arith.constant 0 : index
    %get3A_5 = tpu.vector_load %arg6[%get3A] {strides = array<i32>} : memref<32xi32, #tpu.memory_space<vmem>>, vector<16xi32>,
    %get3A_6 = vector.shape_cast %get3A_5 : vector<16xi32> to vector<16xi32>
    %mul3A_7 = arith.constant 8 : i32
    %mul3A_8 = arith.muli %add3A, %mul3A_7 : i32
    %add3A_9 = vector.broadcast %mul3A_8 : i32 to vector<16xi32>
    %add3A_10 = arith.addi %get3A_6, %add3A_9 : vector<16xi32>
    %swap3A = arith.constant 0 : index
    %swap3A_11 = tpu.vector_load %arg6[%swap3A] {strides = array<i32>} : memref<32xi32, #tpu.memory_space<vmem>>, vector<16xi32>,
    %swap3A_12 = vector.shape_cast %swap3A_11 : vector<16xi32> to vector<16xi32>
    %swap3A_13 = vector.shape_cast %add3A_10 : vector<16xi32> to vector<16xi32>
    tpu.vector_store %arg6[%swap3A], %swap3A_13 {strides = array<i32>} : memref<32xi32, #tpu.memory_space<vmem>>, vector<16xi32>,
    %get3A_14 = arith.constant 16 : index
    %get3A_15 = tpu.vector_load %arg6[%get3A_14] {strides = array<i32>} : memref<32xi32, #tpu.memory_space<vmem>>, vector<16xi32>,
    %get3A_16 = vector.shape_cast %get3A_15 : vector<16xi32> to vector<16xi32>
    %mul3A_17 = arith.constant 8 : i32
    %mul3A_18 = arith.muli %add3A, %mul3A_17 : i32
    %add3A_19 = vector.broadcast %mul3A_18 : i32 to vector<16xi32>
    %add3A_20 = arith.addi %get3A_16, %add3A_19 : vector<16xi32>
    %swap3A_21 = arith.constant 16 : index
    %swap3A_22 = tpu.vector_load %arg6[%swap3A_21] {strides = array<i32>} : memref<32xi32, #tpu.memory_space<vmem>>, vector<16xi32>,
    %swap3A_23 = vector.shape_cast %swap3A_22 : vector<16xi32> to vector<16xi32>
    %swap3A_24 = vector.shape_cast %add3A_20 : vector<16xi32> to vector<16xi32>
    tpu.vector_store %arg6[%swap3A_21], %swap3A_24 {strides = array<i32>} : memref<32xi32, #tpu.memory_space<vmem>>, vector<16xi32>,
    %dma_start3A = arith.constant 0 : i32
    %dma_start3A_25 = tpu.memref_slice %arg2[%add3A_4, %dma_start3A] : memref<4096x768xf32, #tpu.memory_space<hbm>> -> memref<32x768xf32, #tpu.memory_space<hbm>>
    %dma_start3A_26 = arith.constant 0 : i32
    %dma_start3A_27 = tpu.memref_slice %arg2[%add3A_4, %dma_start3A_26] : memref<4096x768xf32, #tpu.memory_space<hbm>> -> memref<32x768xf32, #tpu.memory_space<hbm>>
    tpu.enqueue_dma source(%dma_start3A_27 : memref<32x768xf32, #tpu.memory_space<hbm>>) target(%arg8 : memref<32x768xf32, #tpu.memory_space<vmem>>) target_semaphore(%arg14 : memref<!tpu.dma_semaphore, #tpu.memory_space<semaphore_mem>>)
    %dma_start3A_28 = arith.constant 0 : i32
    %dma_start3A_29 = arith.constant 0 : i32
    %dma_start3A_30 = tpu.memref_slice %arg4[%dma_start3A_28, %dma_start3A_29] : memref<256x768xf32, #tpu.memory_space<hbm>> -> memref<256x768xf32, #tpu.memory_space<hbm>>
    tpu.enqueue_indirect_dma source(%dma_start3A_30 : memref<256x768xf32, #tpu.memory_space<hbm>>) target(%arg10 : memref<32x768xf32, #tpu.memory_space<vmem>>) offsets(%arg6 : memref<32xi32, #tpu.memory_space<vmem>>) semaphore(%arg12 : memref<!tpu.dma_semaphore, #tpu.memory_space<semaphore_mem>>)
    %add3A_31 = arith.constant 32 : i32
    %add3A_32 = arith.addi %mul3A_2, %add3A_31 : i32
    "tpu.region"() ({
      %run_scoped3A = tpu.sem_alloc : memref<!tpu.dma_semaphore, #tpu.memory_space<semaphore_mem>>
      %dma_start3A_218 = tpu.memref_slice %arg3[%add3A_32] : memref<4096xi32, #tpu.memory_space<hbm>> -> memref<32xi32, #tpu.memory_space<hbm>>
      %dma_start3A_219 = tpu.memref_slice %arg3[%add3A_32] : memref<4096xi32, #tpu.memory_space<hbm>> -> memref<32xi32, #tpu.memory_space<hbm>>
      tpu.enqueue_dma source(%dma_start3A_219 : memref<32xi32, #tpu.memory_space<hbm>>) target(%arg7 : memref<32xi32, #tpu.memory_space<vmem>>) target_semaphore(%run_scoped3A : memref<!tpu.dma_semaphore, #tpu.memory_space<semaphore_mem>>)
      %dma_wait3A_220 = tpu.memref_slice %arg3[%add3A_32] : memref<4096xi32, #tpu.memory_space<hbm>> -> memref<32xi32, #tpu.memory_space<hbm>>
      %dma_wait3A_221 = tpu.memref_slice %arg3[%add3A_32] : memref<4096xi32, #tpu.memory_space<hbm>> -> memref<32xi32, #tpu.memory_space<hbm>>
      tpu.wait_dma2 semaphore(%run_scoped3A : memref<!tpu.dma_semaphore, #tpu.memory_space<semaphore_mem>>) src(%dma_wait3A_221 : memref<32xi32, #tpu.memory_space<hbm>>) dst(%arg7 : memref<32xi32, #tpu.memory_space<vmem>>)
      tpu.yield
    }) : () -> ()
    %get3A_33 = arith.constant 0 : index
    %get3A_34 = tpu.vector_load %arg7[%get3A_33] {strides = array<i32>} : memref<32xi32, #tpu.memory_space<vmem>>, vector<16xi32>,
    %get3A_35 = vector.shape_cast %get3A_34 : vector<16xi32> to vector<16xi32>
    %mul3A_36 = arith.constant 8 : i32
    %mul3A_37 = arith.muli %add3A, %mul3A_36 : i32
    %add3A_38 = vector.broadcast %mul3A_37 : i32 to vector<16xi32>
    %add3A_39 = arith.addi %get3A_35, %add3A_38 : vector<16xi32>
    %swap3A_40 = arith.constant 0 : index
    %swap3A_41 = tpu.vector_load %arg7[%swap3A_40] {strides = array<i32>} : memref<32xi32, #tpu.memory_space<vmem>>, vector<16xi32>,
    %swap3A_42 = vector.shape_cast %swap3A_41 : vector<16xi32> to vector<16xi32>
    %swap3A_43 = vector.shape_cast %add3A_39 : vector<16xi32> to vector<16xi32>
    tpu.vector_store %arg7[%swap3A_40], %swap3A_43 {strides = array<i32>} : memref<32xi32, #tpu.memory_space<vmem>>, vector<16xi32>,
    %get3A_44 = arith.constant 16 : index
    %get3A_45 = tpu.vector_load %arg7[%get3A_44] {strides = array<i32>} : memref<32xi32, #tpu.memory_space<vmem>>, vector<16xi32>,
    %get3A_46 = vector.shape_cast %get3A_45 : vector<16xi32> to vector<16xi32>
    %mul3A_47 = arith.constant 8 : i32
    %mul3A_48 = arith.muli %add3A, %mul3A_47 : i32
    %add3A_49 = vector.broadcast %mul3A_48 : i32 to vector<16xi32>
    %add3A_50 = arith.addi %get3A_46, %add3A_49 : vector<16xi32>
    %swap3A_51 = arith.constant 16 : index
    %swap3A_52 = tpu.vector_load %arg7[%swap3A_51] {strides = array<i32>} : memref<32xi32, #tpu.memory_space<vmem>>, vector<16xi32>,
    %swap3A_53 = vector.shape_cast %swap3A_52 : vector<16xi32> to vector<16xi32>
    %swap3A_54 = vector.shape_cast %add3A_50 : vector<16xi32> to vector<16xi32>
    tpu.vector_store %arg7[%swap3A_51], %swap3A_54 {strides = array<i32>} : memref<32xi32, #tpu.memory_space<vmem>>, vector<16xi32>,
    %dma_start3A_55 = arith.constant 0 : i32
    %dma_start3A_56 = tpu.memref_slice %arg2[%add3A_32, %dma_start3A_55] : memref<4096x768xf32, #tpu.memory_space<hbm>> -> memref<32x768xf32, #tpu.memory_space<hbm>>
    %dma_start3A_57 = arith.constant 0 : i32
    %dma_start3A_58 = tpu.memref_slice %arg2[%add3A_32, %dma_start3A_57] : memref<4096x768xf32, #tpu.memory_space<hbm>> -> memref<32x768xf32, #tpu.memory_space<hbm>>
    tpu.enqueue_dma source(%dma_start3A_58 : memref<32x768xf32, #tpu.memory_space<hbm>>) target(%arg9 : memref<32x768xf32, #tpu.memory_space<vmem>>) target_semaphore(%arg15 : memref<!tpu.dma_semaphore, #tpu.memory_space<semaphore_mem>>)
    %dma_start3A_59 = arith.constant 0 : i32
    %dma_start3A_60 = arith.constant 0 : i32
    %dma_start3A_61 = tpu.memref_slice %arg4[%dma_start3A_59, %dma_start3A_60] : memref<256x768xf32, #tpu.memory_space<hbm>> -> memref<256x768xf32, #tpu.memory_space<hbm>>
    tpu.enqueue_indirect_dma source(%dma_start3A_61 : memref<256x768xf32, #tpu.memory_space<hbm>>) target(%arg11 : memref<32x768xf32, #tpu.memory_space<vmem>>) offsets(%arg7 : memref<32xi32, #tpu.memory_space<vmem>>) semaphore(%arg13 : memref<!tpu.dma_semaphore, #tpu.memory_space<semaphore_mem>>)
    %dma_wait3A = arith.constant 0 : i32
    %dma_wait3A_62 = arith.constant 0 : i32
    %dma_wait3A_63 = tpu.memref_slice %arg2[%dma_wait3A, %dma_wait3A_62] : memref<4096x768xf32, #tpu.memory_space<hbm>> -> memref<32x768xf32, #tpu.memory_space<hbm>>
    %dma_wait3A_64 = arith.constant 0 : i32
    %dma_wait3A_65 = arith.constant 0 : i32
    %dma_wait3A_66 = tpu.memref_slice %arg2[%dma_wait3A_64, %dma_wait3A_65] : memref<4096x768xf32, #tpu.memory_space<hbm>> -> memref<32x768xf32, #tpu.memory_space<hbm>>
    tpu.wait_dma2 semaphore(%arg14 : memref<!tpu.dma_semaphore, #tpu.memory_space<semaphore_mem>>) src(%dma_wait3A_66 : memref<32x768xf32, #tpu.memory_space<hbm>>) dst(%arg8 : memref<32x768xf32, #tpu.memory_space<vmem>>)
    %dma_wait3A_67 = arith.constant 0 : i32
    %dma_wait3A_68 = arith.constant 0 : i32
    %dma_wait3A_69 = tpu.memref_slice %arg4[%dma_wait3A_67, %dma_wait3A_68] : memref<256x768xf32, #tpu.memory_space<hbm>> -> memref<256x768xf32, #tpu.memory_space<hbm>>
    tpu.wait_indirect_dma semaphore(%arg12 : memref<!tpu.dma_semaphore, #tpu.memory_space<semaphore_mem>>) src(%dma_wait3A_69 : memref<256x768xf32, #tpu.memory_space<hbm>>) dst(%arg10 : memref<32x768xf32, #tpu.memory_space<vmem>>)
    %parallel_loop3A = arith.constant 0 : i32
    %parallel_loop3A_70 = arith.constant 32 : i32
    %parallel_loop3A_71 = arith.constant 1 : i32
    scf.for %parallel_loop3A_218 = %parallel_loop3A to %parallel_loop3A_70 step %parallel_loop3A_71  : i32 {
      %parallel_loop3A_219 = arith.index_cast %parallel_loop3A_218 : i32 to index
      %parallel_loop3A_220 = arith.constant 0 : index
      %parallel_loop3A_221 = tpu.vector_load %arg10[%parallel_loop3A_219, %parallel_loop3A_220] {strides = array<i32>} : memref<32x768xf32, #tpu.memory_space<vmem>>, vector<1x16xf32>,
      %parallel_loop3A_222 = vector.shape_cast %parallel_loop3A_221 : vector<1x16xf32> to vector<16xf32>
      %parallel_loop3A_223 = arith.index_cast %parallel_loop3A_218 : i32 to index
      %parallel_loop3A_224 = arith.constant 0 : index
      %parallel_loop3A_225 = tpu.vector_load %arg8[%parallel_loop3A_223, %parallel_loop3A_224] {strides = array<i32>} : memref<32x768xf32, #tpu.memory_space<vmem>>, vector<1x16xf32>,
      %parallel_loop3A_226 = vector.shape_cast %parallel_loop3A_225 : vector<1x16xf32> to vector<16xf32>
      %parallel_loop3A_227 = vector.shape_cast %parallel_loop3A_222 : vector<16xf32> to vector<1x16xf32>
      tpu.vector_store %arg8[%parallel_loop3A_223, %parallel_loop3A_224], %parallel_loop3A_227 {add = true, strides = array<i32>} : memref<32x768xf32, #tpu.memory_space<vmem>>, vector<1x16xf32>,
      %parallel_loop3A_228 = arith.index_cast %parallel_loop3A_218 : i32 to index
      %parallel_loop3A_229 = arith.constant 16 : index
      %parallel_loop3A_230 = tpu.vector_load %arg10[%parallel_loop3A_228, %parallel_loop3A_229] {strides = array<i32>} : memref<32x768xf32, #tpu.memory_space<vmem>>, vector<1x16xf32>,
      %parallel_loop3A_231 = vector.shape_cast %parallel_loop3A_230 : vector<1x16xf32> to vector<16xf32>
      %parallel_loop3A_232 = arith.index_cast %parallel_loop3A_218 : i32 to index
      %parallel_loop3A_233 = arith.constant 16 : index
      %parallel_loop3A_234 = tpu.vector_load %arg8[%parallel_loop3A_232, %parallel_loop3A_233] {strides = array<i32>} : memref<32x768xf32, #tpu.memory_space<vmem>>, vector<1x16xf32>,
      %parallel_loop3A_235 = vector.shape_cast %parallel_loop3A_234 : vector<1x16xf32> to vector<16xf32>
      %parallel_loop3A_236 = vector.shape_cast %parallel_loop3A_231 : vector<16xf32> to vector<1x16xf32>
      tpu.vector_store %arg8[%parallel_loop3A_232, %parallel_loop3A_233], %parallel_loop3A_236 {add = true, strides = array<i32>} : memref<32x768xf32, #tpu.memory_space<vmem>>, vector<1x16xf32>,
      %parallel_loop3A_237 = arith.index_cast %parallel_loop3A_218 : i32 to index
      %parallel_loop3A_238 = arith.constant 32 : index
      %parallel_loop3A_239 = tpu.vector_load %arg10[%parallel_loop3A_237, %parallel_loop3A_238] {strides = array<i32>} : memref<32x768xf32, #tpu.memory_space<vmem>>, vector<1x16xf32>,
      %parallel_loop3A_240 = vector.shape_cast %parallel_loop3A_239 : vector<1x16xf32> to vector<16xf32>
      %parallel_loop3A_241 = arith.index_cast %parallel_loop3A_218 : i32 to index
      %parallel_loop3A_242 = arith.constant 32 : index
      %parallel_loop3A_243 = tpu.vector_load %arg8[%parallel_loop3A_241, %parallel_loop3A_242] {strides = array<i32>} : memref<32x768xf32, #tpu.memory_space<vmem>>, vector<1x16xf32>,
      %parallel_loop3A_244 = vector.shape_cast %parallel_loop3A_243 : vector<1x16xf32> to vector<16xf32>
      %parallel_loop3A_245 = vector.shape_cast %parallel_loop3A_240 : vector<16xf32> to vector<1x16xf32>
      tpu.vector_store %arg8[%parallel_loop3A_241, %parallel_loop3A_242], %parallel_loop3A_245 {add = true, strides = array<i32>} : memref<32x768xf32, #tpu.memory_space<vmem>>, vector<1x16xf32>,
      %parallel_loop3A_246 = arith.index_cast %parallel_loop3A_218 : i32 to index
      %parallel_loop3A_247 = arith.constant 48 : index
      %parallel_loop3A_248 = tpu.vector_load %arg10[%parallel_loop3A_246, %parallel_loop3A_247] {strides = array<i32>} : memref<32x768xf32, #tpu.memory_space<vmem>>, vector<1x16xf32>,
      %parallel_loop3A_249 = vector.shape_cast %parallel_loop3A_248 : vector<1x16xf32> to vector<16xf32>
      %parallel_loop3A_250 = arith.index_cast %parallel_loop3A_218 : i32 to index
      %parallel_loop3A_251 = arith.constant 48 : index
      %parallel_loop3A_252 = tpu.vector_load %arg8[%parallel_loop3A_250, %parallel_loop3A_251] {strides = array<i32>} : memref<32x768xf32, #tpu.memory_space<vmem>>, vector<1x16xf32>,
      %parallel_loop3A_253 = vector.shape_cast %parallel_loop3A_252 : vector<1x16xf32> to vector<16xf32>
      %parallel_loop3A_254 = vector.shape_cast %parallel_loop3A_249 : vector<16xf32> to vector<1x16xf32>
      tpu.vector_store %arg8[%parallel_loop3A_250, %parallel_loop3A_251], %parallel_loop3A_254 {add = true, strides = array<i32>} : memref<32x768xf32, #tpu.memory_space<vmem>>, vector<1x16xf32>,
      %parallel_loop3A_255 = arith.index_cast %parallel_loop3A_218 : i32 to index
      %parallel_loop3A_256 = arith.constant 64 : index
      %parallel_loop3A_257 = tpu.vector_load %arg10[%parallel_loop3A_255, %parallel_loop3A_256] {strides = array<i32>} : memref<32x768xf32, #tpu.memory_space<vmem>>, vector<1x16xf32>,
      %parallel_loop3A_258 = vector.shape_cast %parallel_loop3A_257 : vector<1x16xf32> to vector<16xf32>
      %parallel_loop3A_259 = arith.index_cast %parallel_loop3A_218 : i32 to index
      %parallel_loop3A_260 = arith.constant 64 : index
      %parallel_loop3A_261 = tpu.vector_load %arg8[%parallel_loop3A_259, %parallel_loop3A_260] {strides = array<i32>} : memref<32x768xf32, #tpu.memory_space<vmem>>, vector<1x16xf32>,
      %parallel_loop3A_262 = vector.shape_cast %parallel_loop3A_261 : vector<1x16xf32> to vector<16xf32>
      %parallel_loop3A_263 = vector.shape_cast %parallel_loop3A_258 : vector<16xf32> to vector<1x16xf32>
      tpu.vector_store %arg8[%parallel_loop3A_259, %parallel_loop3A_260], %parallel_loop3A_263 {add = true, strides = array<i32>} : memref<32x768xf32, #tpu.memory_space<vmem>>, vector<1x16xf32>,
      %parallel_loop3A_264 = arith.index_cast %parallel_loop3A_218 : i32 to index
      %parallel_loop3A_265 = arith.constant 80 : index
      %parallel_loop3A_266 = tpu.vector_load %arg10[%parallel_loop3A_264, %parallel_loop3A_265] {strides = array<i32>} : memref<32x768xf32, #tpu.memory_space<vmem>>, vector<1x16xf32>,
      %parallel_loop3A_267 = vector.shape_cast %parallel_loop3A_266 : vector<1x16xf32> to vector<16xf32>
      %parallel_loop3A_268 = arith.index_cast %parallel_loop3A_218 : i32 to index
      %parallel_loop3A_269 = arith.constant 80 : index
      %parallel_loop3A_270 = tpu.vector_load %arg8[%parallel_loop3A_268, %parallel_loop3A_269] {strides = array<i32>} : memref<32x768xf32, #tpu.memory_space<vmem>>, vector<1x16xf32>,
      %parallel_loop3A_271 = vector.shape_cast %parallel_loop3A_270 : vector<1x16xf32> to vector<16xf32>
      %parallel_loop3A_272 = vector.shape_cast %parallel_loop3A_267 : vector<16xf32> to vector<1x16xf32>
      tpu.vector_store %arg8[%parallel_loop3A_268, %parallel_loop3A_269], %parallel_loop3A_272 {add = true, strides = array<i32>} : memref<32x768xf32, #tpu.memory_space<vmem>>, vector<1x16xf32>,
      %parallel_loop3A_273 = arith.index_cast %parallel_loop3A_218 : i32 to index
      %parallel_loop3A_274 = arith.constant 96 : index
      %parallel_loop3A_275 = tpu.vector_load %arg10[%parallel_loop3A_273, %parallel_loop3A_274] {strides = array<i32>} : memref<32x768xf32, #tpu.memory_space<vmem>>, vector<1x16xf32>,
      %parallel_loop3A_276 = vector.shape_cast %parallel_loop3A_275 : vector<1x16xf32> to vector<16xf32>
      %parallel_loop3A_277 = arith.index_cast %parallel_loop3A_218 : i32 to index
      %parallel_loop3A_278 = arith.constant 96 : index
      %parallel_loop3A_279 = tpu.vector_load %arg8[%parallel_loop3A_277, %parallel_loop3A_278] {strides = array<i32>} : memref<32x768xf32, #tpu.memory_space<vmem>>, vector<1x16xf32>,
      %parallel_loop3A_280 = vector.shape_cast %parallel_loop3A_279 : vector<1x16xf32> to vector<16xf32>
      %parallel_loop3A_281 = vector.shape_cast %parallel_loop3A_276 : vector<16xf32> to vector<1x16xf32>
      tpu.vector_store %arg8[%parallel_loop3A_277, %parallel_loop3A_278], %parallel_loop3A_281 {add = true, strides = array<i32>} : memref<32x768xf32, #tpu.memory_space<vmem>>, vector<1x16xf32>,
      %parallel_loop3A_282 = arith.index_cast %parallel_loop3A_218 : i32 to index
      %parallel_loop3A_283 = arith.constant 112 : index
      %parallel_loop3A_284 = tpu.vector_load %arg10[%parallel_loop3A_282, %parallel_loop3A_283] {strides = array<i32>} : memref<32x768xf32, #tpu.memory_space<vmem>>, vector<1x16xf32>,
      %parallel_loop3A_285 = vector.shape_cast %parallel_loop3A_284 : vector<1x16xf32> to vector<16xf32>
      %parallel_loop3A_286 = arith.index_cast %parallel_loop3A_218 : i32 to index
      %parallel_loop3A_287 = arith.constant 112 : index
      %parallel_loop3A_288 = tpu.vector_load %arg8[%parallel_loop3A_286, %parallel_loop3A_287] {strides = array<i32>} : memref<32x768xf32, #tpu.memory_space<vmem>>, vector<1x16xf32>,
      %parallel_loop3A_289 = vector.shape_cast %parallel_loop3A_288 : vector<1x16xf32> to vector<16xf32>
      %parallel_loop3A_290 = vector.shape_cast %parallel_loop3A_285 : vector<16xf32> to vector<1x16xf32>
      tpu.vector_store %arg8[%parallel_loop3A_286, %parallel_loop3A_287], %parallel_loop3A_290 {add = true, strides = array<i32>} : memref<32x768xf32, #tpu.memory_space<vmem>>, vector<1x16xf32>,
      %parallel_loop3A_291 = arith.index_cast %parallel_loop3A_218 : i32 to index
      %parallel_loop3A_292 = arith.constant 128 : index
      %parallel_loop3A_293 = tpu.vector_load %arg10[%parallel_loop3A_291, %parallel_loop3A_292] {strides = array<i32>} : memref<32x768xf32, #tpu.memory_space<vmem>>, vector<1x16xf32>,
      %parallel_loop3A_294 = vector.shape_cast %parallel_loop3A_293 : vector<1x16xf32> to vector<16xf32>
      %parallel_loop3A_295 = arith.index_cast %parallel_loop3A_218 : i32 to index
      %parallel_loop3A_296 = arith.constant 128 : index
      %parallel_loop3A_297 = tpu.vector_load %arg8[%parallel_loop3A_295, %parallel_loop3A_296] {strides = array<i32>} : memref<32x768xf32, #tpu.memory_space<vmem>>, vector<1x16xf32>,
      %parallel_loop3A_298 = vector.shape_cast %parallel_loop3A_297 : vector<1x16xf32> to vector<16xf32>
      %parallel_loop3A_299 = vector.shape_cast %parallel_loop3A_294 : vector<16xf32> to vector<1x16xf32>
      tpu.vector_store %arg8[%parallel_loop3A_295, %parallel_loop3A_296], %parallel_loop3A_299 {add = true, strides = array<i32>} : memref<32x768xf32, #tpu.memory_space<vmem>>, vector<1x16xf32>,
      %parallel_loop3A_300 = arith.index_cast %parallel_loop3A_218 : i32 to index
      %parallel_loop3A_301 = arith.constant 144 : index
      %parallel_loop3A_302 = tpu.vector_load %arg10[%parallel_loop3A_300, %parallel_loop3A_301] {strides = array<i32>} : memref<32x768xf32, #tpu.memory_space<vmem>>, vector<1x16xf32>,
      %parallel_loop3A_303 = vector.shape_cast %parallel_loop3A_302 : vector<1x16xf32> to vector<16xf32>
      %parallel_loop3A_304 = arith.index_cast %parallel_loop3A_218 : i32 to index
      %parallel_loop3A_305 = arith.constant 144 : index
      %parallel_loop3A_306 = tpu.vector_load %arg8[%parallel_loop3A_304, %parallel_loop3A_305] {strides = array<i32>} : memref<32x768xf32, #tpu.memory_space<vmem>>, vector<1x16xf32>,
      %parallel_loop3A_307 = vector.shape_cast %parallel_loop3A_306 : vector<1x16xf32> to vector<16xf32>
      %parallel_loop3A_308 = vector.shape_cast %parallel_loop3A_303 : vector<16xf32> to vector<1x16xf32>
      tpu.vector_store %arg8[%parallel_loop3A_304, %parallel_loop3A_305], %parallel_loop3A_308 {add = true, strides = array<i32>} : memref<32x768xf32, #tpu.memory_space<vmem>>, vector<1x16xf32>,
      %parallel_loop3A_309 = arith.index_cast %parallel_loop3A_218 : i32 to index
      %parallel_loop3A_310 = arith.constant 160 : index
      %parallel_loop3A_311 = tpu.vector_load %arg10[%parallel_loop3A_309, %parallel_loop3A_310] {strides = array<i32>} : memref<32x768xf32, #tpu.memory_space<vmem>>, vector<1x16xf32>,
      %parallel_loop3A_312 = vector.shape_cast %parallel_loop3A_311 : vector<1x16xf32> to vector<16xf32>
      %parallel_loop3A_313 = arith.index_cast %parallel_loop3A_218 : i32 to index
      %parallel_loop3A_314 = arith.constant 160 : index
      %parallel_loop3A_315 = tpu.vector_load %arg8[%parallel_loop3A_313, %parallel_loop3A_314] {strides = array<i32>} : memref<32x768xf32, #tpu.memory_space<vmem>>, vector<1x16xf32>,
      %parallel_loop3A_316 = vector.shape_cast %parallel_loop3A_315 : vector<1x16xf32> to vector<16xf32>
      %parallel_loop3A_317 = vector.shape_cast %parallel_loop3A_312 : vector<16xf32> to vector<1x16xf32>
      tpu.vector_store %arg8[%parallel_loop3A_313, %parallel_loop3A_314], %parallel_loop3A_317 {add = true, strides = array<i32>} : memref<32x768xf32, #tpu.memory_space<vmem>>, vector<1x16xf32>,
      %parallel_loop3A_318 = arith.index_cast %parallel_loop3A_218 : i32 to index
      %parallel_loop3A_319 = arith.constant 176 : index
      %parallel_loop3A_320 = tpu.vector_load %arg10[%parallel_loop3A_318, %parallel_loop3A_319] {strides = array<i32>} : memref<32x768xf32, #tpu.memory_space<vmem>>, vector<1x16xf32>,
      %parallel_loop3A_321 = vector.shape_cast %parallel_loop3A_320 : vector<1x16xf32> to vector<16xf32>
      %parallel_loop3A_322 = arith.index_cast %parallel_loop3A_218 : i32 to index
      %parallel_loop3A_323 = arith.constant 176 : index
      %parallel_loop3A_324 = tpu.vector_load %arg8[%parallel_loop3A_322, %parallel_loop3A_323] {strides = array<i32>} : memref<32x768xf32, #tpu.memory_space<vmem>>, vector<1x16xf32>,
      %parallel_loop3A_325 = vector.shape_cast %parallel_loop3A_324 : vector<1x16xf32> to vector<16xf32>
      %parallel_loop3A_326 = vector.shape_cast %parallel_loop3A_321 : vector<16xf32> to vector<1x16xf32>
      tpu.vector_store %arg8[%parallel_loop3A_322, %parallel_loop3A_323], %parallel_loop3A_326 {add = true, strides = array<i32>} : memref<32x768xf32, #tpu.memory_space<vmem>>, vector<1x16xf32>,
      %parallel_loop3A_327 = arith.index_cast %parallel_loop3A_218 : i32 to index
      %parallel_loop3A_328 = arith.constant 192 : index
      %parallel_loop3A_329 = tpu.vector_load %arg10[%parallel_loop3A_327, %parallel_loop3A_328] {strides = array<i32>} : memref<32x768xf32, #tpu.memory_space<vmem>>, vector<1x16xf32>,
      %parallel_loop3A_330 = vector.shape_cast %parallel_loop3A_329 : vector<1x16xf32> to vector<16xf32>
      %parallel_loop3A_331 = arith.index_cast %parallel_loop3A_218 : i32 to index
      %parallel_loop3A_332 = arith.constant 192 : index
      %parallel_loop3A_333 = tpu.vector_load %arg8[%parallel_loop3A_331, %parallel_loop3A_332] {strides = array<i32>} : memref<32x768xf32, #tpu.memory_space<vmem>>, vector<1x16xf32>,
      %parallel_loop3A_334 = vector.shape_cast %parallel_loop3A_333 : vector<1x16xf32> to vector<16xf32>
      %parallel_loop3A_335 = vector.shape_cast %parallel_loop3A_330 : vector<16xf32> to vector<1x16xf32>
      tpu.vector_store %arg8[%parallel_loop3A_331, %parallel_loop3A_332], %parallel_loop3A_335 {add = true, strides = array<i32>} : memref<32x768xf32, #tpu.memory_space<vmem>>, vector<1x16xf32>,
      %parallel_loop3A_336 = arith.index_cast %parallel_loop3A_218 : i32 to index
      %parallel_loop3A_337 = arith.constant 208 : index
      %parallel_loop3A_338 = tpu.vector_load %arg10[%parallel_loop3A_336, %parallel_loop3A_337] {strides = array<i32>} : memref<32x768xf32, #tpu.memory_space<vmem>>, vector<1x16xf32>,
      %parallel_loop3A_339 = vector.shape_cast %parallel_loop3A_338 : vector<1x16xf32> to vector<16xf32>
      %parallel_loop3A_340 = arith.index_cast %parallel_loop3A_218 : i32 to index
      %parallel_loop3A_341 = arith.constant 208 : index
      %parallel_loop3A_342 = tpu.vector_load %arg8[%parallel_loop3A_340, %parallel_loop3A_341] {strides = array<i32>} : memref<32x768xf32, #tpu.memory_space<vmem>>, vector<1x16xf32>,
      %parallel_loop3A_343 = vector.shape_cast %parallel_loop3A_342 : vector<1x16xf32> to vector<16xf32>
      %parallel_loop3A_344 = vector.shape_cast %parallel_loop3A_339 : vector<16xf32> to vector<1x16xf32>
      tpu.vector_store %arg8[%parallel_loop3A_340, %parallel_loop3A_341], %parallel_loop3A_344 {add = true, strides = array<i32>} : memref<32x768xf32, #tpu.memory_space<vmem>>, vector<1x16xf32>,
      %parallel_loop3A_345 = arith.index_cast %parallel_loop3A_218 : i32 to index
      %parallel_loop3A_346 = arith.constant 224 : index
      %parallel_loop3A_347 = tpu.vector_load %arg10[%parallel_loop3A_345, %parallel_loop3A_346] {strides = array<i32>} : memref<32x768xf32, #tpu.memory_space<vmem>>, vector<1x16xf32>,
      %parallel_loop3A_348 = vector.shape_cast %parallel_loop3A_347 : vector<1x16xf32> to vector<16xf32>
      %parallel_loop3A_349 = arith.index_cast %parallel_loop3A_218 : i32 to index
      %parallel_loop3A_350 = arith.constant 224 : index
      %parallel_loop3A_351 = tpu.vector_load %arg8[%parallel_loop3A_349, %parallel_loop3A_350] {strides = array<i32>} : memref<32x768xf32, #tpu.memory_space<vmem>>, vector<1x16xf32>,
      %parallel_loop3A_352 = vector.shape_cast %parallel_loop3A_351 : vector<1x16xf32> to vector<16xf32>
      %parallel_loop3A_353 = vector.shape_cast %parallel_loop3A_348 : vector<16xf32> to vector<1x16xf32>
      tpu.vector_store %arg8[%parallel_loop3A_349, %parallel_loop3A_350], %parallel_loop3A_353 {add = true, strides = array<i32>} : memref<32x768xf32, #tpu.memory_space<vmem>>, vector<1x16xf32>,
      %parallel_loop3A_354 = arith.index_cast %parallel_loop3A_218 : i32 to index
      %parallel_loop3A_355 = arith.constant 240 : index
      %parallel_loop3A_356 = tpu.vector_load %arg10[%parallel_loop3A_354, %parallel_loop3A_355] {strides = array<i32>} : memref<32x768xf32, #tpu.memory_space<vmem>>, vector<1x16xf32>,
      %parallel_loop3A_357 = vector.shape_cast %parallel_loop3A_356 : vector<1x16xf32> to vector<16xf32>
      %parallel_loop3A_358 = arith.index_cast %parallel_loop3A_218 : i32 to index
      %parallel_loop3A_359 = arith.constant 240 : index
      %parallel_loop3A_360 = tpu.vector_load %arg8[%parallel_loop3A_358, %parallel_loop3A_359] {strides = array<i32>} : memref<32x768xf32, #tpu.memory_space<vmem>>, vector<1x16xf32>,
      %parallel_loop3A_361 = vector.shape_cast %parallel_loop3A_360 : vector<1x16xf32> to vector<16xf32>
      %parallel_loop3A_362 = vector.shape_cast %parallel_loop3A_357 : vector<16xf32> to vector<1x16xf32>
      tpu.vector_store %arg8[%parallel_loop3A_358, %parallel_loop3A_359], %parallel_loop3A_362 {add = true, strides = array<i32>} : memref<32x768xf32, #tpu.memory_space<vmem>>, vector<1x16xf32>,
      %parallel_loop3A_363 = arith.index_cast %parallel_loop3A_218 : i32 to index
      %parallel_loop3A_364 = arith.constant 256 : index
      %parallel_loop3A_365 = tpu.vector_load %arg10[%parallel_loop3A_363, %parallel_loop3A_364] {strides = array<i32>} : memref<32x768xf32, #tpu.memory_space<vmem>>, vector<1x16xf32>,
      %parallel_loop3A_366 = vector.shape_cast %parallel_loop3A_365 : vector<1x16xf32> to vector<16xf32>
      %parallel_loop3A_367 = arith.index_cast %parallel_loop3A_218 : i32 to index
      %parallel_loop3A_368 = arith.constant 256 : index
      %parallel_loop3A_369 = tpu.vector_load %arg8[%parallel_loop3A_367, %parallel_loop3A_368] {strides = array<i32>} : memref<32x768xf32, #tpu.memory_space<vmem>>, vector<1x16xf32>,
      %parallel_loop3A_370 = vector.shape_cast %parallel_loop3A_369 : vector<1x16xf32> to vector<16xf32>
      %parallel_loop3A_371 = vector.shape_cast %parallel_loop3A_366 : vector<16xf32> to vector<1x16xf32>
      tpu.vector_store %arg8[%parallel_loop3A_367, %parallel_loop3A_368], %parallel_loop3A_371 {add = true, strides = array<i32>} : memref<32x768xf32, #tpu.memory_space<vmem>>, vector<1x16xf32>,
      %parallel_loop3A_372 = arith.index_cast %parallel_loop3A_218 : i32 to index
      %parallel_loop3A_373 = arith.constant 272 : index
      %parallel_loop3A_374 = tpu.vector_load %arg10[%parallel_loop3A_372, %parallel_loop3A_373] {strides = array<i32>} : memref<32x768xf32, #tpu.memory_space<vmem>>, vector<1x16xf32>,
      %parallel_loop3A_375 = vector.shape_cast %parallel_loop3A_374 : vector<1x16xf32> to vector<16xf32>
      %parallel_loop3A_376 = arith.index_cast %parallel_loop3A_218 : i32 to index
      %parallel_loop3A_377 = arith.constant 272 : index
      %parallel_loop3A_378 = tpu.vector_load %arg8[%parallel_loop3A_376, %parallel_loop3A_377] {strides = array<i32>} : memref<32x768xf32, #tpu.memory_space<vmem>>, vector<1x16xf32>,
      %parallel_loop3A_379 = vector.shape_cast %parallel_loop3A_378 : vector<1x16xf32> to vector<16xf32>
      %parallel_loop3A_380 = vector.shape_cast %parallel_loop3A_375 : vector<16xf32> to vector<1x16xf32>
      tpu.vector_store %arg8[%parallel_loop3A_376, %parallel_loop3A_377], %parallel_loop3A_380 {add = true, strides = array<i32>} : memref<32x768xf32, #tpu.memory_space<vmem>>, vector<1x16xf32>,
      %parallel_loop3A_381 = arith.index_cast %parallel_loop3A_218 : i32 to index
      %parallel_loop3A_382 = arith.constant 288 : index
      %parallel_loop3A_383 = tpu.vector_load %arg10[%parallel_loop3A_381, %parallel_loop3A_382] {strides = array<i32>} : memref<32x768xf32, #tpu.memory_space<vmem>>, vector<1x16xf32>,
      %parallel_loop3A_384 = vector.shape_cast %parallel_loop3A_383 : vector<1x16xf32> to vector<16xf32>
      %parallel_loop3A_385 = arith.index_cast %parallel_loop3A_218 : i32 to index
      %parallel_loop3A_386 = arith.constant 288 : index
      %parallel_loop3A_387 = tpu.vector_load %arg8[%parallel_loop3A_385, %parallel_loop3A_386] {strides = array<i32>} : memref<32x768xf32, #tpu.memory_space<vmem>>, vector<1x16xf32>,
      %parallel_loop3A_388 = vector.shape_cast %parallel_loop3A_387 : vector<1x16xf32> to vector<16xf32>
      %parallel_loop3A_389 = vector.shape_cast %parallel_loop3A_384 : vector<16xf32> to vector<1x16xf32>
      tpu.vector_store %arg8[%parallel_loop3A_385, %parallel_loop3A_386], %parallel_loop3A_389 {add = true, strides = array<i32>} : memref<32x768xf32, #tpu.memory_space<vmem>>, vector<1x16xf32>,
      %parallel_loop3A_390 = arith.index_cast %parallel_loop3A_218 : i32 to index
      %parallel_loop3A_391 = arith.constant 304 : index
      %parallel_loop3A_392 = tpu.vector_load %arg10[%parallel_loop3A_390, %parallel_loop3A_391] {strides = array<i32>} : memref<32x768xf32, #tpu.memory_space<vmem>>, vector<1x16xf32>,
      %parallel_loop3A_393 = vector.shape_cast %parallel_loop3A_392 : vector<1x16xf32> to vector<16xf32>
      %parallel_loop3A_394 = arith.index_cast %parallel_loop3A_218 : i32 to index
      %parallel_loop3A_395 = arith.constant 304 : index
      %parallel_loop3A_396 = tpu.vector_load %arg8[%parallel_loop3A_394, %parallel_loop3A_395] {strides = array<i32>} : memref<32x768xf32, #tpu.memory_space<vmem>>, vector<1x16xf32>,
      %parallel_loop3A_397 = vector.shape_cast %parallel_loop3A_396 : vector<1x16xf32> to vector<16xf32>
      %parallel_loop3A_398 = vector.shape_cast %parallel_loop3A_393 : vector<16xf32> to vector<1x16xf32>
      tpu.vector_store %arg8[%parallel_loop3A_394, %parallel_loop3A_395], %parallel_loop3A_398 {add = true, strides = array<i32>} : memref<32x768xf32, #tpu.memory_space<vmem>>, vector<1x16xf32>,
      %parallel_loop3A_399 = arith.index_cast %parallel_loop3A_218 : i32 to index
      %parallel_loop3A_400 = arith.constant 320 : index
      %parallel_loop3A_401 = tpu.vector_load %arg10[%parallel_loop3A_399, %parallel_loop3A_400] {strides = array<i32>} : memref<32x768xf32, #tpu.memory_space<vmem>>, vector<1x16xf32>,
      %parallel_loop3A_402 = vector.shape_cast %parallel_loop3A_401 : vector<1x16xf32> to vector<16xf32>
      %parallel_loop3A_403 = arith.index_cast %parallel_loop3A_218 : i32 to index
      %parallel_loop3A_404 = arith.constant 320 : index
      %parallel_loop3A_405 = tpu.vector_load %arg8[%parallel_loop3A_403, %parallel_loop3A_404] {strides = array<i32>} : memref<32x768xf32, #tpu.memory_space<vmem>>, vector<1x16xf32>,
      %parallel_loop3A_406 = vector.shape_cast %parallel_loop3A_405 : vector<1x16xf32> to vector<16xf32>
      %parallel_loop3A_407 = vector.shape_cast %parallel_loop3A_402 : vector<16xf32> to vector<1x16xf32>
      tpu.vector_store %arg8[%parallel_loop3A_403, %parallel_loop3A_404], %parallel_loop3A_407 {add = true, strides = array<i32>} : memref<32x768xf32, #tpu.memory_space<vmem>>, vector<1x16xf32>,
      %parallel_loop3A_408 = arith.index_cast %parallel_loop3A_218 : i32 to index
      %parallel_loop3A_409 = arith.constant 336 : index
      %parallel_loop3A_410 = tpu.vector_load %arg10[%parallel_loop3A_408, %parallel_loop3A_409] {strides = array<i32>} : memref<32x768xf32, #tpu.memory_space<vmem>>, vector<1x16xf32>,
      %parallel_loop3A_411 = vector.shape_cast %parallel_loop3A_410 : vector<1x16xf32> to vector<16xf32>
      %parallel_loop3A_412 = arith.index_cast %parallel_loop3A_218 : i32 to index
      %parallel_loop3A_413 = arith.constant 336 : index
      %parallel_loop3A_414 = tpu.vector_load %arg8[%parallel_loop3A_412, %parallel_loop3A_413] {strides = array<i32>} : memref<32x768xf32, #tpu.memory_space<vmem>>, vector<1x16xf32>,
      %parallel_loop3A_415 = vector.shape_cast %parallel_loop3A_414 : vector<1x16xf32> to vector<16xf32>
      %parallel_loop3A_416 = vector.shape_cast %parallel_loop3A_411 : vector<16xf32> to vector<1x16xf32>
      tpu.vector_store %arg8[%parallel_loop3A_412, %parallel_loop3A_413], %parallel_loop3A_416 {add = true, strides = array<i32>} : memref<32x768xf32, #tpu.memory_space<vmem>>, vector<1x16xf32>,
      %parallel_loop3A_417 = arith.index_cast %parallel_loop3A_218 : i32 to index
      %parallel_loop3A_418 = arith.constant 352 : index
      %parallel_loop3A_419 = tpu.vector_load %arg10[%parallel_loop3A_417, %parallel_loop3A_418] {strides = array<i32>} : memref<32x768xf32, #tpu.memory_space<vmem>>, vector<1x16xf32>,
      %parallel_loop3A_420 = vector.shape_cast %parallel_loop3A_419 : vector<1x16xf32> to vector<16xf32>
      %parallel_loop3A_421 = arith.index_cast %parallel_loop3A_218 : i32 to index
      %parallel_loop3A_422 = arith.constant 352 : index
      %parallel_loop3A_423 = tpu.vector_load %arg8[%parallel_loop3A_421, %parallel_loop3A_422] {strides = array<i32>} : memref<32x768xf32, #tpu.memory_space<vmem>>, vector<1x16xf32>,
      %parallel_loop3A_424 = vector.shape_cast %parallel_loop3A_423 : vector<1x16xf32> to vector<16xf32>
      %parallel_loop3A_425 = vector.shape_cast %parallel_loop3A_420 : vector<16xf32> to vector<1x16xf32>
      tpu.vector_store %arg8[%parallel_loop3A_421, %parallel_loop3A_422], %parallel_loop3A_425 {add = true, strides = array<i32>} : memref<32x768xf32, #tpu.memory_space<vmem>>, vector<1x16xf32>,
      %parallel_loop3A_426 = arith.index_cast %parallel_loop3A_218 : i32 to index
      %parallel_loop3A_427 = arith.constant 368 : index
      %parallel_loop3A_428 = tpu.vector_load %arg10[%parallel_loop3A_426, %parallel_loop3A_427] {strides = array<i32>} : memref<32x768xf32, #tpu.memory_space<vmem>>, vector<1x16xf32>,
      %parallel_loop3A_429 = vector.shape_cast %parallel_loop3A_428 : vector<1x16xf32> to vector<16xf32>
      %parallel_loop3A_430 = arith.index_cast %parallel_loop3A_218 : i32 to index
      %parallel_loop3A_431 = arith.constant 368 : index
      %parallel_loop3A_432 = tpu.vector_load %arg8[%parallel_loop3A_430, %parallel_loop3A_431] {strides = array<i32>} : memref<32x768xf32, #tpu.memory_space<vmem>>, vector<1x16xf32>,
      %parallel_loop3A_433 = vector.shape_cast %parallel_loop3A_432 : vector<1x16xf32> to vector<16xf32>
      %parallel_loop3A_434 = vector.shape_cast %parallel_loop3A_429 : vector<16xf32> to vector<1x16xf32>
      tpu.vector_store %arg8[%parallel_loop3A_430, %parallel_loop3A_431], %parallel_loop3A_434 {add = true, strides = array<i32>} : memref<32x768xf32, #tpu.memory_space<vmem>>, vector<1x16xf32>,
      %parallel_loop3A_435 = arith.index_cast %parallel_loop3A_218 : i32 to index
      %parallel_loop3A_436 = arith.constant 384 : index
      %parallel_loop3A_437 = tpu.vector_load %arg10[%parallel_loop3A_435, %parallel_loop3A_436] {strides = array<i32>} : memref<32x768xf32, #tpu.memory_space<vmem>>, vector<1x16xf32>,
      %parallel_loop3A_438 = vector.shape_cast %parallel_loop3A_437 : vector<1x16xf32> to vector<16xf32>
      %parallel_loop3A_439 = arith.index_cast %parallel_loop3A_218 : i32 to index
      %parallel_loop3A_440 = arith.constant 384 : index
      %parallel_loop3A_441 = tpu.vector_load %arg8[%parallel_loop3A_439, %parallel_loop3A_440] {strides = array<i32>} : memref<32x768xf32, #tpu.memory_space<vmem>>, vector<1x16xf32>,
      %parallel_loop3A_442 = vector.shape_cast %parallel_loop3A_441 : vector<1x16xf32> to vector<16xf32>
      %parallel_loop3A_443 = vector.shape_cast %parallel_loop3A_438 : vector<16xf32> to vector<1x16xf32>
      tpu.vector_store %arg8[%parallel_loop3A_439, %parallel_loop3A_440], %parallel_loop3A_443 {add = true, strides = array<i32>} : memref<32x768xf32, #tpu.memory_space<vmem>>, vector<1x16xf32>,
      %parallel_loop3A_444 = arith.index_cast %parallel_loop3A_218 : i32 to index
      %parallel_loop3A_445 = arith.constant 400 : index
      %parallel_loop3A_446 = tpu.vector_load %arg10[%parallel_loop3A_444, %parallel_loop3A_445] {strides = array<i32>} : memref<32x768xf32, #tpu.memory_space<vmem>>, vector<1x16xf32>,
      %parallel_loop3A_447 = vector.shape_cast %parallel_loop3A_446 : vector<1x16xf32> to vector<16xf32>
      %parallel_loop3A_448 = arith.index_cast %parallel_loop3A_218 : i32 to index
      %parallel_loop3A_449 = arith.constant 400 : index
      %parallel_loop3A_450 = tpu.vector_load %arg8[%parallel_loop3A_448, %parallel_loop3A_449] {strides = array<i32>} : memref<32x768xf32, #tpu.memory_space<vmem>>, vector<1x16xf32>,
      %parallel_loop3A_451 = vector.shape_cast %parallel_loop3A_450 : vector<1x16xf32> to vector<16xf32>
      %parallel_loop3A_452 = vector.shape_cast %parallel_loop3A_447 : vector<16xf32> to vector<1x16xf32>
      tpu.vector_store %arg8[%parallel_loop3A_448, %parallel_loop3A_449], %parallel_loop3A_452 {add = true, strides = array<i32>} : memref<32x768xf32, #tpu.memory_space<vmem>>, vector<1x16xf32>,
      %parallel_loop3A_453 = arith.index_cast %parallel_loop3A_218 : i32 to index
      %parallel_loop3A_454 = arith.constant 416 : index
      %parallel_loop3A_455 = tpu.vector_load %arg10[%parallel_loop3A_453, %parallel_loop3A_454] {strides = array<i32>} : memref<32x768xf32, #tpu.memory_space<vmem>>, vector<1x16xf32>,
      %parallel_loop3A_456 = vector.shape_cast %parallel_loop3A_455 : vector<1x16xf32> to vector<16xf32>
      %parallel_loop3A_457 = arith.index_cast %parallel_loop3A_218 : i32 to index
      %parallel_loop3A_458 = arith.constant 416 : index
      %parallel_loop3A_459 = tpu.vector_load %arg8[%parallel_loop3A_457, %parallel_loop3A_458] {strides = array<i32>} : memref<32x768xf32, #tpu.memory_space<vmem>>, vector<1x16xf32>,
      %parallel_loop3A_460 = vector.shape_cast %parallel_loop3A_459 : vector<1x16xf32> to vector<16xf32>
      %parallel_loop3A_461 = vector.shape_cast %parallel_loop3A_456 : vector<16xf32> to vector<1x16xf32>
      tpu.vector_store %arg8[%parallel_loop3A_457, %parallel_loop3A_458], %parallel_loop3A_461 {add = true, strides = array<i32>} : memref<32x768xf32, #tpu.memory_space<vmem>>, vector<1x16xf32>,
      %parallel_loop3A_462 = arith.index_cast %parallel_loop3A_218 : i32 to index
      %parallel_loop3A_463 = arith.constant 432 : index
      %parallel_loop3A_464 = tpu.vector_load %arg10[%parallel_loop3A_462, %parallel_loop3A_463] {strides = array<i32>} : memref<32x768xf32, #tpu.memory_space<vmem>>, vector<1x16xf32>,
      %parallel_loop3A_465 = vector.shape_cast %parallel_loop3A_464 : vector<1x16xf32> to vector<16xf32>
      %parallel_loop3A_466 = arith.index_cast %parallel_loop3A_218 : i32 to index
      %parallel_loop3A_467 = arith.constant 432 : index
      %parallel_loop3A_468 = tpu.vector_load %arg8[%parallel_loop3A_466, %parallel_loop3A_467] {strides = array<i32>} : memref<32x768xf32, #tpu.memory_space<vmem>>, vector<1x16xf32>,
      %parallel_loop3A_469 = vector.shape_cast %parallel_loop3A_468 : vector<1x16xf32> to vector<16xf32>
      %parallel_loop3A_470 = vector.shape_cast %parallel_loop3A_465 : vector<16xf32> to vector<1x16xf32>
      tpu.vector_store %arg8[%parallel_loop3A_466, %parallel_loop3A_467], %parallel_loop3A_470 {add = true, strides = array<i32>} : memref<32x768xf32, #tpu.memory_space<vmem>>, vector<1x16xf32>,
      %parallel_loop3A_471 = arith.index_cast %parallel_loop3A_218 : i32 to index
      %parallel_loop3A_472 = arith.constant 448 : index
      %parallel_loop3A_473 = tpu.vector_load %arg10[%parallel_loop3A_471, %parallel_loop3A_472] {strides = array<i32>} : memref<32x768xf32, #tpu.memory_space<vmem>>, vector<1x16xf32>,
      %parallel_loop3A_474 = vector.shape_cast %parallel_loop3A_473 : vector<1x16xf32> to vector<16xf32>
      %parallel_loop3A_475 = arith.index_cast %parallel_loop3A_218 : i32 to index
      %parallel_loop3A_476 = arith.constant 448 : index
      %parallel_loop3A_477 = tpu.vector_load %arg8[%parallel_loop3A_475, %parallel_loop3A_476] {strides = array<i32>} : memref<32x768xf32, #tpu.memory_space<vmem>>, vector<1x16xf32>,
      %parallel_loop3A_478 = vector.shape_cast %parallel_loop3A_477 : vector<1x16xf32> to vector<16xf32>
      %parallel_loop3A_479 = vector.shape_cast %parallel_loop3A_474 : vector<16xf32> to vector<1x16xf32>
      tpu.vector_store %arg8[%parallel_loop3A_475, %parallel_loop3A_476], %parallel_loop3A_479 {add = true, strides = array<i32>} : memref<32x768xf32, #tpu.memory_space<vmem>>, vector<1x16xf32>,
      %parallel_loop3A_480 = arith.index_cast %parallel_loop3A_218 : i32 to index
      %parallel_loop3A_481 = arith.constant 464 : index
      %parallel_loop3A_482 = tpu.vector_load %arg10[%parallel_loop3A_480, %parallel_loop3A_481] {strides = array<i32>} : memref<32x768xf32, #tpu.memory_space<vmem>>, vector<1x16xf32>,
      %parallel_loop3A_483 = vector.shape_cast %parallel_loop3A_482 : vector<1x16xf32> to vector<16xf32>
      %parallel_loop3A_484 = arith.index_cast %parallel_loop3A_218 : i32 to index
      %parallel_loop3A_485 = arith.constant 464 : index
      %parallel_loop3A_486 = tpu.vector_load %arg8[%parallel_loop3A_484, %parallel_loop3A_485] {strides = array<i32>} : memref<32x768xf32, #tpu.memory_space<vmem>>, vector<1x16xf32>,
      %parallel_loop3A_487 = vector.shape_cast %parallel_loop3A_486 : vector<1x16xf32> to vector<16xf32>
      %parallel_loop3A_488 = vector.shape_cast %parallel_loop3A_483 : vector<16xf32> to vector<1x16xf32>
      tpu.vector_store %arg8[%parallel_loop3A_484, %parallel_loop3A_485], %parallel_loop3A_488 {add = true, strides = array<i32>} : memref<32x768xf32, #tpu.memory_space<vmem>>, vector<1x16xf32>,
      %parallel_loop3A_489 = arith.index_cast %parallel_loop3A_218 : i32 to index
      %parallel_loop3A_490 = arith.constant 480 : index
      %parallel_loop3A_491 = tpu.vector_load %arg10[%parallel_loop3A_489, %parallel_loop3A_490] {strides = array<i32>} : memref<32x768xf32, #tpu.memory_space<vmem>>, vector<1x16xf32>,
      %parallel_loop3A_492 = vector.shape_cast %parallel_loop3A_491 : vector<1x16xf32> to vector<16xf32>
      %parallel_loop3A_493 = arith.index_cast %parallel_loop3A_218 : i32 to index
      %parallel_loop3A_494 = arith.constant 480 : index
      %parallel_loop3A_495 = tpu.vector_load %arg8[%parallel_loop3A_493, %parallel_loop3A_494] {strides = array<i32>} : memref<32x768xf32, #tpu.memory_space<vmem>>, vector<1x16xf32>,
      %parallel_loop3A_496 = vector.shape_cast %parallel_loop3A_495 : vector<1x16xf32> to vector<16xf32>
      %parallel_loop3A_497 = vector.shape_cast %parallel_loop3A_492 : vector<16xf32> to vector<1x16xf32>
      tpu.vector_store %arg8[%parallel_loop3A_493, %parallel_loop3A_494], %parallel_loop3A_497 {add = true, strides = array<i32>} : memref<32x768xf32, #tpu.memory_space<vmem>>, vector<1x16xf32>,
      %parallel_loop3A_498 = arith.index_cast %parallel_loop3A_218 : i32 to index
      %parallel_loop3A_499 = arith.constant 496 : index
      %parallel_loop3A_500 = tpu.vector_load %arg10[%parallel_loop3A_498, %parallel_loop3A_499] {strides = array<i32>} : memref<32x768xf32, #tpu.memory_space<vmem>>, vector<1x16xf32>,
      %parallel_loop3A_501 = vector.shape_cast %parallel_loop3A_500 : vector<1x16xf32> to vector<16xf32>
      %parallel_loop3A_502 = arith.index_cast %parallel_loop3A_218 : i32 to index
      %parallel_loop3A_503 = arith.constant 496 : index
      %parallel_loop3A_504 = tpu.vector_load %arg8[%parallel_loop3A_502, %parallel_loop3A_503] {strides = array<i32>} : memref<32x768xf32, #tpu.memory_space<vmem>>, vector<1x16xf32>,
      %parallel_loop3A_505 = vector.shape_cast %parallel_loop3A_504 : vector<1x16xf32> to vector<16xf32>
      %parallel_loop3A_506 = vector.shape_cast %parallel_loop3A_501 : vector<16xf32> to vector<1x16xf32>
      tpu.vector_store %arg8[%parallel_loop3A_502, %parallel_loop3A_503], %parallel_loop3A_506 {add = true, strides = array<i32>} : memref<32x768xf32, #tpu.memory_space<vmem>>, vector<1x16xf32>,
      %parallel_loop3A_507 = arith.index_cast %parallel_loop3A_218 : i32 to index
      %parallel_loop3A_508 = arith.constant 512 : index
      %parallel_loop3A_509 = tpu.vector_load %arg10[%parallel_loop3A_507, %parallel_loop3A_508] {strides = array<i32>} : memref<32x768xf32, #tpu.memory_space<vmem>>, vector<1x16xf32>,
      %parallel_loop3A_510 = vector.shape_cast %parallel_loop3A_509 : vector<1x16xf32> to vector<16xf32>
      %parallel_loop3A_511 = arith.index_cast %parallel_loop3A_218 : i32 to index
      %parallel_loop3A_512 = arith.constant 512 : index
      %parallel_loop3A_513 = tpu.vector_load %arg8[%parallel_loop3A_511, %parallel_loop3A_512] {strides = array<i32>} : memref<32x768xf32, #tpu.memory_space<vmem>>, vector<1x16xf32>,
      %parallel_loop3A_514 = vector.shape_cast %parallel_loop3A_513 : vector<1x16xf32> to vector<16xf32>
      %parallel_loop3A_515 = vector.shape_cast %parallel_loop3A_510 : vector<16xf32> to vector<1x16xf32>
      tpu.vector_store %arg8[%parallel_loop3A_511, %parallel_loop3A_512], %parallel_loop3A_515 {add = true, strides = array<i32>} : memref<32x768xf32, #tpu.memory_space<vmem>>, vector<1x16xf32>,
      %parallel_loop3A_516 = arith.index_cast %parallel_loop3A_218 : i32 to index
      %parallel_loop3A_517 = arith.constant 528 : index
      %parallel_loop3A_518 = tpu.vector_load %arg10[%parallel_loop3A_516, %parallel_loop3A_517] {strides = array<i32>} : memref<32x768xf32, #tpu.memory_space<vmem>>, vector<1x16xf32>,
      %parallel_loop3A_519 = vector.shape_cast %parallel_loop3A_518 : vector<1x16xf32> to vector<16xf32>
      %parallel_loop3A_520 = arith.index_cast %parallel_loop3A_218 : i32 to index
      %parallel_loop3A_521 = arith.constant 528 : index
      %parallel_loop3A_522 = tpu.vector_load %arg8[%parallel_loop3A_520, %parallel_loop3A_521] {strides = array<i32>} : memref<32x768xf32, #tpu.memory_space<vmem>>, vector<1x16xf32>,
      %parallel_loop3A_523 = vector.shape_cast %parallel_loop3A_522 : vector<1x16xf32> to vector<16xf32>
      %parallel_loop3A_524 = vector.shape_cast %parallel_loop3A_519 : vector<16xf32> to vector<1x16xf32>
      tpu.vector_store %arg8[%parallel_loop3A_520, %parallel_loop3A_521], %parallel_loop3A_524 {add = true, strides = array<i32>} : memref<32x768xf32, #tpu.memory_space<vmem>>, vector<1x16xf32>,
      %parallel_loop3A_525 = arith.index_cast %parallel_loop3A_218 : i32 to index
      %parallel_loop3A_526 = arith.constant 544 : index
      %parallel_loop3A_527 = tpu.vector_load %arg10[%parallel_loop3A_525, %parallel_loop3A_526] {strides = array<i32>} : memref<32x768xf32, #tpu.memory_space<vmem>>, vector<1x16xf32>,
      %parallel_loop3A_528 = vector.shape_cast %parallel_loop3A_527 : vector<1x16xf32> to vector<16xf32>
      %parallel_loop3A_529 = arith.index_cast %parallel_loop3A_218 : i32 to index
      %parallel_loop3A_530 = arith.constant 544 : index
      %parallel_loop3A_531 = tpu.vector_load %arg8[%parallel_loop3A_529, %parallel_loop3A_530] {strides = array<i32>} : memref<32x768xf32, #tpu.memory_space<vmem>>, vector<1x16xf32>,
      %parallel_loop3A_532 = vector.shape_cast %parallel_loop3A_531 : vector<1x16xf32> to vector<16xf32>
      %parallel_loop3A_533 = vector.shape_cast %parallel_loop3A_528 : vector<16xf32> to vector<1x16xf32>
      tpu.vector_store %arg8[%parallel_loop3A_529, %parallel_loop3A_530], %parallel_loop3A_533 {add = true, strides = array<i32>} : memref<32x768xf32, #tpu.memory_space<vmem>>, vector<1x16xf32>,
      %parallel_loop3A_534 = arith.index_cast %parallel_loop3A_218 : i32 to index
      %parallel_loop3A_535 = arith.constant 560 : index
      %parallel_loop3A_536 = tpu.vector_load %arg10[%parallel_loop3A_534, %parallel_loop3A_535] {strides = array<i32>} : memref<32x768xf32, #tpu.memory_space<vmem>>, vector<1x16xf32>,
      %parallel_loop3A_537 = vector.shape_cast %parallel_loop3A_536 : vector<1x16xf32> to vector<16xf32>
      %parallel_loop3A_538 = arith.index_cast %parallel_loop3A_218 : i32 to index
      %parallel_loop3A_539 = arith.constant 560 : index
      %parallel_loop3A_540 = tpu.vector_load %arg8[%parallel_loop3A_538, %parallel_loop3A_539] {strides = array<i32>} : memref<32x768xf32, #tpu.memory_space<vmem>>, vector<1x16xf32>,
      %parallel_loop3A_541 = vector.shape_cast %parallel_loop3A_540 : vector<1x16xf32> to vector<16xf32>
      %parallel_loop3A_542 = vector.shape_cast %parallel_loop3A_537 : vector<16xf32> to vector<1x16xf32>
      tpu.vector_store %arg8[%parallel_loop3A_538, %parallel_loop3A_539], %parallel_loop3A_542 {add = true, strides = array<i32>} : memref<32x768xf32, #tpu.memory_space<vmem>>, vector<1x16xf32>,
      %parallel_loop3A_543 = arith.index_cast %parallel_loop3A_218 : i32 to index
      %parallel_loop3A_544 = arith.constant 576 : index
      %parallel_loop3A_545 = tpu.vector_load %arg10[%parallel_loop3A_543, %parallel_loop3A_544] {strides = array<i32>} : memref<32x768xf32, #tpu.memory_space<vmem>>, vector<1x16xf32>,
      %parallel_loop3A_546 = vector.shape_cast %parallel_loop3A_545 : vector<1x16xf32> to vector<16xf32>
      %parallel_loop3A_547 = arith.index_cast %parallel_loop3A_218 : i32 to index
      %parallel_loop3A_548 = arith.constant 576 : index
      %parallel_loop3A_549 = tpu.vector_load %arg8[%parallel_loop3A_547, %parallel_loop3A_548] {strides = array<i32>} : memref<32x768xf32, #tpu.memory_space<vmem>>, vector<1x16xf32>,
      %parallel_loop3A_550 = vector.shape_cast %parallel_loop3A_549 : vector<1x16xf32> to vector<16xf32>
      %parallel_loop3A_551 = vector.shape_cast %parallel_loop3A_546 : vector<16xf32> to vector<1x16xf32>
      tpu.vector_store %arg8[%parallel_loop3A_547, %parallel_loop3A_548], %parallel_loop3A_551 {add = true, strides = array<i32>} : memref<32x768xf32, #tpu.memory_space<vmem>>, vector<1x16xf32>,
      %parallel_loop3A_552 = arith.index_cast %parallel_loop3A_218 : i32 to index
      %parallel_loop3A_553 = arith.constant 592 : index
      %parallel_loop3A_554 = tpu.vector_load %arg10[%parallel_loop3A_552, %parallel_loop3A_553] {strides = array<i32>} : memref<32x768xf32, #tpu.memory_space<vmem>>, vector<1x16xf32>,
      %parallel_loop3A_555 = vector.shape_cast %parallel_loop3A_554 : vector<1x16xf32> to vector<16xf32>
      %parallel_loop3A_556 = arith.index_cast %parallel_loop3A_218 : i32 to index
      %parallel_loop3A_557 = arith.constant 592 : index
      %parallel_loop3A_558 = tpu.vector_load %arg8[%parallel_loop3A_556, %parallel_loop3A_557] {strides = array<i32>} : memref<32x768xf32, #tpu.memory_space<vmem>>, vector<1x16xf32>,
      %parallel_loop3A_559 = vector.shape_cast %parallel_loop3A_558 : vector<1x16xf32> to vector<16xf32>
      %parallel_loop3A_560 = vector.shape_cast %parallel_loop3A_555 : vector<16xf32> to vector<1x16xf32>
      tpu.vector_store %arg8[%parallel_loop3A_556, %parallel_loop3A_557], %parallel_loop3A_560 {add = true, strides = array<i32>} : memref<32x768xf32, #tpu.memory_space<vmem>>, vector<1x16xf32>,
      %parallel_loop3A_561 = arith.index_cast %parallel_loop3A_218 : i32 to index
      %parallel_loop3A_562 = arith.constant 608 : index
      %parallel_loop3A_563 = tpu.vector_load %arg10[%parallel_loop3A_561, %parallel_loop3A_562] {strides = array<i32>} : memref<32x768xf32, #tpu.memory_space<vmem>>, vector<1x16xf32>,
      %parallel_loop3A_564 = vector.shape_cast %parallel_loop3A_563 : vector<1x16xf32> to vector<16xf32>
      %parallel_loop3A_565 = arith.index_cast %parallel_loop3A_218 : i32 to index
      %parallel_loop3A_566 = arith.constant 608 : index
      %parallel_loop3A_567 = tpu.vector_load %arg8[%parallel_loop3A_565, %parallel_loop3A_566] {strides = array<i32>} : memref<32x768xf32, #tpu.memory_space<vmem>>, vector<1x16xf32>,
      %parallel_loop3A_568 = vector.shape_cast %parallel_loop3A_567 : vector<1x16xf32> to vector<16xf32>
      %parallel_loop3A_569 = vector.shape_cast %parallel_loop3A_564 : vector<16xf32> to vector<1x16xf32>
      tpu.vector_store %arg8[%parallel_loop3A_565, %parallel_loop3A_566], %parallel_loop3A_569 {add = true, strides = array<i32>} : memref<32x768xf32, #tpu.memory_space<vmem>>, vector<1x16xf32>,
      %parallel_loop3A_570 = arith.index_cast %parallel_loop3A_218 : i32 to index
      %parallel_loop3A_571 = arith.constant 624 : index
      %parallel_loop3A_572 = tpu.vector_load %arg10[%parallel_loop3A_570, %parallel_loop3A_571] {strides = array<i32>} : memref<32x768xf32, #tpu.memory_space<vmem>>, vector<1x16xf32>,
      %parallel_loop3A_573 = vector.shape_cast %parallel_loop3A_572 : vector<1x16xf32> to vector<16xf32>
      %parallel_loop3A_574 = arith.index_cast %parallel_loop3A_218 : i32 to index
      %parallel_loop3A_575 = arith.constant 624 : index
      %parallel_loop3A_576 = tpu.vector_load %arg8[%parallel_loop3A_574, %parallel_loop3A_575] {strides = array<i32>} : memref<32x768xf32, #tpu.memory_space<vmem>>, vector<1x16xf32>,
      %parallel_loop3A_577 = vector.shape_cast %parallel_loop3A_576 : vector<1x16xf32> to vector<16xf32>
      %parallel_loop3A_578 = vector.shape_cast %parallel_loop3A_573 : vector<16xf32> to vector<1x16xf32>
      tpu.vector_store %arg8[%parallel_loop3A_574, %parallel_loop3A_575], %parallel_loop3A_578 {add = true, strides = array<i32>} : memref<32x768xf32, #tpu.memory_space<vmem>>, vector<1x16xf32>,
      %parallel_loop3A_579 = arith.index_cast %parallel_loop3A_218 : i32 to index
      %parallel_loop3A_580 = arith.constant 640 : index
      %parallel_loop3A_581 = tpu.vector_load %arg10[%parallel_loop3A_579, %parallel_loop3A_580] {strides = array<i32>} : memref<32x768xf32, #tpu.memory_space<vmem>>, vector<1x16xf32>,
      %parallel_loop3A_582 = vector.shape_cast %parallel_loop3A_581 : vector<1x16xf32> to vector<16xf32>
      %parallel_loop3A_583 = arith.index_cast %parallel_loop3A_218 : i32 to index
      %parallel_loop3A_584 = arith.constant 640 : index
      %parallel_loop3A_585 = tpu.vector_load %arg8[%parallel_loop3A_583, %parallel_loop3A_584] {strides = array<i32>} : memref<32x768xf32, #tpu.memory_space<vmem>>, vector<1x16xf32>,
      %parallel_loop3A_586 = vector.shape_cast %parallel_loop3A_585 : vector<1x16xf32> to vector<16xf32>
      %parallel_loop3A_587 = vector.shape_cast %parallel_loop3A_582 : vector<16xf32> to vector<1x16xf32>
      tpu.vector_store %arg8[%parallel_loop3A_583, %parallel_loop3A_584], %parallel_loop3A_587 {add = true, strides = array<i32>} : memref<32x768xf32, #tpu.memory_space<vmem>>, vector<1x16xf32>,
      %parallel_loop3A_588 = arith.index_cast %parallel_loop3A_218 : i32 to index
      %parallel_loop3A_589 = arith.constant 656 : index
      %parallel_loop3A_590 = tpu.vector_load %arg10[%parallel_loop3A_588, %parallel_loop3A_589] {strides = array<i32>} : memref<32x768xf32, #tpu.memory_space<vmem>>, vector<1x16xf32>,
      %parallel_loop3A_591 = vector.shape_cast %parallel_loop3A_590 : vector<1x16xf32> to vector<16xf32>
      %parallel_loop3A_592 = arith.index_cast %parallel_loop3A_218 : i32 to index
      %parallel_loop3A_593 = arith.constant 656 : index
      %parallel_loop3A_594 = tpu.vector_load %arg8[%parallel_loop3A_592, %parallel_loop3A_593] {strides = array<i32>} : memref<32x768xf32, #tpu.memory_space<vmem>>, vector<1x16xf32>,
      %parallel_loop3A_595 = vector.shape_cast %parallel_loop3A_594 : vector<1x16xf32> to vector<16xf32>
      %parallel_loop3A_596 = vector.shape_cast %parallel_loop3A_591 : vector<16xf32> to vector<1x16xf32>
      tpu.vector_store %arg8[%parallel_loop3A_592, %parallel_loop3A_593], %parallel_loop3A_596 {add = true, strides = array<i32>} : memref<32x768xf32, #tpu.memory_space<vmem>>, vector<1x16xf32>,
      %parallel_loop3A_597 = arith.index_cast %parallel_loop3A_218 : i32 to index
      %parallel_loop3A_598 = arith.constant 672 : index
      %parallel_loop3A_599 = tpu.vector_load %arg10[%parallel_loop3A_597, %parallel_loop3A_598] {strides = array<i32>} : memref<32x768xf32, #tpu.memory_space<vmem>>, vector<1x16xf32>,
      %parallel_loop3A_600 = vector.shape_cast %parallel_loop3A_599 : vector<1x16xf32> to vector<16xf32>
      %parallel_loop3A_601 = arith.index_cast %parallel_loop3A_218 : i32 to index
      %parallel_loop3A_602 = arith.constant 672 : index
      %parallel_loop3A_603 = tpu.vector_load %arg8[%parallel_loop3A_601, %parallel_loop3A_602] {strides = array<i32>} : memref<32x768xf32, #tpu.memory_space<vmem>>, vector<1x16xf32>,
      %parallel_loop3A_604 = vector.shape_cast %parallel_loop3A_603 : vector<1x16xf32> to vector<16xf32>
      %parallel_loop3A_605 = vector.shape_cast %parallel_loop3A_600 : vector<16xf32> to vector<1x16xf32>
      tpu.vector_store %arg8[%parallel_loop3A_601, %parallel_loop3A_602], %parallel_loop3A_605 {add = true, strides = array<i32>} : memref<32x768xf32, #tpu.memory_space<vmem>>, vector<1x16xf32>,
      %parallel_loop3A_606 = arith.index_cast %parallel_loop3A_218 : i32 to index
      %parallel_loop3A_607 = arith.constant 688 : index
      %parallel_loop3A_608 = tpu.vector_load %arg10[%parallel_loop3A_606, %parallel_loop3A_607] {strides = array<i32>} : memref<32x768xf32, #tpu.memory_space<vmem>>, vector<1x16xf32>,
      %parallel_loop3A_609 = vector.shape_cast %parallel_loop3A_608 : vector<1x16xf32> to vector<16xf32>
      %parallel_loop3A_610 = arith.index_cast %parallel_loop3A_218 : i32 to index
      %parallel_loop3A_611 = arith.constant 688 : index
      %parallel_loop3A_612 = tpu.vector_load %arg8[%parallel_loop3A_610, %parallel_loop3A_611] {strides = array<i32>} : memref<32x768xf32, #tpu.memory_space<vmem>>, vector<1x16xf32>,
      %parallel_loop3A_613 = vector.shape_cast %parallel_loop3A_612 : vector<1x16xf32> to vector<16xf32>
      %parallel_loop3A_614 = vector.shape_cast %parallel_loop3A_609 : vector<16xf32> to vector<1x16xf32>
      tpu.vector_store %arg8[%parallel_loop3A_610, %parallel_loop3A_611], %parallel_loop3A_614 {add = true, strides = array<i32>} : memref<32x768xf32, #tpu.memory_space<vmem>>, vector<1x16xf32>,
      %parallel_loop3A_615 = arith.index_cast %parallel_loop3A_218 : i32 to index
      %parallel_loop3A_616 = arith.constant 704 : index
      %parallel_loop3A_617 = tpu.vector_load %arg10[%parallel_loop3A_615, %parallel_loop3A_616] {strides = array<i32>} : memref<32x768xf32, #tpu.memory_space<vmem>>, vector<1x16xf32>,
      %parallel_loop3A_618 = vector.shape_cast %parallel_loop3A_617 : vector<1x16xf32> to vector<16xf32>
      %parallel_loop3A_619 = arith.index_cast %parallel_loop3A_218 : i32 to index
      %parallel_loop3A_620 = arith.constant 704 : index
      %parallel_loop3A_621 = tpu.vector_load %arg8[%parallel_loop3A_619, %parallel_loop3A_620] {strides = array<i32>} : memref<32x768xf32, #tpu.memory_space<vmem>>, vector<1x16xf32>,
      %parallel_loop3A_622 = vector.shape_cast %parallel_loop3A_621 : vector<1x16xf32> to vector<16xf32>
      %parallel_loop3A_623 = vector.shape_cast %parallel_loop3A_618 : vector<16xf32> to vector<1x16xf32>
      tpu.vector_store %arg8[%parallel_loop3A_619, %parallel_loop3A_620], %parallel_loop3A_623 {add = true, strides = array<i32>} : memref<32x768xf32, #tpu.memory_space<vmem>>, vector<1x16xf32>,
      %parallel_loop3A_624 = arith.index_cast %parallel_loop3A_218 : i32 to index
      %parallel_loop3A_625 = arith.constant 720 : index
      %parallel_loop3A_626 = tpu.vector_load %arg10[%parallel_loop3A_624, %parallel_loop3A_625] {strides = array<i32>} : memref<32x768xf32, #tpu.memory_space<vmem>>, vector<1x16xf32>,
      %parallel_loop3A_627 = vector.shape_cast %parallel_loop3A_626 : vector<1x16xf32> to vector<16xf32>
      %parallel_loop3A_628 = arith.index_cast %parallel_loop3A_218 : i32 to index
      %parallel_loop3A_629 = arith.constant 720 : index
      %parallel_loop3A_630 = tpu.vector_load %arg8[%parallel_loop3A_628, %parallel_loop3A_629] {strides = array<i32>} : memref<32x768xf32, #tpu.memory_space<vmem>>, vector<1x16xf32>,
      %parallel_loop3A_631 = vector.shape_cast %parallel_loop3A_630 : vector<1x16xf32> to vector<16xf32>
      %parallel_loop3A_632 = vector.shape_cast %parallel_loop3A_627 : vector<16xf32> to vector<1x16xf32>
      tpu.vector_store %arg8[%parallel_loop3A_628, %parallel_loop3A_629], %parallel_loop3A_632 {add = true, strides = array<i32>} : memref<32x768xf32, #tpu.memory_space<vmem>>, vector<1x16xf32>,
      %parallel_loop3A_633 = arith.index_cast %parallel_loop3A_218 : i32 to index
      %parallel_loop3A_634 = arith.constant 736 : index
      %parallel_loop3A_635 = tpu.vector_load %arg10[%parallel_loop3A_633, %parallel_loop3A_634] {strides = array<i32>} : memref<32x768xf32, #tpu.memory_space<vmem>>, vector<1x16xf32>,
      %parallel_loop3A_636 = vector.shape_cast %parallel_loop3A_635 : vector<1x16xf32> to vector<16xf32>
      %parallel_loop3A_637 = arith.index_cast %parallel_loop3A_218 : i32 to index
      %parallel_loop3A_638 = arith.constant 736 : index
      %parallel_loop3A_639 = tpu.vector_load %arg8[%parallel_loop3A_637, %parallel_loop3A_638] {strides = array<i32>} : memref<32x768xf32, #tpu.memory_space<vmem>>, vector<1x16xf32>,
      %parallel_loop3A_640 = vector.shape_cast %parallel_loop3A_639 : vector<1x16xf32> to vector<16xf32>
      %parallel_loop3A_641 = vector.shape_cast %parallel_loop3A_636 : vector<16xf32> to vector<1x16xf32>
      tpu.vector_store %arg8[%parallel_loop3A_637, %parallel_loop3A_638], %parallel_loop3A_641 {add = true, strides = array<i32>} : memref<32x768xf32, #tpu.memory_space<vmem>>, vector<1x16xf32>,
      %parallel_loop3A_642 = arith.index_cast %parallel_loop3A_218 : i32 to index
      %parallel_loop3A_643 = arith.constant 752 : index
      %parallel_loop3A_644 = tpu.vector_load %arg10[%parallel_loop3A_642, %parallel_loop3A_643] {strides = array<i32>} : memref<32x768xf32, #tpu.memory_space<vmem>>, vector<1x16xf32>,
      %parallel_loop3A_645 = vector.shape_cast %parallel_loop3A_644 : vector<1x16xf32> to vector<16xf32>
      %parallel_loop3A_646 = arith.index_cast %parallel_loop3A_218 : i32 to index
      %parallel_loop3A_647 = arith.constant 752 : index
      %parallel_loop3A_648 = tpu.vector_load %arg8[%parallel_loop3A_646, %parallel_loop3A_647] {strides = array<i32>} : memref<32x768xf32, #tpu.memory_space<vmem>>, vector<1x16xf32>,
      %parallel_loop3A_649 = vector.shape_cast %parallel_loop3A_648 : vector<1x16xf32> to vector<16xf32>
      %parallel_loop3A_650 = vector.shape_cast %parallel_loop3A_645 : vector<16xf32> to vector<1x16xf32>
      tpu.vector_store %arg8[%parallel_loop3A_646, %parallel_loop3A_647], %parallel_loop3A_650 {add = true, strides = array<i32>} : memref<32x768xf32, #tpu.memory_space<vmem>>, vector<1x16xf32>,
    } {sc.loop_unroll_factor = 2 : i64, sc.parallel_access}
    %add3A_72 = arith.constant 0 : i32
    %add3A_73 = arith.addi %mul3A_2, %add3A_72 : i32
    %dma_start3A_74 = arith.constant 0 : i32
    %dma_start3A_75 = tpu.memref_slice %arg5[%add3A_73, %dma_start3A_74] : memref<4096x768xf32, #tpu.memory_space<hbm>> -> memref<32x768xf32, #tpu.memory_space<hbm>>
    %dma_start3A_76 = arith.constant 0 : i32
    %dma_start3A_77 = tpu.memref_slice %arg5[%add3A_73, %dma_start3A_76] : memref<4096x768xf32, #tpu.memory_space<hbm>> -> memref<32x768xf32, #tpu.memory_space<hbm>>
    tpu.enqueue_dma source(%arg8 : memref<32x768xf32, #tpu.memory_space<vmem>>) target(%dma_start3A_77 : memref<32x768xf32, #tpu.memory_space<hbm>>) target_semaphore(%arg16 : memref<!tpu.dma_semaphore, #tpu.memory_space<semaphore_mem>>)
    %add3A_78 = arith.constant 64 : i32
    %add3A_79 = arith.addi %mul3A_2, %add3A_78 : i32
    %dma_wait3A_80 = arith.constant 0 : i32
    %dma_wait3A_81 = arith.constant 0 : i32
    %dma_wait3A_82 = tpu.memref_slice %arg5[%dma_wait3A_80, %dma_wait3A_81] : memref<4096x768xf32, #tpu.memory_space<hbm>> -> memref<32x768xf32, #tpu.memory_space<hbm>>
    %dma_wait3A_83 = arith.constant 0 : i32
    %dma_wait3A_84 = arith.constant 0 : i32
    %dma_wait3A_85 = tpu.memref_slice %arg5[%dma_wait3A_83, %dma_wait3A_84] : memref<4096x768xf32, #tpu.memory_space<hbm>> -> memref<32x768xf32, #tpu.memory_space<hbm>>
    tpu.wait_dma2 semaphore(%arg16 : memref<!tpu.dma_semaphore, #tpu.memory_space<semaphore_mem>>) src(%arg8 : memref<32x768xf32, #tpu.memory_space<vmem>>) dst(%dma_wait3A_85 : memref<32x768xf32, #tpu.memory_space<hbm>>)
    "tpu.region"() ({
      %run_scoped3A = tpu.sem_alloc : memref<!tpu.dma_semaphore, #tpu.memory_space<semaphore_mem>>
      %dma_start3A_218 = tpu.memref_slice %arg3[%add3A_79] : memref<4096xi32, #tpu.memory_space<hbm>> -> memref<32xi32, #tpu.memory_space<hbm>>
      %dma_start3A_219 = tpu.memref_slice %arg3[%add3A_79] : memref<4096xi32, #tpu.memory_space<hbm>> -> memref<32xi32, #tpu.memory_space<hbm>>
      tpu.enqueue_dma source(%dma_start3A_219 : memref<32xi32, #tpu.memory_space<hbm>>) target(%arg6 : memref<32xi32, #tpu.memory_space<vmem>>) target_semaphore(%run_scoped3A : memref<!tpu.dma_semaphore, #tpu.memory_space<semaphore_mem>>)
      %dma_wait3A_220 = tpu.memref_slice %arg3[%add3A_79] : memref<4096xi32, #tpu.memory_space<hbm>> -> memref<32xi32, #tpu.memory_space<hbm>>
      %dma_wait3A_221 = tpu.memref_slice %arg3[%add3A_79] : memref<4096xi32, #tpu.memory_space<hbm>> -> memref<32xi32, #tpu.memory_space<hbm>>
      tpu.wait_dma2 semaphore(%run_scoped3A : memref<!tpu.dma_semaphore, #tpu.memory_space<semaphore_mem>>) src(%dma_wait3A_221 : memref<32xi32, #tpu.memory_space<hbm>>) dst(%arg6 : memref<32xi32, #tpu.memory_space<vmem>>)
      tpu.yield
    }) : () -> ()
    %get3A_86 = arith.constant 0 : index
    %get3A_87 = tpu.vector_load %arg6[%get3A_86] {strides = array<i32>} : memref<32xi32, #tpu.memory_space<vmem>>, vector<16xi32>,
    %get3A_88 = vector.shape_cast %get3A_87 : vector<16xi32> to vector<16xi32>
    %mul3A_89 = arith.constant 8 : i32
    %mul3A_90 = arith.muli %add3A, %mul3A_89 : i32
    %add3A_91 = vector.broadcast %mul3A_90 : i32 to vector<16xi32>
    %add3A_92 = arith.addi %get3A_88, %add3A_91 : vector<16xi32>
    %swap3A_93 = arith.constant 0 : index
    %swap3A_94 = tpu.vector_load %arg6[%swap3A_93] {strides = array<i32>} : memref<32xi32, #tpu.memory_space<vmem>>, vector<16xi32>,
    %swap3A_95 = vector.shape_cast %swap3A_94 : vector<16xi32> to vector<16xi32>
    %swap3A_96 = vector.shape_cast %add3A_92 : vector<16xi32> to vector<16xi32>
    tpu.vector_store %arg6[%swap3A_93], %swap3A_96 {strides = array<i32>} : memref<32xi32, #tpu.memory_space<vmem>>, vector<16xi32>,
    %get3A_97 = arith.constant 16 : index
    %get3A_98 = tpu.vector_load %arg6[%get3A_97] {strides = array<i32>} : memref<32xi32, #tpu.memory_space<vmem>>, vector<16xi32>,
    %get3A_99 = vector.shape_cast %get3A_98 : vector<16xi32> to vector<16xi32>
    %mul3A_100 = arith.constant 8 : i32
    %mul3A_101 = arith.muli %add3A, %mul3A_100 : i32
    %add3A_102 = vector.broadcast %mul3A_101 : i32 to vector<16xi32>
    %add3A_103 = arith.addi %get3A_99, %add3A_102 : vector<16xi32>
    %swap3A_104 = arith.constant 16 : index
    %swap3A_105 = tpu.vector_load %arg6[%swap3A_104] {strides = array<i32>} : memref<32xi32, #tpu.memory_space<vmem>>, vector<16xi32>,
    %swap3A_106 = vector.shape_cast %swap3A_105 : vector<16xi32> to vector<16xi32>
    %swap3A_107 = vector.shape_cast %add3A_103 : vector<16xi32> to vector<16xi32>
    tpu.vector_store %arg6[%swap3A_104], %swap3A_107 {strides = array<i32>} : memref<32xi32, #tpu.memory_space<vmem>>, vector<16xi32>,
    %dma_start3A_108 = arith.constant 0 : i32
    %dma_start3A_109 = tpu.memref_slice %arg2[%add3A_79, %dma_start3A_108] : memref<4096x768xf32, #tpu.memory_space<hbm>> -> memref<32x768xf32, #tpu.memory_space<hbm>>
    %dma_start3A_110 = arith.constant 0 : i32
    %dma_start3A_111 = tpu.memref_slice %arg2[%add3A_79, %dma_start3A_110] : memref<4096x768xf32, #tpu.memory_space<hbm>> -> memref<32x768xf32, #tpu.memory_space<hbm>>
    tpu.enqueue_dma source(%dma_start3A_111 : memref<32x768xf32, #tpu.memory_space<hbm>>) target(%arg8 : memref<32x768xf32, #tpu.memory_space<vmem>>) target_semaphore(%arg14 : memref<!tpu.dma_semaphore, #tpu.memory_space<semaphore_mem>>)
    %dma_start3A_112 = arith.constant 0 : i32
    %dma_start3A_113 = arith.constant 0 : i32
    %dma_start3A_114 = tpu.memref_slice %arg4[%dma_start3A_112, %dma_start3A_113] : memref<256x768xf32, #tpu.memory_space<hbm>> -> memref<256x768xf32, #tpu.memory_space<hbm>>
    tpu.enqueue_indirect_dma source(%dma_start3A_114 : memref<256x768xf32, #tpu.memory_space<hbm>>) target(%arg10 : memref<32x768xf32, #tpu.memory_space<vmem>>) offsets(%arg6 : memref<32xi32, #tpu.memory_space<vmem>>) semaphore(%arg12 : memref<!tpu.dma_semaphore, #tpu.memory_space<semaphore_mem>>)
    %dma_wait3A_115 = arith.constant 0 : i32
    %dma_wait3A_116 = arith.constant 0 : i32
    %dma_wait3A_117 = tpu.memref_slice %arg2[%dma_wait3A_115, %dma_wait3A_116] : memref<4096x768xf32, #tpu.memory_space<hbm>> -> memref<32x768xf32, #tpu.memory_space<hbm>>
    %dma_wait3A_118 = arith.constant 0 : i32
    %dma_wait3A_119 = arith.constant 0 : i32
    %dma_wait3A_120 = tpu.memref_slice %arg2[%dma_wait3A_118, %dma_wait3A_119] : memref<4096x768xf32, #tpu.memory_space<hbm>> -> memref<32x768xf32, #tpu.memory_space<hbm>>
    tpu.wait_dma2 semaphore(%arg15 : memref<!tpu.dma_semaphore, #tpu.memory_space<semaphore_mem>>) src(%dma_wait3A_120 : memref<32x768xf32, #tpu.memory_space<hbm>>) dst(%arg9 : memref<32x768xf32, #tpu.memory_space<vmem>>)
    %dma_wait3A_121 = arith.constant 0 : i32
    %dma_wait3A_122 = arith.constant 0 : i32
    %dma_wait3A_123 = tpu.memref_slice %arg4[%dma_wait3A_121, %dma_wait3A_122] : memref<256x768xf32, #tpu.memory_space<hbm>> -> memref<256x768xf32, #tpu.memory_space<hbm>>
    tpu.wait_indirect_dma semaphore(%arg13 : memref<!tpu.dma_semaphore, #tpu.memory_space<semaphore_mem>>) src(%dma_wait3A_123 : memref<256x768xf32, #tpu.memory_space<hbm>>) dst(%arg11 : memref<32x768xf32, #tpu.memory_space<vmem>>)
    %parallel_loop3A_124 = arith.constant 0 : i32
    %parallel_loop3A_125 = arith.constant 32 : i32
    %parallel_loop3A_126 = arith.constant 1 : i32
    scf.for %parallel_loop3A_218 = %parallel_loop3A_124 to %parallel_loop3A_125 step %parallel_loop3A_126  : i32 {
      %parallel_loop3A_219 = arith.index_cast %parallel_loop3A_218 : i32 to index
      %parallel_loop3A_220 = arith.constant 0 : index
      %parallel_loop3A_221 = tpu.vector_load %arg11[%parallel_loop3A_219, %parallel_loop3A_220] {strides = array<i32>} : memref<32x768xf32, #tpu.memory_space<vmem>>, vector<1x16xf32>,
      %parallel_loop3A_222 = vector.shape_cast %parallel_loop3A_221 : vector<1x16xf32> to vector<16xf32>
      %parallel_loop3A_223 = arith.index_cast %parallel_loop3A_218 : i32 to index
      %parallel_loop3A_224 = arith.constant 0 : index
      %parallel_loop3A_225 = tpu.vector_load %arg9[%parallel_loop3A_223, %parallel_loop3A_224] {strides = array<i32>} : memref<32x768xf32, #tpu.memory_space<vmem>>, vector<1x16xf32>,
      %parallel_loop3A_226 = vector.shape_cast %parallel_loop3A_225 : vector<1x16xf32> to vector<16xf32>
      %parallel_loop3A_227 = vector.shape_cast %parallel_loop3A_222 : vector<16xf32> to vector<1x16xf32>
      tpu.vector_store %arg9[%parallel_loop3A_223, %parallel_loop3A_224], %parallel_loop3A_227 {add = true, strides = array<i32>} : memref<32x768xf32, #tpu.memory_space<vmem>>, vector<1x16xf32>,
      %parallel_loop3A_228 = arith.index_cast %parallel_loop3A_218 : i32 to index
      %parallel_loop3A_229 = arith.constant 16 : index
      %parallel_loop3A_230 = tpu.vector_load %arg11[%parallel_loop3A_228, %parallel_loop3A_229] {strides = array<i32>} : memref<32x768xf32, #tpu.memory_space<vmem>>, vector<1x16xf32>,
      %parallel_loop3A_231 = vector.shape_cast %parallel_loop3A_230 : vector<1x16xf32> to vector<16xf32>
      %parallel_loop3A_232 = arith.index_cast %parallel_loop3A_218 : i32 to index
      %parallel_loop3A_233 = arith.constant 16 : index
      %parallel_loop3A_234 = tpu.vector_load %arg9[%parallel_loop3A_232, %parallel_loop3A_233] {strides = array<i32>} : memref<32x768xf32, #tpu.memory_space<vmem>>, vector<1x16xf32>,
      %parallel_loop3A_235 = vector.shape_cast %parallel_loop3A_234 : vector<1x16xf32> to vector<16xf32>
      %parallel_loop3A_236 = vector.shape_cast %parallel_loop3A_231 : vector<16xf32> to vector<1x16xf32>
      tpu.vector_store %arg9[%parallel_loop3A_232, %parallel_loop3A_233], %parallel_loop3A_236 {add = true, strides = array<i32>} : memref<32x768xf32, #tpu.memory_space<vmem>>, vector<1x16xf32>,
      %parallel_loop3A_237 = arith.index_cast %parallel_loop3A_218 : i32 to index
      %parallel_loop3A_238 = arith.constant 32 : index
      %parallel_loop3A_239 = tpu.vector_load %arg11[%parallel_loop3A_237, %parallel_loop3A_238] {strides = array<i32>} : memref<32x768xf32, #tpu.memory_space<vmem>>, vector<1x16xf32>,
      %parallel_loop3A_240 = vector.shape_cast %parallel_loop3A_239 : vector<1x16xf32> to vector<16xf32>
      %parallel_loop3A_241 = arith.index_cast %parallel_loop3A_218 : i32 to index
      %parallel_loop3A_242 = arith.constant 32 : index
      %parallel_loop3A_243 = tpu.vector_load %arg9[%parallel_loop3A_241, %parallel_loop3A_242] {strides = array<i32>} : memref<32x768xf32, #tpu.memory_space<vmem>>, vector<1x16xf32>,
      %parallel_loop3A_244 = vector.shape_cast %parallel_loop3A_243 : vector<1x16xf32> to vector<16xf32>
      %parallel_loop3A_245 = vector.shape_cast %parallel_loop3A_240 : vector<16xf32> to vector<1x16xf32>
      tpu.vector_store %arg9[%parallel_loop3A_241, %parallel_loop3A_242], %parallel_loop3A_245 {add = true, strides = array<i32>} : memref<32x768xf32, #tpu.memory_space<vmem>>, vector<1x16xf32>,
      %parallel_loop3A_246 = arith.index_cast %parallel_loop3A_218 : i32 to index
      %parallel_loop3A_247 = arith.constant 48 : index
      %parallel_loop3A_248 = tpu.vector_load %arg11[%parallel_loop3A_246, %parallel_loop3A_247] {strides = array<i32>} : memref<32x768xf32, #tpu.memory_space<vmem>>, vector<1x16xf32>,
      %parallel_loop3A_249 = vector.shape_cast %parallel_loop3A_248 : vector<1x16xf32> to vector<16xf32>
      %parallel_loop3A_250 = arith.index_cast %parallel_loop3A_218 : i32 to index
      %parallel_loop3A_251 = arith.constant 48 : index
      %parallel_loop3A_252 = tpu.vector_load %arg9[%parallel_loop3A_250, %parallel_loop3A_251] {strides = array<i32>} : memref<32x768xf32, #tpu.memory_space<vmem>>, vector<1x16xf32>,
      %parallel_loop3A_253 = vector.shape_cast %parallel_loop3A_252 : vector<1x16xf32> to vector<16xf32>
      %parallel_loop3A_254 = vector.shape_cast %parallel_loop3A_249 : vector<16xf32> to vector<1x16xf32>
      tpu.vector_store %arg9[%parallel_loop3A_250, %parallel_loop3A_251], %parallel_loop3A_254 {add = true, strides = array<i32>} : memref<32x768xf32, #tpu.memory_space<vmem>>, vector<1x16xf32>,
      %parallel_loop3A_255 = arith.index_cast %parallel_loop3A_218 : i32 to index
      %parallel_loop3A_256 = arith.constant 64 : index
      %parallel_loop3A_257 = tpu.vector_load %arg11[%parallel_loop3A_255, %parallel_loop3A_256] {strides = array<i32>} : memref<32x768xf32, #tpu.memory_space<vmem>>, vector<1x16xf32>,
      %parallel_loop3A_258 = vector.shape_cast %parallel_loop3A_257 : vector<1x16xf32> to vector<16xf32>
      %parallel_loop3A_259 = arith.index_cast %parallel_loop3A_218 : i32 to index
      %parallel_loop3A_260 = arith.constant 64 : index
      %parallel_loop3A_261 = tpu.vector_load %arg9[%parallel_loop3A_259, %parallel_loop3A_260] {strides = array<i32>} : memref<32x768xf32, #tpu.memory_space<vmem>>, vector<1x16xf32>,
      %parallel_loop3A_262 = vector.shape_cast %parallel_loop3A_261 : vector<1x16xf32> to vector<16xf32>
      %parallel_loop3A_263 = vector.shape_cast %parallel_loop3A_258 : vector<16xf32> to vector<1x16xf32>
      tpu.vector_store %arg9[%parallel_loop3A_259, %parallel_loop3A_260], %parallel_loop3A_263 {add = true, strides = array<i32>} : memref<32x768xf32, #tpu.memory_space<vmem>>, vector<1x16xf32>,
      %parallel_loop3A_264 = arith.index_cast %parallel_loop3A_218 : i32 to index
      %parallel_loop3A_265 = arith.constant 80 : index
      %parallel_loop3A_266 = tpu.vector_load %arg11[%parallel_loop3A_264, %parallel_loop3A_265] {strides = array<i32>} : memref<32x768xf32, #tpu.memory_space<vmem>>, vector<1x16xf32>,
      %parallel_loop3A_267 = vector.shape_cast %parallel_loop3A_266 : vector<1x16xf32> to vector<16xf32>
      %parallel_loop3A_268 = arith.index_cast %parallel_loop3A_218 : i32 to index
      %parallel_loop3A_269 = arith.constant 80 : index
      %parallel_loop3A_270 = tpu.vector_load %arg9[%parallel_loop3A_268, %parallel_loop3A_269] {strides = array<i32>} : memref<32x768xf32, #tpu.memory_space<vmem>>, vector<1x16xf32>,
      %parallel_loop3A_271 = vector.shape_cast %parallel_loop3A_270 : vector<1x16xf32> to vector<16xf32>
      %parallel_loop3A_272 = vector.shape_cast %parallel_loop3A_267 : vector<16xf32> to vector<1x16xf32>
      tpu.vector_store %arg9[%parallel_loop3A_268, %parallel_loop3A_269], %parallel_loop3A_272 {add = true, strides = array<i32>} : memref<32x768xf32, #tpu.memory_space<vmem>>, vector<1x16xf32>,
      %parallel_loop3A_273 = arith.index_cast %parallel_loop3A_218 : i32 to index
      %parallel_loop3A_274 = arith.constant 96 : index
      %parallel_loop3A_275 = tpu.vector_load %arg11[%parallel_loop3A_273, %parallel_loop3A_274] {strides = array<i32>} : memref<32x768xf32, #tpu.memory_space<vmem>>, vector<1x16xf32>,
      %parallel_loop3A_276 = vector.shape_cast %parallel_loop3A_275 : vector<1x16xf32> to vector<16xf32>
      %parallel_loop3A_277 = arith.index_cast %parallel_loop3A_218 : i32 to index
      %parallel_loop3A_278 = arith.constant 96 : index
      %parallel_loop3A_279 = tpu.vector_load %arg9[%parallel_loop3A_277, %parallel_loop3A_278] {strides = array<i32>} : memref<32x768xf32, #tpu.memory_space<vmem>>, vector<1x16xf32>,
      %parallel_loop3A_280 = vector.shape_cast %parallel_loop3A_279 : vector<1x16xf32> to vector<16xf32>
      %parallel_loop3A_281 = vector.shape_cast %parallel_loop3A_276 : vector<16xf32> to vector<1x16xf32>
      tpu.vector_store %arg9[%parallel_loop3A_277, %parallel_loop3A_278], %parallel_loop3A_281 {add = true, strides = array<i32>} : memref<32x768xf32, #tpu.memory_space<vmem>>, vector<1x16xf32>,
      %parallel_loop3A_282 = arith.index_cast %parallel_loop3A_218 : i32 to index
      %parallel_loop3A_283 = arith.constant 112 : index
      %parallel_loop3A_284 = tpu.vector_load %arg11[%parallel_loop3A_282, %parallel_loop3A_283] {strides = array<i32>} : memref<32x768xf32, #tpu.memory_space<vmem>>, vector<1x16xf32>,
      %parallel_loop3A_285 = vector.shape_cast %parallel_loop3A_284 : vector<1x16xf32> to vector<16xf32>
      %parallel_loop3A_286 = arith.index_cast %parallel_loop3A_218 : i32 to index
      %parallel_loop3A_287 = arith.constant 112 : index
      %parallel_loop3A_288 = tpu.vector_load %arg9[%parallel_loop3A_286, %parallel_loop3A_287] {strides = array<i32>} : memref<32x768xf32, #tpu.memory_space<vmem>>, vector<1x16xf32>,
      %parallel_loop3A_289 = vector.shape_cast %parallel_loop3A_288 : vector<1x16xf32> to vector<16xf32>
      %parallel_loop3A_290 = vector.shape_cast %parallel_loop3A_285 : vector<16xf32> to vector<1x16xf32>
      tpu.vector_store %arg9[%parallel_loop3A_286, %parallel_loop3A_287], %parallel_loop3A_290 {add = true, strides = array<i32>} : memref<32x768xf32, #tpu.memory_space<vmem>>, vector<1x16xf32>,
      %parallel_loop3A_291 = arith.index_cast %parallel_loop3A_218 : i32 to index
      %parallel_loop3A_292 = arith.constant 128 : index
      %parallel_loop3A_293 = tpu.vector_load %arg11[%parallel_loop3A_291, %parallel_loop3A_292] {strides = array<i32>} : memref<32x768xf32, #tpu.memory_space<vmem>>, vector<1x16xf32>,
      %parallel_loop3A_294 = vector.shape_cast %parallel_loop3A_293 : vector<1x16xf32> to vector<16xf32>
      %parallel_loop3A_295 = arith.index_cast %parallel_loop3A_218 : i32 to index
      %parallel_loop3A_296 = arith.constant 128 : index
      %parallel_loop3A_297 = tpu.vector_load %arg9[%parallel_loop3A_295, %parallel_loop3A_296] {strides = array<i32>} : memref<32x768xf32, #tpu.memory_space<vmem>>, vector<1x16xf32>,
      %parallel_loop3A_298 = vector.shape_cast %parallel_loop3A_297 : vector<1x16xf32> to vector<16xf32>
      %parallel_loop3A_299 = vector.shape_cast %parallel_loop3A_294 : vector<16xf32> to vector<1x16xf32>
      tpu.vector_store %arg9[%parallel_loop3A_295, %parallel_loop3A_296], %parallel_loop3A_299 {add = true, strides = array<i32>} : memref<32x768xf32, #tpu.memory_space<vmem>>, vector<1x16xf32>,
      %parallel_loop3A_300 = arith.index_cast %parallel_loop3A_218 : i32 to index
      %parallel_loop3A_301 = arith.constant 144 : index
      %parallel_loop3A_302 = tpu.vector_load %arg11[%parallel_loop3A_300, %parallel_loop3A_301] {strides = array<i32>} : memref<32x768xf32, #tpu.memory_space<vmem>>, vector<1x16xf32>,
      %parallel_loop3A_303 = vector.shape_cast %parallel_loop3A_302 : vector<1x16xf32> to vector<16xf32>
      %parallel_loop3A_304 = arith.index_cast %parallel_loop3A_218 : i32 to index
      %parallel_loop3A_305 = arith.constant 144 : index
      %parallel_loop3A_306 = tpu.vector_load %arg9[%parallel_loop3A_304, %parallel_loop3A_305] {strides = array<i32>} : memref<32x768xf32, #tpu.memory_space<vmem>>, vector<1x16xf32>,
      %parallel_loop3A_307 = vector.shape_cast %parallel_loop3A_306 : vector<1x16xf32> to vector<16xf32>
      %parallel_loop3A_308 = vector.shape_cast %parallel_loop3A_303 : vector<16xf32> to vector<1x16xf32>
      tpu.vector_store %arg9[%parallel_loop3A_304, %parallel_loop3A_305], %parallel_loop3A_308 {add = true, strides = array<i32>} : memref<32x768xf32, #tpu.memory_space<vmem>>, vector<1x16xf32>,
      %parallel_loop3A_309 = arith.index_cast %parallel_loop3A_218 : i32 to index
      %parallel_loop3A_310 = arith.constant 160 : index
      %parallel_loop3A_311 = tpu.vector_load %arg11[%parallel_loop3A_309, %parallel_loop3A_310] {strides = array<i32>} : memref<32x768xf32, #tpu.memory_space<vmem>>, vector<1x16xf32>,
      %parallel_loop3A_312 = vector.shape_cast %parallel_loop3A_311 : vector<1x16xf32> to vector<16xf32>
      %parallel_loop3A_313 = arith.index_cast %parallel_loop3A_218 : i32 to index
      %parallel_loop3A_314 = arith.constant 160 : index
      %parallel_loop3A_315 = tpu.vector_load %arg9[%parallel_loop3A_313, %parallel_loop3A_314] {strides = array<i32>} : memref<32x768xf32, #tpu.memory_space<vmem>>, vector<1x16xf32>,
      %parallel_loop3A_316 = vector.shape_cast %parallel_loop3A_315 : vector<1x16xf32> to vector<16xf32>
      %parallel_loop3A_317 = vector.shape_cast %parallel_loop3A_312 : vector<16xf32> to vector<1x16xf32>
      tpu.vector_store %arg9[%parallel_loop3A_313, %parallel_loop3A_314], %parallel_loop3A_317 {add = true, strides = array<i32>} : memref<32x768xf32, #tpu.memory_space<vmem>>, vector<1x16xf32>,
      %parallel_loop3A_318 = arith.index_cast %parallel_loop3A_218 : i32 to index
      %parallel_loop3A_319 = arith.constant 176 : index
      %parallel_loop3A_320 = tpu.vector_load %arg11[%parallel_loop3A_318, %parallel_loop3A_319] {strides = array<i32>} : memref<32x768xf32, #tpu.memory_space<vmem>>, vector<1x16xf32>,
      %parallel_loop3A_321 = vector.shape_cast %parallel_loop3A_320 : vector<1x16xf32> to vector<16xf32>
      %parallel_loop3A_322 = arith.index_cast %parallel_loop3A_218 : i32 to index
      %parallel_loop3A_323 = arith.constant 176 : index
      %parallel_loop3A_324 = tpu.vector_load %arg9[%parallel_loop3A_322, %parallel_loop3A_323] {strides = array<i32>} : memref<32x768xf32, #tpu.memory_space<vmem>>, vector<1x16xf32>,
      %parallel_loop3A_325 = vector.shape_cast %parallel_loop3A_324 : vector<1x16xf32> to vector<16xf32>
      %parallel_loop3A_326 = vector.shape_cast %parallel_loop3A_321 : vector<16xf32> to vector<1x16xf32>
      tpu.vector_store %arg9[%parallel_loop3A_322, %parallel_loop3A_323], %parallel_loop3A_326 {add = true, strides = array<i32>} : memref<32x768xf32, #tpu.memory_space<vmem>>, vector<1x16xf32>,
      %parallel_loop3A_327 = arith.index_cast %parallel_loop3A_218 : i32 to index
      %parallel_loop3A_328 = arith.constant 192 : index
      %parallel_loop3A_329 = tpu.vector_load %arg11[%parallel_loop3A_327, %parallel_loop3A_328] {strides = array<i32>} : memref<32x768xf32, #tpu.memory_space<vmem>>, vector<1x16xf32>,
      %parallel_loop3A_330 = vector.shape_cast %parallel_loop3A_329 : vector<1x16xf32> to vector<16xf32>
      %parallel_loop3A_331 = arith.index_cast %parallel_loop3A_218 : i32 to index
      %parallel_loop3A_332 = arith.constant 192 : index
      %parallel_loop3A_333 = tpu.vector_load %arg9[%parallel_loop3A_331, %parallel_loop3A_332] {strides = array<i32>} : memref<32x768xf32, #tpu.memory_space<vmem>>, vector<1x16xf32>,
      %parallel_loop3A_334 = vector.shape_cast %parallel_loop3A_333 : vector<1x16xf32> to vector<16xf32>
      %parallel_loop3A_335 = vector.shape_cast %parallel_loop3A_330 : vector<16xf32> to vector<1x16xf32>
      tpu.vector_store %arg9[%parallel_loop3A_331, %parallel_loop3A_332], %parallel_loop3A_335 {add = true, strides = array<i32>} : memref<32x768xf32, #tpu.memory_space<vmem>>, vector<1x16xf32>,
      %parallel_loop3A_336 = arith.index_cast %parallel_loop3A_218 : i32 to index
      %parallel_loop3A_337 = arith.constant 208 : index
      %parallel_loop3A_338 = tpu.vector_load %arg11[%parallel_loop3A_336, %parallel_loop3A_337] {strides = array<i32>} : memref<32x768xf32, #tpu.memory_space<vmem>>, vector<1x16xf32>,
      %parallel_loop3A_339 = vector.shape_cast %parallel_loop3A_338 : vector<1x16xf32> to vector<16xf32>
      %parallel_loop3A_340 = arith.index_cast %parallel_loop3A_218 : i32 to index
      %parallel_loop3A_341 = arith.constant 208 : index
      %parallel_loop3A_342 = tpu.vector_load %arg9[%parallel_loop3A_340, %parallel_loop3A_341] {strides = array<i32>} : memref<32x768xf32, #tpu.memory_space<vmem>>, vector<1x16xf32>,
      %parallel_loop3A_343 = vector.shape_cast %parallel_loop3A_342 : vector<1x16xf32> to vector<16xf32>
      %parallel_loop3A_344 = vector.shape_cast %parallel_loop3A_339 : vector<16xf32> to vector<1x16xf32>
      tpu.vector_store %arg9[%parallel_loop3A_340, %parallel_loop3A_341], %parallel_loop3A_344 {add = true, strides = array<i32>} : memref<32x768xf32, #tpu.memory_space<vmem>>, vector<1x16xf32>,
      %parallel_loop3A_345 = arith.index_cast %parallel_loop3A_218 : i32 to index
      %parallel_loop3A_346 = arith.constant 224 : index
      %parallel_loop3A_347 = tpu.vector_load %arg11[%parallel_loop3A_345, %parallel_loop3A_346] {strides = array<i32>} : memref<32x768xf32, #tpu.memory_space<vmem>>, vector<1x16xf32>,
      %parallel_loop3A_348 = vector.shape_cast %parallel_loop3A_347 : vector<1x16xf32> to vector<16xf32>
      %parallel_loop3A_349 = arith.index_cast %parallel_loop3A_218 : i32 to index
      %parallel_loop3A_350 = arith.constant 224 : index
      %parallel_loop3A_351 = tpu.vector_load %arg9[%parallel_loop3A_349, %parallel_loop3A_350] {strides = array<i32>} : memref<32x768xf32, #tpu.memory_space<vmem>>, vector<1x16xf32>,
      %parallel_loop3A_352 = vector.shape_cast %parallel_loop3A_351 : vector<1x16xf32> to vector<16xf32>
      %parallel_loop3A_353 = vector.shape_cast %parallel_loop3A_348 : vector<16xf32> to vector<1x16xf32>
      tpu.vector_store %arg9[%parallel_loop3A_349, %parallel_loop3A_350], %parallel_loop3A_353 {add = true, strides = array<i32>} : memref<32x768xf32, #tpu.memory_space<vmem>>, vector<1x16xf32>,
      %parallel_loop3A_354 = arith.index_cast %parallel_loop3A_218 : i32 to index
      %parallel_loop3A_355 = arith.constant 240 : index
      %parallel_loop3A_356 = tpu.vector_load %arg11[%parallel_loop3A_354, %parallel_loop3A_355] {strides = array<i32>} : memref<32x768xf32, #tpu.memory_space<vmem>>, vector<1x16xf32>,
      %parallel_loop3A_357 = vector.shape_cast %parallel_loop3A_356 : vector<1x16xf32> to vector<16xf32>
      %parallel_loop3A_358 = arith.index_cast %parallel_loop3A_218 : i32 to index
      %parallel_loop3A_359 = arith.constant 240 : index
      %parallel_loop3A_360 = tpu.vector_load %arg9[%parallel_loop3A_358, %parallel_loop3A_359] {strides = array<i32>} : memref<32x768xf32, #tpu.memory_space<vmem>>, vector<1x16xf32>,
      %parallel_loop3A_361 = vector.shape_cast %parallel_loop3A_360 : vector<1x16xf32> to vector<16xf32>
      %parallel_loop3A_362 = vector.shape_cast %parallel_loop3A_357 : vector<16xf32> to vector<1x16xf32>
      tpu.vector_store %arg9[%parallel_loop3A_358, %parallel_loop3A_359], %parallel_loop3A_362 {add = true, strides = array<i32>} : memref<32x768xf32, #tpu.memory_space<vmem>>, vector<1x16xf32>,
      %parallel_loop3A_363 = arith.index_cast %parallel_loop3A_218 : i32 to index
      %parallel_loop3A_364 = arith.constant 256 : index
      %parallel_loop3A_365 = tpu.vector_load %arg11[%parallel_loop3A_363, %parallel_loop3A_364] {strides = array<i32>} : memref<32x768xf32, #tpu.memory_space<vmem>>, vector<1x16xf32>,
      %parallel_loop3A_366 = vector.shape_cast %parallel_loop3A_365 : vector<1x16xf32> to vector<16xf32>
      %parallel_loop3A_367 = arith.index_cast %parallel_loop3A_218 : i32 to index
      %parallel_loop3A_368 = arith.constant 256 : index
      %parallel_loop3A_369 = tpu.vector_load %arg9[%parallel_loop3A_367, %parallel_loop3A_368] {strides = array<i32>} : memref<32x768xf32, #tpu.memory_space<vmem>>, vector<1x16xf32>,
      %parallel_loop3A_370 = vector.shape_cast %parallel_loop3A_369 : vector<1x16xf32> to vector<16xf32>
      %parallel_loop3A_371 = vector.shape_cast %parallel_loop3A_366 : vector<16xf32> to vector<1x16xf32>
      tpu.vector_store %arg9[%parallel_loop3A_367, %parallel_loop3A_368], %parallel_loop3A_371 {add = true, strides = array<i32>} : memref<32x768xf32, #tpu.memory_space<vmem>>, vector<1x16xf32>,
      %parallel_loop3A_372 = arith.index_cast %parallel_loop3A_218 : i32 to index
      %parallel_loop3A_373 = arith.constant 272 : index
      %parallel_loop3A_374 = tpu.vector_load %arg11[%parallel_loop3A_372, %parallel_loop3A_373] {strides = array<i32>} : memref<32x768xf32, #tpu.memory_space<vmem>>, vector<1x16xf32>,
      %parallel_loop3A_375 = vector.shape_cast %parallel_loop3A_374 : vector<1x16xf32> to vector<16xf32>
      %parallel_loop3A_376 = arith.index_cast %parallel_loop3A_218 : i32 to index
      %parallel_loop3A_377 = arith.constant 272 : index
      %parallel_loop3A_378 = tpu.vector_load %arg9[%parallel_loop3A_376, %parallel_loop3A_377] {strides = array<i32>} : memref<32x768xf32, #tpu.memory_space<vmem>>, vector<1x16xf32>,
      %parallel_loop3A_379 = vector.shape_cast %parallel_loop3A_378 : vector<1x16xf32> to vector<16xf32>
      %parallel_loop3A_380 = vector.shape_cast %parallel_loop3A_375 : vector<16xf32> to vector<1x16xf32>
      tpu.vector_store %arg9[%parallel_loop3A_376, %parallel_loop3A_377], %parallel_loop3A_380 {add = true, strides = array<i32>} : memref<32x768xf32, #tpu.memory_space<vmem>>, vector<1x16xf32>,
      %parallel_loop3A_381 = arith.index_cast %parallel_loop3A_218 : i32 to index
      %parallel_loop3A_382 = arith.constant 288 : index
      %parallel_loop3A_383 = tpu.vector_load %arg11[%parallel_loop3A_381, %parallel_loop3A_382] {strides = array<i32>} : memref<32x768xf32, #tpu.memory_space<vmem>>, vector<1x16xf32>,
      %parallel_loop3A_384 = vector.shape_cast %parallel_loop3A_383 : vector<1x16xf32> to vector<16xf32>
      %parallel_loop3A_385 = arith.index_cast %parallel_loop3A_218 : i32 to index
      %parallel_loop3A_386 = arith.constant 288 : index
      %parallel_loop3A_387 = tpu.vector_load %arg9[%parallel_loop3A_385, %parallel_loop3A_386] {strides = array<i32>} : memref<32x768xf32, #tpu.memory_space<vmem>>, vector<1x16xf32>,
      %parallel_loop3A_388 = vector.shape_cast %parallel_loop3A_387 : vector<1x16xf32> to vector<16xf32>
      %parallel_loop3A_389 = vector.shape_cast %parallel_loop3A_384 : vector<16xf32> to vector<1x16xf32>
      tpu.vector_store %arg9[%parallel_loop3A_385, %parallel_loop3A_386], %parallel_loop3A_389 {add = true, strides = array<i32>} : memref<32x768xf32, #tpu.memory_space<vmem>>, vector<1x16xf32>,
      %parallel_loop3A_390 = arith.index_cast %parallel_loop3A_218 : i32 to index
      %parallel_loop3A_391 = arith.constant 304 : index
      %parallel_loop3A_392 = tpu.vector_load %arg11[%parallel_loop3A_390, %parallel_loop3A_391] {strides = array<i32>} : memref<32x768xf32, #tpu.memory_space<vmem>>, vector<1x16xf32>,
      %parallel_loop3A_393 = vector.shape_cast %parallel_loop3A_392 : vector<1x16xf32> to vector<16xf32>
      %parallel_loop3A_394 = arith.index_cast %parallel_loop3A_218 : i32 to index
      %parallel_loop3A_395 = arith.constant 304 : index
      %parallel_loop3A_396 = tpu.vector_load %arg9[%parallel_loop3A_394, %parallel_loop3A_395] {strides = array<i32>} : memref<32x768xf32, #tpu.memory_space<vmem>>, vector<1x16xf32>,
      %parallel_loop3A_397 = vector.shape_cast %parallel_loop3A_396 : vector<1x16xf32> to vector<16xf32>
      %parallel_loop3A_398 = vector.shape_cast %parallel_loop3A_393 : vector<16xf32> to vector<1x16xf32>
      tpu.vector_store %arg9[%parallel_loop3A_394, %parallel_loop3A_395], %parallel_loop3A_398 {add = true, strides = array<i32>} : memref<32x768xf32, #tpu.memory_space<vmem>>, vector<1x16xf32>,
      %parallel_loop3A_399 = arith.index_cast %parallel_loop3A_218 : i32 to index
      %parallel_loop3A_400 = arith.constant 320 : index
      %parallel_loop3A_401 = tpu.vector_load %arg11[%parallel_loop3A_399, %parallel_loop3A_400] {strides = array<i32>} : memref<32x768xf32, #tpu.memory_space<vmem>>, vector<1x16xf32>,
      %parallel_loop3A_402 = vector.shape_cast %parallel_loop3A_401 : vector<1x16xf32> to vector<16xf32>
      %parallel_loop3A_403 = arith.index_cast %parallel_loop3A_218 : i32 to index
      %parallel_loop3A_404 = arith.constant 320 : index
      %parallel_loop3A_405 = tpu.vector_load %arg9[%parallel_loop3A_403, %parallel_loop3A_404] {strides = array<i32>} : memref<32x768xf32, #tpu.memory_space<vmem>>, vector<1x16xf32>,
      %parallel_loop3A_406 = vector.shape_cast %parallel_loop3A_405 : vector<1x16xf32> to vector<16xf32>
      %parallel_loop3A_407 = vector.shape_cast %parallel_loop3A_402 : vector<16xf32> to vector<1x16xf32>
      tpu.vector_store %arg9[%parallel_loop3A_403, %parallel_loop3A_404], %parallel_loop3A_407 {add = true, strides = array<i32>} : memref<32x768xf32, #tpu.memory_space<vmem>>, vector<1x16xf32>,
      %parallel_loop3A_408 = arith.index_cast %parallel_loop3A_218 : i32 to index
      %parallel_loop3A_409 = arith.constant 336 : index
      %parallel_loop3A_410 = tpu.vector_load %arg11[%parallel_loop3A_408, %parallel_loop3A_409] {strides = array<i32>} : memref<32x768xf32, #tpu.memory_space<vmem>>, vector<1x16xf32>,
      %parallel_loop3A_411 = vector.shape_cast %parallel_loop3A_410 : vector<1x16xf32> to vector<16xf32>
      %parallel_loop3A_412 = arith.index_cast %parallel_loop3A_218 : i32 to index
      %parallel_loop3A_413 = arith.constant 336 : index
      %parallel_loop3A_414 = tpu.vector_load %arg9[%parallel_loop3A_412, %parallel_loop3A_413] {strides = array<i32>} : memref<32x768xf32, #tpu.memory_space<vmem>>, vector<1x16xf32>,
      %parallel_loop3A_415 = vector.shape_cast %parallel_loop3A_414 : vector<1x16xf32> to vector<16xf32>
      %parallel_loop3A_416 = vector.shape_cast %parallel_loop3A_411 : vector<16xf32> to vector<1x16xf32>
      tpu.vector_store %arg9[%parallel_loop3A_412, %parallel_loop3A_413], %parallel_loop3A_416 {add = true, strides = array<i32>} : memref<32x768xf32, #tpu.memory_space<vmem>>, vector<1x16xf32>,
      %parallel_loop3A_417 = arith.index_cast %parallel_loop3A_218 : i32 to index
      %parallel_loop3A_418 = arith.constant 352 : index
      %parallel_loop3A_419 = tpu.vector_load %arg11[%parallel_loop3A_417, %parallel_loop3A_418] {strides = array<i32>} : memref<32x768xf32, #tpu.memory_space<vmem>>, vector<1x16xf32>,
      %parallel_loop3A_420 = vector.shape_cast %parallel_loop3A_419 : vector<1x16xf32> to vector<16xf32>
      %parallel_loop3A_421 = arith.index_cast %parallel_loop3A_218 : i32 to index
      %parallel_loop3A_422 = arith.constant 352 : index
      %parallel_loop3A_423 = tpu.vector_load %arg9[%parallel_loop3A_421, %parallel_loop3A_422] {strides = array<i32>} : memref<32x768xf32, #tpu.memory_space<vmem>>, vector<1x16xf32>,
      %parallel_loop3A_424 = vector.shape_cast %parallel_loop3A_423 : vector<1x16xf32> to vector<16xf32>
      %parallel_loop3A_425 = vector.shape_cast %parallel_loop3A_420 : vector<16xf32> to vector<1x16xf32>
      tpu.vector_store %arg9[%parallel_loop3A_421, %parallel_loop3A_422], %parallel_loop3A_425 {add = true, strides = array<i32>} : memref<32x768xf32, #tpu.memory_space<vmem>>, vector<1x16xf32>,
      %parallel_loop3A_426 = arith.index_cast %parallel_loop3A_218 : i32 to index
      %parallel_loop3A_427 = arith.constant 368 : index
      %parallel_loop3A_428 = tpu.vector_load %arg11[%parallel_loop3A_426, %parallel_loop3A_427] {strides = array<i32>} : memref<32x768xf32, #tpu.memory_space<vmem>>, vector<1x16xf32>,
      %parallel_loop3A_429 = vector.shape_cast %parallel_loop3A_428 : vector<1x16xf32> to vector<16xf32>
      %parallel_loop3A_430 = arith.index_cast %parallel_loop3A_218 : i32 to index
      %parallel_loop3A_431 = arith.constant 368 : index
      %parallel_loop3A_432 = tpu.vector_load %arg9[%parallel_loop3A_430, %parallel_loop3A_431] {strides = array<i32>} : memref<32x768xf32, #tpu.memory_space<vmem>>, vector<1x16xf32>,
      %parallel_loop3A_433 = vector.shape_cast %parallel_loop3A_432 : vector<1x16xf32> to vector<16xf32>
      %parallel_loop3A_434 = vector.shape_cast %parallel_loop3A_429 : vector<16xf32> to vector<1x16xf32>
      tpu.vector_store %arg9[%parallel_loop3A_430, %parallel_loop3A_431], %parallel_loop3A_434 {add = true, strides = array<i32>} : memref<32x768xf32, #tpu.memory_space<vmem>>, vector<1x16xf32>,
      %parallel_loop3A_435 = arith.index_cast %parallel_loop3A_218 : i32 to index
      %parallel_loop3A_436 = arith.constant 384 : index
      %parallel_loop3A_437 = tpu.vector_load %arg11[%parallel_loop3A_435, %parallel_loop3A_436] {strides = array<i32>} : memref<32x768xf32, #tpu.memory_space<vmem>>, vector<1x16xf32>,
      %parallel_loop3A_438 = vector.shape_cast %parallel_loop3A_437 : vector<1x16xf32> to vector<16xf32>
      %parallel_loop3A_439 = arith.index_cast %parallel_loop3A_218 : i32 to index
      %parallel_loop3A_440 = arith.constant 384 : index
      %parallel_loop3A_441 = tpu.vector_load %arg9[%parallel_loop3A_439, %parallel_loop3A_440] {strides = array<i32>} : memref<32x768xf32, #tpu.memory_space<vmem>>, vector<1x16xf32>,
      %parallel_loop3A_442 = vector.shape_cast %parallel_loop3A_441 : vector<1x16xf32> to vector<16xf32>
      %parallel_loop3A_443 = vector.shape_cast %parallel_loop3A_438 : vector<16xf32> to vector<1x16xf32>
      tpu.vector_store %arg9[%parallel_loop3A_439, %parallel_loop3A_440], %parallel_loop3A_443 {add = true, strides = array<i32>} : memref<32x768xf32, #tpu.memory_space<vmem>>, vector<1x16xf32>,
      %parallel_loop3A_444 = arith.index_cast %parallel_loop3A_218 : i32 to index
      %parallel_loop3A_445 = arith.constant 400 : index
      %parallel_loop3A_446 = tpu.vector_load %arg11[%parallel_loop3A_444, %parallel_loop3A_445] {strides = array<i32>} : memref<32x768xf32, #tpu.memory_space<vmem>>, vector<1x16xf32>,
      %parallel_loop3A_447 = vector.shape_cast %parallel_loop3A_446 : vector<1x16xf32> to vector<16xf32>
      %parallel_loop3A_448 = arith.index_cast %parallel_loop3A_218 : i32 to index
      %parallel_loop3A_449 = arith.constant 400 : index
      %parallel_loop3A_450 = tpu.vector_load %arg9[%parallel_loop3A_448, %parallel_loop3A_449] {strides = array<i32>} : memref<32x768xf32, #tpu.memory_space<vmem>>, vector<1x16xf32>,
      %parallel_loop3A_451 = vector.shape_cast %parallel_loop3A_450 : vector<1x16xf32> to vector<16xf32>
      %parallel_loop3A_452 = vector.shape_cast %parallel_loop3A_447 : vector<16xf32> to vector<1x16xf32>
      tpu.vector_store %arg9[%parallel_loop3A_448, %parallel_loop3A_449], %parallel_loop3A_452 {add = true, strides = array<i32>} : memref<32x768xf32, #tpu.memory_space<vmem>>, vector<1x16xf32>,
      %parallel_loop3A_453 = arith.index_cast %parallel_loop3A_218 : i32 to index
      %parallel_loop3A_454 = arith.constant 416 : index
      %parallel_loop3A_455 = tpu.vector_load %arg11[%parallel_loop3A_453, %parallel_loop3A_454] {strides = array<i32>} : memref<32x768xf32, #tpu.memory_space<vmem>>, vector<1x16xf32>,
      %parallel_loop3A_456 = vector.shape_cast %parallel_loop3A_455 : vector<1x16xf32> to vector<16xf32>
      %parallel_loop3A_457 = arith.index_cast %parallel_loop3A_218 : i32 to index
      %parallel_loop3A_458 = arith.constant 416 : index
      %parallel_loop3A_459 = tpu.vector_load %arg9[%parallel_loop3A_457, %parallel_loop3A_458] {strides = array<i32>} : memref<32x768xf32, #tpu.memory_space<vmem>>, vector<1x16xf32>,
      %parallel_loop3A_460 = vector.shape_cast %parallel_loop3A_459 : vector<1x16xf32> to vector<16xf32>
      %parallel_loop3A_461 = vector.shape_cast %parallel_loop3A_456 : vector<16xf32> to vector<1x16xf32>
      tpu.vector_store %arg9[%parallel_loop3A_457, %parallel_loop3A_458], %parallel_loop3A_461 {add = true, strides = array<i32>} : memref<32x768xf32, #tpu.memory_space<vmem>>, vector<1x16xf32>,
      %parallel_loop3A_462 = arith.index_cast %parallel_loop3A_218 : i32 to index
      %parallel_loop3A_463 = arith.constant 432 : index
      %parallel_loop3A_464 = tpu.vector_load %arg11[%parallel_loop3A_462, %parallel_loop3A_463] {strides = array<i32>} : memref<32x768xf32, #tpu.memory_space<vmem>>, vector<1x16xf32>,
      %parallel_loop3A_465 = vector.shape_cast %parallel_loop3A_464 : vector<1x16xf32> to vector<16xf32>
      %parallel_loop3A_466 = arith.index_cast %parallel_loop3A_218 : i32 to index
      %parallel_loop3A_467 = arith.constant 432 : index
      %parallel_loop3A_468 = tpu.vector_load %arg9[%parallel_loop3A_466, %parallel_loop3A_467] {strides = array<i32>} : memref<32x768xf32, #tpu.memory_space<vmem>>, vector<1x16xf32>,
      %parallel_loop3A_469 = vector.shape_cast %parallel_loop3A_468 : vector<1x16xf32> to vector<16xf32>
      %parallel_loop3A_470 = vector.shape_cast %parallel_loop3A_465 : vector<16xf32> to vector<1x16xf32>
      tpu.vector_store %arg9[%parallel_loop3A_466, %parallel_loop3A_467], %parallel_loop3A_470 {add = true, strides = array<i32>} : memref<32x768xf32, #tpu.memory_space<vmem>>, vector<1x16xf32>,
      %parallel_loop3A_471 = arith.index_cast %parallel_loop3A_218 : i32 to index
      %parallel_loop3A_472 = arith.constant 448 : index
      %parallel_loop3A_473 = tpu.vector_load %arg11[%parallel_loop3A_471, %parallel_loop3A_472] {strides = array<i32>} : memref<32x768xf32, #tpu.memory_space<vmem>>, vector<1x16xf32>,
      %parallel_loop3A_474 = vector.shape_cast %parallel_loop3A_473 : vector<1x16xf32> to vector<16xf32>
      %parallel_loop3A_475 = arith.index_cast %parallel_loop3A_218 : i32 to index
      %parallel_loop3A_476 = arith.constant 448 : index
      %parallel_loop3A_477 = tpu.vector_load %arg9[%parallel_loop3A_475, %parallel_loop3A_476] {strides = array<i32>} : memref<32x768xf32, #tpu.memory_space<vmem>>, vector<1x16xf32>,
      %parallel_loop3A_478 = vector.shape_cast %parallel_loop3A_477 : vector<1x16xf32> to vector<16xf32>
      %parallel_loop3A_479 = vector.shape_cast %parallel_loop3A_474 : vector<16xf32> to vector<1x16xf32>
      tpu.vector_store %arg9[%parallel_loop3A_475, %parallel_loop3A_476], %parallel_loop3A_479 {add = true, strides = array<i32>} : memref<32x768xf32, #tpu.memory_space<vmem>>, vector<1x16xf32>,
      %parallel_loop3A_480 = arith.index_cast %parallel_loop3A_218 : i32 to index
      %parallel_loop3A_481 = arith.constant 464 : index
      %parallel_loop3A_482 = tpu.vector_load %arg11[%parallel_loop3A_480, %parallel_loop3A_481] {strides = array<i32>} : memref<32x768xf32, #tpu.memory_space<vmem>>, vector<1x16xf32>,
      %parallel_loop3A_483 = vector.shape_cast %parallel_loop3A_482 : vector<1x16xf32> to vector<16xf32>
      %parallel_loop3A_484 = arith.index_cast %parallel_loop3A_218 : i32 to index
      %parallel_loop3A_485 = arith.constant 464 : index
      %parallel_loop3A_486 = tpu.vector_load %arg9[%parallel_loop3A_484, %parallel_loop3A_485] {strides = array<i32>} : memref<32x768xf32, #tpu.memory_space<vmem>>, vector<1x16xf32>,
      %parallel_loop3A_487 = vector.shape_cast %parallel_loop3A_486 : vector<1x16xf32> to vector<16xf32>
      %parallel_loop3A_488 = vector.shape_cast %parallel_loop3A_483 : vector<16xf32> to vector<1x16xf32>
      tpu.vector_store %arg9[%parallel_loop3A_484, %parallel_loop3A_485], %parallel_loop3A_488 {add = true, strides = array<i32>} : memref<32x768xf32, #tpu.memory_space<vmem>>, vector<1x16xf32>,
      %parallel_loop3A_489 = arith.index_cast %parallel_loop3A_218 : i32 to index
      %parallel_loop3A_490 = arith.constant 480 : index
      %parallel_loop3A_491 = tpu.vector_load %arg11[%parallel_loop3A_489, %parallel_loop3A_490] {strides = array<i32>} : memref<32x768xf32, #tpu.memory_space<vmem>>, vector<1x16xf32>,
      %parallel_loop3A_492 = vector.shape_cast %parallel_loop3A_491 : vector<1x16xf32> to vector<16xf32>
      %parallel_loop3A_493 = arith.index_cast %parallel_loop3A_218 : i32 to index
      %parallel_loop3A_494 = arith.constant 480 : index
      %parallel_loop3A_495 = tpu.vector_load %arg9[%parallel_loop3A_493, %parallel_loop3A_494] {strides = array<i32>} : memref<32x768xf32, #tpu.memory_space<vmem>>, vector<1x16xf32>,
      %parallel_loop3A_496 = vector.shape_cast %parallel_loop3A_495 : vector<1x16xf32> to vector<16xf32>
      %parallel_loop3A_497 = vector.shape_cast %parallel_loop3A_492 : vector<16xf32> to vector<1x16xf32>
      tpu.vector_store %arg9[%parallel_loop3A_493, %parallel_loop3A_494], %parallel_loop3A_497 {add = true, strides = array<i32>} : memref<32x768xf32, #tpu.memory_space<vmem>>, vector<1x16xf32>,
      %parallel_loop3A_498 = arith.index_cast %parallel_loop3A_218 : i32 to index
      %parallel_loop3A_499 = arith.constant 496 : index
      %parallel_loop3A_500 = tpu.vector_load %arg11[%parallel_loop3A_498, %parallel_loop3A_499] {strides = array<i32>} : memref<32x768xf32, #tpu.memory_space<vmem>>, vector<1x16xf32>,
      %parallel_loop3A_501 = vector.shape_cast %parallel_loop3A_500 : vector<1x16xf32> to vector<16xf32>
      %parallel_loop3A_502 = arith.index_cast %parallel_loop3A_218 : i32 to index
      %parallel_loop3A_503 = arith.constant 496 : index
      %parallel_loop3A_504 = tpu.vector_load %arg9[%parallel_loop3A_502, %parallel_loop3A_503] {strides = array<i32>} : memref<32x768xf32, #tpu.memory_space<vmem>>, vector<1x16xf32>,
      %parallel_loop3A_505 = vector.shape_cast %parallel_loop3A_504 : vector<1x16xf32> to vector<16xf32>
      %parallel_loop3A_506 = vector.shape_cast %parallel_loop3A_501 : vector<16xf32> to vector<1x16xf32>
      tpu.vector_store %arg9[%parallel_loop3A_502, %parallel_loop3A_503], %parallel_loop3A_506 {add = true, strides = array<i32>} : memref<32x768xf32, #tpu.memory_space<vmem>>, vector<1x16xf32>,
      %parallel_loop3A_507 = arith.index_cast %parallel_loop3A_218 : i32 to index
      %parallel_loop3A_508 = arith.constant 512 : index
      %parallel_loop3A_509 = tpu.vector_load %arg11[%parallel_loop3A_507, %parallel_loop3A_508] {strides = array<i32>} : memref<32x768xf32, #tpu.memory_space<vmem>>, vector<1x16xf32>,
      %parallel_loop3A_510 = vector.shape_cast %parallel_loop3A_509 : vector<1x16xf32> to vector<16xf32>
      %parallel_loop3A_511 = arith.index_cast %parallel_loop3A_218 : i32 to index
      %parallel_loop3A_512 = arith.constant 512 : index
      %parallel_loop3A_513 = tpu.vector_load %arg9[%parallel_loop3A_511, %parallel_loop3A_512] {strides = array<i32>} : memref<32x768xf32, #tpu.memory_space<vmem>>, vector<1x16xf32>,
      %parallel_loop3A_514 = vector.shape_cast %parallel_loop3A_513 : vector<1x16xf32> to vector<16xf32>
      %parallel_loop3A_515 = vector.shape_cast %parallel_loop3A_510 : vector<16xf32> to vector<1x16xf32>
      tpu.vector_store %arg9[%parallel_loop3A_511, %parallel_loop3A_512], %parallel_loop3A_515 {add = true, strides = array<i32>} : memref<32x768xf32, #tpu.memory_space<vmem>>, vector<1x16xf32>,
      %parallel_loop3A_516 = arith.index_cast %parallel_loop3A_218 : i32 to index
      %parallel_loop3A_517 = arith.constant 528 : index
      %parallel_loop3A_518 = tpu.vector_load %arg11[%parallel_loop3A_516, %parallel_loop3A_517] {strides = array<i32>} : memref<32x768xf32, #tpu.memory_space<vmem>>, vector<1x16xf32>,
      %parallel_loop3A_519 = vector.shape_cast %parallel_loop3A_518 : vector<1x16xf32> to vector<16xf32>
      %parallel_loop3A_520 = arith.index_cast %parallel_loop3A_218 : i32 to index
      %parallel_loop3A_521 = arith.constant 528 : index
      %parallel_loop3A_522 = tpu.vector_load %arg9[%parallel_loop3A_520, %parallel_loop3A_521] {strides = array<i32>} : memref<32x768xf32, #tpu.memory_space<vmem>>, vector<1x16xf32>,
      %parallel_loop3A_523 = vector.shape_cast %parallel_loop3A_522 : vector<1x16xf32> to vector<16xf32>
      %parallel_loop3A_524 = vector.shape_cast %parallel_loop3A_519 : vector<16xf32> to vector<1x16xf32>
      tpu.vector_store %arg9[%parallel_loop3A_520, %parallel_loop3A_521], %parallel_loop3A_524 {add = true, strides = array<i32>} : memref<32x768xf32, #tpu.memory_space<vmem>>, vector<1x16xf32>,
      %parallel_loop3A_525 = arith.index_cast %parallel_loop3A_218 : i32 to index
      %parallel_loop3A_526 = arith.constant 544 : index
      %parallel_loop3A_527 = tpu.vector_load %arg11[%parallel_loop3A_525, %parallel_loop3A_526] {strides = array<i32>} : memref<32x768xf32, #tpu.memory_space<vmem>>, vector<1x16xf32>,
      %parallel_loop3A_528 = vector.shape_cast %parallel_loop3A_527 : vector<1x16xf32> to vector<16xf32>
      %parallel_loop3A_529 = arith.index_cast %parallel_loop3A_218 : i32 to index
      %parallel_loop3A_530 = arith.constant 544 : index
      %parallel_loop3A_531 = tpu.vector_load %arg9[%parallel_loop3A_529, %parallel_loop3A_530] {strides = array<i32>} : memref<32x768xf32, #tpu.memory_space<vmem>>, vector<1x16xf32>,
      %parallel_loop3A_532 = vector.shape_cast %parallel_loop3A_531 : vector<1x16xf32> to vector<16xf32>
      %parallel_loop3A_533 = vector.shape_cast %parallel_loop3A_528 : vector<16xf32> to vector<1x16xf32>
      tpu.vector_store %arg9[%parallel_loop3A_529, %parallel_loop3A_530], %parallel_loop3A_533 {add = true, strides = array<i32>} : memref<32x768xf32, #tpu.memory_space<vmem>>, vector<1x16xf32>,
      %parallel_loop3A_534 = arith.index_cast %parallel_loop3A_218 : i32 to index
      %parallel_loop3A_535 = arith.constant 560 : index
      %parallel_loop3A_536 = tpu.vector_load %arg11[%parallel_loop3A_534, %parallel_loop3A_535] {strides = array<i32>} : memref<32x768xf32, #tpu.memory_space<vmem>>, vector<1x16xf32>,
      %parallel_loop3A_537 = vector.shape_cast %parallel_loop3A_536 : vector<1x16xf32> to vector<16xf32>
      %parallel_loop3A_538 = arith.index_cast %parallel_loop3A_218 : i32 to index
      %parallel_loop3A_539 = arith.constant 560 : index
      %parallel_loop3A_540 = tpu.vector_load %arg9[%parallel_loop3A_538, %parallel_loop3A_539] {strides = array<i32>} : memref<32x768xf32, #tpu.memory_space<vmem>>, vector<1x16xf32>,
      %parallel_loop3A_541 = vector.shape_cast %parallel_loop3A_540 : vector<1x16xf32> to vector<16xf32>
      %parallel_loop3A_542 = vector.shape_cast %parallel_loop3A_537 : vector<16xf32> to vector<1x16xf32>
      tpu.vector_store %arg9[%parallel_loop3A_538, %parallel_loop3A_539], %parallel_loop3A_542 {add = true, strides = array<i32>} : memref<32x768xf32, #tpu.memory_space<vmem>>, vector<1x16xf32>,
      %parallel_loop3A_543 = arith.index_cast %parallel_loop3A_218 : i32 to index
      %parallel_loop3A_544 = arith.constant 576 : index
      %parallel_loop3A_545 = tpu.vector_load %arg11[%parallel_loop3A_543, %parallel_loop3A_544] {strides = array<i32>} : memref<32x768xf32, #tpu.memory_space<vmem>>, vector<1x16xf32>,
      %parallel_loop3A_546 = vector.shape_cast %parallel_loop3A_545 : vector<1x16xf32> to vector<16xf32>
      %parallel_loop3A_547 = arith.index_cast %parallel_loop3A_218 : i32 to index
      %parallel_loop3A_548 = arith.constant 576 : index
      %parallel_loop3A_549 = tpu.vector_load %arg9[%parallel_loop3A_547, %parallel_loop3A_548] {strides = array<i32>} : memref<32x768xf32, #tpu.memory_space<vmem>>, vector<1x16xf32>,
      %parallel_loop3A_550 = vector.shape_cast %parallel_loop3A_549 : vector<1x16xf32> to vector<16xf32>
      %parallel_loop3A_551 = vector.shape_cast %parallel_loop3A_546 : vector<16xf32> to vector<1x16xf32>
      tpu.vector_store %arg9[%parallel_loop3A_547, %parallel_loop3A_548], %parallel_loop3A_551 {add = true, strides = array<i32>} : memref<32x768xf32, #tpu.memory_space<vmem>>, vector<1x16xf32>,
      %parallel_loop3A_552 = arith.index_cast %parallel_loop3A_218 : i32 to index
      %parallel_loop3A_553 = arith.constant 592 : index
      %parallel_loop3A_554 = tpu.vector_load %arg11[%parallel_loop3A_552, %parallel_loop3A_553] {strides = array<i32>} : memref<32x768xf32, #tpu.memory_space<vmem>>, vector<1x16xf32>,
      %parallel_loop3A_555 = vector.shape_cast %parallel_loop3A_554 : vector<1x16xf32> to vector<16xf32>
      %parallel_loop3A_556 = arith.index_cast %parallel_loop3A_218 : i32 to index
      %parallel_loop3A_557 = arith.constant 592 : index
      %parallel_loop3A_558 = tpu.vector_load %arg9[%parallel_loop3A_556, %parallel_loop3A_557] {strides = array<i32>} : memref<32x768xf32, #tpu.memory_space<vmem>>, vector<1x16xf32>,
      %parallel_loop3A_559 = vector.shape_cast %parallel_loop3A_558 : vector<1x16xf32> to vector<16xf32>
      %parallel_loop3A_560 = vector.shape_cast %parallel_loop3A_555 : vector<16xf32> to vector<1x16xf32>
      tpu.vector_store %arg9[%parallel_loop3A_556, %parallel_loop3A_557], %parallel_loop3A_560 {add = true, strides = array<i32>} : memref<32x768xf32, #tpu.memory_space<vmem>>, vector<1x16xf32>,
      %parallel_loop3A_561 = arith.index_cast %parallel_loop3A_218 : i32 to index
      %parallel_loop3A_562 = arith.constant 608 : index
      %parallel_loop3A_563 = tpu.vector_load %arg11[%parallel_loop3A_561, %parallel_loop3A_562] {strides = array<i32>} : memref<32x768xf32, #tpu.memory_space<vmem>>, vector<1x16xf32>,
      %parallel_loop3A_564 = vector.shape_cast %parallel_loop3A_563 : vector<1x16xf32> to vector<16xf32>
      %parallel_loop3A_565 = arith.index_cast %parallel_loop3A_218 : i32 to index
      %parallel_loop3A_566 = arith.constant 608 : index
      %parallel_loop3A_567 = tpu.vector_load %arg9[%parallel_loop3A_565, %parallel_loop3A_566] {strides = array<i32>} : memref<32x768xf32, #tpu.memory_space<vmem>>, vector<1x16xf32>,
      %parallel_loop3A_568 = vector.shape_cast %parallel_loop3A_567 : vector<1x16xf32> to vector<16xf32>
      %parallel_loop3A_569 = vector.shape_cast %parallel_loop3A_564 : vector<16xf32> to vector<1x16xf32>
      tpu.vector_store %arg9[%parallel_loop3A_565, %parallel_loop3A_566], %parallel_loop3A_569 {add = true, strides = array<i32>} : memref<32x768xf32, #tpu.memory_space<vmem>>, vector<1x16xf32>,
      %parallel_loop3A_570 = arith.index_cast %parallel_loop3A_218 : i32 to index
      %parallel_loop3A_571 = arith.constant 624 : index
      %parallel_loop3A_572 = tpu.vector_load %arg11[%parallel_loop3A_570, %parallel_loop3A_571] {strides = array<i32>} : memref<32x768xf32, #tpu.memory_space<vmem>>, vector<1x16xf32>,
      %parallel_loop3A_573 = vector.shape_cast %parallel_loop3A_572 : vector<1x16xf32> to vector<16xf32>
      %parallel_loop3A_574 = arith.index_cast %parallel_loop3A_218 : i32 to index
      %parallel_loop3A_575 = arith.constant 624 : index
      %parallel_loop3A_576 = tpu.vector_load %arg9[%parallel_loop3A_574, %parallel_loop3A_575] {strides = array<i32>} : memref<32x768xf32, #tpu.memory_space<vmem>>, vector<1x16xf32>,
      %parallel_loop3A_577 = vector.shape_cast %parallel_loop3A_576 : vector<1x16xf32> to vector<16xf32>
      %parallel_loop3A_578 = vector.shape_cast %parallel_loop3A_573 : vector<16xf32> to vector<1x16xf32>
      tpu.vector_store %arg9[%parallel_loop3A_574, %parallel_loop3A_575], %parallel_loop3A_578 {add = true, strides = array<i32>} : memref<32x768xf32, #tpu.memory_space<vmem>>, vector<1x16xf32>,
      %parallel_loop3A_579 = arith.index_cast %parallel_loop3A_218 : i32 to index
      %parallel_loop3A_580 = arith.constant 640 : index
      %parallel_loop3A_581 = tpu.vector_load %arg11[%parallel_loop3A_579, %parallel_loop3A_580] {strides = array<i32>} : memref<32x768xf32, #tpu.memory_space<vmem>>, vector<1x16xf32>,
      %parallel_loop3A_582 = vector.shape_cast %parallel_loop3A_581 : vector<1x16xf32> to vector<16xf32>
      %parallel_loop3A_583 = arith.index_cast %parallel_loop3A_218 : i32 to index
      %parallel_loop3A_584 = arith.constant 640 : index
      %parallel_loop3A_585 = tpu.vector_load %arg9[%parallel_loop3A_583, %parallel_loop3A_584] {strides = array<i32>} : memref<32x768xf32, #tpu.memory_space<vmem>>, vector<1x16xf32>,
      %parallel_loop3A_586 = vector.shape_cast %parallel_loop3A_585 : vector<1x16xf32> to vector<16xf32>
      %parallel_loop3A_587 = vector.shape_cast %parallel_loop3A_582 : vector<16xf32> to vector<1x16xf32>
      tpu.vector_store %arg9[%parallel_loop3A_583, %parallel_loop3A_584], %parallel_loop3A_587 {add = true, strides = array<i32>} : memref<32x768xf32, #tpu.memory_space<vmem>>, vector<1x16xf32>,
      %parallel_loop3A_588 = arith.index_cast %parallel_loop3A_218 : i32 to index
      %parallel_loop3A_589 = arith.constant 656 : index
      %parallel_loop3A_590 = tpu.vector_load %arg11[%parallel_loop3A_588, %parallel_loop3A_589] {strides = array<i32>} : memref<32x768xf32, #tpu.memory_space<vmem>>, vector<1x16xf32>,
      %parallel_loop3A_591 = vector.shape_cast %parallel_loop3A_590 : vector<1x16xf32> to vector<16xf32>
      %parallel_loop3A_592 = arith.index_cast %parallel_loop3A_218 : i32 to index
      %parallel_loop3A_593 = arith.constant 656 : index
      %parallel_loop3A_594 = tpu.vector_load %arg9[%parallel_loop3A_592, %parallel_loop3A_593] {strides = array<i32>} : memref<32x768xf32, #tpu.memory_space<vmem>>, vector<1x16xf32>,
      %parallel_loop3A_595 = vector.shape_cast %parallel_loop3A_594 : vector<1x16xf32> to vector<16xf32>
      %parallel_loop3A_596 = vector.shape_cast %parallel_loop3A_591 : vector<16xf32> to vector<1x16xf32>
      tpu.vector_store %arg9[%parallel_loop3A_592, %parallel_loop3A_593], %parallel_loop3A_596 {add = true, strides = array<i32>} : memref<32x768xf32, #tpu.memory_space<vmem>>, vector<1x16xf32>,
      %parallel_loop3A_597 = arith.index_cast %parallel_loop3A_218 : i32 to index
      %parallel_loop3A_598 = arith.constant 672 : index
      %parallel_loop3A_599 = tpu.vector_load %arg11[%parallel_loop3A_597, %parallel_loop3A_598] {strides = array<i32>} : memref<32x768xf32, #tpu.memory_space<vmem>>, vector<1x16xf32>,
      %parallel_loop3A_600 = vector.shape_cast %parallel_loop3A_599 : vector<1x16xf32> to vector<16xf32>
      %parallel_loop3A_601 = arith.index_cast %parallel_loop3A_218 : i32 to index
      %parallel_loop3A_602 = arith.constant 672 : index
      %parallel_loop3A_603 = tpu.vector_load %arg9[%parallel_loop3A_601, %parallel_loop3A_602] {strides = array<i32>} : memref<32x768xf32, #tpu.memory_space<vmem>>, vector<1x16xf32>,
      %parallel_loop3A_604 = vector.shape_cast %parallel_loop3A_603 : vector<1x16xf32> to vector<16xf32>
      %parallel_loop3A_605 = vector.shape_cast %parallel_loop3A_600 : vector<16xf32> to vector<1x16xf32>
      tpu.vector_store %arg9[%parallel_loop3A_601, %parallel_loop3A_602], %parallel_loop3A_605 {add = true, strides = array<i32>} : memref<32x768xf32, #tpu.memory_space<vmem>>, vector<1x16xf32>,
      %parallel_loop3A_606 = arith.index_cast %parallel_loop3A_218 : i32 to index
      %parallel_loop3A_607 = arith.constant 688 : index
      %parallel_loop3A_608 = tpu.vector_load %arg11[%parallel_loop3A_606, %parallel_loop3A_607] {strides = array<i32>} : memref<32x768xf32, #tpu.memory_space<vmem>>, vector<1x16xf32>,
      %parallel_loop3A_609 = vector.shape_cast %parallel_loop3A_608 : vector<1x16xf32> to vector<16xf32>
      %parallel_loop3A_610 = arith.index_cast %parallel_loop3A_218 : i32 to index
      %parallel_loop3A_611 = arith.constant 688 : index
      %parallel_loop3A_612 = tpu.vector_load %arg9[%parallel_loop3A_610, %parallel_loop3A_611] {strides = array<i32>} : memref<32x768xf32, #tpu.memory_space<vmem>>, vector<1x16xf32>,
      %parallel_loop3A_613 = vector.shape_cast %parallel_loop3A_612 : vector<1x16xf32> to vector<16xf32>
      %parallel_loop3A_614 = vector.shape_cast %parallel_loop3A_609 : vector<16xf32> to vector<1x16xf32>
      tpu.vector_store %arg9[%parallel_loop3A_610, %parallel_loop3A_611], %parallel_loop3A_614 {add = true, strides = array<i32>} : memref<32x768xf32, #tpu.memory_space<vmem>>, vector<1x16xf32>,
      %parallel_loop3A_615 = arith.index_cast %parallel_loop3A_218 : i32 to index
      %parallel_loop3A_616 = arith.constant 704 : index
      %parallel_loop3A_617 = tpu.vector_load %arg11[%parallel_loop3A_615, %parallel_loop3A_616] {strides = array<i32>} : memref<32x768xf32, #tpu.memory_space<vmem>>, vector<1x16xf32>,
      %parallel_loop3A_618 = vector.shape_cast %parallel_loop3A_617 : vector<1x16xf32> to vector<16xf32>
      %parallel_loop3A_619 = arith.index_cast %parallel_loop3A_218 : i32 to index
      %parallel_loop3A_620 = arith.constant 704 : index
      %parallel_loop3A_621 = tpu.vector_load %arg9[%parallel_loop3A_619, %parallel_loop3A_620] {strides = array<i32>} : memref<32x768xf32, #tpu.memory_space<vmem>>, vector<1x16xf32>,
      %parallel_loop3A_622 = vector.shape_cast %parallel_loop3A_621 : vector<1x16xf32> to vector<16xf32>
      %parallel_loop3A_623 = vector.shape_cast %parallel_loop3A_618 : vector<16xf32> to vector<1x16xf32>
      tpu.vector_store %arg9[%parallel_loop3A_619, %parallel_loop3A_620], %parallel_loop3A_623 {add = true, strides = array<i32>} : memref<32x768xf32, #tpu.memory_space<vmem>>, vector<1x16xf32>,
      %parallel_loop3A_624 = arith.index_cast %parallel_loop3A_218 : i32 to index
      %parallel_loop3A_625 = arith.constant 720 : index
      %parallel_loop3A_626 = tpu.vector_load %arg11[%parallel_loop3A_624, %parallel_loop3A_625] {strides = array<i32>} : memref<32x768xf32, #tpu.memory_space<vmem>>, vector<1x16xf32>,
      %parallel_loop3A_627 = vector.shape_cast %parallel_loop3A_626 : vector<1x16xf32> to vector<16xf32>
      %parallel_loop3A_628 = arith.index_cast %parallel_loop3A_218 : i32 to index
      %parallel_loop3A_629 = arith.constant 720 : index
      %parallel_loop3A_630 = tpu.vector_load %arg9[%parallel_loop3A_628, %parallel_loop3A_629] {strides = array<i32>} : memref<32x768xf32, #tpu.memory_space<vmem>>, vector<1x16xf32>,
      %parallel_loop3A_631 = vector.shape_cast %parallel_loop3A_630 : vector<1x16xf32> to vector<16xf32>
      %parallel_loop3A_632 = vector.shape_cast %parallel_loop3A_627 : vector<16xf32> to vector<1x16xf32>
      tpu.vector_store %arg9[%parallel_loop3A_628, %parallel_loop3A_629], %parallel_loop3A_632 {add = true, strides = array<i32>} : memref<32x768xf32, #tpu.memory_space<vmem>>, vector<1x16xf32>,
      %parallel_loop3A_633 = arith.index_cast %parallel_loop3A_218 : i32 to index
      %parallel_loop3A_634 = arith.constant 736 : index
      %parallel_loop3A_635 = tpu.vector_load %arg11[%parallel_loop3A_633, %parallel_loop3A_634] {strides = array<i32>} : memref<32x768xf32, #tpu.memory_space<vmem>>, vector<1x16xf32>,
      %parallel_loop3A_636 = vector.shape_cast %parallel_loop3A_635 : vector<1x16xf32> to vector<16xf32>
      %parallel_loop3A_637 = arith.index_cast %parallel_loop3A_218 : i32 to index
      %parallel_loop3A_638 = arith.constant 736 : index
      %parallel_loop3A_639 = tpu.vector_load %arg9[%parallel_loop3A_637, %parallel_loop3A_638] {strides = array<i32>} : memref<32x768xf32, #tpu.memory_space<vmem>>, vector<1x16xf32>,
      %parallel_loop3A_640 = vector.shape_cast %parallel_loop3A_639 : vector<1x16xf32> to vector<16xf32>
      %parallel_loop3A_641 = vector.shape_cast %parallel_loop3A_636 : vector<16xf32> to vector<1x16xf32>
      tpu.vector_store %arg9[%parallel_loop3A_637, %parallel_loop3A_638], %parallel_loop3A_641 {add = true, strides = array<i32>} : memref<32x768xf32, #tpu.memory_space<vmem>>, vector<1x16xf32>,
      %parallel_loop3A_642 = arith.index_cast %parallel_loop3A_218 : i32 to index
      %parallel_loop3A_643 = arith.constant 752 : index
      %parallel_loop3A_644 = tpu.vector_load %arg11[%parallel_loop3A_642, %parallel_loop3A_643] {strides = array<i32>} : memref<32x768xf32, #tpu.memory_space<vmem>>, vector<1x16xf32>,
      %parallel_loop3A_645 = vector.shape_cast %parallel_loop3A_644 : vector<1x16xf32> to vector<16xf32>
      %parallel_loop3A_646 = arith.index_cast %parallel_loop3A_218 : i32 to index
      %parallel_loop3A_647 = arith.constant 752 : index
      %parallel_loop3A_648 = tpu.vector_load %arg9[%parallel_loop3A_646, %parallel_loop3A_647] {strides = array<i32>} : memref<32x768xf32, #tpu.memory_space<vmem>>, vector<1x16xf32>,
      %parallel_loop3A_649 = vector.shape_cast %parallel_loop3A_648 : vector<1x16xf32> to vector<16xf32>
      %parallel_loop3A_650 = vector.shape_cast %parallel_loop3A_645 : vector<16xf32> to vector<1x16xf32>
      tpu.vector_store %arg9[%parallel_loop3A_646, %parallel_loop3A_647], %parallel_loop3A_650 {add = true, strides = array<i32>} : memref<32x768xf32, #tpu.memory_space<vmem>>, vector<1x16xf32>,
    } {sc.loop_unroll_factor = 2 : i64, sc.parallel_access}
    %add3A_127 = arith.constant 32 : i32
    %add3A_128 = arith.addi %mul3A_2, %add3A_127 : i32
    %dma_start3A_129 = arith.constant 0 : i32
    %dma_start3A_130 = tpu.memref_slice %arg5[%add3A_128, %dma_start3A_129] : memref<4096x768xf32, #tpu.memory_space<hbm>> -> memref<32x768xf32, #tpu.memory_space<hbm>>
    %dma_start3A_131 = arith.constant 0 : i32
    %dma_start3A_132 = tpu.memref_slice %arg5[%add3A_128, %dma_start3A_131] : memref<4096x768xf32, #tpu.memory_space<hbm>> -> memref<32x768xf32, #tpu.memory_space<hbm>>
    tpu.enqueue_dma source(%arg9 : memref<32x768xf32, #tpu.memory_space<vmem>>) target(%dma_start3A_132 : memref<32x768xf32, #tpu.memory_space<hbm>>) target_semaphore(%arg17 : memref<!tpu.dma_semaphore, #tpu.memory_space<semaphore_mem>>)
    %add3A_133 = arith.constant 96 : i32
    %add3A_134 = arith.addi %mul3A_2, %add3A_133 : i32
    %dma_wait3A_135 = arith.constant 0 : i32
    %dma_wait3A_136 = arith.constant 0 : i32
    %dma_wait3A_137 = tpu.memref_slice %arg5[%dma_wait3A_135, %dma_wait3A_136] : memref<4096x768xf32, #tpu.memory_space<hbm>> -> memref<32x768xf32, #tpu.memory_space<hbm>>
    %dma_wait3A_138 = arith.constant 0 : i32
    %dma_wait3A_139 = arith.constant 0 : i32
    %dma_wait3A_140 = tpu.memref_slice %arg5[%dma_wait3A_138, %dma_wait3A_139] : memref<4096x768xf32, #tpu.memory_space<hbm>> -> memref<32x768xf32, #tpu.memory_space<hbm>>
    tpu.wait_dma2 semaphore(%arg17 : memref<!tpu.dma_semaphore, #tpu.memory_space<semaphore_mem>>) src(%arg9 : memref<32x768xf32, #tpu.memory_space<vmem>>) dst(%dma_wait3A_140 : memref<32x768xf32, #tpu.memory_space<hbm>>)
    "tpu.region"() ({
      %run_scoped3A = tpu.sem_alloc : memref<!tpu.dma_semaphore, #tpu.memory_space<semaphore_mem>>
      %dma_start3A_218 = tpu.memref_slice %arg3[%add3A_134] : memref<4096xi32, #tpu.memory_space<hbm>> -> memref<32xi32, #tpu.memory_space<hbm>>
      %dma_start3A_219 = tpu.memref_slice %arg3[%add3A_134] : memref<4096xi32, #tpu.memory_space<hbm>> -> memref<32xi32, #tpu.memory_space<hbm>>
      tpu.enqueue_dma source(%dma_start3A_219 : memref<32xi32, #tpu.memory_space<hbm>>) target(%arg7 : memref<32xi32, #tpu.memory_space<vmem>>) target_semaphore(%run_scoped3A : memref<!tpu.dma_semaphore, #tpu.memory_space<semaphore_mem>>)
      %dma_wait3A_220 = tpu.memref_slice %arg3[%add3A_134] : memref<4096xi32, #tpu.memory_space<hbm>> -> memref<32xi32, #tpu.memory_space<hbm>>
      %dma_wait3A_221 = tpu.memref_slice %arg3[%add3A_134] : memref<4096xi32, #tpu.memory_space<hbm>> -> memref<32xi32, #tpu.memory_space<hbm>>
      tpu.wait_dma2 semaphore(%run_scoped3A : memref<!tpu.dma_semaphore, #tpu.memory_space<semaphore_mem>>) src(%dma_wait3A_221 : memref<32xi32, #tpu.memory_space<hbm>>) dst(%arg7 : memref<32xi32, #tpu.memory_space<vmem>>)
      tpu.yield
    }) : () -> ()
    %get3A_141 = arith.constant 0 : index
    %get3A_142 = tpu.vector_load %arg7[%get3A_141] {strides = array<i32>} : memref<32xi32, #tpu.memory_space<vmem>>, vector<16xi32>,
    %get3A_143 = vector.shape_cast %get3A_142 : vector<16xi32> to vector<16xi32>
    %mul3A_144 = arith.constant 8 : i32
    %mul3A_145 = arith.muli %add3A, %mul3A_144 : i32
    %add3A_146 = vector.broadcast %mul3A_145 : i32 to vector<16xi32>
    %add3A_147 = arith.addi %get3A_143, %add3A_146 : vector<16xi32>
    %swap3A_148 = arith.constant 0 : index
    %swap3A_149 = tpu.vector_load %arg7[%swap3A_148] {strides = array<i32>} : memref<32xi32, #tpu.memory_space<vmem>>, vector<16xi32>,
    %swap3A_150 = vector.shape_cast %swap3A_149 : vector<16xi32> to vector<16xi32>
    %swap3A_151 = vector.shape_cast %add3A_147 : vector<16xi32> to vector<16xi32>
    tpu.vector_store %arg7[%swap3A_148], %swap3A_151 {strides = array<i32>} : memref<32xi32, #tpu.memory_space<vmem>>, vector<16xi32>,
    %get3A_152 = arith.constant 16 : index
    %get3A_153 = tpu.vector_load %arg7[%get3A_152] {strides = array<i32>} : memref<32xi32, #tpu.memory_space<vmem>>, vector<16xi32>,
    %get3A_154 = vector.shape_cast %get3A_153 : vector<16xi32> to vector<16xi32>
    %mul3A_155 = arith.constant 8 : i32
    %mul3A_156 = arith.muli %add3A, %mul3A_155 : i32
    %add3A_157 = vector.broadcast %mul3A_156 : i32 to vector<16xi32>
    %add3A_158 = arith.addi %get3A_154, %add3A_157 : vector<16xi32>
    %swap3A_159 = arith.constant 16 : index
    %swap3A_160 = tpu.vector_load %arg7[%swap3A_159] {strides = array<i32>} : memref<32xi32, #tpu.memory_space<vmem>>, vector<16xi32>,
    %swap3A_161 = vector.shape_cast %swap3A_160 : vector<16xi32> to vector<16xi32>
    %swap3A_162 = vector.shape_cast %add3A_158 : vector<16xi32> to vector<16xi32>
    tpu.vector_store %arg7[%swap3A_159], %swap3A_162 {strides = array<i32>} : memref<32xi32, #tpu.memory_space<vmem>>, vector<16xi32>,
    %dma_start3A_163 = arith.constant 0 : i32
    %dma_start3A_164 = tpu.memref_slice %arg2[%add3A_134, %dma_start3A_163] : memref<4096x768xf32, #tpu.memory_space<hbm>> -> memref<32x768xf32, #tpu.memory_space<hbm>>
    %dma_start3A_165 = arith.constant 0 : i32
    %dma_start3A_166 = tpu.memref_slice %arg2[%add3A_134, %dma_start3A_165] : memref<4096x768xf32, #tpu.memory_space<hbm>> -> memref<32x768xf32, #tpu.memory_space<hbm>>
    tpu.enqueue_dma source(%dma_start3A_166 : memref<32x768xf32, #tpu.memory_space<hbm>>) target(%arg9 : memref<32x768xf32, #tpu.memory_space<vmem>>) target_semaphore(%arg15 : memref<!tpu.dma_semaphore, #tpu.memory_space<semaphore_mem>>)
    %dma_start3A_167 = arith.constant 0 : i32
    %dma_start3A_168 = arith.constant 0 : i32
    %dma_start3A_169 = tpu.memref_slice %arg4[%dma_start3A_167, %dma_start3A_168] : memref<256x768xf32, #tpu.memory_space<hbm>> -> memref<256x768xf32, #tpu.memory_space<hbm>>
    tpu.enqueue_indirect_dma source(%dma_start3A_169 : memref<256x768xf32, #tpu.memory_space<hbm>>) target(%arg11 : memref<32x768xf32, #tpu.memory_space<vmem>>) offsets(%arg7 : memref<32xi32, #tpu.memory_space<vmem>>) semaphore(%arg13 : memref<!tpu.dma_semaphore, #tpu.memory_space<semaphore_mem>>)
    %dma_wait3A_170 = arith.constant 0 : i32
    %dma_wait3A_171 = arith.constant 0 : i32
    %dma_wait3A_172 = tpu.memref_slice %arg2[%dma_wait3A_170, %dma_wait3A_171] : memref<4096x768xf32, #tpu.memory_space<hbm>> -> memref<32x768xf32, #tpu.memory_space<hbm>>
    %dma_wait3A_173 = arith.constant 0 : i32
    %dma_wait3A_174 = arith.constant 0 : i32
    %dma_wait3A_175 = tpu.memref_slice %arg2[%dma_wait3A_173, %dma_wait3A_174] : memref<4096x768xf32, #tpu.memory_space<hbm>> -> memref<32x768xf32, #tpu.memory_space<hbm>>
    tpu.wait_dma2 semaphore(%arg14 : memref<!tpu.dma_semaphore, #tpu.memory_space<semaphore_mem>>) src(%dma_wait3A_175 : memref<32x768xf32, #tpu.memory_space<hbm>>) dst(%arg8 : memref<32x768xf32, #tpu.memory_space<vmem>>)
    %dma_wait3A_176 = arith.constant 0 : i32
    %dma_wait3A_177 = arith.constant 0 : i32
    %dma_wait3A_178 = tpu.memref_slice %arg4[%dma_wait3A_176, %dma_wait3A_177] : memref<256x768xf32, #tpu.memory_space<hbm>> -> memref<256x768xf32, #tpu.memory_space<hbm>>
    tpu.wait_indirect_dma semaphore(%arg12 : memref<!tpu.dma_semaphore, #tpu.memory_space<semaphore_mem>>) src(%dma_wait3A_178 : memref<256x768xf32, #tpu.memory_space<hbm>>) dst(%arg10 : memref<32x768xf32, #tpu.memory_space<vmem>>)
    %parallel_loop3A_179 = arith.constant 0 : i32
    %parallel_loop3A_180 = arith.constant 32 : i32
    %parallel_loop3A_181 = arith.constant 1 : i32
    scf.for %parallel_loop3A_218 = %parallel_loop3A_179 to %parallel_loop3A_180 step %parallel_loop3A_181  : i32 {
      %parallel_loop3A_219 = arith.index_cast %parallel_loop3A_218 : i32 to index
      %parallel_loop3A_220 = arith.constant 0 : index
      %parallel_loop3A_221 = tpu.vector_load %arg10[%parallel_loop3A_219, %parallel_loop3A_220] {strides = array<i32>} : memref<32x768xf32, #tpu.memory_space<vmem>>, vector<1x16xf32>,
      %parallel_loop3A_222 = vector.shape_cast %parallel_loop3A_221 : vector<1x16xf32> to vector<16xf32>
      %parallel_loop3A_223 = arith.index_cast %parallel_loop3A_218 : i32 to index
      %parallel_loop3A_224 = arith.constant 0 : index
      %parallel_loop3A_225 = tpu.vector_load %arg8[%parallel_loop3A_223, %parallel_loop3A_224] {strides = array<i32>} : memref<32x768xf32, #tpu.memory_space<vmem>>, vector<1x16xf32>,
      %parallel_loop3A_226 = vector.shape_cast %parallel_loop3A_225 : vector<1x16xf32> to vector<16xf32>
      %parallel_loop3A_227 = vector.shape_cast %parallel_loop3A_222 : vector<16xf32> to vector<1x16xf32>
      tpu.vector_store %arg8[%parallel_loop3A_223, %parallel_loop3A_224], %parallel_loop3A_227 {add = true, strides = array<i32>} : memref<32x768xf32, #tpu.memory_space<vmem>>, vector<1x16xf32>,
      %parallel_loop3A_228 = arith.index_cast %parallel_loop3A_218 : i32 to index
      %parallel_loop3A_229 = arith.constant 16 : index
      %parallel_loop3A_230 = tpu.vector_load %arg10[%parallel_loop3A_228, %parallel_loop3A_229] {strides = array<i32>} : memref<32x768xf32, #tpu.memory_space<vmem>>, vector<1x16xf32>,
      %parallel_loop3A_231 = vector.shape_cast %parallel_loop3A_230 : vector<1x16xf32> to vector<16xf32>
      %parallel_loop3A_232 = arith.index_cast %parallel_loop3A_218 : i32 to index
      %parallel_loop3A_233 = arith.constant 16 : index
      %parallel_loop3A_234 = tpu.vector_load %arg8[%parallel_loop3A_232, %parallel_loop3A_233] {strides = array<i32>} : memref<32x768xf32, #tpu.memory_space<vmem>>, vector<1x16xf32>,
      %parallel_loop3A_235 = vector.shape_cast %parallel_loop3A_234 : vector<1x16xf32> to vector<16xf32>
      %parallel_loop3A_236 = vector.shape_cast %parallel_loop3A_231 : vector<16xf32> to vector<1x16xf32>
      tpu.vector_store %arg8[%parallel_loop3A_232, %parallel_loop3A_233], %parallel_loop3A_236 {add = true, strides = array<i32>} : memref<32x768xf32, #tpu.memory_space<vmem>>, vector<1x16xf32>,
      %parallel_loop3A_237 = arith.index_cast %parallel_loop3A_218 : i32 to index
      %parallel_loop3A_238 = arith.constant 32 : index
      %parallel_loop3A_239 = tpu.vector_load %arg10[%parallel_loop3A_237, %parallel_loop3A_238] {strides = array<i32>} : memref<32x768xf32, #tpu.memory_space<vmem>>, vector<1x16xf32>,
      %parallel_loop3A_240 = vector.shape_cast %parallel_loop3A_239 : vector<1x16xf32> to vector<16xf32>
      %parallel_loop3A_241 = arith.index_cast %parallel_loop3A_218 : i32 to index
      %parallel_loop3A_242 = arith.constant 32 : index
      %parallel_loop3A_243 = tpu.vector_load %arg8[%parallel_loop3A_241, %parallel_loop3A_242] {strides = array<i32>} : memref<32x768xf32, #tpu.memory_space<vmem>>, vector<1x16xf32>,
      %parallel_loop3A_244 = vector.shape_cast %parallel_loop3A_243 : vector<1x16xf32> to vector<16xf32>
      %parallel_loop3A_245 = vector.shape_cast %parallel_loop3A_240 : vector<16xf32> to vector<1x16xf32>
      tpu.vector_store %arg8[%parallel_loop3A_241, %parallel_loop3A_242], %parallel_loop3A_245 {add = true, strides = array<i32>} : memref<32x768xf32, #tpu.memory_space<vmem>>, vector<1x16xf32>,
      %parallel_loop3A_246 = arith.index_cast %parallel_loop3A_218 : i32 to index
      %parallel_loop3A_247 = arith.constant 48 : index
      %parallel_loop3A_248 = tpu.vector_load %arg10[%parallel_loop3A_246, %parallel_loop3A_247] {strides = array<i32>} : memref<32x768xf32, #tpu.memory_space<vmem>>, vector<1x16xf32>,
      %parallel_loop3A_249 = vector.shape_cast %parallel_loop3A_248 : vector<1x16xf32> to vector<16xf32>
      %parallel_loop3A_250 = arith.index_cast %parallel_loop3A_218 : i32 to index
      %parallel_loop3A_251 = arith.constant 48 : index
      %parallel_loop3A_252 = tpu.vector_load %arg8[%parallel_loop3A_250, %parallel_loop3A_251] {strides = array<i32>} : memref<32x768xf32, #tpu.memory_space<vmem>>, vector<1x16xf32>,
      %parallel_loop3A_253 = vector.shape_cast %parallel_loop3A_252 : vector<1x16xf32> to vector<16xf32>
      %parallel_loop3A_254 = vector.shape_cast %parallel_loop3A_249 : vector<16xf32> to vector<1x16xf32>
      tpu.vector_store %arg8[%parallel_loop3A_250, %parallel_loop3A_251], %parallel_loop3A_254 {add = true, strides = array<i32>} : memref<32x768xf32, #tpu.memory_space<vmem>>, vector<1x16xf32>,
      %parallel_loop3A_255 = arith.index_cast %parallel_loop3A_218 : i32 to index
      %parallel_loop3A_256 = arith.constant 64 : index
      %parallel_loop3A_257 = tpu.vector_load %arg10[%parallel_loop3A_255, %parallel_loop3A_256] {strides = array<i32>} : memref<32x768xf32, #tpu.memory_space<vmem>>, vector<1x16xf32>,
      %parallel_loop3A_258 = vector.shape_cast %parallel_loop3A_257 : vector<1x16xf32> to vector<16xf32>
      %parallel_loop3A_259 = arith.index_cast %parallel_loop3A_218 : i32 to index
      %parallel_loop3A_260 = arith.constant 64 : index
      %parallel_loop3A_261 = tpu.vector_load %arg8[%parallel_loop3A_259, %parallel_loop3A_260] {strides = array<i32>} : memref<32x768xf32, #tpu.memory_space<vmem>>, vector<1x16xf32>,
      %parallel_loop3A_262 = vector.shape_cast %parallel_loop3A_261 : vector<1x16xf32> to vector<16xf32>
      %parallel_loop3A_263 = vector.shape_cast %parallel_loop3A_258 : vector<16xf32> to vector<1x16xf32>
      tpu.vector_store %arg8[%parallel_loop3A_259, %parallel_loop3A_260], %parallel_loop3A_263 {add = true, strides = array<i32>} : memref<32x768xf32, #tpu.memory_space<vmem>>, vector<1x16xf32>,
      %parallel_loop3A_264 = arith.index_cast %parallel_loop3A_218 : i32 to index
      %parallel_loop3A_265 = arith.constant 80 : index
      %parallel_loop3A_266 = tpu.vector_load %arg10[%parallel_loop3A_264, %parallel_loop3A_265] {strides = array<i32>} : memref<32x768xf32, #tpu.memory_space<vmem>>, vector<1x16xf32>,
      %parallel_loop3A_267 = vector.shape_cast %parallel_loop3A_266 : vector<1x16xf32> to vector<16xf32>
      %parallel_loop3A_268 = arith.index_cast %parallel_loop3A_218 : i32 to index
      %parallel_loop3A_269 = arith.constant 80 : index
      %parallel_loop3A_270 = tpu.vector_load %arg8[%parallel_loop3A_268, %parallel_loop3A_269] {strides = array<i32>} : memref<32x768xf32, #tpu.memory_space<vmem>>, vector<1x16xf32>,
      %parallel_loop3A_271 = vector.shape_cast %parallel_loop3A_270 : vector<1x16xf32> to vector<16xf32>
      %parallel_loop3A_272 = vector.shape_cast %parallel_loop3A_267 : vector<16xf32> to vector<1x16xf32>
      tpu.vector_store %arg8[%parallel_loop3A_268, %parallel_loop3A_269], %parallel_loop3A_272 {add = true, strides = array<i32>} : memref<32x768xf32, #tpu.memory_space<vmem>>, vector<1x16xf32>,
      %parallel_loop3A_273 = arith.index_cast %parallel_loop3A_218 : i32 to index
      %parallel_loop3A_274 = arith.constant 96 : index
      %parallel_loop3A_275 = tpu.vector_load %arg10[%parallel_loop3A_273, %parallel_loop3A_274] {strides = array<i32>} : memref<32x768xf32, #tpu.memory_space<vmem>>, vector<1x16xf32>,
      %parallel_loop3A_276 = vector.shape_cast %parallel_loop3A_275 : vector<1x16xf32> to vector<16xf32>
      %parallel_loop3A_277 = arith.index_cast %parallel_loop3A_218 : i32 to index
      %parallel_loop3A_278 = arith.constant 96 : index
      %parallel_loop3A_279 = tpu.vector_load %arg8[%parallel_loop3A_277, %parallel_loop3A_278] {strides = array<i32>} : memref<32x768xf32, #tpu.memory_space<vmem>>, vector<1x16xf32>,
      %parallel_loop3A_280 = vector.shape_cast %parallel_loop3A_279 : vector<1x16xf32> to vector<16xf32>
      %parallel_loop3A_281 = vector.shape_cast %parallel_loop3A_276 : vector<16xf32> to vector<1x16xf32>
      tpu.vector_store %arg8[%parallel_loop3A_277, %parallel_loop3A_278], %parallel_loop3A_281 {add = true, strides = array<i32>} : memref<32x768xf32, #tpu.memory_space<vmem>>, vector<1x16xf32>,
      %parallel_loop3A_282 = arith.index_cast %parallel_loop3A_218 : i32 to index
      %parallel_loop3A_283 = arith.constant 112 : index
      %parallel_loop3A_284 = tpu.vector_load %arg10[%parallel_loop3A_282, %parallel_loop3A_283] {strides = array<i32>} : memref<32x768xf32, #tpu.memory_space<vmem>>, vector<1x16xf32>,
      %parallel_loop3A_285 = vector.shape_cast %parallel_loop3A_284 : vector<1x16xf32> to vector<16xf32>
      %parallel_loop3A_286 = arith.index_cast %parallel_loop3A_218 : i32 to index
      %parallel_loop3A_287 = arith.constant 112 : index
      %parallel_loop3A_288 = tpu.vector_load %arg8[%parallel_loop3A_286, %parallel_loop3A_287] {strides = array<i32>} : memref<32x768xf32, #tpu.memory_space<vmem>>, vector<1x16xf32>,
      %parallel_loop3A_289 = vector.shape_cast %parallel_loop3A_288 : vector<1x16xf32> to vector<16xf32>
      %parallel_loop3A_290 = vector.shape_cast %parallel_loop3A_285 : vector<16xf32> to vector<1x16xf32>
      tpu.vector_store %arg8[%parallel_loop3A_286, %parallel_loop3A_287], %parallel_loop3A_290 {add = true, strides = array<i32>} : memref<32x768xf32, #tpu.memory_space<vmem>>, vector<1x16xf32>,
      %parallel_loop3A_291 = arith.index_cast %parallel_loop3A_218 : i32 to index
      %parallel_loop3A_292 = arith.constant 128 : index
      %parallel_loop3A_293 = tpu.vector_load %arg10[%parallel_loop3A_291, %parallel_loop3A_292] {strides = array<i32>} : memref<32x768xf32, #tpu.memory_space<vmem>>, vector<1x16xf32>,
      %parallel_loop3A_294 = vector.shape_cast %parallel_loop3A_293 : vector<1x16xf32> to vector<16xf32>
      %parallel_loop3A_295 = arith.index_cast %parallel_loop3A_218 : i32 to index
      %parallel_loop3A_296 = arith.constant 128 : index
      %parallel_loop3A_297 = tpu.vector_load %arg8[%parallel_loop3A_295, %parallel_loop3A_296] {strides = array<i32>} : memref<32x768xf32, #tpu.memory_space<vmem>>, vector<1x16xf32>,
      %parallel_loop3A_298 = vector.shape_cast %parallel_loop3A_297 : vector<1x16xf32> to vector<16xf32>
      %parallel_loop3A_299 = vector.shape_cast %parallel_loop3A_294 : vector<16xf32> to vector<1x16xf32>
      tpu.vector_store %arg8[%parallel_loop3A_295, %parallel_loop3A_296], %parallel_loop3A_299 {add = true, strides = array<i32>} : memref<32x768xf32, #tpu.memory_space<vmem>>, vector<1x16xf32>,
      %parallel_loop3A_300 = arith.index_cast %parallel_loop3A_218 : i32 to index
      %parallel_loop3A_301 = arith.constant 144 : index
      %parallel_loop3A_302 = tpu.vector_load %arg10[%parallel_loop3A_300, %parallel_loop3A_301] {strides = array<i32>} : memref<32x768xf32, #tpu.memory_space<vmem>>, vector<1x16xf32>,
      %parallel_loop3A_303 = vector.shape_cast %parallel_loop3A_302 : vector<1x16xf32> to vector<16xf32>
      %parallel_loop3A_304 = arith.index_cast %parallel_loop3A_218 : i32 to index
      %parallel_loop3A_305 = arith.constant 144 : index
      %parallel_loop3A_306 = tpu.vector_load %arg8[%parallel_loop3A_304, %parallel_loop3A_305] {strides = array<i32>} : memref<32x768xf32, #tpu.memory_space<vmem>>, vector<1x16xf32>,
      %parallel_loop3A_307 = vector.shape_cast %parallel_loop3A_306 : vector<1x16xf32> to vector<16xf32>
      %parallel_loop3A_308 = vector.shape_cast %parallel_loop3A_303 : vector<16xf32> to vector<1x16xf32>
      tpu.vector_store %arg8[%parallel_loop3A_304, %parallel_loop3A_305], %parallel_loop3A_308 {add = true, strides = array<i32>} : memref<32x768xf32, #tpu.memory_space<vmem>>, vector<1x16xf32>,
      %parallel_loop3A_309 = arith.index_cast %parallel_loop3A_218 : i32 to index
      %parallel_loop3A_310 = arith.constant 160 : index
      %parallel_loop3A_311 = tpu.vector_load %arg10[%parallel_loop3A_309, %parallel_loop3A_310] {strides = array<i32>} : memref<32x768xf32, #tpu.memory_space<vmem>>, vector<1x16xf32>,
      %parallel_loop3A_312 = vector.shape_cast %parallel_loop3A_311 : vector<1x16xf32> to vector<16xf32>
      %parallel_loop3A_313 = arith.index_cast %parallel_loop3A_218 : i32 to index
      %parallel_loop3A_314 = arith.constant 160 : index
      %parallel_loop3A_315 = tpu.vector_load %arg8[%parallel_loop3A_313, %parallel_loop3A_314] {strides = array<i32>} : memref<32x768xf32, #tpu.memory_space<vmem>>, vector<1x16xf32>,
      %parallel_loop3A_316 = vector.shape_cast %parallel_loop3A_315 : vector<1x16xf32> to vector<16xf32>
      %parallel_loop3A_317 = vector.shape_cast %parallel_loop3A_312 : vector<16xf32> to vector<1x16xf32>
      tpu.vector_store %arg8[%parallel_loop3A_313, %parallel_loop3A_314], %parallel_loop3A_317 {add = true, strides = array<i32>} : memref<32x768xf32, #tpu.memory_space<vmem>>, vector<1x16xf32>,
      %parallel_loop3A_318 = arith.index_cast %parallel_loop3A_218 : i32 to index
      %parallel_loop3A_319 = arith.constant 176 : index
      %parallel_loop3A_320 = tpu.vector_load %arg10[%parallel_loop3A_318, %parallel_loop3A_319] {strides = array<i32>} : memref<32x768xf32, #tpu.memory_space<vmem>>, vector<1x16xf32>,
      %parallel_loop3A_321 = vector.shape_cast %parallel_loop3A_320 : vector<1x16xf32> to vector<16xf32>
      %parallel_loop3A_322 = arith.index_cast %parallel_loop3A_218 : i32 to index
      %parallel_loop3A_323 = arith.constant 176 : index
      %parallel_loop3A_324 = tpu.vector_load %arg8[%parallel_loop3A_322, %parallel_loop3A_323] {strides = array<i32>} : memref<32x768xf32, #tpu.memory_space<vmem>>, vector<1x16xf32>,
      %parallel_loop3A_325 = vector.shape_cast %parallel_loop3A_324 : vector<1x16xf32> to vector<16xf32>
      %parallel_loop3A_326 = vector.shape_cast %parallel_loop3A_321 : vector<16xf32> to vector<1x16xf32>
      tpu.vector_store %arg8[%parallel_loop3A_322, %parallel_loop3A_323], %parallel_loop3A_326 {add = true, strides = array<i32>} : memref<32x768xf32, #tpu.memory_space<vmem>>, vector<1x16xf32>,
      %parallel_loop3A_327 = arith.index_cast %parallel_loop3A_218 : i32 to index
      %parallel_loop3A_328 = arith.constant 192 : index
      %parallel_loop3A_329 = tpu.vector_load %arg10[%parallel_loop3A_327, %parallel_loop3A_328] {strides = array<i32>} : memref<32x768xf32, #tpu.memory_space<vmem>>, vector<1x16xf32>,
      %parallel_loop3A_330 = vector.shape_cast %parallel_loop3A_329 : vector<1x16xf32> to vector<16xf32>
      %parallel_loop3A_331 = arith.index_cast %parallel_loop3A_218 : i32 to index
      %parallel_loop3A_332 = arith.constant 192 : index
      %parallel_loop3A_333 = tpu.vector_load %arg8[%parallel_loop3A_331, %parallel_loop3A_332] {strides = array<i32>} : memref<32x768xf32, #tpu.memory_space<vmem>>, vector<1x16xf32>,
      %parallel_loop3A_334 = vector.shape_cast %parallel_loop3A_333 : vector<1x16xf32> to vector<16xf32>
      %parallel_loop3A_335 = vector.shape_cast %parallel_loop3A_330 : vector<16xf32> to vector<1x16xf32>
      tpu.vector_store %arg8[%parallel_loop3A_331, %parallel_loop3A_332], %parallel_loop3A_335 {add = true, strides = array<i32>} : memref<32x768xf32, #tpu.memory_space<vmem>>, vector<1x16xf32>,
      %parallel_loop3A_336 = arith.index_cast %parallel_loop3A_218 : i32 to index
      %parallel_loop3A_337 = arith.constant 208 : index
      %parallel_loop3A_338 = tpu.vector_load %arg10[%parallel_loop3A_336, %parallel_loop3A_337] {strides = array<i32>} : memref<32x768xf32, #tpu.memory_space<vmem>>, vector<1x16xf32>,
      %parallel_loop3A_339 = vector.shape_cast %parallel_loop3A_338 : vector<1x16xf32> to vector<16xf32>
      %parallel_loop3A_340 = arith.index_cast %parallel_loop3A_218 : i32 to index
      %parallel_loop3A_341 = arith.constant 208 : index
      %parallel_loop3A_342 = tpu.vector_load %arg8[%parallel_loop3A_340, %parallel_loop3A_341] {strides = array<i32>} : memref<32x768xf32, #tpu.memory_space<vmem>>, vector<1x16xf32>,
      %parallel_loop3A_343 = vector.shape_cast %parallel_loop3A_342 : vector<1x16xf32> to vector<16xf32>
      %parallel_loop3A_344 = vector.shape_cast %parallel_loop3A_339 : vector<16xf32> to vector<1x16xf32>
      tpu.vector_store %arg8[%parallel_loop3A_340, %parallel_loop3A_341], %parallel_loop3A_344 {add = true, strides = array<i32>} : memref<32x768xf32, #tpu.memory_space<vmem>>, vector<1x16xf32>,
      %parallel_loop3A_345 = arith.index_cast %parallel_loop3A_218 : i32 to index
      %parallel_loop3A_346 = arith.constant 224 : index
      %parallel_loop3A_347 = tpu.vector_load %arg10[%parallel_loop3A_345, %parallel_loop3A_346] {strides = array<i32>} : memref<32x768xf32, #tpu.memory_space<vmem>>, vector<1x16xf32>,
      %parallel_loop3A_348 = vector.shape_cast %parallel_loop3A_347 : vector<1x16xf32> to vector<16xf32>
      %parallel_loop3A_349 = arith.index_cast %parallel_loop3A_218 : i32 to index
      %parallel_loop3A_350 = arith.constant 224 : index
      %parallel_loop3A_351 = tpu.vector_load %arg8[%parallel_loop3A_349, %parallel_loop3A_350] {strides = array<i32>} : memref<32x768xf32, #tpu.memory_space<vmem>>, vector<1x16xf32>,
      %parallel_loop3A_352 = vector.shape_cast %parallel_loop3A_351 : vector<1x16xf32> to vector<16xf32>
      %parallel_loop3A_353 = vector.shape_cast %parallel_loop3A_348 : vector<16xf32> to vector<1x16xf32>
      tpu.vector_store %arg8[%parallel_loop3A_349, %parallel_loop3A_350], %parallel_loop3A_353 {add = true, strides = array<i32>} : memref<32x768xf32, #tpu.memory_space<vmem>>, vector<1x16xf32>,
      %parallel_loop3A_354 = arith.index_cast %parallel_loop3A_218 : i32 to index
      %parallel_loop3A_355 = arith.constant 240 : index
      %parallel_loop3A_356 = tpu.vector_load %arg10[%parallel_loop3A_354, %parallel_loop3A_355] {strides = array<i32>} : memref<32x768xf32, #tpu.memory_space<vmem>>, vector<1x16xf32>,
      %parallel_loop3A_357 = vector.shape_cast %parallel_loop3A_356 : vector<1x16xf32> to vector<16xf32>
      %parallel_loop3A_358 = arith.index_cast %parallel_loop3A_218 : i32 to index
      %parallel_loop3A_359 = arith.constant 240 : index
      %parallel_loop3A_360 = tpu.vector_load %arg8[%parallel_loop3A_358, %parallel_loop3A_359] {strides = array<i32>} : memref<32x768xf32, #tpu.memory_space<vmem>>, vector<1x16xf32>,
      %parallel_loop3A_361 = vector.shape_cast %parallel_loop3A_360 : vector<1x16xf32> to vector<16xf32>
      %parallel_loop3A_362 = vector.shape_cast %parallel_loop3A_357 : vector<16xf32> to vector<1x16xf32>
      tpu.vector_store %arg8[%parallel_loop3A_358, %parallel_loop3A_359], %parallel_loop3A_362 {add = true, strides = array<i32>} : memref<32x768xf32, #tpu.memory_space<vmem>>, vector<1x16xf32>,
      %parallel_loop3A_363 = arith.index_cast %parallel_loop3A_218 : i32 to index
      %parallel_loop3A_364 = arith.constant 256 : index
      %parallel_loop3A_365 = tpu.vector_load %arg10[%parallel_loop3A_363, %parallel_loop3A_364] {strides = array<i32>} : memref<32x768xf32, #tpu.memory_space<vmem>>, vector<1x16xf32>,
      %parallel_loop3A_366 = vector.shape_cast %parallel_loop3A_365 : vector<1x16xf32> to vector<16xf32>
      %parallel_loop3A_367 = arith.index_cast %parallel_loop3A_218 : i32 to index
      %parallel_loop3A_368 = arith.constant 256 : index
      %parallel_loop3A_369 = tpu.vector_load %arg8[%parallel_loop3A_367, %parallel_loop3A_368] {strides = array<i32>} : memref<32x768xf32, #tpu.memory_space<vmem>>, vector<1x16xf32>,
      %parallel_loop3A_370 = vector.shape_cast %parallel_loop3A_369 : vector<1x16xf32> to vector<16xf32>
      %parallel_loop3A_371 = vector.shape_cast %parallel_loop3A_366 : vector<16xf32> to vector<1x16xf32>
      tpu.vector_store %arg8[%parallel_loop3A_367, %parallel_loop3A_368], %parallel_loop3A_371 {add = true, strides = array<i32>} : memref<32x768xf32, #tpu.memory_space<vmem>>, vector<1x16xf32>,
      %parallel_loop3A_372 = arith.index_cast %parallel_loop3A_218 : i32 to index
      %parallel_loop3A_373 = arith.constant 272 : index
      %parallel_loop3A_374 = tpu.vector_load %arg10[%parallel_loop3A_372, %parallel_loop3A_373] {strides = array<i32>} : memref<32x768xf32, #tpu.memory_space<vmem>>, vector<1x16xf32>,
      %parallel_loop3A_375 = vector.shape_cast %parallel_loop3A_374 : vector<1x16xf32> to vector<16xf32>
      %parallel_loop3A_376 = arith.index_cast %parallel_loop3A_218 : i32 to index
      %parallel_loop3A_377 = arith.constant 272 : index
      %parallel_loop3A_378 = tpu.vector_load %arg8[%parallel_loop3A_376, %parallel_loop3A_377] {strides = array<i32>} : memref<32x768xf32, #tpu.memory_space<vmem>>, vector<1x16xf32>,
      %parallel_loop3A_379 = vector.shape_cast %parallel_loop3A_378 : vector<1x16xf32> to vector<16xf32>
      %parallel_loop3A_380 = vector.shape_cast %parallel_loop3A_375 : vector<16xf32> to vector<1x16xf32>
      tpu.vector_store %arg8[%parallel_loop3A_376, %parallel_loop3A_377], %parallel_loop3A_380 {add = true, strides = array<i32>} : memref<32x768xf32, #tpu.memory_space<vmem>>, vector<1x16xf32>,
      %parallel_loop3A_381 = arith.index_cast %parallel_loop3A_218 : i32 to index
      %parallel_loop3A_382 = arith.constant 288 : index
      %parallel_loop3A_383 = tpu.vector_load %arg10[%parallel_loop3A_381, %parallel_loop3A_382] {strides = array<i32>} : memref<32x768xf32, #tpu.memory_space<vmem>>, vector<1x16xf32>,
      %parallel_loop3A_384 = vector.shape_cast %parallel_loop3A_383 : vector<1x16xf32> to vector<16xf32>
      %parallel_loop3A_385 = arith.index_cast %parallel_loop3A_218 : i32 to index
      %parallel_loop3A_386 = arith.constant 288 : index
      %parallel_loop3A_387 = tpu.vector_load %arg8[%parallel_loop3A_385, %parallel_loop3A_386] {strides = array<i32>} : memref<32x768xf32, #tpu.memory_space<vmem>>, vector<1x16xf32>,
      %parallel_loop3A_388 = vector.shape_cast %parallel_loop3A_387 : vector<1x16xf32> to vector<16xf32>
      %parallel_loop3A_389 = vector.shape_cast %parallel_loop3A_384 : vector<16xf32> to vector<1x16xf32>
      tpu.vector_store %arg8[%parallel_loop3A_385, %parallel_loop3A_386], %parallel_loop3A_389 {add = true, strides = array<i32>} : memref<32x768xf32, #tpu.memory_space<vmem>>, vector<1x16xf32>,
      %parallel_loop3A_390 = arith.index_cast %parallel_loop3A_218 : i32 to index
      %parallel_loop3A_391 = arith.constant 304 : index
      %parallel_loop3A_392 = tpu.vector_load %arg10[%parallel_loop3A_390, %parallel_loop3A_391] {strides = array<i32>} : memref<32x768xf32, #tpu.memory_space<vmem>>, vector<1x16xf32>,
      %parallel_loop3A_393 = vector.shape_cast %parallel_loop3A_392 : vector<1x16xf32> to vector<16xf32>
      %parallel_loop3A_394 = arith.index_cast %parallel_loop3A_218 : i32 to index
      %parallel_loop3A_395 = arith.constant 304 : index
      %parallel_loop3A_396 = tpu.vector_load %arg8[%parallel_loop3A_394, %parallel_loop3A_395] {strides = array<i32>} : memref<32x768xf32, #tpu.memory_space<vmem>>, vector<1x16xf32>,
      %parallel_loop3A_397 = vector.shape_cast %parallel_loop3A_396 : vector<1x16xf32> to vector<16xf32>
      %parallel_loop3A_398 = vector.shape_cast %parallel_loop3A_393 : vector<16xf32> to vector<1x16xf32>
      tpu.vector_store %arg8[%parallel_loop3A_394, %parallel_loop3A_395], %parallel_loop3A_398 {add = true, strides = array<i32>} : memref<32x768xf32, #tpu.memory_space<vmem>>, vector<1x16xf32>,
      %parallel_loop3A_399 = arith.index_cast %parallel_loop3A_218 : i32 to index
      %parallel_loop3A_400 = arith.constant 320 : index
      %parallel_loop3A_401 = tpu.vector_load %arg10[%parallel_loop3A_399, %parallel_loop3A_400] {strides = array<i32>} : memref<32x768xf32, #tpu.memory_space<vmem>>, vector<1x16xf32>,
      %parallel_loop3A_402 = vector.shape_cast %parallel_loop3A_401 : vector<1x16xf32> to vector<16xf32>
      %parallel_loop3A_403 = arith.index_cast %parallel_loop3A_218 : i32 to index
      %parallel_loop3A_404 = arith.constant 320 : index
      %parallel_loop3A_405 = tpu.vector_load %arg8[%parallel_loop3A_403, %parallel_loop3A_404] {strides = array<i32>} : memref<32x768xf32, #tpu.memory_space<vmem>>, vector<1x16xf32>,
      %parallel_loop3A_406 = vector.shape_cast %parallel_loop3A_405 : vector<1x16xf32> to vector<16xf32>
      %parallel_loop3A_407 = vector.shape_cast %parallel_loop3A_402 : vector<16xf32> to vector<1x16xf32>
      tpu.vector_store %arg8[%parallel_loop3A_403, %parallel_loop3A_404], %parallel_loop3A_407 {add = true, strides = array<i32>} : memref<32x768xf32, #tpu.memory_space<vmem>>, vector<1x16xf32>,
      %parallel_loop3A_408 = arith.index_cast %parallel_loop3A_218 : i32 to index
      %parallel_loop3A_409 = arith.constant 336 : index
      %parallel_loop3A_410 = tpu.vector_load %arg10[%parallel_loop3A_408, %parallel_loop3A_409] {strides = array<i32>} : memref<32x768xf32, #tpu.memory_space<vmem>>, vector<1x16xf32>,
      %parallel_loop3A_411 = vector.shape_cast %parallel_loop3A_410 : vector<1x16xf32> to vector<16xf32>
      %parallel_loop3A_412 = arith.index_cast %parallel_loop3A_218 : i32 to index
      %parallel_loop3A_413 = arith.constant 336 : index
      %parallel_loop3A_414 = tpu.vector_load %arg8[%parallel_loop3A_412, %parallel_loop3A_413] {strides = array<i32>} : memref<32x768xf32, #tpu.memory_space<vmem>>, vector<1x16xf32>,
      %parallel_loop3A_415 = vector.shape_cast %parallel_loop3A_414 : vector<1x16xf32> to vector<16xf32>
      %parallel_loop3A_416 = vector.shape_cast %parallel_loop3A_411 : vector<16xf32> to vector<1x16xf32>
      tpu.vector_store %arg8[%parallel_loop3A_412, %parallel_loop3A_413], %parallel_loop3A_416 {add = true, strides = array<i32>} : memref<32x768xf32, #tpu.memory_space<vmem>>, vector<1x16xf32>,
      %parallel_loop3A_417 = arith.index_cast %parallel_loop3A_218 : i32 to index
      %parallel_loop3A_418 = arith.constant 352 : index
      %parallel_loop3A_419 = tpu.vector_load %arg10[%parallel_loop3A_417, %parallel_loop3A_418] {strides = array<i32>} : memref<32x768xf32, #tpu.memory_space<vmem>>, vector<1x16xf32>,
      %parallel_loop3A_420 = vector.shape_cast %parallel_loop3A_419 : vector<1x16xf32> to vector<16xf32>
      %parallel_loop3A_421 = arith.index_cast %parallel_loop3A_218 : i32 to index
      %parallel_loop3A_422 = arith.constant 352 : index
      %parallel_loop3A_423 = tpu.vector_load %arg8[%parallel_loop3A_421, %parallel_loop3A_422] {strides = array<i32>} : memref<32x768xf32, #tpu.memory_space<vmem>>, vector<1x16xf32>,
      %parallel_loop3A_424 = vector.shape_cast %parallel_loop3A_423 : vector<1x16xf32> to vector<16xf32>
      %parallel_loop3A_425 = vector.shape_cast %parallel_loop3A_420 : vector<16xf32> to vector<1x16xf32>
      tpu.vector_store %arg8[%parallel_loop3A_421, %parallel_loop3A_422], %parallel_loop3A_425 {add = true, strides = array<i32>} : memref<32x768xf32, #tpu.memory_space<vmem>>, vector<1x16xf32>,
      %parallel_loop3A_426 = arith.index_cast %parallel_loop3A_218 : i32 to index
      %parallel_loop3A_427 = arith.constant 368 : index
      %parallel_loop3A_428 = tpu.vector_load %arg10[%parallel_loop3A_426, %parallel_loop3A_427] {strides = array<i32>} : memref<32x768xf32, #tpu.memory_space<vmem>>, vector<1x16xf32>,
      %parallel_loop3A_429 = vector.shape_cast %parallel_loop3A_428 : vector<1x16xf32> to vector<16xf32>
      %parallel_loop3A_430 = arith.index_cast %parallel_loop3A_218 : i32 to index
      %parallel_loop3A_431 = arith.constant 368 : index
      %parallel_loop3A_432 = tpu.vector_load %arg8[%parallel_loop3A_430, %parallel_loop3A_431] {strides = array<i32>} : memref<32x768xf32, #tpu.memory_space<vmem>>, vector<1x16xf32>,
      %parallel_loop3A_433 = vector.shape_cast %parallel_loop3A_432 : vector<1x16xf32> to vector<16xf32>
      %parallel_loop3A_434 = vector.shape_cast %parallel_loop3A_429 : vector<16xf32> to vector<1x16xf32>
      tpu.vector_store %arg8[%parallel_loop3A_430, %parallel_loop3A_431], %parallel_loop3A_434 {add = true, strides = array<i32>} : memref<32x768xf32, #tpu.memory_space<vmem>>, vector<1x16xf32>,
      %parallel_loop3A_435 = arith.index_cast %parallel_loop3A_218 : i32 to index
      %parallel_loop3A_436 = arith.constant 384 : index
      %parallel_loop3A_437 = tpu.vector_load %arg10[%parallel_loop3A_435, %parallel_loop3A_436] {strides = array<i32>} : memref<32x768xf32, #tpu.memory_space<vmem>>, vector<1x16xf32>,
      %parallel_loop3A_438 = vector.shape_cast %parallel_loop3A_437 : vector<1x16xf32> to vector<16xf32>
      %parallel_loop3A_439 = arith.index_cast %parallel_loop3A_218 : i32 to index
      %parallel_loop3A_440 = arith.constant 384 : index
      %parallel_loop3A_441 = tpu.vector_load %arg8[%parallel_loop3A_439, %parallel_loop3A_440] {strides = array<i32>} : memref<32x768xf32, #tpu.memory_space<vmem>>, vector<1x16xf32>,
      %parallel_loop3A_442 = vector.shape_cast %parallel_loop3A_441 : vector<1x16xf32> to vector<16xf32>
      %parallel_loop3A_443 = vector.shape_cast %parallel_loop3A_438 : vector<16xf32> to vector<1x16xf32>
      tpu.vector_store %arg8[%parallel_loop3A_439, %parallel_loop3A_440], %parallel_loop3A_443 {add = true, strides = array<i32>} : memref<32x768xf32, #tpu.memory_space<vmem>>, vector<1x16xf32>,
      %parallel_loop3A_444 = arith.index_cast %parallel_loop3A_218 : i32 to index
      %parallel_loop3A_445 = arith.constant 400 : index
      %parallel_loop3A_446 = tpu.vector_load %arg10[%parallel_loop3A_444, %parallel_loop3A_445] {strides = array<i32>} : memref<32x768xf32, #tpu.memory_space<vmem>>, vector<1x16xf32>,
      %parallel_loop3A_447 = vector.shape_cast %parallel_loop3A_446 : vector<1x16xf32> to vector<16xf32>
      %parallel_loop3A_448 = arith.index_cast %parallel_loop3A_218 : i32 to index
      %parallel_loop3A_449 = arith.constant 400 : index
      %parallel_loop3A_450 = tpu.vector_load %arg8[%parallel_loop3A_448, %parallel_loop3A_449] {strides = array<i32>} : memref<32x768xf32, #tpu.memory_space<vmem>>, vector<1x16xf32>,
      %parallel_loop3A_451 = vector.shape_cast %parallel_loop3A_450 : vector<1x16xf32> to vector<16xf32>
      %parallel_loop3A_452 = vector.shape_cast %parallel_loop3A_447 : vector<16xf32> to vector<1x16xf32>
      tpu.vector_store %arg8[%parallel_loop3A_448, %parallel_loop3A_449], %parallel_loop3A_452 {add = true, strides = array<i32>} : memref<32x768xf32, #tpu.memory_space<vmem>>, vector<1x16xf32>,
      %parallel_loop3A_453 = arith.index_cast %parallel_loop3A_218 : i32 to index
      %parallel_loop3A_454 = arith.constant 416 : index
      %parallel_loop3A_455 = tpu.vector_load %arg10[%parallel_loop3A_453, %parallel_loop3A_454] {strides = array<i32>} : memref<32x768xf32, #tpu.memory_space<vmem>>, vector<1x16xf32>,
      %parallel_loop3A_456 = vector.shape_cast %parallel_loop3A_455 : vector<1x16xf32> to vector<16xf32>
      %parallel_loop3A_457 = arith.index_cast %parallel_loop3A_218 : i32 to index
      %parallel_loop3A_458 = arith.constant 416 : index
      %parallel_loop3A_459 = tpu.vector_load %arg8[%parallel_loop3A_457, %parallel_loop3A_458] {strides = array<i32>} : memref<32x768xf32, #tpu.memory_space<vmem>>, vector<1x16xf32>,
      %parallel_loop3A_460 = vector.shape_cast %parallel_loop3A_459 : vector<1x16xf32> to vector<16xf32>
      %parallel_loop3A_461 = vector.shape_cast %parallel_loop3A_456 : vector<16xf32> to vector<1x16xf32>
      tpu.vector_store %arg8[%parallel_loop3A_457, %parallel_loop3A_458], %parallel_loop3A_461 {add = true, strides = array<i32>} : memref<32x768xf32, #tpu.memory_space<vmem>>, vector<1x16xf32>,
      %parallel_loop3A_462 = arith.index_cast %parallel_loop3A_218 : i32 to index
      %parallel_loop3A_463 = arith.constant 432 : index
      %parallel_loop3A_464 = tpu.vector_load %arg10[%parallel_loop3A_462, %parallel_loop3A_463] {strides = array<i32>} : memref<32x768xf32, #tpu.memory_space<vmem>>, vector<1x16xf32>,
      %parallel_loop3A_465 = vector.shape_cast %parallel_loop3A_464 : vector<1x16xf32> to vector<16xf32>
      %parallel_loop3A_466 = arith.index_cast %parallel_loop3A_218 : i32 to index
      %parallel_loop3A_467 = arith.constant 432 : index
      %parallel_loop3A_468 = tpu.vector_load %arg8[%parallel_loop3A_466, %parallel_loop3A_467] {strides = array<i32>} : memref<32x768xf32, #tpu.memory_space<vmem>>, vector<1x16xf32>,
      %parallel_loop3A_469 = vector.shape_cast %parallel_loop3A_468 : vector<1x16xf32> to vector<16xf32>
      %parallel_loop3A_470 = vector.shape_cast %parallel_loop3A_465 : vector<16xf32> to vector<1x16xf32>
      tpu.vector_store %arg8[%parallel_loop3A_466, %parallel_loop3A_467], %parallel_loop3A_470 {add = true, strides = array<i32>} : memref<32x768xf32, #tpu.memory_space<vmem>>, vector<1x16xf32>,
      %parallel_loop3A_471 = arith.index_cast %parallel_loop3A_218 : i32 to index
      %parallel_loop3A_472 = arith.constant 448 : index
      %parallel_loop3A_473 = tpu.vector_load %arg10[%parallel_loop3A_471, %parallel_loop3A_472] {strides = array<i32>} : memref<32x768xf32, #tpu.memory_space<vmem>>, vector<1x16xf32>,
      %parallel_loop3A_474 = vector.shape_cast %parallel_loop3A_473 : vector<1x16xf32> to vector<16xf32>
      %parallel_loop3A_475 = arith.index_cast %parallel_loop3A_218 : i32 to index
      %parallel_loop3A_476 = arith.constant 448 : index
      %parallel_loop3A_477 = tpu.vector_load %arg8[%parallel_loop3A_475, %parallel_loop3A_476] {strides = array<i32>} : memref<32x768xf32, #tpu.memory_space<vmem>>, vector<1x16xf32>,
      %parallel_loop3A_478 = vector.shape_cast %parallel_loop3A_477 : vector<1x16xf32> to vector<16xf32>
      %parallel_loop3A_479 = vector.shape_cast %parallel_loop3A_474 : vector<16xf32> to vector<1x16xf32>
      tpu.vector_store %arg8[%parallel_loop3A_475, %parallel_loop3A_476], %parallel_loop3A_479 {add = true, strides = array<i32>} : memref<32x768xf32, #tpu.memory_space<vmem>>, vector<1x16xf32>,
      %parallel_loop3A_480 = arith.index_cast %parallel_loop3A_218 : i32 to index
      %parallel_loop3A_481 = arith.constant 464 : index
      %parallel_loop3A_482 = tpu.vector_load %arg10[%parallel_loop3A_480, %parallel_loop3A_481] {strides = array<i32>} : memref<32x768xf32, #tpu.memory_space<vmem>>, vector<1x16xf32>,
      %parallel_loop3A_483 = vector.shape_cast %parallel_loop3A_482 : vector<1x16xf32> to vector<16xf32>
      %parallel_loop3A_484 = arith.index_cast %parallel_loop3A_218 : i32 to index
      %parallel_loop3A_485 = arith.constant 464 : index
      %parallel_loop3A_486 = tpu.vector_load %arg8[%parallel_loop3A_484, %parallel_loop3A_485] {strides = array<i32>} : memref<32x768xf32, #tpu.memory_space<vmem>>, vector<1x16xf32>,
      %parallel_loop3A_487 = vector.shape_cast %parallel_loop3A_486 : vector<1x16xf32> to vector<16xf32>
      %parallel_loop3A_488 = vector.shape_cast %parallel_loop3A_483 : vector<16xf32> to vector<1x16xf32>
      tpu.vector_store %arg8[%parallel_loop3A_484, %parallel_loop3A_485], %parallel_loop3A_488 {add = true, strides = array<i32>} : memref<32x768xf32, #tpu.memory_space<vmem>>, vector<1x16xf32>,
      %parallel_loop3A_489 = arith.index_cast %parallel_loop3A_218 : i32 to index
      %parallel_loop3A_490 = arith.constant 480 : index
      %parallel_loop3A_491 = tpu.vector_load %arg10[%parallel_loop3A_489, %parallel_loop3A_490] {strides = array<i32>} : memref<32x768xf32, #tpu.memory_space<vmem>>, vector<1x16xf32>,
      %parallel_loop3A_492 = vector.shape_cast %parallel_loop3A_491 : vector<1x16xf32> to vector<16xf32>
      %parallel_loop3A_493 = arith.index_cast %parallel_loop3A_218 : i32 to index
      %parallel_loop3A_494 = arith.constant 480 : index
      %parallel_loop3A_495 = tpu.vector_load %arg8[%parallel_loop3A_493, %parallel_loop3A_494] {strides = array<i32>} : memref<32x768xf32, #tpu.memory_space<vmem>>, vector<1x16xf32>,
      %parallel_loop3A_496 = vector.shape_cast %parallel_loop3A_495 : vector<1x16xf32> to vector<16xf32>
      %parallel_loop3A_497 = vector.shape_cast %parallel_loop3A_492 : vector<16xf32> to vector<1x16xf32>
      tpu.vector_store %arg8[%parallel_loop3A_493, %parallel_loop3A_494], %parallel_loop3A_497 {add = true, strides = array<i32>} : memref<32x768xf32, #tpu.memory_space<vmem>>, vector<1x16xf32>,
      %parallel_loop3A_498 = arith.index_cast %parallel_loop3A_218 : i32 to index
      %parallel_loop3A_499 = arith.constant 496 : index
      %parallel_loop3A_500 = tpu.vector_load %arg10[%parallel_loop3A_498, %parallel_loop3A_499] {strides = array<i32>} : memref<32x768xf32, #tpu.memory_space<vmem>>, vector<1x16xf32>,
      %parallel_loop3A_501 = vector.shape_cast %parallel_loop3A_500 : vector<1x16xf32> to vector<16xf32>
      %parallel_loop3A_502 = arith.index_cast %parallel_loop3A_218 : i32 to index
      %parallel_loop3A_503 = arith.constant 496 : index
      %parallel_loop3A_504 = tpu.vector_load %arg8[%parallel_loop3A_502, %parallel_loop3A_503] {strides = array<i32>} : memref<32x768xf32, #tpu.memory_space<vmem>>, vector<1x16xf32>,
      %parallel_loop3A_505 = vector.shape_cast %parallel_loop3A_504 : vector<1x16xf32> to vector<16xf32>
      %parallel_loop3A_506 = vector.shape_cast %parallel_loop3A_501 : vector<16xf32> to vector<1x16xf32>
      tpu.vector_store %arg8[%parallel_loop3A_502, %parallel_loop3A_503], %parallel_loop3A_506 {add = true, strides = array<i32>} : memref<32x768xf32, #tpu.memory_space<vmem>>, vector<1x16xf32>,
      %parallel_loop3A_507 = arith.index_cast %parallel_loop3A_218 : i32 to index
      %parallel_loop3A_508 = arith.constant 512 : index
      %parallel_loop3A_509 = tpu.vector_load %arg10[%parallel_loop3A_507, %parallel_loop3A_508] {strides = array<i32>} : memref<32x768xf32, #tpu.memory_space<vmem>>, vector<1x16xf32>,
      %parallel_loop3A_510 = vector.shape_cast %parallel_loop3A_509 : vector<1x16xf32> to vector<16xf32>
      %parallel_loop3A_511 = arith.index_cast %parallel_loop3A_218 : i32 to index
      %parallel_loop3A_512 = arith.constant 512 : index
      %parallel_loop3A_513 = tpu.vector_load %arg8[%parallel_loop3A_511, %parallel_loop3A_512] {strides = array<i32>} : memref<32x768xf32, #tpu.memory_space<vmem>>, vector<1x16xf32>,
      %parallel_loop3A_514 = vector.shape_cast %parallel_loop3A_513 : vector<1x16xf32> to vector<16xf32>
      %parallel_loop3A_515 = vector.shape_cast %parallel_loop3A_510 : vector<16xf32> to vector<1x16xf32>
      tpu.vector_store %arg8[%parallel_loop3A_511, %parallel_loop3A_512], %parallel_loop3A_515 {add = true, strides = array<i32>} : memref<32x768xf32, #tpu.memory_space<vmem>>, vector<1x16xf32>,
      %parallel_loop3A_516 = arith.index_cast %parallel_loop3A_218 : i32 to index
      %parallel_loop3A_517 = arith.constant 528 : index
      %parallel_loop3A_518 = tpu.vector_load %arg10[%parallel_loop3A_516, %parallel_loop3A_517] {strides = array<i32>} : memref<32x768xf32, #tpu.memory_space<vmem>>, vector<1x16xf32>,
      %parallel_loop3A_519 = vector.shape_cast %parallel_loop3A_518 : vector<1x16xf32> to vector<16xf32>
      %parallel_loop3A_520 = arith.index_cast %parallel_loop3A_218 : i32 to index
      %parallel_loop3A_521 = arith.constant 528 : index
      %parallel_loop3A_522 = tpu.vector_load %arg8[%parallel_loop3A_520, %parallel_loop3A_521] {strides = array<i32>} : memref<32x768xf32, #tpu.memory_space<vmem>>, vector<1x16xf32>,
      %parallel_loop3A_523 = vector.shape_cast %parallel_loop3A_522 : vector<1x16xf32> to vector<16xf32>
      %parallel_loop3A_524 = vector.shape_cast %parallel_loop3A_519 : vector<16xf32> to vector<1x16xf32>
      tpu.vector_store %arg8[%parallel_loop3A_520, %parallel_loop3A_521], %parallel_loop3A_524 {add = true, strides = array<i32>} : memref<32x768xf32, #tpu.memory_space<vmem>>, vector<1x16xf32>,
      %parallel_loop3A_525 = arith.index_cast %parallel_loop3A_218 : i32 to index
      %parallel_loop3A_526 = arith.constant 544 : index
      %parallel_loop3A_527 = tpu.vector_load %arg10[%parallel_loop3A_525, %parallel_loop3A_526] {strides = array<i32>} : memref<32x768xf32, #tpu.memory_space<vmem>>, vector<1x16xf32>,
      %parallel_loop3A_528 = vector.shape_cast %parallel_loop3A_527 : vector<1x16xf32> to vector<16xf32>
      %parallel_loop3A_529 = arith.index_cast %parallel_loop3A_218 : i32 to index
      %parallel_loop3A_530 = arith.constant 544 : index
      %parallel_loop3A_531 = tpu.vector_load %arg8[%parallel_loop3A_529, %parallel_loop3A_530] {strides = array<i32>} : memref<32x768xf32, #tpu.memory_space<vmem>>, vector<1x16xf32>,
      %parallel_loop3A_532 = vector.shape_cast %parallel_loop3A_531 : vector<1x16xf32> to vector<16xf32>
      %parallel_loop3A_533 = vector.shape_cast %parallel_loop3A_528 : vector<16xf32> to vector<1x16xf32>
      tpu.vector_store %arg8[%parallel_loop3A_529, %parallel_loop3A_530], %parallel_loop3A_533 {add = true, strides = array<i32>} : memref<32x768xf32, #tpu.memory_space<vmem>>, vector<1x16xf32>,
      %parallel_loop3A_534 = arith.index_cast %parallel_loop3A_218 : i32 to index
      %parallel_loop3A_535 = arith.constant 560 : index
      %parallel_loop3A_536 = tpu.vector_load %arg10[%parallel_loop3A_534, %parallel_loop3A_535] {strides = array<i32>} : memref<32x768xf32, #tpu.memory_space<vmem>>, vector<1x16xf32>,
      %parallel_loop3A_537 = vector.shape_cast %parallel_loop3A_536 : vector<1x16xf32> to vector<16xf32>
      %parallel_loop3A_538 = arith.index_cast %parallel_loop3A_218 : i32 to index
      %parallel_loop3A_539 = arith.constant 560 : index
      %parallel_loop3A_540 = tpu.vector_load %arg8[%parallel_loop3A_538, %parallel_loop3A_539] {strides = array<i32>} : memref<32x768xf32, #tpu.memory_space<vmem>>, vector<1x16xf32>,
      %parallel_loop3A_541 = vector.shape_cast %parallel_loop3A_540 : vector<1x16xf32> to vector<16xf32>
      %parallel_loop3A_542 = vector.shape_cast %parallel_loop3A_537 : vector<16xf32> to vector<1x16xf32>
      tpu.vector_store %arg8[%parallel_loop3A_538, %parallel_loop3A_539], %parallel_loop3A_542 {add = true, strides = array<i32>} : memref<32x768xf32, #tpu.memory_space<vmem>>, vector<1x16xf32>,
      %parallel_loop3A_543 = arith.index_cast %parallel_loop3A_218 : i32 to index
      %parallel_loop3A_544 = arith.constant 576 : index
      %parallel_loop3A_545 = tpu.vector_load %arg10[%parallel_loop3A_543, %parallel_loop3A_544] {strides = array<i32>} : memref<32x768xf32, #tpu.memory_space<vmem>>, vector<1x16xf32>,
      %parallel_loop3A_546 = vector.shape_cast %parallel_loop3A_545 : vector<1x16xf32> to vector<16xf32>
      %parallel_loop3A_547 = arith.index_cast %parallel_loop3A_218 : i32 to index
      %parallel_loop3A_548 = arith.constant 576 : index
      %parallel_loop3A_549 = tpu.vector_load %arg8[%parallel_loop3A_547, %parallel_loop3A_548] {strides = array<i32>} : memref<32x768xf32, #tpu.memory_space<vmem>>, vector<1x16xf32>,
      %parallel_loop3A_550 = vector.shape_cast %parallel_loop3A_549 : vector<1x16xf32> to vector<16xf32>
      %parallel_loop3A_551 = vector.shape_cast %parallel_loop3A_546 : vector<16xf32> to vector<1x16xf32>
      tpu.vector_store %arg8[%parallel_loop3A_547, %parallel_loop3A_548], %parallel_loop3A_551 {add = true, strides = array<i32>} : memref<32x768xf32, #tpu.memory_space<vmem>>, vector<1x16xf32>,
      %parallel_loop3A_552 = arith.index_cast %parallel_loop3A_218 : i32 to index
      %parallel_loop3A_553 = arith.constant 592 : index
      %parallel_loop3A_554 = tpu.vector_load %arg10[%parallel_loop3A_552, %parallel_loop3A_553] {strides = array<i32>} : memref<32x768xf32, #tpu.memory_space<vmem>>, vector<1x16xf32>,
      %parallel_loop3A_555 = vector.shape_cast %parallel_loop3A_554 : vector<1x16xf32> to vector<16xf32>
      %parallel_loop3A_556 = arith.index_cast %parallel_loop3A_218 : i32 to index
      %parallel_loop3A_557 = arith.constant 592 : index
      %parallel_loop3A_558 = tpu.vector_load %arg8[%parallel_loop3A_556, %parallel_loop3A_557] {strides = array<i32>} : memref<32x768xf32, #tpu.memory_space<vmem>>, vector<1x16xf32>,
      %parallel_loop3A_559 = vector.shape_cast %parallel_loop3A_558 : vector<1x16xf32> to vector<16xf32>
      %parallel_loop3A_560 = vector.shape_cast %parallel_loop3A_555 : vector<16xf32> to vector<1x16xf32>
      tpu.vector_store %arg8[%parallel_loop3A_556, %parallel_loop3A_557], %parallel_loop3A_560 {add = true, strides = array<i32>} : memref<32x768xf32, #tpu.memory_space<vmem>>, vector<1x16xf32>,
      %parallel_loop3A_561 = arith.index_cast %parallel_loop3A_218 : i32 to index
      %parallel_loop3A_562 = arith.constant 608 : index
      %parallel_loop3A_563 = tpu.vector_load %arg10[%parallel_loop3A_561, %parallel_loop3A_562] {strides = array<i32>} : memref<32x768xf32, #tpu.memory_space<vmem>>, vector<1x16xf32>,
      %parallel_loop3A_564 = vector.shape_cast %parallel_loop3A_563 : vector<1x16xf32> to vector<16xf32>
      %parallel_loop3A_565 = arith.index_cast %parallel_loop3A_218 : i32 to index
      %parallel_loop3A_566 = arith.constant 608 : index
      %parallel_loop3A_567 = tpu.vector_load %arg8[%parallel_loop3A_565, %parallel_loop3A_566] {strides = array<i32>} : memref<32x768xf32, #tpu.memory_space<vmem>>, vector<1x16xf32>,
      %parallel_loop3A_568 = vector.shape_cast %parallel_loop3A_567 : vector<1x16xf32> to vector<16xf32>
      %parallel_loop3A_569 = vector.shape_cast %parallel_loop3A_564 : vector<16xf32> to vector<1x16xf32>
      tpu.vector_store %arg8[%parallel_loop3A_565, %parallel_loop3A_566], %parallel_loop3A_569 {add = true, strides = array<i32>} : memref<32x768xf32, #tpu.memory_space<vmem>>, vector<1x16xf32>,
      %parallel_loop3A_570 = arith.index_cast %parallel_loop3A_218 : i32 to index
      %parallel_loop3A_571 = arith.constant 624 : index
      %parallel_loop3A_572 = tpu.vector_load %arg10[%parallel_loop3A_570, %parallel_loop3A_571] {strides = array<i32>} : memref<32x768xf32, #tpu.memory_space<vmem>>, vector<1x16xf32>,
      %parallel_loop3A_573 = vector.shape_cast %parallel_loop3A_572 : vector<1x16xf32> to vector<16xf32>
      %parallel_loop3A_574 = arith.index_cast %parallel_loop3A_218 : i32 to index
      %parallel_loop3A_575 = arith.constant 624 : index
      %parallel_loop3A_576 = tpu.vector_load %arg8[%parallel_loop3A_574, %parallel_loop3A_575] {strides = array<i32>} : memref<32x768xf32, #tpu.memory_space<vmem>>, vector<1x16xf32>,
      %parallel_loop3A_577 = vector.shape_cast %parallel_loop3A_576 : vector<1x16xf32> to vector<16xf32>
      %parallel_loop3A_578 = vector.shape_cast %parallel_loop3A_573 : vector<16xf32> to vector<1x16xf32>
      tpu.vector_store %arg8[%parallel_loop3A_574, %parallel_loop3A_575], %parallel_loop3A_578 {add = true, strides = array<i32>} : memref<32x768xf32, #tpu.memory_space<vmem>>, vector<1x16xf32>,
      %parallel_loop3A_579 = arith.index_cast %parallel_loop3A_218 : i32 to index
      %parallel_loop3A_580 = arith.constant 640 : index
      %parallel_loop3A_581 = tpu.vector_load %arg10[%parallel_loop3A_579, %parallel_loop3A_580] {strides = array<i32>} : memref<32x768xf32, #tpu.memory_space<vmem>>, vector<1x16xf32>,
      %parallel_loop3A_582 = vector.shape_cast %parallel_loop3A_581 : vector<1x16xf32> to vector<16xf32>
      %parallel_loop3A_583 = arith.index_cast %parallel_loop3A_218 : i32 to index
      %parallel_loop3A_584 = arith.constant 640 : index
      %parallel_loop3A_585 = tpu.vector_load %arg8[%parallel_loop3A_583, %parallel_loop3A_584] {strides = array<i32>} : memref<32x768xf32, #tpu.memory_space<vmem>>, vector<1x16xf32>,
      %parallel_loop3A_586 = vector.shape_cast %parallel_loop3A_585 : vector<1x16xf32> to vector<16xf32>
      %parallel_loop3A_587 = vector.shape_cast %parallel_loop3A_582 : vector<16xf32> to vector<1x16xf32>
      tpu.vector_store %arg8[%parallel_loop3A_583, %parallel_loop3A_584], %parallel_loop3A_587 {add = true, strides = array<i32>} : memref<32x768xf32, #tpu.memory_space<vmem>>, vector<1x16xf32>,
      %parallel_loop3A_588 = arith.index_cast %parallel_loop3A_218 : i32 to index
      %parallel_loop3A_589 = arith.constant 656 : index
      %parallel_loop3A_590 = tpu.vector_load %arg10[%parallel_loop3A_588, %parallel_loop3A_589] {strides = array<i32>} : memref<32x768xf32, #tpu.memory_space<vmem>>, vector<1x16xf32>,
      %parallel_loop3A_591 = vector.shape_cast %parallel_loop3A_590 : vector<1x16xf32> to vector<16xf32>
      %parallel_loop3A_592 = arith.index_cast %parallel_loop3A_218 : i32 to index
      %parallel_loop3A_593 = arith.constant 656 : index
      %parallel_loop3A_594 = tpu.vector_load %arg8[%parallel_loop3A_592, %parallel_loop3A_593] {strides = array<i32>} : memref<32x768xf32, #tpu.memory_space<vmem>>, vector<1x16xf32>,
      %parallel_loop3A_595 = vector.shape_cast %parallel_loop3A_594 : vector<1x16xf32> to vector<16xf32>
      %parallel_loop3A_596 = vector.shape_cast %parallel_loop3A_591 : vector<16xf32> to vector<1x16xf32>
      tpu.vector_store %arg8[%parallel_loop3A_592, %parallel_loop3A_593], %parallel_loop3A_596 {add = true, strides = array<i32>} : memref<32x768xf32, #tpu.memory_space<vmem>>, vector<1x16xf32>,
      %parallel_loop3A_597 = arith.index_cast %parallel_loop3A_218 : i32 to index
      %parallel_loop3A_598 = arith.constant 672 : index
      %parallel_loop3A_599 = tpu.vector_load %arg10[%parallel_loop3A_597, %parallel_loop3A_598] {strides = array<i32>} : memref<32x768xf32, #tpu.memory_space<vmem>>, vector<1x16xf32>,
      %parallel_loop3A_600 = vector.shape_cast %parallel_loop3A_599 : vector<1x16xf32> to vector<16xf32>
      %parallel_loop3A_601 = arith.index_cast %parallel_loop3A_218 : i32 to index
      %parallel_loop3A_602 = arith.constant 672 : index
      %parallel_loop3A_603 = tpu.vector_load %arg8[%parallel_loop3A_601, %parallel_loop3A_602] {strides = array<i32>} : memref<32x768xf32, #tpu.memory_space<vmem>>, vector<1x16xf32>,
      %parallel_loop3A_604 = vector.shape_cast %parallel_loop3A_603 : vector<1x16xf32> to vector<16xf32>
      %parallel_loop3A_605 = vector.shape_cast %parallel_loop3A_600 : vector<16xf32> to vector<1x16xf32>
      tpu.vector_store %arg8[%parallel_loop3A_601, %parallel_loop3A_602], %parallel_loop3A_605 {add = true, strides = array<i32>} : memref<32x768xf32, #tpu.memory_space<vmem>>, vector<1x16xf32>,
      %parallel_loop3A_606 = arith.index_cast %parallel_loop3A_218 : i32 to index
      %parallel_loop3A_607 = arith.constant 688 : index
      %parallel_loop3A_608 = tpu.vector_load %arg10[%parallel_loop3A_606, %parallel_loop3A_607] {strides = array<i32>} : memref<32x768xf32, #tpu.memory_space<vmem>>, vector<1x16xf32>,
      %parallel_loop3A_609 = vector.shape_cast %parallel_loop3A_608 : vector<1x16xf32> to vector<16xf32>
      %parallel_loop3A_610 = arith.index_cast %parallel_loop3A_218 : i32 to index
      %parallel_loop3A_611 = arith.constant 688 : index
      %parallel_loop3A_612 = tpu.vector_load %arg8[%parallel_loop3A_610, %parallel_loop3A_611] {strides = array<i32>} : memref<32x768xf32, #tpu.memory_space<vmem>>, vector<1x16xf32>,
      %parallel_loop3A_613 = vector.shape_cast %parallel_loop3A_612 : vector<1x16xf32> to vector<16xf32>
      %parallel_loop3A_614 = vector.shape_cast %parallel_loop3A_609 : vector<16xf32> to vector<1x16xf32>
      tpu.vector_store %arg8[%parallel_loop3A_610, %parallel_loop3A_611], %parallel_loop3A_614 {add = true, strides = array<i32>} : memref<32x768xf32, #tpu.memory_space<vmem>>, vector<1x16xf32>,
      %parallel_loop3A_615 = arith.index_cast %parallel_loop3A_218 : i32 to index
      %parallel_loop3A_616 = arith.constant 704 : index
      %parallel_loop3A_617 = tpu.vector_load %arg10[%parallel_loop3A_615, %parallel_loop3A_616] {strides = array<i32>} : memref<32x768xf32, #tpu.memory_space<vmem>>, vector<1x16xf32>,
      %parallel_loop3A_618 = vector.shape_cast %parallel_loop3A_617 : vector<1x16xf32> to vector<16xf32>
      %parallel_loop3A_619 = arith.index_cast %parallel_loop3A_218 : i32 to index
      %parallel_loop3A_620 = arith.constant 704 : index
      %parallel_loop3A_621 = tpu.vector_load %arg8[%parallel_loop3A_619, %parallel_loop3A_620] {strides = array<i32>} : memref<32x768xf32, #tpu.memory_space<vmem>>, vector<1x16xf32>,
      %parallel_loop3A_622 = vector.shape_cast %parallel_loop3A_621 : vector<1x16xf32> to vector<16xf32>
      %parallel_loop3A_623 = vector.shape_cast %parallel_loop3A_618 : vector<16xf32> to vector<1x16xf32>
      tpu.vector_store %arg8[%parallel_loop3A_619, %parallel_loop3A_620], %parallel_loop3A_623 {add = true, strides = array<i32>} : memref<32x768xf32, #tpu.memory_space<vmem>>, vector<1x16xf32>,
      %parallel_loop3A_624 = arith.index_cast %parallel_loop3A_218 : i32 to index
      %parallel_loop3A_625 = arith.constant 720 : index
      %parallel_loop3A_626 = tpu.vector_load %arg10[%parallel_loop3A_624, %parallel_loop3A_625] {strides = array<i32>} : memref<32x768xf32, #tpu.memory_space<vmem>>, vector<1x16xf32>,
      %parallel_loop3A_627 = vector.shape_cast %parallel_loop3A_626 : vector<1x16xf32> to vector<16xf32>
      %parallel_loop3A_628 = arith.index_cast %parallel_loop3A_218 : i32 to index
      %parallel_loop3A_629 = arith.constant 720 : index
      %parallel_loop3A_630 = tpu.vector_load %arg8[%parallel_loop3A_628, %parallel_loop3A_629] {strides = array<i32>} : memref<32x768xf32, #tpu.memory_space<vmem>>, vector<1x16xf32>,
      %parallel_loop3A_631 = vector.shape_cast %parallel_loop3A_630 : vector<1x16xf32> to vector<16xf32>
      %parallel_loop3A_632 = vector.shape_cast %parallel_loop3A_627 : vector<16xf32> to vector<1x16xf32>
      tpu.vector_store %arg8[%parallel_loop3A_628, %parallel_loop3A_629], %parallel_loop3A_632 {add = true, strides = array<i32>} : memref<32x768xf32, #tpu.memory_space<vmem>>, vector<1x16xf32>,
      %parallel_loop3A_633 = arith.index_cast %parallel_loop3A_218 : i32 to index
      %parallel_loop3A_634 = arith.constant 736 : index
      %parallel_loop3A_635 = tpu.vector_load %arg10[%parallel_loop3A_633, %parallel_loop3A_634] {strides = array<i32>} : memref<32x768xf32, #tpu.memory_space<vmem>>, vector<1x16xf32>,
      %parallel_loop3A_636 = vector.shape_cast %parallel_loop3A_635 : vector<1x16xf32> to vector<16xf32>
      %parallel_loop3A_637 = arith.index_cast %parallel_loop3A_218 : i32 to index
      %parallel_loop3A_638 = arith.constant 736 : index
      %parallel_loop3A_639 = tpu.vector_load %arg8[%parallel_loop3A_637, %parallel_loop3A_638] {strides = array<i32>} : memref<32x768xf32, #tpu.memory_space<vmem>>, vector<1x16xf32>,
      %parallel_loop3A_640 = vector.shape_cast %parallel_loop3A_639 : vector<1x16xf32> to vector<16xf32>
      %parallel_loop3A_641 = vector.shape_cast %parallel_loop3A_636 : vector<16xf32> to vector<1x16xf32>
      tpu.vector_store %arg8[%parallel_loop3A_637, %parallel_loop3A_638], %parallel_loop3A_641 {add = true, strides = array<i32>} : memref<32x768xf32, #tpu.memory_space<vmem>>, vector<1x16xf32>,
      %parallel_loop3A_642 = arith.index_cast %parallel_loop3A_218 : i32 to index
      %parallel_loop3A_643 = arith.constant 752 : index
      %parallel_loop3A_644 = tpu.vector_load %arg10[%parallel_loop3A_642, %parallel_loop3A_643] {strides = array<i32>} : memref<32x768xf32, #tpu.memory_space<vmem>>, vector<1x16xf32>,
      %parallel_loop3A_645 = vector.shape_cast %parallel_loop3A_644 : vector<1x16xf32> to vector<16xf32>
      %parallel_loop3A_646 = arith.index_cast %parallel_loop3A_218 : i32 to index
      %parallel_loop3A_647 = arith.constant 752 : index
      %parallel_loop3A_648 = tpu.vector_load %arg8[%parallel_loop3A_646, %parallel_loop3A_647] {strides = array<i32>} : memref<32x768xf32, #tpu.memory_space<vmem>>, vector<1x16xf32>,
      %parallel_loop3A_649 = vector.shape_cast %parallel_loop3A_648 : vector<1x16xf32> to vector<16xf32>
      %parallel_loop3A_650 = vector.shape_cast %parallel_loop3A_645 : vector<16xf32> to vector<1x16xf32>
      tpu.vector_store %arg8[%parallel_loop3A_646, %parallel_loop3A_647], %parallel_loop3A_650 {add = true, strides = array<i32>} : memref<32x768xf32, #tpu.memory_space<vmem>>, vector<1x16xf32>,
    } {sc.loop_unroll_factor = 2 : i64, sc.parallel_access}
    %add3A_182 = arith.constant 64 : i32
    %add3A_183 = arith.addi %mul3A_2, %add3A_182 : i32
    %dma_start3A_184 = arith.constant 0 : i32
    %dma_start3A_185 = tpu.memref_slice %arg5[%add3A_183, %dma_start3A_184] : memref<4096x768xf32, #tpu.memory_space<hbm>> -> memref<32x768xf32, #tpu.memory_space<hbm>>
    %dma_start3A_186 = arith.constant 0 : i32
    %dma_start3A_187 = tpu.memref_slice %arg5[%add3A_183, %dma_start3A_186] : memref<4096x768xf32, #tpu.memory_space<hbm>> -> memref<32x768xf32, #tpu.memory_space<hbm>>
    tpu.enqueue_dma source(%arg8 : memref<32x768xf32, #tpu.memory_space<vmem>>) target(%dma_start3A_187 : memref<32x768xf32, #tpu.memory_space<hbm>>) target_semaphore(%arg16 : memref<!tpu.dma_semaphore, #tpu.memory_space<semaphore_mem>>)
    %dma_wait3A_188 = arith.constant 0 : i32
    %dma_wait3A_189 = arith.constant 0 : i32
    %dma_wait3A_190 = tpu.memref_slice %arg2[%dma_wait3A_188, %dma_wait3A_189] : memref<4096x768xf32, #tpu.memory_space<hbm>> -> memref<32x768xf32, #tpu.memory_space<hbm>>
    %dma_wait3A_191 = arith.constant 0 : i32
    %dma_wait3A_192 = arith.constant 0 : i32
    %dma_wait3A_193 = tpu.memref_slice %arg2[%dma_wait3A_191, %dma_wait3A_192] : memref<4096x768xf32, #tpu.memory_space<hbm>> -> memref<32x768xf32, #tpu.memory_space<hbm>>
    tpu.wait_dma2 semaphore(%arg15 : memref<!tpu.dma_semaphore, #tpu.memory_space<semaphore_mem>>) src(%dma_wait3A_193 : memref<32x768xf32, #tpu.memory_space<hbm>>) dst(%arg9 : memref<32x768xf32, #tpu.memory_space<vmem>>)
    %dma_wait3A_194 = arith.constant 0 : i32
    %dma_wait3A_195 = arith.constant 0 : i32
    %dma_wait3A_196 = tpu.memref_slice %arg4[%dma_wait3A_194, %dma_wait3A_195] : memref<256x768xf32, #tpu.memory_space<hbm>> -> memref<256x768xf32, #tpu.memory_space<hbm>>
    tpu.wait_indirect_dma semaphore(%arg13 : memref<!tpu.dma_semaphore, #tpu.memory_space<semaphore_mem>>) src(%dma_wait3A_196 : memref<256x768xf32, #tpu.memory_space<hbm>>) dst(%arg11 : memref<32x768xf32, #tpu.memory_space<vmem>>)
    %parallel_loop3A_197 = arith.constant 0 : i32
    %parallel_loop3A_198 = arith.constant 32 : i32
    %parallel_loop3A_199 = arith.constant 1 : i32
    scf.for %parallel_loop3A_218 = %parallel_loop3A_197 to %parallel_loop3A_198 step %parallel_loop3A_199  : i32 {
      %parallel_loop3A_219 = arith.index_cast %parallel_loop3A_218 : i32 to index
      %parallel_loop3A_220 = arith.constant 0 : index
      %parallel_loop3A_221 = tpu.vector_load %arg11[%parallel_loop3A_219, %parallel_loop3A_220] {strides = array<i32>} : memref<32x768xf32, #tpu.memory_space<vmem>>, vector<1x16xf32>,
      %parallel_loop3A_222 = vector.shape_cast %parallel_loop3A_221 : vector<1x16xf32> to vector<16xf32>
      %parallel_loop3A_223 = arith.index_cast %parallel_loop3A_218 : i32 to index
      %parallel_loop3A_224 = arith.constant 0 : index
      %parallel_loop3A_225 = tpu.vector_load %arg9[%parallel_loop3A_223, %parallel_loop3A_224] {strides = array<i32>} : memref<32x768xf32, #tpu.memory_space<vmem>>, vector<1x16xf32>,
      %parallel_loop3A_226 = vector.shape_cast %parallel_loop3A_225 : vector<1x16xf32> to vector<16xf32>
      %parallel_loop3A_227 = vector.shape_cast %parallel_loop3A_222 : vector<16xf32> to vector<1x16xf32>
      tpu.vector_store %arg9[%parallel_loop3A_223, %parallel_loop3A_224], %parallel_loop3A_227 {add = true, strides = array<i32>} : memref<32x768xf32, #tpu.memory_space<vmem>>, vector<1x16xf32>,
      %parallel_loop3A_228 = arith.index_cast %parallel_loop3A_218 : i32 to index
      %parallel_loop3A_229 = arith.constant 16 : index
      %parallel_loop3A_230 = tpu.vector_load %arg11[%parallel_loop3A_228, %parallel_loop3A_229] {strides = array<i32>} : memref<32x768xf32, #tpu.memory_space<vmem>>, vector<1x16xf32>,
      %parallel_loop3A_231 = vector.shape_cast %parallel_loop3A_230 : vector<1x16xf32> to vector<16xf32>
      %parallel_loop3A_232 = arith.index_cast %parallel_loop3A_218 : i32 to index
      %parallel_loop3A_233 = arith.constant 16 : index
      %parallel_loop3A_234 = tpu.vector_load %arg9[%parallel_loop3A_232, %parallel_loop3A_233] {strides = array<i32>} : memref<32x768xf32, #tpu.memory_space<vmem>>, vector<1x16xf32>,
      %parallel_loop3A_235 = vector.shape_cast %parallel_loop3A_234 : vector<1x16xf32> to vector<16xf32>
      %parallel_loop3A_236 = vector.shape_cast %parallel_loop3A_231 : vector<16xf32> to vector<1x16xf32>
      tpu.vector_store %arg9[%parallel_loop3A_232, %parallel_loop3A_233], %parallel_loop3A_236 {add = true, strides = array<i32>} : memref<32x768xf32, #tpu.memory_space<vmem>>, vector<1x16xf32>,
      %parallel_loop3A_237 = arith.index_cast %parallel_loop3A_218 : i32 to index
      %parallel_loop3A_238 = arith.constant 32 : index
      %parallel_loop3A_239 = tpu.vector_load %arg11[%parallel_loop3A_237, %parallel_loop3A_238] {strides = array<i32>} : memref<32x768xf32, #tpu.memory_space<vmem>>, vector<1x16xf32>,
      %parallel_loop3A_240 = vector.shape_cast %parallel_loop3A_239 : vector<1x16xf32> to vector<16xf32>
      %parallel_loop3A_241 = arith.index_cast %parallel_loop3A_218 : i32 to index
      %parallel_loop3A_242 = arith.constant 32 : index
      %parallel_loop3A_243 = tpu.vector_load %arg9[%parallel_loop3A_241, %parallel_loop3A_242] {strides = array<i32>} : memref<32x768xf32, #tpu.memory_space<vmem>>, vector<1x16xf32>,
      %parallel_loop3A_244 = vector.shape_cast %parallel_loop3A_243 : vector<1x16xf32> to vector<16xf32>
      %parallel_loop3A_245 = vector.shape_cast %parallel_loop3A_240 : vector<16xf32> to vector<1x16xf32>
      tpu.vector_store %arg9[%parallel_loop3A_241, %parallel_loop3A_242], %parallel_loop3A_245 {add = true, strides = array<i32>} : memref<32x768xf32, #tpu.memory_space<vmem>>, vector<1x16xf32>,
      %parallel_loop3A_246 = arith.index_cast %parallel_loop3A_218 : i32 to index
      %parallel_loop3A_247 = arith.constant 48 : index
      %parallel_loop3A_248 = tpu.vector_load %arg11[%parallel_loop3A_246, %parallel_loop3A_247] {strides = array<i32>} : memref<32x768xf32, #tpu.memory_space<vmem>>, vector<1x16xf32>,
      %parallel_loop3A_249 = vector.shape_cast %parallel_loop3A_248 : vector<1x16xf32> to vector<16xf32>
      %parallel_loop3A_250 = arith.index_cast %parallel_loop3A_218 : i32 to index
      %parallel_loop3A_251 = arith.constant 48 : index
      %parallel_loop3A_252 = tpu.vector_load %arg9[%parallel_loop3A_250, %parallel_loop3A_251] {strides = array<i32>} : memref<32x768xf32, #tpu.memory_space<vmem>>, vector<1x16xf32>,
      %parallel_loop3A_253 = vector.shape_cast %parallel_loop3A_252 : vector<1x16xf32> to vector<16xf32>
      %parallel_loop3A_254 = vector.shape_cast %parallel_loop3A_249 : vector<16xf32> to vector<1x16xf32>
      tpu.vector_store %arg9[%parallel_loop3A_250, %parallel_loop3A_251], %parallel_loop3A_254 {add = true, strides = array<i32>} : memref<32x768xf32, #tpu.memory_space<vmem>>, vector<1x16xf32>,
      %parallel_loop3A_255 = arith.index_cast %parallel_loop3A_218 : i32 to index
      %parallel_loop3A_256 = arith.constant 64 : index
      %parallel_loop3A_257 = tpu.vector_load %arg11[%parallel_loop3A_255, %parallel_loop3A_256] {strides = array<i32>} : memref<32x768xf32, #tpu.memory_space<vmem>>, vector<1x16xf32>,
      %parallel_loop3A_258 = vector.shape_cast %parallel_loop3A_257 : vector<1x16xf32> to vector<16xf32>
      %parallel_loop3A_259 = arith.index_cast %parallel_loop3A_218 : i32 to index
      %parallel_loop3A_260 = arith.constant 64 : index
      %parallel_loop3A_261 = tpu.vector_load %arg9[%parallel_loop3A_259, %parallel_loop3A_260] {strides = array<i32>} : memref<32x768xf32, #tpu.memory_space<vmem>>, vector<1x16xf32>,
      %parallel_loop3A_262 = vector.shape_cast %parallel_loop3A_261 : vector<1x16xf32> to vector<16xf32>
      %parallel_loop3A_263 = vector.shape_cast %parallel_loop3A_258 : vector<16xf32> to vector<1x16xf32>
      tpu.vector_store %arg9[%parallel_loop3A_259, %parallel_loop3A_260], %parallel_loop3A_263 {add = true, strides = array<i32>} : memref<32x768xf32, #tpu.memory_space<vmem>>, vector<1x16xf32>,
      %parallel_loop3A_264 = arith.index_cast %parallel_loop3A_218 : i32 to index
      %parallel_loop3A_265 = arith.constant 80 : index
      %parallel_loop3A_266 = tpu.vector_load %arg11[%parallel_loop3A_264, %parallel_loop3A_265] {strides = array<i32>} : memref<32x768xf32, #tpu.memory_space<vmem>>, vector<1x16xf32>,
      %parallel_loop3A_267 = vector.shape_cast %parallel_loop3A_266 : vector<1x16xf32> to vector<16xf32>
      %parallel_loop3A_268 = arith.index_cast %parallel_loop3A_218 : i32 to index
      %parallel_loop3A_269 = arith.constant 80 : index
      %parallel_loop3A_270 = tpu.vector_load %arg9[%parallel_loop3A_268, %parallel_loop3A_269] {strides = array<i32>} : memref<32x768xf32, #tpu.memory_space<vmem>>, vector<1x16xf32>,
      %parallel_loop3A_271 = vector.shape_cast %parallel_loop3A_270 : vector<1x16xf32> to vector<16xf32>
      %parallel_loop3A_272 = vector.shape_cast %parallel_loop3A_267 : vector<16xf32> to vector<1x16xf32>
      tpu.vector_store %arg9[%parallel_loop3A_268, %parallel_loop3A_269], %parallel_loop3A_272 {add = true, strides = array<i32>} : memref<32x768xf32, #tpu.memory_space<vmem>>, vector<1x16xf32>,
      %parallel_loop3A_273 = arith.index_cast %parallel_loop3A_218 : i32 to index
      %parallel_loop3A_274 = arith.constant 96 : index
      %parallel_loop3A_275 = tpu.vector_load %arg11[%parallel_loop3A_273, %parallel_loop3A_274] {strides = array<i32>} : memref<32x768xf32, #tpu.memory_space<vmem>>, vector<1x16xf32>,
      %parallel_loop3A_276 = vector.shape_cast %parallel_loop3A_275 : vector<1x16xf32> to vector<16xf32>
      %parallel_loop3A_277 = arith.index_cast %parallel_loop3A_218 : i32 to index
      %parallel_loop3A_278 = arith.constant 96 : index
      %parallel_loop3A_279 = tpu.vector_load %arg9[%parallel_loop3A_277, %parallel_loop3A_278] {strides = array<i32>} : memref<32x768xf32, #tpu.memory_space<vmem>>, vector<1x16xf32>,
      %parallel_loop3A_280 = vector.shape_cast %parallel_loop3A_279 : vector<1x16xf32> to vector<16xf32>
      %parallel_loop3A_281 = vector.shape_cast %parallel_loop3A_276 : vector<16xf32> to vector<1x16xf32>
      tpu.vector_store %arg9[%parallel_loop3A_277, %parallel_loop3A_278], %parallel_loop3A_281 {add = true, strides = array<i32>} : memref<32x768xf32, #tpu.memory_space<vmem>>, vector<1x16xf32>,
      %parallel_loop3A_282 = arith.index_cast %parallel_loop3A_218 : i32 to index
      %parallel_loop3A_283 = arith.constant 112 : index
      %parallel_loop3A_284 = tpu.vector_load %arg11[%parallel_loop3A_282, %parallel_loop3A_283] {strides = array<i32>} : memref<32x768xf32, #tpu.memory_space<vmem>>, vector<1x16xf32>,
      %parallel_loop3A_285 = vector.shape_cast %parallel_loop3A_284 : vector<1x16xf32> to vector<16xf32>
      %parallel_loop3A_286 = arith.index_cast %parallel_loop3A_218 : i32 to index
      %parallel_loop3A_287 = arith.constant 112 : index
      %parallel_loop3A_288 = tpu.vector_load %arg9[%parallel_loop3A_286, %parallel_loop3A_287] {strides = array<i32>} : memref<32x768xf32, #tpu.memory_space<vmem>>, vector<1x16xf32>,
      %parallel_loop3A_289 = vector.shape_cast %parallel_loop3A_288 : vector<1x16xf32> to vector<16xf32>
      %parallel_loop3A_290 = vector.shape_cast %parallel_loop3A_285 : vector<16xf32> to vector<1x16xf32>
      tpu.vector_store %arg9[%parallel_loop3A_286, %parallel_loop3A_287], %parallel_loop3A_290 {add = true, strides = array<i32>} : memref<32x768xf32, #tpu.memory_space<vmem>>, vector<1x16xf32>,
      %parallel_loop3A_291 = arith.index_cast %parallel_loop3A_218 : i32 to index
      %parallel_loop3A_292 = arith.constant 128 : index
      %parallel_loop3A_293 = tpu.vector_load %arg11[%parallel_loop3A_291, %parallel_loop3A_292] {strides = array<i32>} : memref<32x768xf32, #tpu.memory_space<vmem>>, vector<1x16xf32>,
      %parallel_loop3A_294 = vector.shape_cast %parallel_loop3A_293 : vector<1x16xf32> to vector<16xf32>
      %parallel_loop3A_295 = arith.index_cast %parallel_loop3A_218 : i32 to index
      %parallel_loop3A_296 = arith.constant 128 : index
      %parallel_loop3A_297 = tpu.vector_load %arg9[%parallel_loop3A_295, %parallel_loop3A_296] {strides = array<i32>} : memref<32x768xf32, #tpu.memory_space<vmem>>, vector<1x16xf32>,
      %parallel_loop3A_298 = vector.shape_cast %parallel_loop3A_297 : vector<1x16xf32> to vector<16xf32>
      %parallel_loop3A_299 = vector.shape_cast %parallel_loop3A_294 : vector<16xf32> to vector<1x16xf32>
      tpu.vector_store %arg9[%parallel_loop3A_295, %parallel_loop3A_296], %parallel_loop3A_299 {add = true, strides = array<i32>} : memref<32x768xf32, #tpu.memory_space<vmem>>, vector<1x16xf32>,
      %parallel_loop3A_300 = arith.index_cast %parallel_loop3A_218 : i32 to index
      %parallel_loop3A_301 = arith.constant 144 : index
      %parallel_loop3A_302 = tpu.vector_load %arg11[%parallel_loop3A_300, %parallel_loop3A_301] {strides = array<i32>} : memref<32x768xf32, #tpu.memory_space<vmem>>, vector<1x16xf32>,
      %parallel_loop3A_303 = vector.shape_cast %parallel_loop3A_302 : vector<1x16xf32> to vector<16xf32>
      %parallel_loop3A_304 = arith.index_cast %parallel_loop3A_218 : i32 to index
      %parallel_loop3A_305 = arith.constant 144 : index
      %parallel_loop3A_306 = tpu.vector_load %arg9[%parallel_loop3A_304, %parallel_loop3A_305] {strides = array<i32>} : memref<32x768xf32, #tpu.memory_space<vmem>>, vector<1x16xf32>,
      %parallel_loop3A_307 = vector.shape_cast %parallel_loop3A_306 : vector<1x16xf32> to vector<16xf32>
      %parallel_loop3A_308 = vector.shape_cast %parallel_loop3A_303 : vector<16xf32> to vector<1x16xf32>
      tpu.vector_store %arg9[%parallel_loop3A_304, %parallel_loop3A_305], %parallel_loop3A_308 {add = true, strides = array<i32>} : memref<32x768xf32, #tpu.memory_space<vmem>>, vector<1x16xf32>,
      %parallel_loop3A_309 = arith.index_cast %parallel_loop3A_218 : i32 to index
      %parallel_loop3A_310 = arith.constant 160 : index
      %parallel_loop3A_311 = tpu.vector_load %arg11[%parallel_loop3A_309, %parallel_loop3A_310] {strides = array<i32>} : memref<32x768xf32, #tpu.memory_space<vmem>>, vector<1x16xf32>,
      %parallel_loop3A_312 = vector.shape_cast %parallel_loop3A_311 : vector<1x16xf32> to vector<16xf32>
      %parallel_loop3A_313 = arith.index_cast %parallel_loop3A_218 : i32 to index
      %parallel_loop3A_314 = arith.constant 160 : index
      %parallel_loop3A_315 = tpu.vector_load %arg9[%parallel_loop3A_313, %parallel_loop3A_314] {strides = array<i32>} : memref<32x768xf32, #tpu.memory_space<vmem>>, vector<1x16xf32>,
      %parallel_loop3A_316 = vector.shape_cast %parallel_loop3A_315 : vector<1x16xf32> to vector<16xf32>
      %parallel_loop3A_317 = vector.shape_cast %parallel_loop3A_312 : vector<16xf32> to vector<1x16xf32>
      tpu.vector_store %arg9[%parallel_loop3A_313, %parallel_loop3A_314], %parallel_loop3A_317 {add = true, strides = array<i32>} : memref<32x768xf32, #tpu.memory_space<vmem>>, vector<1x16xf32>,
      %parallel_loop3A_318 = arith.index_cast %parallel_loop3A_218 : i32 to index
      %parallel_loop3A_319 = arith.constant 176 : index
      %parallel_loop3A_320 = tpu.vector_load %arg11[%parallel_loop3A_318, %parallel_loop3A_319] {strides = array<i32>} : memref<32x768xf32, #tpu.memory_space<vmem>>, vector<1x16xf32>,
      %parallel_loop3A_321 = vector.shape_cast %parallel_loop3A_320 : vector<1x16xf32> to vector<16xf32>
      %parallel_loop3A_322 = arith.index_cast %parallel_loop3A_218 : i32 to index
      %parallel_loop3A_323 = arith.constant 176 : index
      %parallel_loop3A_324 = tpu.vector_load %arg9[%parallel_loop3A_322, %parallel_loop3A_323] {strides = array<i32>} : memref<32x768xf32, #tpu.memory_space<vmem>>, vector<1x16xf32>,
      %parallel_loop3A_325 = vector.shape_cast %parallel_loop3A_324 : vector<1x16xf32> to vector<16xf32>
      %parallel_loop3A_326 = vector.shape_cast %parallel_loop3A_321 : vector<16xf32> to vector<1x16xf32>
      tpu.vector_store %arg9[%parallel_loop3A_322, %parallel_loop3A_323], %parallel_loop3A_326 {add = true, strides = array<i32>} : memref<32x768xf32, #tpu.memory_space<vmem>>, vector<1x16xf32>,
      %parallel_loop3A_327 = arith.index_cast %parallel_loop3A_218 : i32 to index
      %parallel_loop3A_328 = arith.constant 192 : index
      %parallel_loop3A_329 = tpu.vector_load %arg11[%parallel_loop3A_327, %parallel_loop3A_328] {strides = array<i32>} : memref<32x768xf32, #tpu.memory_space<vmem>>, vector<1x16xf32>,
      %parallel_loop3A_330 = vector.shape_cast %parallel_loop3A_329 : vector<1x16xf32> to vector<16xf32>
      %parallel_loop3A_331 = arith.index_cast %parallel_loop3A_218 : i32 to index
      %parallel_loop3A_332 = arith.constant 192 : index
      %parallel_loop3A_333 = tpu.vector_load %arg9[%parallel_loop3A_331, %parallel_loop3A_332] {strides = array<i32>} : memref<32x768xf32, #tpu.memory_space<vmem>>, vector<1x16xf32>,
      %parallel_loop3A_334 = vector.shape_cast %parallel_loop3A_333 : vector<1x16xf32> to vector<16xf32>
      %parallel_loop3A_335 = vector.shape_cast %parallel_loop3A_330 : vector<16xf32> to vector<1x16xf32>
      tpu.vector_store %arg9[%parallel_loop3A_331, %parallel_loop3A_332], %parallel_loop3A_335 {add = true, strides = array<i32>} : memref<32x768xf32, #tpu.memory_space<vmem>>, vector<1x16xf32>,
      %parallel_loop3A_336 = arith.index_cast %parallel_loop3A_218 : i32 to index
      %parallel_loop3A_337 = arith.constant 208 : index
      %parallel_loop3A_338 = tpu.vector_load %arg11[%parallel_loop3A_336, %parallel_loop3A_337] {strides = array<i32>} : memref<32x768xf32, #tpu.memory_space<vmem>>, vector<1x16xf32>,
      %parallel_loop3A_339 = vector.shape_cast %parallel_loop3A_338 : vector<1x16xf32> to vector<16xf32>
      %parallel_loop3A_340 = arith.index_cast %parallel_loop3A_218 : i32 to index
      %parallel_loop3A_341 = arith.constant 208 : index
      %parallel_loop3A_342 = tpu.vector_load %arg9[%parallel_loop3A_340, %parallel_loop3A_341] {strides = array<i32>} : memref<32x768xf32, #tpu.memory_space<vmem>>, vector<1x16xf32>,
      %parallel_loop3A_343 = vector.shape_cast %parallel_loop3A_342 : vector<1x16xf32> to vector<16xf32>
      %parallel_loop3A_344 = vector.shape_cast %parallel_loop3A_339 : vector<16xf32> to vector<1x16xf32>
      tpu.vector_store %arg9[%parallel_loop3A_340, %parallel_loop3A_341], %parallel_loop3A_344 {add = true, strides = array<i32>} : memref<32x768xf32, #tpu.memory_space<vmem>>, vector<1x16xf32>,
      %parallel_loop3A_345 = arith.index_cast %parallel_loop3A_218 : i32 to index
      %parallel_loop3A_346 = arith.constant 224 : index
      %parallel_loop3A_347 = tpu.vector_load %arg11[%parallel_loop3A_345, %parallel_loop3A_346] {strides = array<i32>} : memref<32x768xf32, #tpu.memory_space<vmem>>, vector<1x16xf32>,
      %parallel_loop3A_348 = vector.shape_cast %parallel_loop3A_347 : vector<1x16xf32> to vector<16xf32>
      %parallel_loop3A_349 = arith.index_cast %parallel_loop3A_218 : i32 to index
      %parallel_loop3A_350 = arith.constant 224 : index
      %parallel_loop3A_351 = tpu.vector_load %arg9[%parallel_loop3A_349, %parallel_loop3A_350] {strides = array<i32>} : memref<32x768xf32, #tpu.memory_space<vmem>>, vector<1x16xf32>,
      %parallel_loop3A_352 = vector.shape_cast %parallel_loop3A_351 : vector<1x16xf32> to vector<16xf32>
      %parallel_loop3A_353 = vector.shape_cast %parallel_loop3A_348 : vector<16xf32> to vector<1x16xf32>
      tpu.vector_store %arg9[%parallel_loop3A_349, %parallel_loop3A_350], %parallel_loop3A_353 {add = true, strides = array<i32>} : memref<32x768xf32, #tpu.memory_space<vmem>>, vector<1x16xf32>,
      %parallel_loop3A_354 = arith.index_cast %parallel_loop3A_218 : i32 to index
      %parallel_loop3A_355 = arith.constant 240 : index
      %parallel_loop3A_356 = tpu.vector_load %arg11[%parallel_loop3A_354, %parallel_loop3A_355] {strides = array<i32>} : memref<32x768xf32, #tpu.memory_space<vmem>>, vector<1x16xf32>,
      %parallel_loop3A_357 = vector.shape_cast %parallel_loop3A_356 : vector<1x16xf32> to vector<16xf32>
      %parallel_loop3A_358 = arith.index_cast %parallel_loop3A_218 : i32 to index
      %parallel_loop3A_359 = arith.constant 240 : index
      %parallel_loop3A_360 = tpu.vector_load %arg9[%parallel_loop3A_358, %parallel_loop3A_359] {strides = array<i32>} : memref<32x768xf32, #tpu.memory_space<vmem>>, vector<1x16xf32>,
      %parallel_loop3A_361 = vector.shape_cast %parallel_loop3A_360 : vector<1x16xf32> to vector<16xf32>
      %parallel_loop3A_362 = vector.shape_cast %parallel_loop3A_357 : vector<16xf32> to vector<1x16xf32>
      tpu.vector_store %arg9[%parallel_loop3A_358, %parallel_loop3A_359], %parallel_loop3A_362 {add = true, strides = array<i32>} : memref<32x768xf32, #tpu.memory_space<vmem>>, vector<1x16xf32>,
      %parallel_loop3A_363 = arith.index_cast %parallel_loop3A_218 : i32 to index
      %parallel_loop3A_364 = arith.constant 256 : index
      %parallel_loop3A_365 = tpu.vector_load %arg11[%parallel_loop3A_363, %parallel_loop3A_364] {strides = array<i32>} : memref<32x768xf32, #tpu.memory_space<vmem>>, vector<1x16xf32>,
      %parallel_loop3A_366 = vector.shape_cast %parallel_loop3A_365 : vector<1x16xf32> to vector<16xf32>
      %parallel_loop3A_367 = arith.index_cast %parallel_loop3A_218 : i32 to index
      %parallel_loop3A_368 = arith.constant 256 : index
      %parallel_loop3A_369 = tpu.vector_load %arg9[%parallel_loop3A_367, %parallel_loop3A_368] {strides = array<i32>} : memref<32x768xf32, #tpu.memory_space<vmem>>, vector<1x16xf32>,
      %parallel_loop3A_370 = vector.shape_cast %parallel_loop3A_369 : vector<1x16xf32> to vector<16xf32>
      %parallel_loop3A_371 = vector.shape_cast %parallel_loop3A_366 : vector<16xf32> to vector<1x16xf32>
      tpu.vector_store %arg9[%parallel_loop3A_367, %parallel_loop3A_368], %parallel_loop3A_371 {add = true, strides = array<i32>} : memref<32x768xf32, #tpu.memory_space<vmem>>, vector<1x16xf32>,
      %parallel_loop3A_372 = arith.index_cast %parallel_loop3A_218 : i32 to index
      %parallel_loop3A_373 = arith.constant 272 : index
      %parallel_loop3A_374 = tpu.vector_load %arg11[%parallel_loop3A_372, %parallel_loop3A_373] {strides = array<i32>} : memref<32x768xf32, #tpu.memory_space<vmem>>, vector<1x16xf32>,
      %parallel_loop3A_375 = vector.shape_cast %parallel_loop3A_374 : vector<1x16xf32> to vector<16xf32>
      %parallel_loop3A_376 = arith.index_cast %parallel_loop3A_218 : i32 to index
      %parallel_loop3A_377 = arith.constant 272 : index
      %parallel_loop3A_378 = tpu.vector_load %arg9[%parallel_loop3A_376, %parallel_loop3A_377] {strides = array<i32>} : memref<32x768xf32, #tpu.memory_space<vmem>>, vector<1x16xf32>,
      %parallel_loop3A_379 = vector.shape_cast %parallel_loop3A_378 : vector<1x16xf32> to vector<16xf32>
      %parallel_loop3A_380 = vector.shape_cast %parallel_loop3A_375 : vector<16xf32> to vector<1x16xf32>
      tpu.vector_store %arg9[%parallel_loop3A_376, %parallel_loop3A_377], %parallel_loop3A_380 {add = true, strides = array<i32>} : memref<32x768xf32, #tpu.memory_space<vmem>>, vector<1x16xf32>,
      %parallel_loop3A_381 = arith.index_cast %parallel_loop3A_218 : i32 to index
      %parallel_loop3A_382 = arith.constant 288 : index
      %parallel_loop3A_383 = tpu.vector_load %arg11[%parallel_loop3A_381, %parallel_loop3A_382] {strides = array<i32>} : memref<32x768xf32, #tpu.memory_space<vmem>>, vector<1x16xf32>,
      %parallel_loop3A_384 = vector.shape_cast %parallel_loop3A_383 : vector<1x16xf32> to vector<16xf32>
      %parallel_loop3A_385 = arith.index_cast %parallel_loop3A_218 : i32 to index
      %parallel_loop3A_386 = arith.constant 288 : index
      %parallel_loop3A_387 = tpu.vector_load %arg9[%parallel_loop3A_385, %parallel_loop3A_386] {strides = array<i32>} : memref<32x768xf32, #tpu.memory_space<vmem>>, vector<1x16xf32>,
      %parallel_loop3A_388 = vector.shape_cast %parallel_loop3A_387 : vector<1x16xf32> to vector<16xf32>
      %parallel_loop3A_389 = vector.shape_cast %parallel_loop3A_384 : vector<16xf32> to vector<1x16xf32>
      tpu.vector_store %arg9[%parallel_loop3A_385, %parallel_loop3A_386], %parallel_loop3A_389 {add = true, strides = array<i32>} : memref<32x768xf32, #tpu.memory_space<vmem>>, vector<1x16xf32>,
      %parallel_loop3A_390 = arith.index_cast %parallel_loop3A_218 : i32 to index
      %parallel_loop3A_391 = arith.constant 304 : index
      %parallel_loop3A_392 = tpu.vector_load %arg11[%parallel_loop3A_390, %parallel_loop3A_391] {strides = array<i32>} : memref<32x768xf32, #tpu.memory_space<vmem>>, vector<1x16xf32>,
      %parallel_loop3A_393 = vector.shape_cast %parallel_loop3A_392 : vector<1x16xf32> to vector<16xf32>
      %parallel_loop3A_394 = arith.index_cast %parallel_loop3A_218 : i32 to index
      %parallel_loop3A_395 = arith.constant 304 : index
      %parallel_loop3A_396 = tpu.vector_load %arg9[%parallel_loop3A_394, %parallel_loop3A_395] {strides = array<i32>} : memref<32x768xf32, #tpu.memory_space<vmem>>, vector<1x16xf32>,
      %parallel_loop3A_397 = vector.shape_cast %parallel_loop3A_396 : vector<1x16xf32> to vector<16xf32>
      %parallel_loop3A_398 = vector.shape_cast %parallel_loop3A_393 : vector<16xf32> to vector<1x16xf32>
      tpu.vector_store %arg9[%parallel_loop3A_394, %parallel_loop3A_395], %parallel_loop3A_398 {add = true, strides = array<i32>} : memref<32x768xf32, #tpu.memory_space<vmem>>, vector<1x16xf32>,
      %parallel_loop3A_399 = arith.index_cast %parallel_loop3A_218 : i32 to index
      %parallel_loop3A_400 = arith.constant 320 : index
      %parallel_loop3A_401 = tpu.vector_load %arg11[%parallel_loop3A_399, %parallel_loop3A_400] {strides = array<i32>} : memref<32x768xf32, #tpu.memory_space<vmem>>, vector<1x16xf32>,
      %parallel_loop3A_402 = vector.shape_cast %parallel_loop3A_401 : vector<1x16xf32> to vector<16xf32>
      %parallel_loop3A_403 = arith.index_cast %parallel_loop3A_218 : i32 to index
      %parallel_loop3A_404 = arith.constant 320 : index
      %parallel_loop3A_405 = tpu.vector_load %arg9[%parallel_loop3A_403, %parallel_loop3A_404] {strides = array<i32>} : memref<32x768xf32, #tpu.memory_space<vmem>>, vector<1x16xf32>,
      %parallel_loop3A_406 = vector.shape_cast %parallel_loop3A_405 : vector<1x16xf32> to vector<16xf32>
      %parallel_loop3A_407 = vector.shape_cast %parallel_loop3A_402 : vector<16xf32> to vector<1x16xf32>
      tpu.vector_store %arg9[%parallel_loop3A_403, %parallel_loop3A_404], %parallel_loop3A_407 {add = true, strides = array<i32>} : memref<32x768xf32, #tpu.memory_space<vmem>>, vector<1x16xf32>,
      %parallel_loop3A_408 = arith.index_cast %parallel_loop3A_218 : i32 to index
      %parallel_loop3A_409 = arith.constant 336 : index
      %parallel_loop3A_410 = tpu.vector_load %arg11[%parallel_loop3A_408, %parallel_loop3A_409] {strides = array<i32>} : memref<32x768xf32, #tpu.memory_space<vmem>>, vector<1x16xf32>,
      %parallel_loop3A_411 = vector.shape_cast %parallel_loop3A_410 : vector<1x16xf32> to vector<16xf32>
      %parallel_loop3A_412 = arith.index_cast %parallel_loop3A_218 : i32 to index
      %parallel_loop3A_413 = arith.constant 336 : index
      %parallel_loop3A_414 = tpu.vector_load %arg9[%parallel_loop3A_412, %parallel_loop3A_413] {strides = array<i32>} : memref<32x768xf32, #tpu.memory_space<vmem>>, vector<1x16xf32>,
      %parallel_loop3A_415 = vector.shape_cast %parallel_loop3A_414 : vector<1x16xf32> to vector<16xf32>
      %parallel_loop3A_416 = vector.shape_cast %parallel_loop3A_411 : vector<16xf32> to vector<1x16xf32>
      tpu.vector_store %arg9[%parallel_loop3A_412, %parallel_loop3A_413], %parallel_loop3A_416 {add = true, strides = array<i32>} : memref<32x768xf32, #tpu.memory_space<vmem>>, vector<1x16xf32>,
      %parallel_loop3A_417 = arith.index_cast %parallel_loop3A_218 : i32 to index
      %parallel_loop3A_418 = arith.constant 352 : index
      %parallel_loop3A_419 = tpu.vector_load %arg11[%parallel_loop3A_417, %parallel_loop3A_418] {strides = array<i32>} : memref<32x768xf32, #tpu.memory_space<vmem>>, vector<1x16xf32>,
      %parallel_loop3A_420 = vector.shape_cast %parallel_loop3A_419 : vector<1x16xf32> to vector<16xf32>
      %parallel_loop3A_421 = arith.index_cast %parallel_loop3A_218 : i32 to index
      %parallel_loop3A_422 = arith.constant 352 : index
      %parallel_loop3A_423 = tpu.vector_load %arg9[%parallel_loop3A_421, %parallel_loop3A_422] {strides = array<i32>} : memref<32x768xf32, #tpu.memory_space<vmem>>, vector<1x16xf32>,
      %parallel_loop3A_424 = vector.shape_cast %parallel_loop3A_423 : vector<1x16xf32> to vector<16xf32>
      %parallel_loop3A_425 = vector.shape_cast %parallel_loop3A_420 : vector<16xf32> to vector<1x16xf32>
      tpu.vector_store %arg9[%parallel_loop3A_421, %parallel_loop3A_422], %parallel_loop3A_425 {add = true, strides = array<i32>} : memref<32x768xf32, #tpu.memory_space<vmem>>, vector<1x16xf32>,
      %parallel_loop3A_426 = arith.index_cast %parallel_loop3A_218 : i32 to index
      %parallel_loop3A_427 = arith.constant 368 : index
      %parallel_loop3A_428 = tpu.vector_load %arg11[%parallel_loop3A_426, %parallel_loop3A_427] {strides = array<i32>} : memref<32x768xf32, #tpu.memory_space<vmem>>, vector<1x16xf32>,
      %parallel_loop3A_429 = vector.shape_cast %parallel_loop3A_428 : vector<1x16xf32> to vector<16xf32>
      %parallel_loop3A_430 = arith.index_cast %parallel_loop3A_218 : i32 to index
      %parallel_loop3A_431 = arith.constant 368 : index
      %parallel_loop3A_432 = tpu.vector_load %arg9[%parallel_loop3A_430, %parallel_loop3A_431] {strides = array<i32>} : memref<32x768xf32, #tpu.memory_space<vmem>>, vector<1x16xf32>,
      %parallel_loop3A_433 = vector.shape_cast %parallel_loop3A_432 : vector<1x16xf32> to vector<16xf32>
      %parallel_loop3A_434 = vector.shape_cast %parallel_loop3A_429 : vector<16xf32> to vector<1x16xf32>
      tpu.vector_store %arg9[%parallel_loop3A_430, %parallel_loop3A_431], %parallel_loop3A_434 {add = true, strides = array<i32>} : memref<32x768xf32, #tpu.memory_space<vmem>>, vector<1x16xf32>,
      %parallel_loop3A_435 = arith.index_cast %parallel_loop3A_218 : i32 to index
      %parallel_loop3A_436 = arith.constant 384 : index
      %parallel_loop3A_437 = tpu.vector_load %arg11[%parallel_loop3A_435, %parallel_loop3A_436] {strides = array<i32>} : memref<32x768xf32, #tpu.memory_space<vmem>>, vector<1x16xf32>,
      %parallel_loop3A_438 = vector.shape_cast %parallel_loop3A_437 : vector<1x16xf32> to vector<16xf32>
      %parallel_loop3A_439 = arith.index_cast %parallel_loop3A_218 : i32 to index
      %parallel_loop3A_440 = arith.constant 384 : index
      %parallel_loop3A_441 = tpu.vector_load %arg9[%parallel_loop3A_439, %parallel_loop3A_440] {strides = array<i32>} : memref<32x768xf32, #tpu.memory_space<vmem>>, vector<1x16xf32>,
      %parallel_loop3A_442 = vector.shape_cast %parallel_loop3A_441 : vector<1x16xf32> to vector<16xf32>
      %parallel_loop3A_443 = vector.shape_cast %parallel_loop3A_438 : vector<16xf32> to vector<1x16xf32>
      tpu.vector_store %arg9[%parallel_loop3A_439, %parallel_loop3A_440], %parallel_loop3A_443 {add = true, strides = array<i32>} : memref<32x768xf32, #tpu.memory_space<vmem>>, vector<1x16xf32>,
      %parallel_loop3A_444 = arith.index_cast %parallel_loop3A_218 : i32 to index
      %parallel_loop3A_445 = arith.constant 400 : index
      %parallel_loop3A_446 = tpu.vector_load %arg11[%parallel_loop3A_444, %parallel_loop3A_445] {strides = array<i32>} : memref<32x768xf32, #tpu.memory_space<vmem>>, vector<1x16xf32>,
      %parallel_loop3A_447 = vector.shape_cast %parallel_loop3A_446 : vector<1x16xf32> to vector<16xf32>
      %parallel_loop3A_448 = arith.index_cast %parallel_loop3A_218 : i32 to index
      %parallel_loop3A_449 = arith.constant 400 : index
      %parallel_loop3A_450 = tpu.vector_load %arg9[%parallel_loop3A_448, %parallel_loop3A_449] {strides = array<i32>} : memref<32x768xf32, #tpu.memory_space<vmem>>, vector<1x16xf32>,
      %parallel_loop3A_451 = vector.shape_cast %parallel_loop3A_450 : vector<1x16xf32> to vector<16xf32>
      %parallel_loop3A_452 = vector.shape_cast %parallel_loop3A_447 : vector<16xf32> to vector<1x16xf32>
      tpu.vector_store %arg9[%parallel_loop3A_448, %parallel_loop3A_449], %parallel_loop3A_452 {add = true, strides = array<i32>} : memref<32x768xf32, #tpu.memory_space<vmem>>, vector<1x16xf32>,
      %parallel_loop3A_453 = arith.index_cast %parallel_loop3A_218 : i32 to index
      %parallel_loop3A_454 = arith.constant 416 : index
      %parallel_loop3A_455 = tpu.vector_load %arg11[%parallel_loop3A_453, %parallel_loop3A_454] {strides = array<i32>} : memref<32x768xf32, #tpu.memory_space<vmem>>, vector<1x16xf32>,
      %parallel_loop3A_456 = vector.shape_cast %parallel_loop3A_455 : vector<1x16xf32> to vector<16xf32>
      %parallel_loop3A_457 = arith.index_cast %parallel_loop3A_218 : i32 to index
      %parallel_loop3A_458 = arith.constant 416 : index
      %parallel_loop3A_459 = tpu.vector_load %arg9[%parallel_loop3A_457, %parallel_loop3A_458] {strides = array<i32>} : memref<32x768xf32, #tpu.memory_space<vmem>>, vector<1x16xf32>,
      %parallel_loop3A_460 = vector.shape_cast %parallel_loop3A_459 : vector<1x16xf32> to vector<16xf32>
      %parallel_loop3A_461 = vector.shape_cast %parallel_loop3A_456 : vector<16xf32> to vector<1x16xf32>
      tpu.vector_store %arg9[%parallel_loop3A_457, %parallel_loop3A_458], %parallel_loop3A_461 {add = true, strides = array<i32>} : memref<32x768xf32, #tpu.memory_space<vmem>>, vector<1x16xf32>,
      %parallel_loop3A_462 = arith.index_cast %parallel_loop3A_218 : i32 to index
      %parallel_loop3A_463 = arith.constant 432 : index
      %parallel_loop3A_464 = tpu.vector_load %arg11[%parallel_loop3A_462, %parallel_loop3A_463] {strides = array<i32>} : memref<32x768xf32, #tpu.memory_space<vmem>>, vector<1x16xf32>,
      %parallel_loop3A_465 = vector.shape_cast %parallel_loop3A_464 : vector<1x16xf32> to vector<16xf32>
      %parallel_loop3A_466 = arith.index_cast %parallel_loop3A_218 : i32 to index
      %parallel_loop3A_467 = arith.constant 432 : index
      %parallel_loop3A_468 = tpu.vector_load %arg9[%parallel_loop3A_466, %parallel_loop3A_467] {strides = array<i32>} : memref<32x768xf32, #tpu.memory_space<vmem>>, vector<1x16xf32>,
      %parallel_loop3A_469 = vector.shape_cast %parallel_loop3A_468 : vector<1x16xf32> to vector<16xf32>
      %parallel_loop3A_470 = vector.shape_cast %parallel_loop3A_465 : vector<16xf32> to vector<1x16xf32>
      tpu.vector_store %arg9[%parallel_loop3A_466, %parallel_loop3A_467], %parallel_loop3A_470 {add = true, strides = array<i32>} : memref<32x768xf32, #tpu.memory_space<vmem>>, vector<1x16xf32>,
      %parallel_loop3A_471 = arith.index_cast %parallel_loop3A_218 : i32 to index
      %parallel_loop3A_472 = arith.constant 448 : index
      %parallel_loop3A_473 = tpu.vector_load %arg11[%parallel_loop3A_471, %parallel_loop3A_472] {strides = array<i32>} : memref<32x768xf32, #tpu.memory_space<vmem>>, vector<1x16xf32>,
      %parallel_loop3A_474 = vector.shape_cast %parallel_loop3A_473 : vector<1x16xf32> to vector<16xf32>
      %parallel_loop3A_475 = arith.index_cast %parallel_loop3A_218 : i32 to index
      %parallel_loop3A_476 = arith.constant 448 : index
      %parallel_loop3A_477 = tpu.vector_load %arg9[%parallel_loop3A_475, %parallel_loop3A_476] {strides = array<i32>} : memref<32x768xf32, #tpu.memory_space<vmem>>, vector<1x16xf32>,
      %parallel_loop3A_478 = vector.shape_cast %parallel_loop3A_477 : vector<1x16xf32> to vector<16xf32>
      %parallel_loop3A_479 = vector.shape_cast %parallel_loop3A_474 : vector<16xf32> to vector<1x16xf32>
      tpu.vector_store %arg9[%parallel_loop3A_475, %parallel_loop3A_476], %parallel_loop3A_479 {add = true, strides = array<i32>} : memref<32x768xf32, #tpu.memory_space<vmem>>, vector<1x16xf32>,
      %parallel_loop3A_480 = arith.index_cast %parallel_loop3A_218 : i32 to index
      %parallel_loop3A_481 = arith.constant 464 : index
      %parallel_loop3A_482 = tpu.vector_load %arg11[%parallel_loop3A_480, %parallel_loop3A_481] {strides = array<i32>} : memref<32x768xf32, #tpu.memory_space<vmem>>, vector<1x16xf32>,
      %parallel_loop3A_483 = vector.shape_cast %parallel_loop3A_482 : vector<1x16xf32> to vector<16xf32>
      %parallel_loop3A_484 = arith.index_cast %parallel_loop3A_218 : i32 to index
      %parallel_loop3A_485 = arith.constant 464 : index
      %parallel_loop3A_486 = tpu.vector_load %arg9[%parallel_loop3A_484, %parallel_loop3A_485] {strides = array<i32>} : memref<32x768xf32, #tpu.memory_space<vmem>>, vector<1x16xf32>,
      %parallel_loop3A_487 = vector.shape_cast %parallel_loop3A_486 : vector<1x16xf32> to vector<16xf32>
      %parallel_loop3A_488 = vector.shape_cast %parallel_loop3A_483 : vector<16xf32> to vector<1x16xf32>
      tpu.vector_store %arg9[%parallel_loop3A_484, %parallel_loop3A_485], %parallel_loop3A_488 {add = true, strides = array<i32>} : memref<32x768xf32, #tpu.memory_space<vmem>>, vector<1x16xf32>,
      %parallel_loop3A_489 = arith.index_cast %parallel_loop3A_218 : i32 to index
      %parallel_loop3A_490 = arith.constant 480 : index
      %parallel_loop3A_491 = tpu.vector_load %arg11[%parallel_loop3A_489, %parallel_loop3A_490] {strides = array<i32>} : memref<32x768xf32, #tpu.memory_space<vmem>>, vector<1x16xf32>,
      %parallel_loop3A_492 = vector.shape_cast %parallel_loop3A_491 : vector<1x16xf32> to vector<16xf32>
      %parallel_loop3A_493 = arith.index_cast %parallel_loop3A_218 : i32 to index
      %parallel_loop3A_494 = arith.constant 480 : index
      %parallel_loop3A_495 = tpu.vector_load %arg9[%parallel_loop3A_493, %parallel_loop3A_494] {strides = array<i32>} : memref<32x768xf32, #tpu.memory_space<vmem>>, vector<1x16xf32>,
      %parallel_loop3A_496 = vector.shape_cast %parallel_loop3A_495 : vector<1x16xf32> to vector<16xf32>
      %parallel_loop3A_497 = vector.shape_cast %parallel_loop3A_492 : vector<16xf32> to vector<1x16xf32>
      tpu.vector_store %arg9[%parallel_loop3A_493, %parallel_loop3A_494], %parallel_loop3A_497 {add = true, strides = array<i32>} : memref<32x768xf32, #tpu.memory_space<vmem>>, vector<1x16xf32>,
      %parallel_loop3A_498 = arith.index_cast %parallel_loop3A_218 : i32 to index
      %parallel_loop3A_499 = arith.constant 496 : index
      %parallel_loop3A_500 = tpu.vector_load %arg11[%parallel_loop3A_498, %parallel_loop3A_499] {strides = array<i32>} : memref<32x768xf32, #tpu.memory_space<vmem>>, vector<1x16xf32>,
      %parallel_loop3A_501 = vector.shape_cast %parallel_loop3A_500 : vector<1x16xf32> to vector<16xf32>
      %parallel_loop3A_502 = arith.index_cast %parallel_loop3A_218 : i32 to index
      %parallel_loop3A_503 = arith.constant 496 : index
      %parallel_loop3A_504 = tpu.vector_load %arg9[%parallel_loop3A_502, %parallel_loop3A_503] {strides = array<i32>} : memref<32x768xf32, #tpu.memory_space<vmem>>, vector<1x16xf32>,
      %parallel_loop3A_505 = vector.shape_cast %parallel_loop3A_504 : vector<1x16xf32> to vector<16xf32>
      %parallel_loop3A_506 = vector.shape_cast %parallel_loop3A_501 : vector<16xf32> to vector<1x16xf32>
      tpu.vector_store %arg9[%parallel_loop3A_502, %parallel_loop3A_503], %parallel_loop3A_506 {add = true, strides = array<i32>} : memref<32x768xf32, #tpu.memory_space<vmem>>, vector<1x16xf32>,
      %parallel_loop3A_507 = arith.index_cast %parallel_loop3A_218 : i32 to index
      %parallel_loop3A_508 = arith.constant 512 : index
      %parallel_loop3A_509 = tpu.vector_load %arg11[%parallel_loop3A_507, %parallel_loop3A_508] {strides = array<i32>} : memref<32x768xf32, #tpu.memory_space<vmem>>, vector<1x16xf32>,
      %parallel_loop3A_510 = vector.shape_cast %parallel_loop3A_509 : vector<1x16xf32> to vector<16xf32>
      %parallel_loop3A_511 = arith.index_cast %parallel_loop3A_218 : i32 to index
      %parallel_loop3A_512 = arith.constant 512 : index
      %parallel_loop3A_513 = tpu.vector_load %arg9[%parallel_loop3A_511, %parallel_loop3A_512] {strides = array<i32>} : memref<32x768xf32, #tpu.memory_space<vmem>>, vector<1x16xf32>,
      %parallel_loop3A_514 = vector.shape_cast %parallel_loop3A_513 : vector<1x16xf32> to vector<16xf32>
      %parallel_loop3A_515 = vector.shape_cast %parallel_loop3A_510 : vector<16xf32> to vector<1x16xf32>
      tpu.vector_store %arg9[%parallel_loop3A_511, %parallel_loop3A_512], %parallel_loop3A_515 {add = true, strides = array<i32>} : memref<32x768xf32, #tpu.memory_space<vmem>>, vector<1x16xf32>,
      %parallel_loop3A_516 = arith.index_cast %parallel_loop3A_218 : i32 to index
      %parallel_loop3A_517 = arith.constant 528 : index
      %parallel_loop3A_518 = tpu.vector_load %arg11[%parallel_loop3A_516, %parallel_loop3A_517] {strides = array<i32>} : memref<32x768xf32, #tpu.memory_space<vmem>>, vector<1x16xf32>,
      %parallel_loop3A_519 = vector.shape_cast %parallel_loop3A_518 : vector<1x16xf32> to vector<16xf32>
      %parallel_loop3A_520 = arith.index_cast %parallel_loop3A_218 : i32 to index
      %parallel_loop3A_521 = arith.constant 528 : index
      %parallel_loop3A_522 = tpu.vector_load %arg9[%parallel_loop3A_520, %parallel_loop3A_521] {strides = array<i32>} : memref<32x768xf32, #tpu.memory_space<vmem>>, vector<1x16xf32>,
      %parallel_loop3A_523 = vector.shape_cast %parallel_loop3A_522 : vector<1x16xf32> to vector<16xf32>
      %parallel_loop3A_524 = vector.shape_cast %parallel_loop3A_519 : vector<16xf32> to vector<1x16xf32>
      tpu.vector_store %arg9[%parallel_loop3A_520, %parallel_loop3A_521], %parallel_loop3A_524 {add = true, strides = array<i32>} : memref<32x768xf32, #tpu.memory_space<vmem>>, vector<1x16xf32>,
      %parallel_loop3A_525 = arith.index_cast %parallel_loop3A_218 : i32 to index
      %parallel_loop3A_526 = arith.constant 544 : index
      %parallel_loop3A_527 = tpu.vector_load %arg11[%parallel_loop3A_525, %parallel_loop3A_526] {strides = array<i32>} : memref<32x768xf32, #tpu.memory_space<vmem>>, vector<1x16xf32>,
      %parallel_loop3A_528 = vector.shape_cast %parallel_loop3A_527 : vector<1x16xf32> to vector<16xf32>
      %parallel_loop3A_529 = arith.index_cast %parallel_loop3A_218 : i32 to index
      %parallel_loop3A_530 = arith.constant 544 : index
      %parallel_loop3A_531 = tpu.vector_load %arg9[%parallel_loop3A_529, %parallel_loop3A_530] {strides = array<i32>} : memref<32x768xf32, #tpu.memory_space<vmem>>, vector<1x16xf32>,
      %parallel_loop3A_532 = vector.shape_cast %parallel_loop3A_531 : vector<1x16xf32> to vector<16xf32>
      %parallel_loop3A_533 = vector.shape_cast %parallel_loop3A_528 : vector<16xf32> to vector<1x16xf32>
      tpu.vector_store %arg9[%parallel_loop3A_529, %parallel_loop3A_530], %parallel_loop3A_533 {add = true, strides = array<i32>} : memref<32x768xf32, #tpu.memory_space<vmem>>, vector<1x16xf32>,
      %parallel_loop3A_534 = arith.index_cast %parallel_loop3A_218 : i32 to index
      %parallel_loop3A_535 = arith.constant 560 : index
      %parallel_loop3A_536 = tpu.vector_load %arg11[%parallel_loop3A_534, %parallel_loop3A_535] {strides = array<i32>} : memref<32x768xf32, #tpu.memory_space<vmem>>, vector<1x16xf32>,
      %parallel_loop3A_537 = vector.shape_cast %parallel_loop3A_536 : vector<1x16xf32> to vector<16xf32>
      %parallel_loop3A_538 = arith.index_cast %parallel_loop3A_218 : i32 to index
      %parallel_loop3A_539 = arith.constant 560 : index
      %parallel_loop3A_540 = tpu.vector_load %arg9[%parallel_loop3A_538, %parallel_loop3A_539] {strides = array<i32>} : memref<32x768xf32, #tpu.memory_space<vmem>>, vector<1x16xf32>,
      %parallel_loop3A_541 = vector.shape_cast %parallel_loop3A_540 : vector<1x16xf32> to vector<16xf32>
      %parallel_loop3A_542 = vector.shape_cast %parallel_loop3A_537 : vector<16xf32> to vector<1x16xf32>
      tpu.vector_store %arg9[%parallel_loop3A_538, %parallel_loop3A_539], %parallel_loop3A_542 {add = true, strides = array<i32>} : memref<32x768xf32, #tpu.memory_space<vmem>>, vector<1x16xf32>,
      %parallel_loop3A_543 = arith.index_cast %parallel_loop3A_218 : i32 to index
      %parallel_loop3A_544 = arith.constant 576 : index
      %parallel_loop3A_545 = tpu.vector_load %arg11[%parallel_loop3A_543, %parallel_loop3A_544] {strides = array<i32>} : memref<32x768xf32, #tpu.memory_space<vmem>>, vector<1x16xf32>,
      %parallel_loop3A_546 = vector.shape_cast %parallel_loop3A_545 : vector<1x16xf32> to vector<16xf32>
      %parallel_loop3A_547 = arith.index_cast %parallel_loop3A_218 : i32 to index
      %parallel_loop3A_548 = arith.constant 576 : index
      %parallel_loop3A_549 = tpu.vector_load %arg9[%parallel_loop3A_547, %parallel_loop3A_548] {strides = array<i32>} : memref<32x768xf32, #tpu.memory_space<vmem>>, vector<1x16xf32>,
      %parallel_loop3A_550 = vector.shape_cast %parallel_loop3A_549 : vector<1x16xf32> to vector<16xf32>
      %parallel_loop3A_551 = vector.shape_cast %parallel_loop3A_546 : vector<16xf32> to vector<1x16xf32>
      tpu.vector_store %arg9[%parallel_loop3A_547, %parallel_loop3A_548], %parallel_loop3A_551 {add = true, strides = array<i32>} : memref<32x768xf32, #tpu.memory_space<vmem>>, vector<1x16xf32>,
      %parallel_loop3A_552 = arith.index_cast %parallel_loop3A_218 : i32 to index
      %parallel_loop3A_553 = arith.constant 592 : index
      %parallel_loop3A_554 = tpu.vector_load %arg11[%parallel_loop3A_552, %parallel_loop3A_553] {strides = array<i32>} : memref<32x768xf32, #tpu.memory_space<vmem>>, vector<1x16xf32>,
      %parallel_loop3A_555 = vector.shape_cast %parallel_loop3A_554 : vector<1x16xf32> to vector<16xf32>
      %parallel_loop3A_556 = arith.index_cast %parallel_loop3A_218 : i32 to index
      %parallel_loop3A_557 = arith.constant 592 : index
      %parallel_loop3A_558 = tpu.vector_load %arg9[%parallel_loop3A_556, %parallel_loop3A_557] {strides = array<i32>} : memref<32x768xf32, #tpu.memory_space<vmem>>, vector<1x16xf32>,
      %parallel_loop3A_559 = vector.shape_cast %parallel_loop3A_558 : vector<1x16xf32> to vector<16xf32>
      %parallel_loop3A_560 = vector.shape_cast %parallel_loop3A_555 : vector<16xf32> to vector<1x16xf32>
      tpu.vector_store %arg9[%parallel_loop3A_556, %parallel_loop3A_557], %parallel_loop3A_560 {add = true, strides = array<i32>} : memref<32x768xf32, #tpu.memory_space<vmem>>, vector<1x16xf32>,
      %parallel_loop3A_561 = arith.index_cast %parallel_loop3A_218 : i32 to index
      %parallel_loop3A_562 = arith.constant 608 : index
      %parallel_loop3A_563 = tpu.vector_load %arg11[%parallel_loop3A_561, %parallel_loop3A_562] {strides = array<i32>} : memref<32x768xf32, #tpu.memory_space<vmem>>, vector<1x16xf32>,
      %parallel_loop3A_564 = vector.shape_cast %parallel_loop3A_563 : vector<1x16xf32> to vector<16xf32>
      %parallel_loop3A_565 = arith.index_cast %parallel_loop3A_218 : i32 to index
      %parallel_loop3A_566 = arith.constant 608 : index
      %parallel_loop3A_567 = tpu.vector_load %arg9[%parallel_loop3A_565, %parallel_loop3A_566] {strides = array<i32>} : memref<32x768xf32, #tpu.memory_space<vmem>>, vector<1x16xf32>,
      %parallel_loop3A_568 = vector.shape_cast %parallel_loop3A_567 : vector<1x16xf32> to vector<16xf32>
      %parallel_loop3A_569 = vector.shape_cast %parallel_loop3A_564 : vector<16xf32> to vector<1x16xf32>
      tpu.vector_store %arg9[%parallel_loop3A_565, %parallel_loop3A_566], %parallel_loop3A_569 {add = true, strides = array<i32>} : memref<32x768xf32, #tpu.memory_space<vmem>>, vector<1x16xf32>,
      %parallel_loop3A_570 = arith.index_cast %parallel_loop3A_218 : i32 to index
      %parallel_loop3A_571 = arith.constant 624 : index
      %parallel_loop3A_572 = tpu.vector_load %arg11[%parallel_loop3A_570, %parallel_loop3A_571] {strides = array<i32>} : memref<32x768xf32, #tpu.memory_space<vmem>>, vector<1x16xf32>,
      %parallel_loop3A_573 = vector.shape_cast %parallel_loop3A_572 : vector<1x16xf32> to vector<16xf32>
      %parallel_loop3A_574 = arith.index_cast %parallel_loop3A_218 : i32 to index
      %parallel_loop3A_575 = arith.constant 624 : index
      %parallel_loop3A_576 = tpu.vector_load %arg9[%parallel_loop3A_574, %parallel_loop3A_575] {strides = array<i32>} : memref<32x768xf32, #tpu.memory_space<vmem>>, vector<1x16xf32>,
      %parallel_loop3A_577 = vector.shape_cast %parallel_loop3A_576 : vector<1x16xf32> to vector<16xf32>
      %parallel_loop3A_578 = vector.shape_cast %parallel_loop3A_573 : vector<16xf32> to vector<1x16xf32>
      tpu.vector_store %arg9[%parallel_loop3A_574, %parallel_loop3A_575], %parallel_loop3A_578 {add = true, strides = array<i32>} : memref<32x768xf32, #tpu.memory_space<vmem>>, vector<1x16xf32>,
      %parallel_loop3A_579 = arith.index_cast %parallel_loop3A_218 : i32 to index
      %parallel_loop3A_580 = arith.constant 640 : index
      %parallel_loop3A_581 = tpu.vector_load %arg11[%parallel_loop3A_579, %parallel_loop3A_580] {strides = array<i32>} : memref<32x768xf32, #tpu.memory_space<vmem>>, vector<1x16xf32>,
      %parallel_loop3A_582 = vector.shape_cast %parallel_loop3A_581 : vector<1x16xf32> to vector<16xf32>
      %parallel_loop3A_583 = arith.index_cast %parallel_loop3A_218 : i32 to index
      %parallel_loop3A_584 = arith.constant 640 : index
      %parallel_loop3A_585 = tpu.vector_load %arg9[%parallel_loop3A_583, %parallel_loop3A_584] {strides = array<i32>} : memref<32x768xf32, #tpu.memory_space<vmem>>, vector<1x16xf32>,
      %parallel_loop3A_586 = vector.shape_cast %parallel_loop3A_585 : vector<1x16xf32> to vector<16xf32>
      %parallel_loop3A_587 = vector.shape_cast %parallel_loop3A_582 : vector<16xf32> to vector<1x16xf32>
      tpu.vector_store %arg9[%parallel_loop3A_583, %parallel_loop3A_584], %parallel_loop3A_587 {add = true, strides = array<i32>} : memref<32x768xf32, #tpu.memory_space<vmem>>, vector<1x16xf32>,
      %parallel_loop3A_588 = arith.index_cast %parallel_loop3A_218 : i32 to index
      %parallel_loop3A_589 = arith.constant 656 : index
      %parallel_loop3A_590 = tpu.vector_load %arg11[%parallel_loop3A_588, %parallel_loop3A_589] {strides = array<i32>} : memref<32x768xf32, #tpu.memory_space<vmem>>, vector<1x16xf32>,
      %parallel_loop3A_591 = vector.shape_cast %parallel_loop3A_590 : vector<1x16xf32> to vector<16xf32>
      %parallel_loop3A_592 = arith.index_cast %parallel_loop3A_218 : i32 to index
      %parallel_loop3A_593 = arith.constant 656 : index
      %parallel_loop3A_594 = tpu.vector_load %arg9[%parallel_loop3A_592, %parallel_loop3A_593] {strides = array<i32>} : memref<32x768xf32, #tpu.memory_space<vmem>>, vector<1x16xf32>,
      %parallel_loop3A_595 = vector.shape_cast %parallel_loop3A_594 : vector<1x16xf32> to vector<16xf32>
      %parallel_loop3A_596 = vector.shape_cast %parallel_loop3A_591 : vector<16xf32> to vector<1x16xf32>
      tpu.vector_store %arg9[%parallel_loop3A_592, %parallel_loop3A_593], %parallel_loop3A_596 {add = true, strides = array<i32>} : memref<32x768xf32, #tpu.memory_space<vmem>>, vector<1x16xf32>,
      %parallel_loop3A_597 = arith.index_cast %parallel_loop3A_218 : i32 to index
      %parallel_loop3A_598 = arith.constant 672 : index
      %parallel_loop3A_599 = tpu.vector_load %arg11[%parallel_loop3A_597, %parallel_loop3A_598] {strides = array<i32>} : memref<32x768xf32, #tpu.memory_space<vmem>>, vector<1x16xf32>,
      %parallel_loop3A_600 = vector.shape_cast %parallel_loop3A_599 : vector<1x16xf32> to vector<16xf32>
      %parallel_loop3A_601 = arith.index_cast %parallel_loop3A_218 : i32 to index
      %parallel_loop3A_602 = arith.constant 672 : index
      %parallel_loop3A_603 = tpu.vector_load %arg9[%parallel_loop3A_601, %parallel_loop3A_602] {strides = array<i32>} : memref<32x768xf32, #tpu.memory_space<vmem>>, vector<1x16xf32>,
      %parallel_loop3A_604 = vector.shape_cast %parallel_loop3A_603 : vector<1x16xf32> to vector<16xf32>
      %parallel_loop3A_605 = vector.shape_cast %parallel_loop3A_600 : vector<16xf32> to vector<1x16xf32>
      tpu.vector_store %arg9[%parallel_loop3A_601, %parallel_loop3A_602], %parallel_loop3A_605 {add = true, strides = array<i32>} : memref<32x768xf32, #tpu.memory_space<vmem>>, vector<1x16xf32>,
      %parallel_loop3A_606 = arith.index_cast %parallel_loop3A_218 : i32 to index
      %parallel_loop3A_607 = arith.constant 688 : index
      %parallel_loop3A_608 = tpu.vector_load %arg11[%parallel_loop3A_606, %parallel_loop3A_607] {strides = array<i32>} : memref<32x768xf32, #tpu.memory_space<vmem>>, vector<1x16xf32>,
      %parallel_loop3A_609 = vector.shape_cast %parallel_loop3A_608 : vector<1x16xf32> to vector<16xf32>
      %parallel_loop3A_610 = arith.index_cast %parallel_loop3A_218 : i32 to index
      %parallel_loop3A_611 = arith.constant 688 : index
      %parallel_loop3A_612 = tpu.vector_load %arg9[%parallel_loop3A_610, %parallel_loop3A_611] {strides = array<i32>} : memref<32x768xf32, #tpu.memory_space<vmem>>, vector<1x16xf32>,
      %parallel_loop3A_613 = vector.shape_cast %parallel_loop3A_612 : vector<1x16xf32> to vector<16xf32>
      %parallel_loop3A_614 = vector.shape_cast %parallel_loop3A_609 : vector<16xf32> to vector<1x16xf32>
      tpu.vector_store %arg9[%parallel_loop3A_610, %parallel_loop3A_611], %parallel_loop3A_614 {add = true, strides = array<i32>} : memref<32x768xf32, #tpu.memory_space<vmem>>, vector<1x16xf32>,
      %parallel_loop3A_615 = arith.index_cast %parallel_loop3A_218 : i32 to index
      %parallel_loop3A_616 = arith.constant 704 : index
      %parallel_loop3A_617 = tpu.vector_load %arg11[%parallel_loop3A_615, %parallel_loop3A_616] {strides = array<i32>} : memref<32x768xf32, #tpu.memory_space<vmem>>, vector<1x16xf32>,
      %parallel_loop3A_618 = vector.shape_cast %parallel_loop3A_617 : vector<1x16xf32> to vector<16xf32>
      %parallel_loop3A_619 = arith.index_cast %parallel_loop3A_218 : i32 to index
      %parallel_loop3A_620 = arith.constant 704 : index
      %parallel_loop3A_621 = tpu.vector_load %arg9[%parallel_loop3A_619, %parallel_loop3A_620] {strides = array<i32>} : memref<32x768xf32, #tpu.memory_space<vmem>>, vector<1x16xf32>,
      %parallel_loop3A_622 = vector.shape_cast %parallel_loop3A_621 : vector<1x16xf32> to vector<16xf32>
      %parallel_loop3A_623 = vector.shape_cast %parallel_loop3A_618 : vector<16xf32> to vector<1x16xf32>
      tpu.vector_store %arg9[%parallel_loop3A_619, %parallel_loop3A_620], %parallel_loop3A_623 {add = true, strides = array<i32>} : memref<32x768xf32, #tpu.memory_space<vmem>>, vector<1x16xf32>,
      %parallel_loop3A_624 = arith.index_cast %parallel_loop3A_218 : i32 to index
      %parallel_loop3A_625 = arith.constant 720 : index
      %parallel_loop3A_626 = tpu.vector_load %arg11[%parallel_loop3A_624, %parallel_loop3A_625] {strides = array<i32>} : memref<32x768xf32, #tpu.memory_space<vmem>>, vector<1x16xf32>,
      %parallel_loop3A_627 = vector.shape_cast %parallel_loop3A_626 : vector<1x16xf32> to vector<16xf32>
      %parallel_loop3A_628 = arith.index_cast %parallel_loop3A_218 : i32 to index
      %parallel_loop3A_629 = arith.constant 720 : index
      %parallel_loop3A_630 = tpu.vector_load %arg9[%parallel_loop3A_628, %parallel_loop3A_629] {strides = array<i32>} : memref<32x768xf32, #tpu.memory_space<vmem>>, vector<1x16xf32>,
      %parallel_loop3A_631 = vector.shape_cast %parallel_loop3A_630 : vector<1x16xf32> to vector<16xf32>
      %parallel_loop3A_632 = vector.shape_cast %parallel_loop3A_627 : vector<16xf32> to vector<1x16xf32>
      tpu.vector_store %arg9[%parallel_loop3A_628, %parallel_loop3A_629], %parallel_loop3A_632 {add = true, strides = array<i32>} : memref<32x768xf32, #tpu.memory_space<vmem>>, vector<1x16xf32>,
      %parallel_loop3A_633 = arith.index_cast %parallel_loop3A_218 : i32 to index
      %parallel_loop3A_634 = arith.constant 736 : index
      %parallel_loop3A_635 = tpu.vector_load %arg11[%parallel_loop3A_633, %parallel_loop3A_634] {strides = array<i32>} : memref<32x768xf32, #tpu.memory_space<vmem>>, vector<1x16xf32>,
      %parallel_loop3A_636 = vector.shape_cast %parallel_loop3A_635 : vector<1x16xf32> to vector<16xf32>
      %parallel_loop3A_637 = arith.index_cast %parallel_loop3A_218 : i32 to index
      %parallel_loop3A_638 = arith.constant 736 : index
      %parallel_loop3A_639 = tpu.vector_load %arg9[%parallel_loop3A_637, %parallel_loop3A_638] {strides = array<i32>} : memref<32x768xf32, #tpu.memory_space<vmem>>, vector<1x16xf32>,
      %parallel_loop3A_640 = vector.shape_cast %parallel_loop3A_639 : vector<1x16xf32> to vector<16xf32>
      %parallel_loop3A_641 = vector.shape_cast %parallel_loop3A_636 : vector<16xf32> to vector<1x16xf32>
      tpu.vector_store %arg9[%parallel_loop3A_637, %parallel_loop3A_638], %parallel_loop3A_641 {add = true, strides = array<i32>} : memref<32x768xf32, #tpu.memory_space<vmem>>, vector<1x16xf32>,
      %parallel_loop3A_642 = arith.index_cast %parallel_loop3A_218 : i32 to index
      %parallel_loop3A_643 = arith.constant 752 : index
      %parallel_loop3A_644 = tpu.vector_load %arg11[%parallel_loop3A_642, %parallel_loop3A_643] {strides = array<i32>} : memref<32x768xf32, #tpu.memory_space<vmem>>, vector<1x16xf32>,
      %parallel_loop3A_645 = vector.shape_cast %parallel_loop3A_644 : vector<1x16xf32> to vector<16xf32>
      %parallel_loop3A_646 = arith.index_cast %parallel_loop3A_218 : i32 to index
      %parallel_loop3A_647 = arith.constant 752 : index
      %parallel_loop3A_648 = tpu.vector_load %arg9[%parallel_loop3A_646, %parallel_loop3A_647] {strides = array<i32>} : memref<32x768xf32, #tpu.memory_space<vmem>>, vector<1x16xf32>,
      %parallel_loop3A_649 = vector.shape_cast %parallel_loop3A_648 : vector<1x16xf32> to vector<16xf32>
      %parallel_loop3A_650 = vector.shape_cast %parallel_loop3A_645 : vector<16xf32> to vector<1x16xf32>
      tpu.vector_store %arg9[%parallel_loop3A_646, %parallel_loop3A_647], %parallel_loop3A_650 {add = true, strides = array<i32>} : memref<32x768xf32, #tpu.memory_space<vmem>>, vector<1x16xf32>,
    } {sc.loop_unroll_factor = 2 : i64, sc.parallel_access}
    %add3A_200 = arith.constant 96 : i32
    %add3A_201 = arith.addi %mul3A_2, %add3A_200 : i32
    %dma_start3A_202 = arith.constant 0 : i32
    %dma_start3A_203 = tpu.memref_slice %arg5[%add3A_201, %dma_start3A_202] : memref<4096x768xf32, #tpu.memory_space<hbm>> -> memref<32x768xf32, #tpu.memory_space<hbm>>
    %dma_start3A_204 = arith.constant 0 : i32
    %dma_start3A_205 = tpu.memref_slice %arg5[%add3A_201, %dma_start3A_204] : memref<4096x768xf32, #tpu.memory_space<hbm>> -> memref<32x768xf32, #tpu.memory_space<hbm>>
    tpu.enqueue_dma source(%arg9 : memref<32x768xf32, #tpu.memory_space<vmem>>) target(%dma_start3A_205 : memref<32x768xf32, #tpu.memory_space<hbm>>) target_semaphore(%arg17 : memref<!tpu.dma_semaphore, #tpu.memory_space<semaphore_mem>>)
    %dma_wait3A_206 = arith.constant 0 : i32
    %dma_wait3A_207 = arith.constant 0 : i32
    %dma_wait3A_208 = tpu.memref_slice %arg5[%dma_wait3A_206, %dma_wait3A_207] : memref<4096x768xf32, #tpu.memory_space<hbm>> -> memref<32x768xf32, #tpu.memory_space<hbm>>
    %dma_wait3A_209 = arith.constant 0 : i32
    %dma_wait3A_210 = arith.constant 0 : i32
    %dma_wait3A_211 = tpu.memref_slice %arg5[%dma_wait3A_209, %dma_wait3A_210] : memref<4096x768xf32, #tpu.memory_space<hbm>> -> memref<32x768xf32, #tpu.memory_space<hbm>>
    tpu.wait_dma2 semaphore(%arg16 : memref<!tpu.dma_semaphore, #tpu.memory_space<semaphore_mem>>) src(%arg8 : memref<32x768xf32, #tpu.memory_space<vmem>>) dst(%dma_wait3A_211 : memref<32x768xf32, #tpu.memory_space<hbm>>)
    %dma_wait3A_212 = arith.constant 0 : i32
    %dma_wait3A_213 = arith.constant 0 : i32
    %dma_wait3A_214 = tpu.memref_slice %arg5[%dma_wait3A_212, %dma_wait3A_213] : memref<4096x768xf32, #tpu.memory_space<hbm>> -> memref<32x768xf32, #tpu.memory_space<hbm>>
    %dma_wait3A_215 = arith.constant 0 : i32
    %dma_wait3A_216 = arith.constant 0 : i32
    %dma_wait3A_217 = tpu.memref_slice %arg5[%dma_wait3A_215, %dma_wait3A_216] : memref<4096x768xf32, #tpu.memory_space<hbm>> -> memref<32x768xf32, #tpu.memory_space<hbm>>
    tpu.wait_dma2 semaphore(%arg17 : memref<!tpu.dma_semaphore, #tpu.memory_space<semaphore_mem>>) src(%arg9 : memref<32x768xf32, #tpu.memory_space<vmem>>) dst(%dma_wait3A_217 : memref<32x768xf32, #tpu.memory_space<hbm>>)
    return
  }
}

module attributes {stable_mosaic.version = 14 : i64} {
  func.func @_table_body(%arg0: memref<8x16x768xf32, #tpu.memory_space<vmem>>, %arg1: memref<256x768xf32, #tpu.memory_space<vmem>>) attributes {dimension_semantics = [], scalar_prefetch = 0 : i64, scratch_operands = 0 : i64, tpu.core_type = #tpu.core_type<tc>} {
    %get3A = arith.constant 0 : index
    %get3A_0 = arith.constant 0 : index
    %get3A_1 = arith.constant 0 : index
    %get3A_2 = vector.load %arg0[%get3A, %get3A_0, %get3A_1] : memref<8x16x768xf32, #tpu.memory_space<vmem>>, vector<8x16x768xf32>
    %reduce_sum3A = arith.constant dense<0.000000e+00> : vector<8x768xf32>
    %reduce_sum3A_3 = vector.multi_reduction <add>, %get3A_2, %reduce_sum3A [1] : vector<8x16x768xf32> to vector<8x768xf32>
    %mul3A = arith.constant 3.125000e-02 : f32
    %mul3A_4 = vector.broadcast %mul3A : f32 to vector<8x768xf32>
    %mul3A_5 = arith.mulf %reduce_sum3A_3, %mul3A_4 : vector<8x768xf32>
    %broadcast_in_dim3A = vector.shape_cast %mul3A_5 : vector<8x768xf32> to vector<1x8x768xf32>
    %broadcast_in_dim3A_6 = vector.broadcast %broadcast_in_dim3A : vector<1x8x768xf32> to vector<32x8x768xf32>
    %reshape3A = vector.shape_cast %broadcast_in_dim3A_6 : vector<32x8x768xf32> to vector<256x768xf32>
    %swap3A = arith.constant 0 : index
    %swap3A_7 = arith.constant 0 : index
    %swap3A_8 = vector.load %arg1[%swap3A, %swap3A_7] : memref<256x768xf32, #tpu.memory_space<vmem>>, vector<256x768xf32>
    tpu.vector_store %arg1[%swap3A, %swap3A_7], %reshape3A {strides = array<i32>} : memref<256x768xf32, #tpu.memory_space<vmem>>, vector<256x768xf32>,
    return
  }
}

</mosaic_0001>

<sc_bundles>
// kernel: kernel.4.cloned.1.call-start
scs
__scs_entry_jumppad:
0x0: {  	(pc) =	sbr.rel $0x88, $3  }
0x1: {  	(tag) =	ssettag $0x0;
	lr =	simm.s32 $0x1  }
0x2: {  	[smem:$0x3F9E] =	sst lr;
	_ =	strace $0xD0000000  }
0x3: {  	_ = 	snop  }
0x4: {  	_ = 	snop  }
0x5: {  	_ = 	snop  }
0x6: {  	_ = 	snop  }
0x7: {  	_ = 	snop  }
__scs_overlays_trampoline_lowered:
0x8: {  	[smem:$0x3FAD] =	sst s0  }
0x9: {  	[smem:$0x3FAE] =	sst s1  }
0xa: {  	[smem:$0x3FAF] =	sst s2  }
0xb: {  	[smem:$0x3FB0] =	sst s3  }
0xc: {  	[smem:$0x3FB1] =	sst s4  }
0xd: {  	[smem:$0x3FB2] =	sst s5  }
0xe: {  	[smem:$0x3FB3] =	sst s6  }
0xf: {  	[smem:$0x3FB4] =	sst s7  }
0x10: {  	[smem:$0x3FB5] =	sst s8  }
0x11: {  	[smem:$0x3FB6] =	sst s9;
	s0 =	simm.s32 @!p0 $0x0  }
0x12: {  	s1 =	sld [smem:$0x3F9C];
	s0 =	simm.s32 @p0 $0x1  }
0x13: {  	[smem:$0x3FB7] =	sst s0;
	s0 =	simm.s32 @!p1 $0x0  }
0x14: {  	s2 =	sld [smem:$0x3F9B];
	s0 =	simm.s32 @p1 $0x1  }
0x15: {  	[smem:$0x3FB8] =	sst s0;
	s0 =	simm.s32 @!p2 $0x0  }
0x16: {  	s3 =	sld [smem:$0x3FDB];
	s0 =	simm.s32 @p2 $0x1  }
0x17: {  	s4 =	simm.s32 $0x1BF5;
	[smem:$0x3FBA] =	sst s0  }
0x18: {  	s0 =	sld [smem:$0x3F9D];
	_ =	swait.ge [sflag:s4], $0x0  }
0x19: {  	s7 =	sld [smem:$0x3F9E]  }
0x1a: {  	s8 =	sadd.s32 $0xFFFFE003, lr  }
0x1b: {  	s9 =	sadd.s32 $0xFFFFFEF7, lr;
	s5 =	simm.s32 $0xFFFFFFFF;
	p2 =	slt.u32 s8, $0xFFFFF086  }
0x1c: {  	p1 =	slt.u32 s9, $0xF7A;
	s5 =	simm.s32 @!p2 $0x0  }
0x1d: {  	s5 =	simm.s32 @p1 $0x1;
	p0 =	seq.s32 s7, s2  }
0x1e: {  	s7 =	smul.u32 @!p0 $0xF7A, s2;
	p2 =	seq.s32 @!p0 s5, $0x0  }
0x1f: {  	s9 =	smul.u32 $0xF7A, s1;
	s8 =	simm.s32 @!p0 $0x1BF5;
	p2 =	por !p2, p0  }
0x20: {  	[sflag:s8] =	ssyncset.s32 @!p0 $0xFFFFF086;
	s6 =	sadd.s32 @!p0 s3, s7;
	s7 =	simm.s32 @!p0 $0x108  }
0x21: {  	s3 =	sadd.s32 s3, s9;
	s6 =	sadd.s32 @!p0 $0x88, s6;
	s7 =	simm.s32 @p2 $0x1082  }
0x22: {  	[simem:s7], [sflag:s8] =	dma.local @!p0 [hbm:s6], $0xF7A  }
0x23: {  	s9 =	sor.u32 $0xD0000000, s2;
	s6 =	simm.s32 $0x108;
	_ =	swait.ge @!p0 [sflag:s8], $0x0  }
0x24: {  	s3 =	sadd.s32 $0x88, s3;
	s6 =	simm.s32 @!p1 $0x1082;
	[sflag:s4] =	ssyncset.s32 $0xFFFFF086  }
0x25: {  	[simem:s6], [sflag:s4] =	dma.local [hbm:s3], $0xF7A  }
0x26: {  	[smem:$0x3F9E] =	sst s1;
	(tag) =	ssettag s2;
	_ =	strace s9  }
0x27: {  	s1 =	sld [smem:$0x3FAE]  }
0x28: {  	s2 =	sld [smem:$0x3FAF]  }
0x29: {  	s4 =	sld [smem:$0x3FB1]  }
0x2a: {  	p0 =	seq.s32 s5, $0x0;
	s5 =	sld [smem:$0x3FB2]  }
0x2b: {  	s6 =	sld [smem:$0x3FB3]  }
0x2c: {  	s7 =	sld [smem:$0x3FB4]  }
0x2d: {  	s3 =	simm.s32 $0x108;
	s8 =	sld [smem:$0x3FB5]  }
0x2e: {  	s3 =	simm.s32 @!p0 $0x1082;
	s9 =	sld [smem:$0x3FB6]  }
0x2f: {  	lr =	sadd.s32 s0, s3;
	s0 =	sld [smem:$0x3FAD]  }
0x30: {  	s3 =	sld [smem:$0x3FB0]  }
0x31: {  	[smem:$0x3FB9] =	sst s10  }
0x32: {  	s10 =	sld [smem:$0x3FB7];
	_ =	sdelay $0x3  }
0x33: {  	p0 =	seq.s32 s10, $0x1;
	s10 =	sld [smem:$0x3FB9];
	_ =	sdelay $0x3  }
0x34: {  	[smem:$0x3FB9] =	sst s10  }
0x35: {  	s10 =	sld [smem:$0x3FB8];
	_ =	sdelay $0x3  }
0x36: {  	p1 =	seq.s32 s10, $0x1;
	s10 =	sld [smem:$0x3FB9];
	_ =	sdelay $0x3  }
0x37: {  	[smem:$0x3FB9] =	sst s10  }
0x38: {  	s10 =	sld [smem:$0x3FBA]  }
0x39: {  	_ = 	snop;
	(pc) =	sbr.ind lr, $3  }
0x3a: {  	_ = 	snop  }
0x3b: {  	_ = 	snop  }
0x3c: {  	p2 =	seq.s32 s10, $0x1;
	s10 =	sld [smem:$0x3FB9]  }
0x3d: {  	_ =	shalt  }
0x3e: {  	_ =	shalt  }
0x3f: {  	_ =	shalt  }
0x40: {  	_ =	shalt  }
0x41: {  	_ =	shalt  }
0x42: {  	_ =	shalt  }
0x43: {  	_ =	shalt  }
0x44: {  	_ =	shalt  }
0x45: {  	_ =	shalt  }
0x46: {  	_ =	shalt  }
0x47: {  	_ =	shalt  }
0x48: {  	_ =	shalt  }
0x49: {  	_ =	shalt  }
0x4a: {  	_ =	shalt  }
0x4b: {  	_ =	shalt  }
0x4c: {  	_ =	shalt  }
0x4d: {  	_ =	shalt  }
0x4e: {  	_ =	shalt  }
0x4f: {  	_ =	shalt  }
0x50: {  	_ =	shalt  }
0x51: {  	_ =	shalt  }
0x52: {  	_ =	shalt  }
0x53: {  	_ =	shalt  }
0x54: {  	_ =	shalt  }
0x55: {  	_ =	shalt  }
0x56: {  	_ =	shalt  }
0x57: {  	_ =	shalt  }
0x58: {  	_ =	shalt  }
0x59: {  	_ =	shalt  }
0x5a: {  	_ =	shalt  }
0x5b: {  	_ =	shalt  }
0x5c: {  	_ =	shalt  }
0x5d: {  	_ =	shalt  }
0x5e: {  	_ =	shalt  }
0x5f: {  	_ =	shalt  }
0x60: {  	_ =	shalt  }
0x61: {  	_ =	shalt  }
0x62: {  	_ =	shalt  }
0x63: {  	_ =	shalt  }
0x64: {  	_ =	shalt  }
0x65: {  	_ =	shalt  }
0x66: {  	_ =	shalt  }
0x67: {  	_ =	shalt  }
0x68: {  	_ =	shalt  }
0x69: {  	_ =	shalt  }
0x6a: {  	_ =	shalt  }
0x6b: {  	_ =	shalt  }
0x6c: {  	_ =	shalt  }
0x6d: {  	_ =	shalt  }
0x6e: {  	_ =	shalt  }
0x6f: {  	_ =	shalt  }
0x70: {  	_ =	shalt  }
0x71: {  	_ =	shalt  }
0x72: {  	_ =	shalt  }
0x73: {  	_ =	shalt  }
0x74: {  	_ =	shalt  }
0x75: {  	_ =	shalt  }
0x76: {  	_ =	shalt  }
0x77: {  	_ =	shalt  }
0x78: {  	_ =	shalt  }
0x79: {  	_ =	shalt  }
0x7a: {  	_ =	shalt  }
0x7b: {  	_ =	shalt  }
0x7c: {  	_ =	shalt  }
0x7d: {  	_ =	shalt  }
0x7e: {  	_ =	shalt  }
0x7f: {  	_ =	shalt  }
0x80: {  	_ =	shalt  }
0x81: {  	_ =	shalt  }
0x82: {  	_ =	shalt  }
0x83: {  	_ =	shalt  }
0x84: {  	_ =	shalt  }
0x85: {  	_ =	shalt  }
0x86: {  	_ =	shalt  }
0x87: {  	_ =	shalt  }
.Lfunc_end0:
.L_simem_size_0:
called_computation_lowered:
.L_overlay_start_0:
0x88: {  	s2 =	sld [smem:$0x3FD9]  }
0x89: {  	s3 =	sld [smem:$0x3FFE];
	_ =	sdelay $0x1  }
0x8a: {  	s1 =	srdreg.scid  }
0x8b: {  	s0 =	sand.u32 $0x1, s1  }
0x8c: {  	s17 =	sshll.u32 s0, $0xA;
	s2 =	sadd.s32 s3, s2  }
0x8d: {  	s2 =	sadd.s32 s2, s17  }
0x8e: {  	[smem:$0x3FC5] =	sst s2  }
0x8f: {  	_ = 	snop  }
0x90: {  	s2 =	sld [smem:$0x3FC9]  }
0x91: {  	s18 =	sld [smem:$0x3FC8]  }
0x92: {  	s4 =	sld [smem:$0x3FD0];
	(tm) =	ssettm $0x1  }
0x93: {  	s5 =	sld [smem:$0x3FFB];
	_ =	sdelay $0x3  }
0x94: {  	_ =	strace s5  }
0x95: {  	s5 =	sld [smem:$0x3FFC];
	_ =	sdelay $0x3  }
0x96: {  	_ =	strace s5  }
0x97: {  	s5 =	sld [smem:$0x3FFD];
	_ =	sdelay $0x3  }
0x98: {  	_ =	strace s5  }
0x99: {  	_ =	strace $0x8FFFFFFF  }
0x9a: {  	s19 =	sld [smem:$0x3FDB];
	_ =	sdelay $0x1  }
0x9b: {  	s6 =	simm.s32 $_scs_section_size  }
0x9c: {  	s7 =	simm.s32 $_size__tile_overlayer_lowered;
	s8 =	simm.s32 $_tile_overlayer_lowered  }
0x9d: {  	s22 =	simm.s32 $0x1BFF;
	s21 =	sshll.u32 s8, $0x1;
	s5 =	sadd.s32 s6, s19  }
0x9e: {  	s9 =	simm.s32 $0x0;
	s20 =	sshll.u32 s7, $0x1;
	s7 =	sadd.s32 s21, s5  }
0x9f: {  	[timem:s9], [sflag:s22] =	dma.local [hbm:s7], s20  }
0xa0: {  	_ =	swait.ge [sflag:s22], s20  }
0xa1: {  	s6 =	ssub.s32 $0x0, s20;
	[sflag:s22] =	ssyncset.done $0x0  }
0xa2: {  	[sflag:s22] =	ssyncadd.s32 s6;
	_ =	sdelay $0x1  }
0xa3: {  	s23 =	simm.s32 $0x1B8B  }
0xa4: {  	_ =	swait.ge [sflag:s23], $0x1  }
0xa5: {  	[sflag:s23] =	ssyncset.done $0x0  }
0xa6: {  	s25 =	simm.s32 $0x1B8E;
	s24 =	sld [smem:$0x3FFE];
	[sflag:s23] =	ssyncadd.s32 $0xFFFFFFFF  }
0xa7: {  	s26 =	simm.s32 $execute0_lowered;
	[smem:$0x3FD2] =	sst s25  }
0xa8: {  	s7 =	sshll.u32 s26, $0x1;
	_ =	strace $0x80000046;
	[dreg:$0x1] =	wrdreg $0xFFFFFFFF  }
0xa9: {  	s28 =	simm.s32 $_size_execute0_lowered;
	s5 =	sadd.s32 s5, s7;
	[dreg:$0x0] =	wrdreg $0x0  }
0xaa: {  	s7 =	sshll.u32 s28, $0x1;
	[dreg:$0x2] =	wrdreg s5  }
0xab: {  	[dreg:$0x3] =	wrdreg s7  }
0xac: {  	[dreg:$0x4] =	wrdreg $0xC0  }
0xad: {  	_ =	task [dreg:s9], $0x5FFFF  }
0xae: {  	[dreg:$0x1] =	wrdreg $0xFFFFFFFF  }
0xaf: {  	[dreg:$0x0] =	wrdreg $0x60  }
0xb0: {  	[dreg:$0x2] =	wrdreg s2  }
0xb1: {  	[dreg:$0x3] =	wrdreg s18  }
0xb2: {  	[dreg:$0x4] =	wrdreg s24  }
0xb3: {  	[dreg:$0x5] =	wrdreg s4  }
0xb4: {  	[dreg:$0x6] =	wrdreg $0x9  }
0xb5: {  	_ =	task.clear_ibuf [dreg:s9], $0x7FFFF;
	_ =	strace $0x90000046  }
0xb6: {  	s29 =	simm.s32 $0x9;
	_ =	strace $0x80000048  }
0xb7: {  	_ =	swait.ge [sflag:s29], $0x1  }
0xb8: {  	[sflag:s29] =	ssyncadd.s32 $0xFFFFFFFF  }
0xb9: {  	_ =	strace $0x90000048  }
0xba: {  	_ =	sfence  }
0xbb: {  	s30 =	sld [smem:$0x0];
	_ =	sdelay $0x2  }
0xbc: {  	s31 =	sshll.u32 s1, $0xD;
	s1 =	sshrl.u32 s1, $0x2  }
0xbd: {  	s3 =	sand.u32 $0x4000, s31;
	s1 =	sadd.s32 s1, s30  }
0xbe: {  	s0 =	sor.u32 s3, s0;
	s1 =	sshll.u32 s1, $0x11  }
0xbf: {  	s0 =	sor.u32 s1, s0  }
0xc0: {  	s0 =	sadd.s32 $0x8F2B, s0  }
0xc1: {  	[sflag:s0] =	ssyncadd.remote.s32 $0x1  }
0xc2: {  	_ =	sfence.sel $0xFFFF  }
0xc3: {  	[dreg:$0x0] =	wrdreg $0xFFFFFFFF;
	(pc) =	sbr.abs _section_cstart, $3  }
0xc4: {  	[dreg:$0x1] =	wrdreg $0xFFFFFFFF  }
0xc5: {  	_ =	task.clear_ibuf [dreg:s9], $0x2FFFF;
	_ =	strace $0x9FFFFFFF  }
0xc6: {  	(tm) =	ssettm $0x7FFFFFFF  }
0xc7: {  	_ =	shalt  }
tec
execute0_lowered:
.L_overlay_start_1:
0x0: {  	(tag) =	ssettag $0x1  }
0x1: {  	s0 =	rddreg [dreg:$0x0]  }
0x2: {  	s1 =	rddreg [dreg:$0x1]  }
0x3: {  	s4 =	rddreg [dreg:$0x2]  }
0x4: {  	s5 =	rddreg [dreg:$0x3];
	s2 =	simm.s32 $0x0;
	s3 =	srdreg.scid  }
0x5: {  	s8 =	stileid.u32;
	s28 =	simm.s32 $0x4;
	s29 =	simm.s32 $0x6  }
0x6: {  	s30 =	simm.s32 $0x0;
	[smem:$0x7FF] =	sst s2;
	s6 =	sand.u32 $0x1, s3  }
0x7: {  	s8 =	sshll.u32 s8, $0x1;
	s3 =	sadd.s32 $0x800, s4;
	s7 =	ssub.s32 $0x2, s6  }
0x8: {  	_ =	strace $0x80000047;
	s6 =	sor.u32 s6, s8;
	s9 =	sshrl.u32 s7, $0x1  }
0x9: {  	s20 =	sshll.u32 s6, $0x4;
	s10 =	smul.u32 $0x3000, s6;
	s11 =	sshll.u32 s6, $0x3  }
0xa: {  	s6 =	sadd.s32 $0x900, s4;
	s19 =	ssub.s32 s7, s9;
	s21 =	sadd.s32 s1, s20  }
0xb: {  	s12 =	sor.u32 $0x4, s20;
	s7 =	sadd.s32 $0xA00, s4;
	s24 =	sor.u32 $0x8, s20  }
0xc: {  	s9 =	sor.u32 $0xC, s20;
	s20 =	simm.s32 $0x100;
	[dreg:$0x5] =	wrdreg s21  }
0xd: {  	s22 =	sadd.s32 s0, s10;
	s13 =	smul.u32 $0x300, s12;
	s23 =	sadd.s32 s1, s12  }
0xe: {  	s16 =	smul.u32 $0x300, s24;
	s10 =	sadd.s32 s5, s10;
	[dreg:$0x6] =	wrdreg s22  }
0xf: {  	s4 =	sadd.s32 s1, s24;
	s26 =	smul.u32 $0x300, s9;
	[dreg:$0x7] =	wrdreg s23  }
0x10: {  	s14 =	sadd.s32 s1, s9;
	s18 =	smax.u32 s19, $0x1;
	[dreg:$0x9] =	wrdreg s10  }
0x11: {  	s19 =	simm.s32 $0x7;
	s24 =	simm.s32 $0x3;
	[dreg:$0xa] =	wrdreg s4  }
0x12: {  	s22 =	simm.s32 $0x6100;
	s4 =	simm.s32 $0x2;
	s25 =	sadd.s32 s0, s13  }
0x13: {  	v3 =	vlaneseq.u32;
	s31 =	sadd.s32 s0, s16;
	s13 =	sadd.s32 s5, s13;
	s15 =	sadd.s32 s0, s26  }
0x14: {  	vm0 =	vmmov $0xffff;
	v1 =	vand.u32 $0x7, v3;
	v2 =	vshrl.u32 v3, $0x3;
	s16 =	sadd.s32 s5, s16;
	s17 =	sadd.s32 s5, s26;
	[dreg:$0x8] =	wrdreg s25  }
0x15: {  	v3 =	vor.u32 $0x8, v3;
	v2 =	vmul.u32 $0x8, v2;
	v0 =	vmov s11;
	s26 =	simm.s32 $0x5;
	[dreg:$0xb] =	wrdreg s31;
	s25 =	simm.s32 $0x1  }
.LBB2_1:
0x16: {  	s0 =	rddreg [dreg:$0x5]  }
0x17: {  	[tilespmem:s2], [sflag:$0x7] =	stream.linear.gather [hbm4b:s0+s2], $0x20, $0x38;
	[tilespmem:$0x18100] =	vst v63  }
0x18: {  	_ =	swait.ge [sflag:s19], $0x20  }
0x19: {  	[sflag:s19] =	ssyncset.done $0x0  }
0x1a: {  	[sflag:s19] =	ssyncadd.s32 $0xFFFFFFE0  }
0x1b: {  	v4 =	vld [tilespmem:$0x0]  }
0x1c: {  	v5 =	vld [tilespmem:$0x10];
	_ =	sdelay $0x3  }
0x1d: {  	v4 =	vadd.s32 v0, v4  }
0x1e: {  	[tilespmem:$0x0] =	vst v4;
	v4 =	vadd.s32 v0, v5  }
0x1f: {  	s12 =	rddreg [dreg:$0x6];
	[tilespmem:$0x10] =	vst v4  }
0x20: {  	[tilespmem:s20], [sflag:$0x3] =	stream.linear.gather [hbm4b:s12+s2], $0x6000, $0x38;
	[tilespmem:$0x18100] =	vst v63  }
0x21: {  	v4 =	vld [tilespmem:$0x0];
	_ =	sdelay $0x4  }
0x22: {  	v5 =	vshrl.u32 v4, $0x3  }
0x23: {  	v5 =	vmul.u32 $0x30, v5  }
0x24: {  	v4 =	vand.u32 $0x7, v4  }
0x25: {  	v4 =	vor.u32 v4, v5  }
0x26: {  	v5 =	vperm.xlane v4, v1;
	_ =	sdelay $0x1  }
0x27: {  	v5 =	vadd.s32 v2, v5;
	_ =	sdelay $0x3  }
0x28: {  	s21 =	simm.s32 $0xC100;
	v4 =	vperm.xlane v4, v3  }
0x29: {  	[tilespmem:s21], [sflag:$0x1] =	stream.indirect_vreg.gather [hbm4b:s3+s2], $0x80, v5, vm0, $0xb8;
	[tilespmem:$0x18100] =	vst v63  }
0x2a: {  	s23 =	simm.s32 $0xC900;
	v4 =	vadd.s32 v2, v4  }
0x2b: {  	[tilespmem:s23], [sflag:$0x1] =	stream.indirect_vreg.gather [hbm4b:s6+s2], $0x80, v5, vm0, $0xb8;
	[tilespmem:$0x18100] =	vst v63  }
0x2c: {  	s1 =	simm.s32 $0xD100  }
0x2d: {  	[tilespmem:s1], [sflag:$0x1] =	stream.indirect_vreg.gather [hbm4b:s7+s2], $0x80, v5, vm0, $0xb8;
	[tilespmem:$0x18100] =	vst v63  }
0x2e: {  	s5 =	simm.s32 $0xD900  }
0x2f: {  	[tilespmem:s5], [sflag:$0x1] =	stream.indirect_vreg.gather [hbm4b:s3+s2], $0x80, v4, vm0, $0xb8;
	[tilespmem:$0x18100] =	vst v63  }
0x30: {  	s8 =	simm.s32 $0xE100  }
0x31: {  	[tilespmem:s8], [sflag:$0x1] =	stream.indirect_vreg.gather [hbm4b:s6+s2], $0x80, v4, vm0, $0xb8;
	[tilespmem:$0x18100] =	vst v63  }
0x32: {  	s9 =	simm.s32 $0xE900  }
0x33: {  	[tilespmem:s9], [sflag:$0x1] =	stream.indirect_vreg.gather [hbm4b:s7+s2], $0x80, v4, vm0, $0xb8;
	[tilespmem:$0x18100] =	vst v63  }
0x34: {  	v4 =	vld [tilespmem:$0x10];
	_ =	sdelay $0x4  }
0x35: {  	v5 =	vshrl.u32 v4, $0x3  }
0x36: {  	v5 =	vmul.u32 $0x30, v5  }
0x37: {  	v4 =	vand.u32 $0x7, v4  }
0x38: {  	v4 =	vor.u32 v4, v5  }
0x39: {  	v5 =	vperm.xlane v4, v1;
	_ =	sdelay $0x1  }
0x3a: {  	v5 =	vadd.s32 v2, v5;
	_ =	sdelay $0x3  }
0x3b: {  	s10 =	simm.s32 $0xF100;
	v4 =	vperm.xlane v4, v3  }
0x3c: {  	[tilespmem:s10], [sflag:$0x1] =	stream.indirect_vreg.gather [hbm4b:s3+s2], $0x80, v5, vm0, $0xb8;
	[tilespmem:$0x18100] =	vst v63  }
0x3d: {  	s11 =	simm.s32 $0xF900;
	v4 =	vadd.s32 v2, v4  }
0x3e: {  	[tilespmem:s11], [sflag:$0x1] =	stream.indirect_vreg.gather [hbm4b:s6+s2], $0x80, v5, vm0, $0xb8;
	[tilespmem:$0x18100] =	vst v63  }
0x3f: {  	s12 =	simm.s32 $0x10100  }
0x40: {  	[tilespmem:s12], [sflag:$0x1] =	stream.indirect_vreg.gather [hbm4b:s7+s2], $0x80, v5, vm0, $0xb8;
	[tilespmem:$0x18100] =	vst v63  }
0x41: {  	s21 =	simm.s32 $0x10900  }
0x42: {  	[tilespmem:s21], [sflag:$0x1] =	stream.indirect_vreg.gather [hbm4b:s3+s2], $0x80, v4, vm0, $0xb8;
	[tilespmem:$0x18100] =	vst v63  }
0x43: {  	s23 =	simm.s32 $0x11100  }
0x44: {  	[tilespmem:s23], [sflag:$0x1] =	stream.indirect_vreg.gather [hbm4b:s6+s2], $0x80, v4, vm0, $0xb8;
	[tilespmem:$0x18100] =	vst v63  }
0x45: {  	s1 =	simm.s32 $0x11900  }
0x46: {  	[tilespmem:s1], [sflag:$0x1] =	stream.indirect_vreg.gather [hbm4b:s7+s2], $0x80, v4, vm0, $0xb8;
	[tilespmem:$0x18100] =	vst v63  }
0x47: {  	s5 =	rddreg [dreg:$0x7];
	s1 =	simm.s32 $0x80  }
0x48: {  	[tilespmem:s1], [sflag:$0x7] =	stream.linear.gather [hbm4b:s5+s2], $0x20, $0x38;
	[tilespmem:$0x18100] =	vst v63  }
0x49: {  	_ =	swait.ge [sflag:s19], $0x20  }
0x4a: {  	[sflag:s19] =	ssyncset.done $0x0  }
0x4b: {  	[sflag:s19] =	ssyncadd.s32 $0xFFFFFFE0  }
0x4c: {  	v4 =	vld [tilespmem:$0x80]  }
0x4d: {  	v5 =	vld [tilespmem:$0x90];
	_ =	sdelay $0x3  }
0x4e: {  	v4 =	vadd.s32 v0, v4  }
0x4f: {  	[tilespmem:$0x80] =	vst v4;
	v4 =	vadd.s32 v0, v5  }
0x50: {  	s8 =	rddreg [dreg:$0x8];
	[tilespmem:$0x90] =	vst v4  }
0x51: {  	[tilespmem:s22], [sflag:$0x4] =	stream.linear.gather [hbm4b:s8+s2], $0x6000, $0x38;
	[tilespmem:$0x18100] =	vst v63  }
0x52: {  	v4 =	vld [tilespmem:$0x80];
	_ =	sdelay $0x4  }
0x53: {  	v5 =	vshrl.u32 v4, $0x3  }
0x54: {  	v5 =	vmul.u32 $0x30, v5  }
0x55: {  	v4 =	vand.u32 $0x7, v4  }
0x56: {  	v4 =	vor.u32 v4, v5  }
0x57: {  	v5 =	vperm.xlane v4, v1;
	_ =	sdelay $0x1  }
0x58: {  	v5 =	vadd.s32 v2, v5;
	_ =	sdelay $0x3  }
0x59: {  	s9 =	simm.s32 $0x12100;
	v4 =	vperm.xlane v4, v3  }
0x5a: {  	[tilespmem:s9], [sflag:$0x2] =	stream.indirect_vreg.gather [hbm4b:s3+s2], $0x80, v5, vm0, $0xb8;
	[tilespmem:$0x18100] =	vst v63  }
0x5b: {  	s10 =	simm.s32 $0x12900;
	v4 =	vadd.s32 v2, v4  }
0x5c: {  	[tilespmem:s10], [sflag:$0x2] =	stream.indirect_vreg.gather [hbm4b:s6+s2], $0x80, v5, vm0, $0xb8;
	[tilespmem:$0x18100] =	vst v63  }
0x5d: {  	s11 =	simm.s32 $0x13100  }
0x5e: {  	[tilespmem:s11], [sflag:$0x2] =	stream.indirect_vreg.gather [hbm4b:s7+s2], $0x80, v5, vm0, $0xb8;
	[tilespmem:$0x18100] =	vst v63  }
0x5f: {  	s12 =	simm.s32 $0x13900  }
0x60: {  	[tilespmem:s12], [sflag:$0x2] =	stream.indirect_vreg.gather [hbm4b:s3+s2], $0x80, v4, vm0, $0xb8;
	[tilespmem:$0x18100] =	vst v63  }
0x61: {  	s21 =	simm.s32 $0x14100  }
0x62: {  	[tilespmem:s21], [sflag:$0x2] =	stream.indirect_vreg.gather [hbm4b:s6+s2], $0x80, v4, vm0, $0xb8;
	[tilespmem:$0x18100] =	vst v63  }
0x63: {  	s23 =	simm.s32 $0x14900  }
0x64: {  	[tilespmem:s23], [sflag:$0x2] =	stream.indirect_vreg.gather [hbm4b:s7+s2], $0x80, v4, vm0, $0xb8;
	[tilespmem:$0x18100] =	vst v63  }
0x65: {  	v4 =	vld [tilespmem:$0x90];
	_ =	sdelay $0x4  }
0x66: {  	v5 =	vshrl.u32 v4, $0x3  }
0x67: {  	v5 =	vmul.u32 $0x30, v5  }
0x68: {  	v4 =	vand.u32 $0x7, v4  }
0x69: {  	v4 =	vor.u32 v4, v5  }
0x6a: {  	v5 =	vperm.xlane v4, v1;
	_ =	sdelay $0x1  }
0x6b: {  	v5 =	vadd.s32 v2, v5;
	_ =	sdelay $0x3  }
0x6c: {  	s1 =	simm.s32 $0x15100;
	v4 =	vperm.xlane v4, v3  }
0x6d: {  	[tilespmem:s1], [sflag:$0x2] =	stream.indirect_vreg.gather [hbm4b:s3+s2], $0x80, v5, vm0, $0xb8;
	[tilespmem:$0x18100] =	vst v63  }
0x6e: {  	s5 =	simm.s32 $0x15900;
	v4 =	vadd.s32 v2, v4  }
0x6f: {  	[tilespmem:s5], [sflag:$0x2] =	stream.indirect_vreg.gather [hbm4b:s6+s2], $0x80, v5, vm0, $0xb8;
	[tilespmem:$0x18100] =	vst v63  }
0x70: {  	s8 =	simm.s32 $0x16100  }
0x71: {  	[tilespmem:s8], [sflag:$0x2] =	stream.indirect_vreg.gather [hbm4b:s7+s2], $0x80, v5, vm0, $0xb8;
	[tilespmem:$0x18100] =	vst v63  }
0x72: {  	s9 =	simm.s32 $0x16900  }
0x73: {  	[tilespmem:s9], [sflag:$0x2] =	stream.indirect_vreg.gather [hbm4b:s3+s2], $0x80, v4, vm0, $0xb8;
	[tilespmem:$0x18100] =	vst v63  }
0x74: {  	s10 =	simm.s32 $0x17100  }
0x75: {  	[tilespmem:s10], [sflag:$0x2] =	stream.indirect_vreg.gather [hbm4b:s6+s2], $0x80, v4, vm0, $0xb8;
	[tilespmem:$0x18100] =	vst v63  }
0x76: {  	s11 =	simm.s32 $0x17900  }
0x77: {  	[tilespmem:s11], [sflag:$0x2] =	stream.indirect_vreg.gather [hbm4b:s7+s2], $0x80, v4, vm0, $0xb8;
	[tilespmem:$0x18100] =	vst v63  }
0x78: {  	_ =	swait.ge [sflag:s24], $0x6000  }
0x79: {  	[sflag:s24] =	ssyncset.done $0x0  }
0x7a: {  	s12 =	simm.s32 $0x0;
	[sflag:s24] =	ssyncadd.s32 $0xFFFFA000  }
0x7b: {  	s0 =	smul.u32 $0x1800, s12;
	s1 =	sand.u32 $0x300, s2;
	_ =	swait.ge [sflag:s25], $0x6000  }
0x7c: {  	s5 =	sor.u32 $0x80, s1;
	[sflag:s25] =	ssyncset.done $0x0  }
0x7d: {  	s8 =	sor.u32 s0, s5;
	[sflag:s25] =	ssyncadd.s32 $0xFFFFA000  }
0x7e: {  	v4 =	vld [tilespmem:s8+$0xC100]  }
0x7f: {  	v5 =	vld [tilespmem:s8+$0xC110]  }
0x80: {  	v6 =	vld [tilespmem:s8+$0xC120]  }
0x81: {  	v7 =	vld [tilespmem:s8+$0xC130]  }
0x82: {  	v8 =	vld [tilespmem:s8+$0xC140]  }
0x83: {  	v9 =	vld [tilespmem:s8+$0xC150]  }
0x84: {  	v10 =	vld [tilespmem:s8+$0xC160]  }
0x85: {  	v11 =	vld [tilespmem:s8+$0xC170]  }
0x86: {  	v12 =	vld [tilespmem:s8+$0xC500]  }
0x87: {  	v13 =	vld [tilespmem:s8+$0xC510]  }
0x88: {  	v14 =	vld [tilespmem:s8+$0xC520]  }
0x89: {  	v15 =	vld [tilespmem:s8+$0xC530]  }
0x8a: {  	v16 =	vld [tilespmem:s8+$0xC540]  }
0x8b: {  	v17 =	vld [tilespmem:s8+$0xC550]  }
0x8c: {  	v18 =	vld [tilespmem:s8+$0xC560]  }
0x8d: {  	s23 =	sor.u32 s1, s0;
	v19 =	vld [tilespmem:s8+$0xC570]  }
0x8e: {  	v54 =	vld [tilespmem:s23+$0xC500]  }
0x8f: {  	v55 =	vld [tilespmem:s23+$0xC510]  }
0x90: {  	v56 =	vld [tilespmem:s23+$0xC520]  }
0x91: {  	v57 =	vld [tilespmem:s23+$0xC530]  }
0x92: {  	v58 =	vld [tilespmem:s23+$0xC540]  }
0x93: {  	v59 =	vld [tilespmem:s23+$0xC550]  }
0x94: {  	v60 =	vld [tilespmem:s23+$0xC560]  }
0x95: {  	v61 =	vld [tilespmem:s23+$0xC570]  }
0x96: {  	[tilespmem:s8+$0x100] =	vst.add.f32.msk $0xffff, v4  }
0x97: {  	[tilespmem:s8+$0x110] =	vst.add.f32.msk $0xffff, v5  }
0x98: {  	[tilespmem:s8+$0x120] =	vst.add.f32.msk $0xffff, v6  }
0x99: {  	[tilespmem:s8+$0x130] =	vst.add.f32.msk $0xffff, v7  }
0x9a: {  	[tilespmem:s8+$0x140] =	vst.add.f32.msk $0xffff, v8  }
0x9b: {  	[tilespmem:s8+$0x150] =	vst.add.f32.msk $0xffff, v9  }
0x9c: {  	[tilespmem:s8+$0x160] =	vst.add.f32.msk $0xffff, v10  }
0x9d: {  	[tilespmem:s8+$0x170] =	vst.add.f32.msk $0xffff, v11  }
0x9e: {  	[tilespmem:s8+$0x500] =	vst.add.f32.msk $0xffff, v12  }
0x9f: {  	[tilespmem:s8+$0x510] =	vst.add.f32.msk $0xffff, v13  }
0xa0: {  	[tilespmem:s8+$0x520] =	vst.add.f32.msk $0xffff, v14  }
0xa1: {  	[tilespmem:s8+$0x530] =	vst.add.f32.msk $0xffff, v15  }
0xa2: {  	[tilespmem:s8+$0x540] =	vst.add.f32.msk $0xffff, v16  }
0xa3: {  	[tilespmem:s8+$0x550] =	vst.add.f32.msk $0xffff, v17  }
0xa4: {  	[tilespmem:s8+$0x560] =	vst.add.f32.msk $0xffff, v18  }
0xa5: {  	[tilespmem:s8+$0x570] =	vst.add.f32.msk $0xffff, v19  }
0xa6: {  	[tilespmem:s23+$0x500] =	vst.add.f32.msk $0xffff, v54  }
0xa7: {  	[tilespmem:s23+$0x510] =	vst.add.f32.msk $0xffff, v55  }
0xa8: {  	[tilespmem:s23+$0x520] =	vst.add.f32.msk $0xffff, v56  }
0xa9: {  	[tilespmem:s23+$0x530] =	vst.add.f32.msk $0xffff, v57  }
0xaa: {  	[tilespmem:s23+$0x540] =	vst.add.f32.msk $0xffff, v58  }
0xab: {  	[tilespmem:s23+$0x550] =	vst.add.f32.msk $0xffff, v59  }
0xac: {  	s10 =	sadd.s32 $0x800, s0;
	[tilespmem:s23+$0x560] =	vst.add.f32.msk $0xffff, v60  }
0xad: {  	s9 =	sor.u32 s5, s10;
	[tilespmem:s23+$0x570] =	vst.add.f32.msk $0xffff, v61  }
0xae: {  	v4 =	vld [tilespmem:s9+$0xC100]  }
0xaf: {  	v5 =	vld [tilespmem:s9+$0xC110]  }
0xb0: {  	v6 =	vld [tilespmem:s9+$0xC120]  }
0xb1: {  	v7 =	vld [tilespmem:s9+$0xC130]  }
0xb2: {  	v8 =	vld [tilespmem:s9+$0xC140]  }
0xb3: {  	v9 =	vld [tilespmem:s9+$0xC150]  }
0xb4: {  	v10 =	vld [tilespmem:s9+$0xC160]  }
0xb5: {  	v11 =	vld [tilespmem:s9+$0xC170]  }
0xb6: {  	[tilespmem:s9+$0x100] =	vst.add.f32.msk $0xffff, v4  }
0xb7: {  	[tilespmem:s9+$0x110] =	vst.add.f32.msk $0xffff, v5  }
0xb8: {  	[tilespmem:s9+$0x120] =	vst.add.f32.msk $0xffff, v6  }
0xb9: {  	[tilespmem:s9+$0x130] =	vst.add.f32.msk $0xffff, v7  }
0xba: {  	[tilespmem:s9+$0x140] =	vst.add.f32.msk $0xffff, v8  }
0xbb: {  	[tilespmem:s9+$0x150] =	vst.add.f32.msk $0xffff, v9  }
0xbc: {  	s8 =	sadd.s32 $0xC00, s0;
	[tilespmem:s9+$0x160] =	vst.add.f32.msk $0xffff, v10  }
0xbd: {  	s11 =	sor.u32 s5, s8;
	[tilespmem:s9+$0x170] =	vst.add.f32.msk $0xffff, v11  }
0xbe: {  	v4 =	vld [tilespmem:s11+$0xC100]  }
0xbf: {  	v5 =	vld [tilespmem:s11+$0xC110]  }
0xc0: {  	v6 =	vld [tilespmem:s11+$0xC120]  }
0xc1: {  	v7 =	vld [tilespmem:s11+$0xC130]  }
0xc2: {  	v8 =	vld [tilespmem:s11+$0xC140]  }
0xc3: {  	v9 =	vld [tilespmem:s11+$0xC150]  }
0xc4: {  	v10 =	vld [tilespmem:s11+$0xC160]  }
0xc5: {  	v11 =	vld [tilespmem:s11+$0xC170]  }
0xc6: {  	[tilespmem:s11+$0x100] =	vst.add.f32.msk $0xffff, v4  }
0xc7: {  	[tilespmem:s11+$0x110] =	vst.add.f32.msk $0xffff, v5  }
0xc8: {  	[tilespmem:s11+$0x120] =	vst.add.f32.msk $0xffff, v6  }
0xc9: {  	[tilespmem:s11+$0x130] =	vst.add.f32.msk $0xffff, v7  }
0xca: {  	[tilespmem:s11+$0x140] =	vst.add.f32.msk $0xffff, v8  }
0xcb: {  	[tilespmem:s11+$0x150] =	vst.add.f32.msk $0xffff, v9  }
0xcc: {  	s9 =	sadd.s32 $0x1000, s0;
	[tilespmem:s11+$0x160] =	vst.add.f32.msk $0xffff, v10  }
0xcd: {  	s21 =	sor.u32 s5, s9;
	[tilespmem:s11+$0x170] =	vst.add.f32.msk $0xffff, v11  }
0xce: {  	v4 =	vld [tilespmem:s21+$0xC100]  }
0xcf: {  	v5 =	vld [tilespmem:s21+$0xC110]  }
0xd0: {  	v6 =	vld [tilespmem:s21+$0xC120]  }
0xd1: {  	v7 =	vld [tilespmem:s21+$0xC130]  }
0xd2: {  	v8 =	vld [tilespmem:s21+$0xC140]  }
0xd3: {  	v9 =	vld [tilespmem:s21+$0xC150]  }
0xd4: {  	v10 =	vld [tilespmem:s21+$0xC160]  }
0xd5: {  	v11 =	vld [tilespmem:s21+$0xC170]  }
0xd6: {  	[tilespmem:s21+$0x100] =	vst.add.f32.msk $0xffff, v4  }
0xd7: {  	[tilespmem:s21+$0x110] =	vst.add.f32.msk $0xffff, v5  }
0xd8: {  	[tilespmem:s21+$0x120] =	vst.add.f32.msk $0xffff, v6  }
0xd9: {  	[tilespmem:s21+$0x130] =	vst.add.f32.msk $0xffff, v7  }
0xda: {  	[tilespmem:s21+$0x140] =	vst.add.f32.msk $0xffff, v8  }
0xdb: {  	[tilespmem:s21+$0x150] =	vst.add.f32.msk $0xffff, v9  }
0xdc: {  	[tilespmem:s21+$0x160] =	vst.add.f32.msk $0xffff, v10  }
0xdd: {  	[tilespmem:s21+$0x170] =	vst.add.f32.msk $0xffff, v11  }
0xde: {  	v4 =	vld [tilespmem:s23+$0xC100]  }
0xdf: {  	v5 =	vld [tilespmem:s23+$0xC110]  }
0xe0: {  	v6 =	vld [tilespmem:s23+$0xC120]  }
0xe1: {  	v7 =	vld [tilespmem:s23+$0xC130]  }
0xe2: {  	v8 =	vld [tilespmem:s23+$0xC140]  }
0xe3: {  	v9 =	vld [tilespmem:s23+$0xC150]  }
0xe4: {  	s12 =	sadd.s32 $0x1400, s0;
	v10 =	vld [tilespmem:s23+$0xC160]  }
0xe5: {  	s0 =	sor.u32 s5, s12;
	v11 =	vld [tilespmem:s23+$0xC170]  }
0xe6: {  	v62 =	vld [tilespmem:s0+$0xC100]  }
0xe7: {  	v63 =	vld [tilespmem:s0+$0xC110]  }
0xe8: {  	[tilespmem:s23+$0x100] =	vst.add.f32.msk $0xffff, v4  }
0xe9: {  	[tilespmem:s23+$0x110] =	vst.add.f32.msk $0xffff, v5  }
0xea: {  	[tilespmem:s23+$0x120] =	vst.add.f32.msk $0xffff, v6  }
0xeb: {  	[tilespmem:s23+$0x130] =	vst.add.f32.msk $0xffff, v7  }
0xec: {  	[tilespmem:s23+$0x140] =	vst.add.f32.msk $0xffff, v8  }
0xed: {  	[tilespmem:s23+$0x150] =	vst.add.f32.msk $0xffff, v9  }
0xee: {  	[tilespmem:s23+$0x160] =	vst.add.f32.msk $0xffff, v10  }
0xef: {  	s10 =	sor.u32 s1, s10;
	[tilespmem:s23+$0x170] =	vst.add.f32.msk $0xffff, v11  }
0xf0: {  	v4 =	vld [tilespmem:s10+$0xC100]  }
0xf1: {  	v5 =	vld [tilespmem:s10+$0xC110]  }
0xf2: {  	v6 =	vld [tilespmem:s10+$0xC120]  }
0xf3: {  	v7 =	vld [tilespmem:s10+$0xC130]  }
0xf4: {  	v8 =	vld [tilespmem:s10+$0xC140]  }
0xf5: {  	v9 =	vld [tilespmem:s10+$0xC150]  }
0xf6: {  	v10 =	vld [tilespmem:s10+$0xC160]  }
0xf7: {  	v11 =	vld [tilespmem:s10+$0xC170]  }
0xf8: {  	[tilespmem:s0+$0x100] =	vst.add.f32.msk $0xffff, v62  }
0xf9: {  	[tilespmem:s0+$0x110] =	vst.add.f32.msk $0xffff, v63  }
0xfa: {  	[tilespmem:s10+$0x100] =	vst.add.f32.msk $0xffff, v4  }
0xfb: {  	[tilespmem:s10+$0x110] =	vst.add.f32.msk $0xffff, v5  }
0xfc: {  	[tilespmem:s10+$0x120] =	vst.add.f32.msk $0xffff, v6  }
0xfd: {  	[tilespmem:s10+$0x130] =	vst.add.f32.msk $0xffff, v7  }
0xfe: {  	[tilespmem:s10+$0x140] =	vst.add.f32.msk $0xffff, v8  }
0xff: {  	[tilespmem:s10+$0x150] =	vst.add.f32.msk $0xffff, v9  }
0x100: {  	[tilespmem:s10+$0x160] =	vst.add.f32.msk $0xffff, v10  }
0x101: {  	[tilespmem:s10+$0x170] =	vst.add.f32.msk $0xffff, v11  }
0x102: {  	s21 =	sor.u32 s1, s8;
	v4 =	vld [tilespmem:s0+$0xC170]  }
0x103: {  	v5 =	vld [tilespmem:s21+$0xC100]  }
0x104: {  	v6 =	vld [tilespmem:s21+$0xC110]  }
0x105: {  	v7 =	vld [tilespmem:s21+$0xC120]  }
0x106: {  	v8 =	vld [tilespmem:s21+$0xC130]  }
0x107: {  	v9 =	vld [tilespmem:s21+$0xC140]  }
0x108: {  	v10 =	vld [tilespmem:s21+$0xC150]  }
0x109: {  	v11 =	vld [tilespmem:s21+$0xC160]  }
0x10a: {  	v12 =	vld [tilespmem:s21+$0xC170]  }
0x10b: {  	[tilespmem:s0+$0x170] =	vst.add.f32.msk $0xffff, v4  }
0x10c: {  	[tilespmem:s21+$0x100] =	vst.add.f32.msk $0xffff, v5  }
0x10d: {  	[tilespmem:s21+$0x110] =	vst.add.f32.msk $0xffff, v6  }
0x10e: {  	[tilespmem:s21+$0x120] =	vst.add.f32.msk $0xffff, v7  }
0x10f: {  	[tilespmem:s21+$0x130] =	vst.add.f32.msk $0xffff, v8  }
0x110: {  	[tilespmem:s21+$0x140] =	vst.add.f32.msk $0xffff, v9  }
0x111: {  	[tilespmem:s21+$0x150] =	vst.add.f32.msk $0xffff, v10  }
0x112: {  	[tilespmem:s21+$0x160] =	vst.add.f32.msk $0xffff, v11  }
0x113: {  	s23 =	sor.u32 s1, s9;
	[tilespmem:s21+$0x170] =	vst.add.f32.msk $0xffff, v12  }
0x114: {  	v4 =	vld [tilespmem:s23+$0xC100]  }
0x115: {  	v5 =	vld [tilespmem:s23+$0xC110]  }
0x116: {  	v6 =	vld [tilespmem:s23+$0xC120]  }
0x117: {  	v7 =	vld [tilespmem:s23+$0xC130]  }
0x118: {  	v8 =	vld [tilespmem:s23+$0xC140]  }
0x119: {  	v9 =	vld [tilespmem:s23+$0xC150]  }
0x11a: {  	v10 =	vld [tilespmem:s23+$0xC160]  }
0x11b: {  	v11 =	vld [tilespmem:s23+$0xC170]  }
0x11c: {  	[tilespmem:s23+$0x100] =	vst.add.f32.msk $0xffff, v4  }
0x11d: {  	[tilespmem:s23+$0x110] =	vst.add.f32.msk $0xffff, v5  }
0x11e: {  	[tilespmem:s23+$0x120] =	vst.add.f32.msk $0xffff, v6  }
0x11f: {  	[tilespmem:s23+$0x130] =	vst.add.f32.msk $0xffff, v7  }
0x120: {  	[tilespmem:s23+$0x140] =	vst.add.f32.msk $0xffff, v8  }
0x121: {  	[tilespmem:s23+$0x150] =	vst.add.f32.msk $0xffff, v9  }
0x122: {  	[tilespmem:s23+$0x160] =	vst.add.f32.msk $0xffff, v10  }
0x123: {  	[tilespmem:s23+$0x170] =	vst.add.f32.msk $0xffff, v11  }
0x124: {  	v8 =	vld [tilespmem:s0+$0xC120]  }
0x125: {  	v7 =	vld [tilespmem:s0+$0xC130]  }
0x126: {  	v6 =	vld [tilespmem:s0+$0xC140]  }
0x127: {  	v5 =	vld [tilespmem:s0+$0xC150]  }
0x128: {  	s1 =	sor.u32 s1, s12;
	v4 =	vld [tilespmem:s0+$0xC160]  }
0x129: {  	v9 =	vld [tilespmem:s1+$0xC100]  }
0x12a: {  	v10 =	vld [tilespmem:s1+$0xC110]  }
0x12b: {  	v11 =	vld [tilespmem:s1+$0xC120]  }
0x12c: {  	v12 =	vld [tilespmem:s1+$0xC130]  }
0x12d: {  	v13 =	vld [tilespmem:s1+$0xC140]  }
0x12e: {  	v14 =	vld [tilespmem:s1+$0xC150]  }
0x12f: {  	v15 =	vld [tilespmem:s1+$0xC160]  }
0x130: {  	v16 =	vld [tilespmem:s1+$0xC170]  }
0x131: {  	[tilespmem:s1+$0x100] =	vst.add.f32.msk $0xffff, v9  }
0x132: {  	[tilespmem:s1+$0x110] =	vst.add.f32.msk $0xffff, v10  }
0x133: {  	[tilespmem:s1+$0x120] =	vst.add.f32.msk $0xffff, v11  }
0x134: {  	[tilespmem:s1+$0x130] =	vst.add.f32.msk $0xffff, v12  }
0x135: {  	[tilespmem:s1+$0x140] =	vst.add.f32.msk $0xffff, v13  }
0x136: {  	[tilespmem:s1+$0x150] =	vst.add.f32.msk $0xffff, v14  }
0x137: {  	[tilespmem:s1+$0x160] =	vst.add.f32.msk $0xffff, v15  }
0x138: {  	s31 =	simm.s32 $0x0;
	s5 =	simm.s32 $0x0;
	[tilespmem:s1+$0x170] =	vst.add.f32.msk $0xffff, v16  }
.LBB2_2:
0x139: {  	s31 =	sadd.s32 $0x2, s31;
	[tilespmem:s0+$0x120] =	vst.add.f32.msk $0xffff, v8  }
0x13a: {  	s5 =	sadd.s32 $0x100, s5;
	s1 =	sshrl.u32 s31, $0x3;
	p0 =	slt.u32 s31, $0x1E;
	[tilespmem:s0+$0x130] =	vst.add.f32.msk $0xffff, v7  }
0x13b: {  	s21 =	sand.u32 $0x300, s5;
	s11 =	smul.u32 $0x1800, s1;
	[tilespmem:s0+$0x140] =	vst.add.f32.msk $0xffff, v6  }
0x13c: {  	s10 =	sor.u32 $0x80, s21;
	[tilespmem:s0+$0x150] =	vst.add.f32.msk $0xffff, v5  }
0x13d: {  	s1 =	sor.u32 s21, s11;
	s9 =	sor.u32 s11, s10;
	[tilespmem:s0+$0x160] =	vst.add.f32.msk $0xffff, v4  }
0x13e: {  	v4 =	vld [tilespmem:s9+$0xC100]  }
0x13f: {  	v5 =	vld [tilespmem:s9+$0xC110]  }
0x140: {  	v6 =	vld [tilespmem:s9+$0xC120]  }
0x141: {  	v7 =	vld [tilespmem:s9+$0xC130]  }
0x142: {  	v8 =	vld [tilespmem:s9+$0xC140]  }
0x143: {  	v9 =	vld [tilespmem:s9+$0xC150]  }
0x144: {  	v10 =	vld [tilespmem:s9+$0xC160]  }
0x145: {  	v11 =	vld [tilespmem:s9+$0xC170]  }
0x146: {  	v12 =	vld [tilespmem:s9+$0xC500]  }
0x147: {  	v13 =	vld [tilespmem:s9+$0xC510]  }
0x148: {  	v14 =	vld [tilespmem:s9+$0xC520]  }
0x149: {  	v15 =	vld [tilespmem:s9+$0xC530]  }
0x14a: {  	v16 =	vld [tilespmem:s9+$0xC540]  }
0x14b: {  	v17 =	vld [tilespmem:s9+$0xC550]  }
0x14c: {  	v18 =	vld [tilespmem:s9+$0xC560]  }
0x14d: {  	v19 =	vld [tilespmem:s9+$0xC570]  }
0x14e: {  	[tilespmem:s9+$0x100] =	vst.add.f32.msk $0xffff, v4  }
0x14f: {  	[tilespmem:s9+$0x110] =	vst.add.f32.msk $0xffff, v5  }
0x150: {  	[tilespmem:s9+$0x120] =	vst.add.f32.msk $0xffff, v6  }
0x151: {  	[tilespmem:s9+$0x130] =	vst.add.f32.msk $0xffff, v7  }
0x152: {  	[tilespmem:s9+$0x140] =	vst.add.f32.msk $0xffff, v8  }
0x153: {  	[tilespmem:s9+$0x150] =	vst.add.f32.msk $0xffff, v9  }
0x154: {  	[tilespmem:s9+$0x160] =	vst.add.f32.msk $0xffff, v10  }
0x155: {  	[tilespmem:s9+$0x170] =	vst.add.f32.msk $0xffff, v11  }
0x156: {  	[tilespmem:s9+$0x500] =	vst.add.f32.msk $0xffff, v12  }
0x157: {  	[tilespmem:s9+$0x510] =	vst.add.f32.msk $0xffff, v13  }
0x158: {  	[tilespmem:s9+$0x520] =	vst.add.f32.msk $0xffff, v14  }
0x159: {  	[tilespmem:s9+$0x530] =	vst.add.f32.msk $0xffff, v15  }
0x15a: {  	[tilespmem:s9+$0x540] =	vst.add.f32.msk $0xffff, v16  }
0x15b: {  	[tilespmem:s9+$0x550] =	vst.add.f32.msk $0xffff, v17  }
0x15c: {  	s0 =	sadd.s32 $0x800, s11;
	[tilespmem:s9+$0x560] =	vst.add.f32.msk $0xffff, v18  }
0x15d: {  	s8 =	sor.u32 s21, s0;
	s0 =	sor.u32 s10, s0;
	[tilespmem:s9+$0x570] =	vst.add.f32.msk $0xffff, v19  }
0x15e: {  	v4 =	vld [tilespmem:s0+$0xC100]  }
0x15f: {  	v5 =	vld [tilespmem:s0+$0xC110]  }
0x160: {  	v6 =	vld [tilespmem:s0+$0xC120]  }
0x161: {  	v7 =	vld [tilespmem:s0+$0xC130]  }
0x162: {  	v8 =	vld [tilespmem:s0+$0xC140]  }
0x163: {  	v9 =	vld [tilespmem:s0+$0xC150]  }
0x164: {  	v10 =	vld [tilespmem:s0+$0xC160]  }
0x165: {  	v11 =	vld [tilespmem:s0+$0xC170]  }
0x166: {  	[tilespmem:s0+$0x100] =	vst.add.f32.msk $0xffff, v4  }
0x167: {  	[tilespmem:s0+$0x110] =	vst.add.f32.msk $0xffff, v5  }
0x168: {  	[tilespmem:s0+$0x120] =	vst.add.f32.msk $0xffff, v6  }
0x169: {  	[tilespmem:s0+$0x130] =	vst.add.f32.msk $0xffff, v7  }
0x16a: {  	[tilespmem:s0+$0x140] =	vst.add.f32.msk $0xffff, v8  }
0x16b: {  	[tilespmem:s0+$0x150] =	vst.add.f32.msk $0xffff, v9  }
0x16c: {  	s9 =	sadd.s32 $0xC00, s11;
	[tilespmem:s0+$0x160] =	vst.add.f32.msk $0xffff, v10  }
0x16d: {  	s23 =	sor.u32 s21, s9;
	[tilespmem:s0+$0x170] =	vst.add.f32.msk $0xffff, v11;
	s0 =	sor.u32 s10, s9  }
0x16e: {  	v4 =	vld [tilespmem:s0+$0xC100]  }
0x16f: {  	v5 =	vld [tilespmem:s0+$0xC110]  }
0x170: {  	v6 =	vld [tilespmem:s0+$0xC120]  }
0x171: {  	v7 =	vld [tilespmem:s0+$0xC130]  }
0x172: {  	v8 =	vld [tilespmem:s0+$0xC140]  }
0x173: {  	v9 =	vld [tilespmem:s0+$0xC150]  }
0x174: {  	v10 =	vld [tilespmem:s0+$0xC160]  }
0x175: {  	v11 =	vld [tilespmem:s0+$0xC170]  }
0x176: {  	[tilespmem:s0+$0x100] =	vst.add.f32.msk $0xffff, v4  }
0x177: {  	[tilespmem:s0+$0x110] =	vst.add.f32.msk $0xffff, v5  }
0x178: {  	[tilespmem:s0+$0x120] =	vst.add.f32.msk $0xffff, v6  }
0x179: {  	[tilespmem:s0+$0x130] =	vst.add.f32.msk $0xffff, v7  }
0x17a: {  	[tilespmem:s0+$0x140] =	vst.add.f32.msk $0xffff, v8  }
0x17b: {  	[tilespmem:s0+$0x150] =	vst.add.f32.msk $0xffff, v9  }
0x17c: {  	s12 =	sadd.s32 $0x1000, s11;
	[tilespmem:s0+$0x160] =	vst.add.f32.msk $0xffff, v10  }
0x17d: {  	s9 =	sor.u32 s21, s12;
	[tilespmem:s0+$0x170] =	vst.add.f32.msk $0xffff, v11;
	s0 =	sor.u32 s10, s12  }
0x17e: {  	v4 =	vld [tilespmem:s0+$0xC100]  }
0x17f: {  	v5 =	vld [tilespmem:s0+$0xC110]  }
0x180: {  	v6 =	vld [tilespmem:s0+$0xC120]  }
0x181: {  	v7 =	vld [tilespmem:s0+$0xC130]  }
0x182: {  	v8 =	vld [tilespmem:s0+$0xC140]  }
0x183: {  	v9 =	vld [tilespmem:s0+$0xC150]  }
0x184: {  	v10 =	vld [tilespmem:s0+$0xC160]  }
0x185: {  	v11 =	vld [tilespmem:s0+$0xC170]  }
0x186: {  	[tilespmem:s0+$0x100] =	vst.add.f32.msk $0xffff, v4  }
0x187: {  	[tilespmem:s0+$0x110] =	vst.add.f32.msk $0xffff, v5  }
0x188: {  	[tilespmem:s0+$0x120] =	vst.add.f32.msk $0xffff, v6  }
0x189: {  	[tilespmem:s0+$0x130] =	vst.add.f32.msk $0xffff, v7  }
0x18a: {  	[tilespmem:s0+$0x140] =	vst.add.f32.msk $0xffff, v8  }
0x18b: {  	[tilespmem:s0+$0x150] =	vst.add.f32.msk $0xffff, v9  }
0x18c: {  	s11 =	sadd.s32 $0x1400, s11;
	[tilespmem:s0+$0x160] =	vst.add.f32.msk $0xffff, v10  }
0x18d: {  	s21 =	sor.u32 s21, s11;
	[tilespmem:s0+$0x170] =	vst.add.f32.msk $0xffff, v11;
	s0 =	sor.u32 s10, s11  }
0x18e: {  	v4 =	vld [tilespmem:s0+$0xC170]  }
0x18f: {  	v5 =	vld [tilespmem:s1+$0xC100]  }
0x190: {  	v6 =	vld [tilespmem:s1+$0xC110]  }
0x191: {  	v7 =	vld [tilespmem:s1+$0xC120]  }
0x192: {  	v8 =	vld [tilespmem:s1+$0xC130]  }
0x193: {  	[tilespmem:s0+$0x170] =	vst.add.f32.msk $0xffff, v4  }
0x194: {  	v4 =	vld [tilespmem:s1+$0xC140]  }
0x195: {  	v9 =	vld [tilespmem:s1+$0xC150]  }
0x196: {  	v10 =	vld [tilespmem:s1+$0xC160]  }
0x197: {  	v11 =	vld [tilespmem:s1+$0xC170]  }
0x198: {  	v12 =	vld [tilespmem:s1+$0xC500]  }
0x199: {  	v13 =	vld [tilespmem:s1+$0xC510]  }
0x19a: {  	v14 =	vld [tilespmem:s1+$0xC520]  }
0x19b: {  	v15 =	vld [tilespmem:s1+$0xC530]  }
0x19c: {  	v16 =	vld [tilespmem:s1+$0xC540]  }
0x19d: {  	v17 =	vld [tilespmem:s1+$0xC550]  }
0x19e: {  	v18 =	vld [tilespmem:s1+$0xC560]  }
0x19f: {  	v19 =	vld [tilespmem:s1+$0xC570]  }
0x1a0: {  	[tilespmem:s1+$0x100] =	vst.add.f32.msk $0xffff, v5  }
0x1a1: {  	[tilespmem:s1+$0x110] =	vst.add.f32.msk $0xffff, v6  }
0x1a2: {  	[tilespmem:s1+$0x120] =	vst.add.f32.msk $0xffff, v7  }
0x1a3: {  	[tilespmem:s1+$0x130] =	vst.add.f32.msk $0xffff, v8  }
0x1a4: {  	[tilespmem:s1+$0x140] =	vst.add.f32.msk $0xffff, v4  }
0x1a5: {  	[tilespmem:s1+$0x150] =	vst.add.f32.msk $0xffff, v9  }
0x1a6: {  	[tilespmem:s1+$0x160] =	vst.add.f32.msk $0xffff, v10  }
0x1a7: {  	[tilespmem:s1+$0x170] =	vst.add.f32.msk $0xffff, v11  }
0x1a8: {  	[tilespmem:s1+$0x500] =	vst.add.f32.msk $0xffff, v12  }
0x1a9: {  	[tilespmem:s1+$0x510] =	vst.add.f32.msk $0xffff, v13  }
0x1aa: {  	[tilespmem:s1+$0x520] =	vst.add.f32.msk $0xffff, v14  }
0x1ab: {  	[tilespmem:s1+$0x530] =	vst.add.f32.msk $0xffff, v15  }
0x1ac: {  	[tilespmem:s1+$0x540] =	vst.add.f32.msk $0xffff, v16  }
0x1ad: {  	[tilespmem:s1+$0x550] =	vst.add.f32.msk $0xffff, v17  }
0x1ae: {  	[tilespmem:s1+$0x560] =	vst.add.f32.msk $0xffff, v18  }
0x1af: {  	[tilespmem:s1+$0x570] =	vst.add.f32.msk $0xffff, v19  }
0x1b0: {  	v4 =	vld [tilespmem:s8+$0xC100]  }
0x1b1: {  	v5 =	vld [tilespmem:s8+$0xC110]  }
0x1b2: {  	v6 =	vld [tilespmem:s8+$0xC120]  }
0x1b3: {  	v7 =	vld [tilespmem:s8+$0xC130]  }
0x1b4: {  	v8 =	vld [tilespmem:s8+$0xC140]  }
0x1b5: {  	v9 =	vld [tilespmem:s8+$0xC150]  }
0x1b6: {  	v10 =	vld [tilespmem:s8+$0xC160]  }
0x1b7: {  	v11 =	vld [tilespmem:s8+$0xC170]  }
0x1b8: {  	[tilespmem:s8+$0x100] =	vst.add.f32.msk $0xffff, v4  }
0x1b9: {  	[tilespmem:s8+$0x110] =	vst.add.f32.msk $0xffff, v5  }
0x1ba: {  	[tilespmem:s8+$0x120] =	vst.add.f32.msk $0xffff, v6  }
0x1bb: {  	[tilespmem:s8+$0x130] =	vst.add.f32.msk $0xffff, v7  }
0x1bc: {  	[tilespmem:s8+$0x140] =	vst.add.f32.msk $0xffff, v8  }
0x1bd: {  	[tilespmem:s8+$0x150] =	vst.add.f32.msk $0xffff, v9  }
0x1be: {  	[tilespmem:s8+$0x160] =	vst.add.f32.msk $0xffff, v10  }
0x1bf: {  	[tilespmem:s8+$0x170] =	vst.add.f32.msk $0xffff, v11  }
0x1c0: {  	v4 =	vld [tilespmem:s23+$0xC100]  }
0x1c1: {  	v5 =	vld [tilespmem:s23+$0xC110]  }
0x1c2: {  	v6 =	vld [tilespmem:s23+$0xC120]  }
0x1c3: {  	v7 =	vld [tilespmem:s23+$0xC130]  }
0x1c4: {  	v8 =	vld [tilespmem:s23+$0xC140]  }
0x1c5: {  	v9 =	vld [tilespmem:s23+$0xC150]  }
0x1c6: {  	v10 =	vld [tilespmem:s23+$0xC160]  }
0x1c7: {  	v11 =	vld [tilespmem:s23+$0xC170]  }
0x1c8: {  	[tilespmem:s23+$0x100] =	vst.add.f32.msk $0xffff, v4  }
0x1c9: {  	[tilespmem:s23+$0x110] =	vst.add.f32.msk $0xffff, v5  }
0x1ca: {  	[tilespmem:s23+$0x120] =	vst.add.f32.msk $0xffff, v6  }
0x1cb: {  	[tilespmem:s23+$0x130] =	vst.add.f32.msk $0xffff, v7  }
0x1cc: {  	[tilespmem:s23+$0x140] =	vst.add.f32.msk $0xffff, v8  }
0x1cd: {  	[tilespmem:s23+$0x150] =	vst.add.f32.msk $0xffff, v9  }
0x1ce: {  	[tilespmem:s23+$0x160] =	vst.add.f32.msk $0xffff, v10  }
0x1cf: {  	[tilespmem:s23+$0x170] =	vst.add.f32.msk $0xffff, v11  }
0x1d0: {  	v4 =	vld [tilespmem:s9+$0xC100]  }
0x1d1: {  	v5 =	vld [tilespmem:s9+$0xC110]  }
0x1d2: {  	v6 =	vld [tilespmem:s9+$0xC120]  }
0x1d3: {  	v7 =	vld [tilespmem:s9+$0xC130]  }
0x1d4: {  	v8 =	vld [tilespmem:s9+$0xC140]  }
0x1d5: {  	v9 =	vld [tilespmem:s9+$0xC150]  }
0x1d6: {  	v10 =	vld [tilespmem:s9+$0xC160]  }
0x1d7: {  	v11 =	vld [tilespmem:s9+$0xC170]  }
0x1d8: {  	[tilespmem:s9+$0x100] =	vst.add.f32.msk $0xffff, v4  }
0x1d9: {  	[tilespmem:s9+$0x110] =	vst.add.f32.msk $0xffff, v5  }
0x1da: {  	[tilespmem:s9+$0x120] =	vst.add.f32.msk $0xffff, v6  }
0x1db: {  	[tilespmem:s9+$0x130] =	vst.add.f32.msk $0xffff, v7  }
0x1dc: {  	[tilespmem:s9+$0x140] =	vst.add.f32.msk $0xffff, v8  }
0x1dd: {  	[tilespmem:s9+$0x150] =	vst.add.f32.msk $0xffff, v9  }
0x1de: {  	[tilespmem:s9+$0x160] =	vst.add.f32.msk $0xffff, v10  }
0x1df: {  	[tilespmem:s9+$0x170] =	vst.add.f32.msk $0xffff, v11  }
0x1e0: {  	v9 =	vld [tilespmem:s21+$0xC100]  }
0x1e1: {  	v10 =	vld [tilespmem:s21+$0xC110]  }
0x1e2: {  	v11 =	vld [tilespmem:s21+$0xC120]  }
0x1e3: {  	v12 =	vld [tilespmem:s21+$0xC130]  }
0x1e4: {  	v13 =	vld [tilespmem:s21+$0xC140]  }
0x1e5: {  	v14 =	vld [tilespmem:s21+$0xC150]  }
0x1e6: {  	v15 =	vld [tilespmem:s21+$0xC160]  }
0x1e7: {  	v16 =	vld [tilespmem:s21+$0xC170]  }
0x1e8: {  	v17 =	vld [tilespmem:s0+$0xC100]  }
0x1e9: {  	v18 =	vld [tilespmem:s0+$0xC110]  }
0x1ea: {  	v8 =	vld [tilespmem:s0+$0xC120]  }
0x1eb: {  	v7 =	vld [tilespmem:s0+$0xC130]  }
0x1ec: {  	v6 =	vld [tilespmem:s0+$0xC140]  }
0x1ed: {  	v5 =	vld [tilespmem:s0+$0xC150]  }
0x1ee: {  	v4 =	vld [tilespmem:s0+$0xC160]  }
0x1ef: {  	[tilespmem:s21+$0x100] =	vst.add.f32.msk $0xffff, v9  }
0x1f0: {  	[tilespmem:s21+$0x110] =	vst.add.f32.msk $0xffff, v10  }
0x1f1: {  	[tilespmem:s21+$0x120] =	vst.add.f32.msk $0xffff, v11  }
0x1f2: {  	[tilespmem:s21+$0x130] =	vst.add.f32.msk $0xffff, v12  }
0x1f3: {  	[tilespmem:s21+$0x140] =	vst.add.f32.msk $0xffff, v13  }
.Ltmp0:
0x1f4: {  	[tilespmem:s21+$0x150] =	vst.add.f32.msk $0xffff, v14;
	(pc) =	sbr.rel @p0 .LBB2_2-.Ltmp0, $4  }
0x1f5: {  	[tilespmem:s21+$0x160] =	vst.add.f32.msk $0xffff, v15  }
0x1f6: {  	[tilespmem:s21+$0x170] =	vst.add.f32.msk $0xffff, v16  }
0x1f7: {  	[tilespmem:s0+$0x100] =	vst.add.f32.msk $0xffff, v17  }
0x1f8: {  	[tilespmem:s0+$0x110] =	vst.add.f32.msk $0xffff, v18  }
0x1f9: {  	[tilespmem:s0+$0x120] =	vst.add.f32.msk $0xffff, v8  }
0x1fa: {  	[tilespmem:s0+$0x130] =	vst.add.f32.msk $0xffff, v7  }
0x1fb: {  	[tilespmem:s0+$0x140] =	vst.add.f32.msk $0xffff, v6  }
0x1fc: {  	[tilespmem:s0+$0x150] =	vst.add.f32.msk $0xffff, v5  }
0x1fd: {  	[tilespmem:s0+$0x160] =	vst.add.f32.msk $0xffff, v4  }
0x1fe: {  	s31 =	simm.s32 $0x0;
	s0 =	rddreg [dreg:$0x9]  }
0x1ff: {  	[hbm4b:s0+s31] =	stream.linear.scatter [tilespmem:s20], [sflag:$0x5], $0x6000, $0x38;
	[tilespmem:$0x18100] =	vst v63  }
0x200: {  	_ =	swait.ge [sflag:s26], $0x6000  }
0x201: {  	[sflag:s26] =	ssyncset.done $0x0  }
0x202: {  	s1 =	rddreg [dreg:$0xa];
	[sflag:s26] =	ssyncadd.s32 $0xFFFFA000  }
0x203: {  	[tilespmem:s31], [sflag:$0x7] =	stream.linear.gather [hbm4b:s1+s31], $0x20, $0x38;
	[tilespmem:$0x18100] =	vst v63  }
0x204: {  	_ =	swait.ge [sflag:s19], $0x20  }
0x205: {  	[sflag:s19] =	ssyncset.done $0x0  }
0x206: {  	[sflag:s19] =	ssyncadd.s32 $0xFFFFFFE0  }
0x207: {  	v4 =	vld [tilespmem:$0x0]  }
0x208: {  	v5 =	vld [tilespmem:$0x10];
	_ =	sdelay $0x3  }
0x209: {  	v4 =	vadd.s32 v0, v4  }
0x20a: {  	[tilespmem:$0x0] =	vst v4;
	v4 =	vadd.s32 v0, v5  }
0x20b: {  	s5 =	rddreg [dreg:$0xb];
	[tilespmem:$0x10] =	vst v4  }
0x20c: {  	[tilespmem:s20], [sflag:$0x3] =	stream.linear.gather [hbm4b:s5+s31], $0x6000, $0x38;
	[tilespmem:$0x18100] =	vst v63  }
0x20d: {  	v4 =	vld [tilespmem:$0x0];
	_ =	sdelay $0x4  }
0x20e: {  	v5 =	vshrl.u32 v4, $0x3  }
0x20f: {  	v5 =	vmul.u32 $0x30, v5  }
0x210: {  	v4 =	vand.u32 $0x7, v4  }
0x211: {  	v4 =	vor.u32 v4, v5  }
0x212: {  	v5 =	vperm.xlane v4, v1;
	_ =	sdelay $0x1  }
0x213: {  	v5 =	vadd.s32 v2, v5;
	_ =	sdelay $0x3  }
0x214: {  	s8 =	simm.s32 $0xC100;
	v4 =	vperm.xlane v4, v3  }
0x215: {  	[tilespmem:s8], [sflag:$0x1] =	stream.indirect_vreg.gather [hbm4b:s3+s31], $0x80, v5, vm0, $0xb8;
	[tilespmem:$0x18100] =	vst v63  }
0x216: {  	s9 =	simm.s32 $0xC900;
	v4 =	vadd.s32 v2, v4  }
0x217: {  	[tilespmem:s9], [sflag:$0x1] =	stream.indirect_vreg.gather [hbm4b:s6+s31], $0x80, v5, vm0, $0xb8;
	[tilespmem:$0x18100] =	vst v63  }
0x218: {  	s10 =	simm.s32 $0xD100  }
0x219: {  	[tilespmem:s10], [sflag:$0x1] =	stream.indirect_vreg.gather [hbm4b:s7+s31], $0x80, v5, vm0, $0xb8;
	[tilespmem:$0x18100] =	vst v63  }
0x21a: {  	s11 =	simm.s32 $0xD900  }
0x21b: {  	[tilespmem:s11], [sflag:$0x1] =	stream.indirect_vreg.gather [hbm4b:s3+s31], $0x80, v4, vm0, $0xb8;
	[tilespmem:$0x18100] =	vst v63  }
0x21c: {  	s12 =	simm.s32 $0xE100  }
0x21d: {  	[tilespmem:s12], [sflag:$0x1] =	stream.indirect_vreg.gather [hbm4b:s6+s31], $0x80, v4, vm0, $0xb8;
	[tilespmem:$0x18100] =	vst v63  }
0x21e: {  	s21 =	simm.s32 $0xE900  }
0x21f: {  	[tilespmem:s21], [sflag:$0x1] =	stream.indirect_vreg.gather [hbm4b:s7+s31], $0x80, v4, vm0, $0xb8;
	[tilespmem:$0x18100] =	vst v63  }
0x220: {  	v4 =	vld [tilespmem:$0x10];
	_ =	sdelay $0x4  }
0x221: {  	v5 =	vshrl.u32 v4, $0x3  }
0x222: {  	v5 =	vmul.u32 $0x30, v5  }
0x223: {  	v4 =	vand.u32 $0x7, v4  }
0x224: {  	v4 =	vor.u32 v4, v5  }
0x225: {  	v5 =	vperm.xlane v4, v1;
	_ =	sdelay $0x1  }
0x226: {  	v5 =	vadd.s32 v2, v5;
	_ =	sdelay $0x3  }
0x227: {  	s23 =	simm.s32 $0xF100;
	v4 =	vperm.xlane v4, v3  }
0x228: {  	[tilespmem:s23], [sflag:$0x1] =	stream.indirect_vreg.gather [hbm4b:s3+s31], $0x80, v5, vm0, $0xb8;
	[tilespmem:$0x18100] =	vst v63  }
0x229: {  	s1 =	simm.s32 $0xF900;
	v4 =	vadd.s32 v2, v4  }
0x22a: {  	[tilespmem:s1], [sflag:$0x1] =	stream.indirect_vreg.gather [hbm4b:s6+s31], $0x80, v5, vm0, $0xb8;
	[tilespmem:$0x18100] =	vst v63  }
0x22b: {  	s5 =	simm.s32 $0x10100  }
0x22c: {  	[tilespmem:s5], [sflag:$0x1] =	stream.indirect_vreg.gather [hbm4b:s7+s31], $0x80, v5, vm0, $0xb8;
	[tilespmem:$0x18100] =	vst v63  }
0x22d: {  	s8 =	simm.s32 $0x10900  }
0x22e: {  	[tilespmem:s8], [sflag:$0x1] =	stream.indirect_vreg.gather [hbm4b:s3+s31], $0x80, v4, vm0, $0xb8;
	[tilespmem:$0x18100] =	vst v63  }
0x22f: {  	s9 =	simm.s32 $0x11100  }
0x230: {  	[tilespmem:s9], [sflag:$0x1] =	stream.indirect_vreg.gather [hbm4b:s6+s31], $0x80, v4, vm0, $0xb8;
	[tilespmem:$0x18100] =	vst v63  }
0x231: {  	s10 =	simm.s32 $0x11900  }
0x232: {  	[tilespmem:s10], [sflag:$0x1] =	stream.indirect_vreg.gather [hbm4b:s7+s31], $0x80, v4, vm0, $0xb8;
	[tilespmem:$0x18100] =	vst v63  }
0x233: {  	_ =	swait.ge [sflag:s28], $0x6000  }
0x234: {  	[sflag:s28] =	ssyncset.done $0x0  }
0x235: {  	s11 =	simm.s32 $0x0;
	[sflag:s28] =	ssyncadd.s32 $0xFFFFA000  }
0x236: {  	s0 =	smul.u32 $0x1800, s11;
	s1 =	sand.u32 $0x300, s31;
	_ =	swait.ge [sflag:s4], $0x6000  }
0x237: {  	s5 =	sor.u32 $0x80, s1;
	[sflag:s4] =	ssyncset.done $0x0  }
0x238: {  	s9 =	sor.u32 s0, s5;
	[sflag:s4] =	ssyncadd.s32 $0xFFFFA000  }
0x239: {  	v4 =	vld [tilespmem:s9+$0x12100]  }
0x23a: {  	v5 =	vld [tilespmem:s9+$0x12110]  }
0x23b: {  	v6 =	vld [tilespmem:s9+$0x12120]  }
0x23c: {  	v7 =	vld [tilespmem:s9+$0x12130]  }
0x23d: {  	v8 =	vld [tilespmem:s9+$0x12140]  }
0x23e: {  	v9 =	vld [tilespmem:s9+$0x12150]  }
0x23f: {  	v10 =	vld [tilespmem:s9+$0x12160]  }
0x240: {  	v11 =	vld [tilespmem:s9+$0x12170]  }
0x241: {  	v12 =	vld [tilespmem:s9+$0x12500]  }
0x242: {  	v13 =	vld [tilespmem:s9+$0x12510]  }
0x243: {  	v14 =	vld [tilespmem:s9+$0x12520]  }
0x244: {  	v15 =	vld [tilespmem:s9+$0x12530]  }
0x245: {  	v16 =	vld [tilespmem:s9+$0x12540]  }
0x246: {  	v17 =	vld [tilespmem:s9+$0x12550]  }
0x247: {  	v18 =	vld [tilespmem:s9+$0x12560]  }
0x248: {  	s23 =	sor.u32 s1, s0;
	v19 =	vld [tilespmem:s9+$0x12570]  }
0x249: {  	v54 =	vld [tilespmem:s23+$0x12500]  }
0x24a: {  	v55 =	vld [tilespmem:s23+$0x12510]  }
0x24b: {  	v56 =	vld [tilespmem:s23+$0x12520]  }
0x24c: {  	v57 =	vld [tilespmem:s23+$0x12530]  }
0x24d: {  	v58 =	vld [tilespmem:s23+$0x12540]  }
0x24e: {  	v59 =	vld [tilespmem:s23+$0x12550]  }
0x24f: {  	v60 =	vld [tilespmem:s23+$0x12560]  }
0x250: {  	v61 =	vld [tilespmem:s23+$0x12570]  }
0x251: {  	[tilespmem:s9+$0x6100] =	vst.add.f32.msk $0xffff, v4  }
0x252: {  	[tilespmem:s9+$0x6110] =	vst.add.f32.msk $0xffff, v5  }
0x253: {  	[tilespmem:s9+$0x6120] =	vst.add.f32.msk $0xffff, v6  }
0x254: {  	[tilespmem:s9+$0x6130] =	vst.add.f32.msk $0xffff, v7  }
0x255: {  	[tilespmem:s9+$0x6140] =	vst.add.f32.msk $0xffff, v8  }
0x256: {  	[tilespmem:s9+$0x6150] =	vst.add.f32.msk $0xffff, v9  }
0x257: {  	[tilespmem:s9+$0x6160] =	vst.add.f32.msk $0xffff, v10  }
0x258: {  	[tilespmem:s9+$0x6170] =	vst.add.f32.msk $0xffff, v11  }
0x259: {  	[tilespmem:s9+$0x6500] =	vst.add.f32.msk $0xffff, v12  }
0x25a: {  	[tilespmem:s9+$0x6510] =	vst.add.f32.msk $0xffff, v13  }
0x25b: {  	[tilespmem:s9+$0x6520] =	vst.add.f32.msk $0xffff, v14  }
0x25c: {  	[tilespmem:s9+$0x6530] =	vst.add.f32.msk $0xffff, v15  }
0x25d: {  	[tilespmem:s9+$0x6540] =	vst.add.f32.msk $0xffff, v16  }
0x25e: {  	[tilespmem:s9+$0x6550] =	vst.add.f32.msk $0xffff, v17  }
0x25f: {  	[tilespmem:s9+$0x6560] =	vst.add.f32.msk $0xffff, v18  }
0x260: {  	[tilespmem:s9+$0x6570] =	vst.add.f32.msk $0xffff, v19  }
0x261: {  	[tilespmem:s23+$0x6500] =	vst.add.f32.msk $0xffff, v54  }
0x262: {  	[tilespmem:s23+$0x6510] =	vst.add.f32.msk $0xffff, v55  }
0x263: {  	[tilespmem:s23+$0x6520] =	vst.add.f32.msk $0xffff, v56  }
0x264: {  	[tilespmem:s23+$0x6530] =	vst.add.f32.msk $0xffff, v57  }
0x265: {  	[tilespmem:s23+$0x6540] =	vst.add.f32.msk $0xffff, v58  }
0x266: {  	[tilespmem:s23+$0x6550] =	vst.add.f32.msk $0xffff, v59  }
0x267: {  	s8 =	sadd.s32 $0x800, s0;
	[tilespmem:s23+$0x6560] =	vst.add.f32.msk $0xffff, v60  }
0x268: {  	s12 =	sor.u32 s5, s8;
	[tilespmem:s23+$0x6570] =	vst.add.f32.msk $0xffff, v61  }
0x269: {  	v4 =	vld [tilespmem:s12+$0x12100]  }
0x26a: {  	v5 =	vld [tilespmem:s12+$0x12110]  }
0x26b: {  	v6 =	vld [tilespmem:s12+$0x12120]  }
0x26c: {  	v7 =	vld [tilespmem:s12+$0x12130]  }
0x26d: {  	v8 =	vld [tilespmem:s12+$0x12140]  }
0x26e: {  	v9 =	vld [tilespmem:s12+$0x12150]  }
0x26f: {  	v10 =	vld [tilespmem:s12+$0x12160]  }
0x270: {  	v11 =	vld [tilespmem:s12+$0x12170]  }
0x271: {  	[tilespmem:s12+$0x6100] =	vst.add.f32.msk $0xffff, v4  }
0x272: {  	[tilespmem:s12+$0x6110] =	vst.add.f32.msk $0xffff, v5  }
0x273: {  	[tilespmem:s12+$0x6120] =	vst.add.f32.msk $0xffff, v6  }
0x274: {  	[tilespmem:s12+$0x6130] =	vst.add.f32.msk $0xffff, v7  }
0x275: {  	[tilespmem:s12+$0x6140] =	vst.add.f32.msk $0xffff, v8  }
0x276: {  	[tilespmem:s12+$0x6150] =	vst.add.f32.msk $0xffff, v9  }
0x277: {  	s10 =	sadd.s32 $0xC00, s0;
	[tilespmem:s12+$0x6160] =	vst.add.f32.msk $0xffff, v10  }
0x278: {  	s11 =	sor.u32 s5, s10;
	[tilespmem:s12+$0x6170] =	vst.add.f32.msk $0xffff, v11  }
0x279: {  	v4 =	vld [tilespmem:s11+$0x12100]  }
0x27a: {  	v5 =	vld [tilespmem:s11+$0x12110]  }
0x27b: {  	v6 =	vld [tilespmem:s11+$0x12120]  }
0x27c: {  	v7 =	vld [tilespmem:s11+$0x12130]  }
0x27d: {  	v8 =	vld [tilespmem:s11+$0x12140]  }
0x27e: {  	v9 =	vld [tilespmem:s11+$0x12150]  }
0x27f: {  	v10 =	vld [tilespmem:s11+$0x12160]  }
0x280: {  	v11 =	vld [tilespmem:s11+$0x12170]  }
0x281: {  	[tilespmem:s11+$0x6100] =	vst.add.f32.msk $0xffff, v4  }
0x282: {  	[tilespmem:s11+$0x6110] =	vst.add.f32.msk $0xffff, v5  }
0x283: {  	[tilespmem:s11+$0x6120] =	vst.add.f32.msk $0xffff, v6  }
0x284: {  	[tilespmem:s11+$0x6130] =	vst.add.f32.msk $0xffff, v7  }
0x285: {  	[tilespmem:s11+$0x6140] =	vst.add.f32.msk $0xffff, v8  }
0x286: {  	[tilespmem:s11+$0x6150] =	vst.add.f32.msk $0xffff, v9  }
0x287: {  	s9 =	sadd.s32 $0x1000, s0;
	[tilespmem:s11+$0x6160] =	vst.add.f32.msk $0xffff, v10  }
0x288: {  	s21 =	sor.u32 s5, s9;
	[tilespmem:s11+$0x6170] =	vst.add.f32.msk $0xffff, v11  }
0x289: {  	v4 =	vld [tilespmem:s21+$0x12100]  }
0x28a: {  	v5 =	vld [tilespmem:s21+$0x12110]  }
0x28b: {  	v6 =	vld [tilespmem:s21+$0x12120]  }
0x28c: {  	v7 =	vld [tilespmem:s21+$0x12130]  }
0x28d: {  	v8 =	vld [tilespmem:s21+$0x12140]  }
0x28e: {  	v9 =	vld [tilespmem:s21+$0x12150]  }
0x28f: {  	v10 =	vld [tilespmem:s21+$0x12160]  }
0x290: {  	v11 =	vld [tilespmem:s21+$0x12170]  }
0x291: {  	[tilespmem:s21+$0x6100] =	vst.add.f32.msk $0xffff, v4  }
0x292: {  	[tilespmem:s21+$0x6110] =	vst.add.f32.msk $0xffff, v5  }
0x293: {  	[tilespmem:s21+$0x6120] =	vst.add.f32.msk $0xffff, v6  }
0x294: {  	[tilespmem:s21+$0x6130] =	vst.add.f32.msk $0xffff, v7  }
0x295: {  	[tilespmem:s21+$0x6140] =	vst.add.f32.msk $0xffff, v8  }
0x296: {  	[tilespmem:s21+$0x6150] =	vst.add.f32.msk $0xffff, v9  }
0x297: {  	[tilespmem:s21+$0x6160] =	vst.add.f32.msk $0xffff, v10  }
0x298: {  	[tilespmem:s21+$0x6170] =	vst.add.f32.msk $0xffff, v11  }
0x299: {  	v4 =	vld [tilespmem:s23+$0x12100]  }
0x29a: {  	v5 =	vld [tilespmem:s23+$0x12110]  }
0x29b: {  	v6 =	vld [tilespmem:s23+$0x12120]  }
0x29c: {  	v7 =	vld [tilespmem:s23+$0x12130]  }
0x29d: {  	v8 =	vld [tilespmem:s23+$0x12140]  }
0x29e: {  	v9 =	vld [tilespmem:s23+$0x12150]  }
0x29f: {  	v10 =	vld [tilespmem:s23+$0x12160];
	s21 =	sadd.s32 $0x1400, s0  }
0x2a0: {  	v11 =	vld [tilespmem:s23+$0x12170];
	s0 =	sor.u32 s5, s21  }
0x2a1: {  	v62 =	vld [tilespmem:s0+$0x12100]  }
0x2a2: {  	v63 =	vld [tilespmem:s0+$0x12110]  }
0x2a3: {  	[tilespmem:s23+$0x6100] =	vst.add.f32.msk $0xffff, v4  }
0x2a4: {  	[tilespmem:s23+$0x6110] =	vst.add.f32.msk $0xffff, v5  }
0x2a5: {  	[tilespmem:s23+$0x6120] =	vst.add.f32.msk $0xffff, v6  }
0x2a6: {  	[tilespmem:s23+$0x6130] =	vst.add.f32.msk $0xffff, v7  }
0x2a7: {  	[tilespmem:s23+$0x6140] =	vst.add.f32.msk $0xffff, v8  }
0x2a8: {  	[tilespmem:s23+$0x6150] =	vst.add.f32.msk $0xffff, v9  }
0x2a9: {  	[tilespmem:s23+$0x6160] =	vst.add.f32.msk $0xffff, v10  }
0x2aa: {  	s8 =	sor.u32 s1, s8;
	[tilespmem:s23+$0x6170] =	vst.add.f32.msk $0xffff, v11  }
0x2ab: {  	v4 =	vld [tilespmem:s8+$0x12100]  }
0x2ac: {  	v5 =	vld [tilespmem:s8+$0x12110]  }
0x2ad: {  	v6 =	vld [tilespmem:s8+$0x12120]  }
0x2ae: {  	v7 =	vld [tilespmem:s8+$0x12130]  }
0x2af: {  	v8 =	vld [tilespmem:s8+$0x12140]  }
0x2b0: {  	v9 =	vld [tilespmem:s8+$0x12150]  }
0x2b1: {  	v10 =	vld [tilespmem:s8+$0x12160]  }
0x2b2: {  	v11 =	vld [tilespmem:s8+$0x12170]  }
0x2b3: {  	[tilespmem:s0+$0x6100] =	vst.add.f32.msk $0xffff, v62  }
0x2b4: {  	[tilespmem:s0+$0x6110] =	vst.add.f32.msk $0xffff, v63  }
0x2b5: {  	[tilespmem:s8+$0x6100] =	vst.add.f32.msk $0xffff, v4  }
0x2b6: {  	[tilespmem:s8+$0x6110] =	vst.add.f32.msk $0xffff, v5  }
0x2b7: {  	[tilespmem:s8+$0x6120] =	vst.add.f32.msk $0xffff, v6  }
0x2b8: {  	[tilespmem:s8+$0x6130] =	vst.add.f32.msk $0xffff, v7  }
0x2b9: {  	[tilespmem:s8+$0x6140] =	vst.add.f32.msk $0xffff, v8  }
0x2ba: {  	[tilespmem:s8+$0x6150] =	vst.add.f32.msk $0xffff, v9  }
0x2bb: {  	[tilespmem:s8+$0x6160] =	vst.add.f32.msk $0xffff, v10  }
0x2bc: {  	s12 =	sor.u32 s1, s10;
	[tilespmem:s8+$0x6170] =	vst.add.f32.msk $0xffff, v11  }
0x2bd: {  	v4 =	vld [tilespmem:s12+$0x12100]  }
0x2be: {  	v5 =	vld [tilespmem:s12+$0x12110]  }
0x2bf: {  	v6 =	vld [tilespmem:s12+$0x12120]  }
0x2c0: {  	v7 =	vld [tilespmem:s12+$0x12130]  }
0x2c1: {  	v8 =	vld [tilespmem:s12+$0x12140]  }
0x2c2: {  	v9 =	vld [tilespmem:s12+$0x12150]  }
0x2c3: {  	v10 =	vld [tilespmem:s12+$0x12160]  }
0x2c4: {  	v11 =	vld [tilespmem:s12+$0x12170]  }
0x2c5: {  	[tilespmem:s12+$0x6100] =	vst.add.f32.msk $0xffff, v4  }
0x2c6: {  	[tilespmem:s12+$0x6110] =	vst.add.f32.msk $0xffff, v5  }
0x2c7: {  	[tilespmem:s12+$0x6120] =	vst.add.f32.msk $0xffff, v6  }
0x2c8: {  	[tilespmem:s12+$0x6130] =	vst.add.f32.msk $0xffff, v7  }
0x2c9: {  	[tilespmem:s12+$0x6140] =	vst.add.f32.msk $0xffff, v8  }
0x2ca: {  	[tilespmem:s12+$0x6150] =	vst.add.f32.msk $0xffff, v9  }
0x2cb: {  	[tilespmem:s12+$0x6160] =	vst.add.f32.msk $0xffff, v10  }
0x2cc: {  	[tilespmem:s12+$0x6170] =	vst.add.f32.msk $0xffff, v11  }
0x2cd: {  	s23 =	sor.u32 s1, s9;
	v4 =	vld [tilespmem:s0+$0x12170]  }
0x2ce: {  	v5 =	vld [tilespmem:s23+$0x12100]  }
0x2cf: {  	v6 =	vld [tilespmem:s23+$0x12110]  }
0x2d0: {  	v7 =	vld [tilespmem:s23+$0x12120]  }
0x2d1: {  	v8 =	vld [tilespmem:s23+$0x12130]  }
0x2d2: {  	v9 =	vld [tilespmem:s23+$0x12140]  }
0x2d3: {  	v10 =	vld [tilespmem:s23+$0x12150]  }
0x2d4: {  	v11 =	vld [tilespmem:s23+$0x12160]  }
0x2d5: {  	v12 =	vld [tilespmem:s23+$0x12170]  }
0x2d6: {  	[tilespmem:s0+$0x6170] =	vst.add.f32.msk $0xffff, v4  }
0x2d7: {  	v4 =	vld [tilespmem:s0+$0x12160]  }
0x2d8: {  	[tilespmem:s23+$0x6100] =	vst.add.f32.msk $0xffff, v5  }
0x2d9: {  	[tilespmem:s23+$0x6110] =	vst.add.f32.msk $0xffff, v6  }
0x2da: {  	[tilespmem:s23+$0x6120] =	vst.add.f32.msk $0xffff, v7  }
0x2db: {  	[tilespmem:s23+$0x6130] =	vst.add.f32.msk $0xffff, v8  }
0x2dc: {  	[tilespmem:s23+$0x6140] =	vst.add.f32.msk $0xffff, v9  }
0x2dd: {  	[tilespmem:s23+$0x6150] =	vst.add.f32.msk $0xffff, v10  }
0x2de: {  	[tilespmem:s23+$0x6160] =	vst.add.f32.msk $0xffff, v11  }
0x2df: {  	[tilespmem:s23+$0x6170] =	vst.add.f32.msk $0xffff, v12  }
0x2e0: {  	v8 =	vld [tilespmem:s0+$0x12120]  }
0x2e1: {  	v7 =	vld [tilespmem:s0+$0x12130]  }
0x2e2: {  	v6 =	vld [tilespmem:s0+$0x12140]  }
0x2e3: {  	s1 =	sor.u32 s1, s21;
	v5 =	vld [tilespmem:s0+$0x12150]  }
0x2e4: {  	v9 =	vld [tilespmem:s1+$0x12100]  }
0x2e5: {  	v10 =	vld [tilespmem:s1+$0x12110]  }
0x2e6: {  	v11 =	vld [tilespmem:s1+$0x12120]  }
0x2e7: {  	v12 =	vld [tilespmem:s1+$0x12130]  }
0x2e8: {  	v13 =	vld [tilespmem:s1+$0x12140]  }
0x2e9: {  	v14 =	vld [tilespmem:s1+$0x12150]  }
0x2ea: {  	v15 =	vld [tilespmem:s1+$0x12160]  }
0x2eb: {  	v16 =	vld [tilespmem:s1+$0x12170]  }
0x2ec: {  	[tilespmem:s1+$0x6100] =	vst.add.f32.msk $0xffff, v9  }
0x2ed: {  	[tilespmem:s1+$0x6110] =	vst.add.f32.msk $0xffff, v10  }
0x2ee: {  	[tilespmem:s1+$0x6120] =	vst.add.f32.msk $0xffff, v11  }
0x2ef: {  	[tilespmem:s1+$0x6130] =	vst.add.f32.msk $0xffff, v12  }
0x2f0: {  	[tilespmem:s1+$0x6140] =	vst.add.f32.msk $0xffff, v13  }
0x2f1: {  	[tilespmem:s1+$0x6150] =	vst.add.f32.msk $0xffff, v14  }
0x2f2: {  	[tilespmem:s1+$0x6160] =	vst.add.f32.msk $0xffff, v15  }
0x2f3: {  	s5 =	simm.s32 $0x0;
	[tilespmem:s1+$0x6170] =	vst.add.f32.msk $0xffff, v16  }
.LBB2_4:
0x2f4: {  	s5 =	sadd.s32 $0x2, s5;
	[tilespmem:s0+$0x6120] =	vst.add.f32.msk $0xffff, v8  }
0x2f5: {  	s31 =	sadd.s32 $0x100, s31;
	s1 =	sshrl.u32 s5, $0x3;
	p0 =	slt.u32 s5, $0x1E;
	[tilespmem:s0+$0x6130] =	vst.add.f32.msk $0xffff, v7  }
0x2f6: {  	s21 =	sand.u32 $0x300, s31;
	s11 =	smul.u32 $0x1800, s1;
	[tilespmem:s0+$0x6140] =	vst.add.f32.msk $0xffff, v6  }
0x2f7: {  	s10 =	sor.u32 $0x80, s21;
	[tilespmem:s0+$0x6150] =	vst.add.f32.msk $0xffff, v5  }
0x2f8: {  	s1 =	sor.u32 s21, s11;
	s9 =	sor.u32 s11, s10;
	[tilespmem:s0+$0x6160] =	vst.add.f32.msk $0xffff, v4  }
0x2f9: {  	v4 =	vld [tilespmem:s9+$0x12100]  }
0x2fa: {  	v5 =	vld [tilespmem:s9+$0x12110]  }
0x2fb: {  	v6 =	vld [tilespmem:s9+$0x12120]  }
0x2fc: {  	v7 =	vld [tilespmem:s9+$0x12130]  }
0x2fd: {  	v8 =	vld [tilespmem:s9+$0x12140]  }
0x2fe: {  	v9 =	vld [tilespmem:s9+$0x12150]  }
0x2ff: {  	v10 =	vld [tilespmem:s9+$0x12160]  }
0x300: {  	v11 =	vld [tilespmem:s9+$0x12170]  }
0x301: {  	v12 =	vld [tilespmem:s9+$0x12500]  }
0x302: {  	v13 =	vld [tilespmem:s9+$0x12510]  }
0x303: {  	v14 =	vld [tilespmem:s9+$0x12520]  }
0x304: {  	v15 =	vld [tilespmem:s9+$0x12530]  }
0x305: {  	v16 =	vld [tilespmem:s9+$0x12540]  }
0x306: {  	v17 =	vld [tilespmem:s9+$0x12550]  }
0x307: {  	v18 =	vld [tilespmem:s9+$0x12560]  }
0x308: {  	v19 =	vld [tilespmem:s9+$0x12570]  }
0x309: {  	[tilespmem:s9+$0x6100] =	vst.add.f32.msk $0xffff, v4  }
0x30a: {  	[tilespmem:s9+$0x6110] =	vst.add.f32.msk $0xffff, v5  }
0x30b: {  	[tilespmem:s9+$0x6120] =	vst.add.f32.msk $0xffff, v6  }
0x30c: {  	[tilespmem:s9+$0x6130] =	vst.add.f32.msk $0xffff, v7  }
0x30d: {  	[tilespmem:s9+$0x6140] =	vst.add.f32.msk $0xffff, v8  }
0x30e: {  	[tilespmem:s9+$0x6150] =	vst.add.f32.msk $0xffff, v9  }
0x30f: {  	[tilespmem:s9+$0x6160] =	vst.add.f32.msk $0xffff, v10  }
0x310: {  	[tilespmem:s9+$0x6170] =	vst.add.f32.msk $0xffff, v11  }
0x311: {  	[tilespmem:s9+$0x6500] =	vst.add.f32.msk $0xffff, v12  }
0x312: {  	[tilespmem:s9+$0x6510] =	vst.add.f32.msk $0xffff, v13  }
0x313: {  	[tilespmem:s9+$0x6520] =	vst.add.f32.msk $0xffff, v14  }
0x314: {  	[tilespmem:s9+$0x6530] =	vst.add.f32.msk $0xffff, v15  }
0x315: {  	[tilespmem:s9+$0x6540] =	vst.add.f32.msk $0xffff, v16  }
0x316: {  	[tilespmem:s9+$0x6550] =	vst.add.f32.msk $0xffff, v17  }
0x317: {  	s0 =	sadd.s32 $0x800, s11;
	[tilespmem:s9+$0x6560] =	vst.add.f32.msk $0xffff, v18  }
0x318: {  	s8 =	sor.u32 s21, s0;
	s0 =	sor.u32 s10, s0;
	[tilespmem:s9+$0x6570] =	vst.add.f32.msk $0xffff, v19  }
0x319: {  	v4 =	vld [tilespmem:s0+$0x12100]  }
0x31a: {  	v5 =	vld [tilespmem:s0+$0x12110]  }
0x31b: {  	v6 =	vld [tilespmem:s0+$0x12120]  }
0x31c: {  	v7 =	vld [tilespmem:s0+$0x12130]  }
0x31d: {  	v8 =	vld [tilespmem:s0+$0x12140]  }
0x31e: {  	v9 =	vld [tilespmem:s0+$0x12150]  }
0x31f: {  	v10 =	vld [tilespmem:s0+$0x12160]  }
0x320: {  	v11 =	vld [tilespmem:s0+$0x12170]  }
0x321: {  	[tilespmem:s0+$0x6100] =	vst.add.f32.msk $0xffff, v4  }
0x322: {  	[tilespmem:s0+$0x6110] =	vst.add.f32.msk $0xffff, v5  }
0x323: {  	[tilespmem:s0+$0x6120] =	vst.add.f32.msk $0xffff, v6  }
0x324: {  	[tilespmem:s0+$0x6130] =	vst.add.f32.msk $0xffff, v7  }
0x325: {  	[tilespmem:s0+$0x6140] =	vst.add.f32.msk $0xffff, v8  }
0x326: {  	[tilespmem:s0+$0x6150] =	vst.add.f32.msk $0xffff, v9  }
0x327: {  	s9 =	sadd.s32 $0xC00, s11;
	[tilespmem:s0+$0x6160] =	vst.add.f32.msk $0xffff, v10  }
0x328: {  	s23 =	sor.u32 s21, s9;
	[tilespmem:s0+$0x6170] =	vst.add.f32.msk $0xffff, v11;
	s0 =	sor.u32 s10, s9  }
0x329: {  	v4 =	vld [tilespmem:s0+$0x12100]  }
0x32a: {  	v5 =	vld [tilespmem:s0+$0x12110]  }
0x32b: {  	v6 =	vld [tilespmem:s0+$0x12120]  }
0x32c: {  	v7 =	vld [tilespmem:s0+$0x12130]  }
0x32d: {  	v8 =	vld [tilespmem:s0+$0x12140]  }
0x32e: {  	v9 =	vld [tilespmem:s0+$0x12150]  }
0x32f: {  	v10 =	vld [tilespmem:s0+$0x12160]  }
0x330: {  	v11 =	vld [tilespmem:s0+$0x12170]  }
0x331: {  	[tilespmem:s0+$0x6100] =	vst.add.f32.msk $0xffff, v4  }
0x332: {  	[tilespmem:s0+$0x6110] =	vst.add.f32.msk $0xffff, v5  }
0x333: {  	[tilespmem:s0+$0x6120] =	vst.add.f32.msk $0xffff, v6  }
0x334: {  	[tilespmem:s0+$0x6130] =	vst.add.f32.msk $0xffff, v7  }
0x335: {  	[tilespmem:s0+$0x6140] =	vst.add.f32.msk $0xffff, v8  }
0x336: {  	[tilespmem:s0+$0x6150] =	vst.add.f32.msk $0xffff, v9  }
0x337: {  	s12 =	sadd.s32 $0x1000, s11;
	[tilespmem:s0+$0x6160] =	vst.add.f32.msk $0xffff, v10  }
0x338: {  	s9 =	sor.u32 s21, s12;
	[tilespmem:s0+$0x6170] =	vst.add.f32.msk $0xffff, v11;
	s0 =	sor.u32 s10, s12  }
0x339: {  	v4 =	vld [tilespmem:s0+$0x12100]  }
0x33a: {  	v5 =	vld [tilespmem:s0+$0x12110]  }
0x33b: {  	v6 =	vld [tilespmem:s0+$0x12120]  }
0x33c: {  	v7 =	vld [tilespmem:s0+$0x12130]  }
0x33d: {  	v8 =	vld [tilespmem:s0+$0x12140]  }
0x33e: {  	v9 =	vld [tilespmem:s0+$0x12150]  }
0x33f: {  	v10 =	vld [tilespmem:s0+$0x12160]  }
0x340: {  	v11 =	vld [tilespmem:s0+$0x12170]  }
0x341: {  	[tilespmem:s0+$0x6100] =	vst.add.f32.msk $0xffff, v4  }
0x342: {  	[tilespmem:s0+$0x6110] =	vst.add.f32.msk $0xffff, v5  }
0x343: {  	[tilespmem:s0+$0x6120] =	vst.add.f32.msk $0xffff, v6  }
0x344: {  	[tilespmem:s0+$0x6130] =	vst.add.f32.msk $0xffff, v7  }
0x345: {  	[tilespmem:s0+$0x6140] =	vst.add.f32.msk $0xffff, v8  }
0x346: {  	[tilespmem:s0+$0x6150] =	vst.add.f32.msk $0xffff, v9  }
0x347: {  	s11 =	sadd.s32 $0x1400, s11;
	[tilespmem:s0+$0x6160] =	vst.add.f32.msk $0xffff, v10  }
0x348: {  	s21 =	sor.u32 s21, s11;
	[tilespmem:s0+$0x6170] =	vst.add.f32.msk $0xffff, v11;
	s0 =	sor.u32 s10, s11  }
0x349: {  	v4 =	vld [tilespmem:s0+$0x12170]  }
0x34a: {  	v5 =	vld [tilespmem:s1+$0x12100]  }
0x34b: {  	v6 =	vld [tilespmem:s1+$0x12110]  }
0x34c: {  	v7 =	vld [tilespmem:s1+$0x12120]  }
0x34d: {  	v8 =	vld [tilespmem:s1+$0x12130]  }
0x34e: {  	[tilespmem:s0+$0x6170] =	vst.add.f32.msk $0xffff, v4  }
0x34f: {  	v4 =	vld [tilespmem:s1+$0x12140]  }
0x350: {  	v9 =	vld [tilespmem:s1+$0x12150]  }
0x351: {  	v10 =	vld [tilespmem:s1+$0x12160]  }
0x352: {  	v11 =	vld [tilespmem:s1+$0x12170]  }
0x353: {  	v12 =	vld [tilespmem:s1+$0x12500]  }
0x354: {  	v13 =	vld [tilespmem:s1+$0x12510]  }
0x355: {  	v14 =	vld [tilespmem:s1+$0x12520]  }
0x356: {  	v15 =	vld [tilespmem:s1+$0x12530]  }
0x357: {  	v16 =	vld [tilespmem:s1+$0x12540]  }
0x358: {  	v17 =	vld [tilespmem:s1+$0x12550]  }
0x359: {  	v18 =	vld [tilespmem:s1+$0x12560]  }
0x35a: {  	v19 =	vld [tilespmem:s1+$0x12570]  }
0x35b: {  	[tilespmem:s1+$0x6100] =	vst.add.f32.msk $0xffff, v5  }
0x35c: {  	[tilespmem:s1+$0x6110] =	vst.add.f32.msk $0xffff, v6  }
0x35d: {  	[tilespmem:s1+$0x6120] =	vst.add.f32.msk $0xffff, v7  }
0x35e: {  	[tilespmem:s1+$0x6130] =	vst.add.f32.msk $0xffff, v8  }
0x35f: {  	[tilespmem:s1+$0x6140] =	vst.add.f32.msk $0xffff, v4  }
0x360: {  	[tilespmem:s1+$0x6150] =	vst.add.f32.msk $0xffff, v9  }
0x361: {  	[tilespmem:s1+$0x6160] =	vst.add.f32.msk $0xffff, v10  }
0x362: {  	[tilespmem:s1+$0x6170] =	vst.add.f32.msk $0xffff, v11  }
0x363: {  	[tilespmem:s1+$0x6500] =	vst.add.f32.msk $0xffff, v12  }
0x364: {  	[tilespmem:s1+$0x6510] =	vst.add.f32.msk $0xffff, v13  }
0x365: {  	[tilespmem:s1+$0x6520] =	vst.add.f32.msk $0xffff, v14  }
0x366: {  	[tilespmem:s1+$0x6530] =	vst.add.f32.msk $0xffff, v15  }
0x367: {  	[tilespmem:s1+$0x6540] =	vst.add.f32.msk $0xffff, v16  }
0x368: {  	[tilespmem:s1+$0x6550] =	vst.add.f32.msk $0xffff, v17  }
0x369: {  	[tilespmem:s1+$0x6560] =	vst.add.f32.msk $0xffff, v18  }
0x36a: {  	[tilespmem:s1+$0x6570] =	vst.add.f32.msk $0xffff, v19  }
0x36b: {  	v4 =	vld [tilespmem:s8+$0x12100]  }
0x36c: {  	v5 =	vld [tilespmem:s8+$0x12110]  }
0x36d: {  	v6 =	vld [tilespmem:s8+$0x12120]  }
0x36e: {  	v7 =	vld [tilespmem:s8+$0x12130]  }
0x36f: {  	v8 =	vld [tilespmem:s8+$0x12140]  }
0x370: {  	v9 =	vld [tilespmem:s8+$0x12150]  }
0x371: {  	v10 =	vld [tilespmem:s8+$0x12160]  }
0x372: {  	v11 =	vld [tilespmem:s8+$0x12170]  }
0x373: {  	[tilespmem:s8+$0x6100] =	vst.add.f32.msk $0xffff, v4  }
0x374: {  	[tilespmem:s8+$0x6110] =	vst.add.f32.msk $0xffff, v5  }
0x375: {  	[tilespmem:s8+$0x6120] =	vst.add.f32.msk $0xffff, v6  }
0x376: {  	[tilespmem:s8+$0x6130] =	vst.add.f32.msk $0xffff, v7  }
0x377: {  	[tilespmem:s8+$0x6140] =	vst.add.f32.msk $0xffff, v8  }
0x378: {  	[tilespmem:s8+$0x6150] =	vst.add.f32.msk $0xffff, v9  }
0x379: {  	[tilespmem:s8+$0x6160] =	vst.add.f32.msk $0xffff, v10  }
0x37a: {  	[tilespmem:s8+$0x6170] =	vst.add.f32.msk $0xffff, v11  }
0x37b: {  	v4 =	vld [tilespmem:s23+$0x12100]  }
0x37c: {  	v5 =	vld [tilespmem:s23+$0x12110]  }
0x37d: {  	v6 =	vld [tilespmem:s23+$0x12120]  }
0x37e: {  	v7 =	vld [tilespmem:s23+$0x12130]  }
0x37f: {  	v8 =	vld [tilespmem:s23+$0x12140]  }
0x380: {  	v9 =	vld [tilespmem:s23+$0x12150]  }
0x381: {  	v10 =	vld [tilespmem:s23+$0x12160]  }
0x382: {  	v11 =	vld [tilespmem:s23+$0x12170]  }
0x383: {  	[tilespmem:s23+$0x6100] =	vst.add.f32.msk $0xffff, v4  }
0x384: {  	[tilespmem:s23+$0x6110] =	vst.add.f32.msk $0xffff, v5  }
0x385: {  	[tilespmem:s23+$0x6120] =	vst.add.f32.msk $0xffff, v6  }
0x386: {  	[tilespmem:s23+$0x6130] =	vst.add.f32.msk $0xffff, v7  }
0x387: {  	[tilespmem:s23+$0x6140] =	vst.add.f32.msk $0xffff, v8  }
0x388: {  	[tilespmem:s23+$0x6150] =	vst.add.f32.msk $0xffff, v9  }
0x389: {  	[tilespmem:s23+$0x6160] =	vst.add.f32.msk $0xffff, v10  }
0x38a: {  	[tilespmem:s23+$0x6170] =	vst.add.f32.msk $0xffff, v11  }
0x38b: {  	v4 =	vld [tilespmem:s9+$0x12100]  }
0x38c: {  	v5 =	vld [tilespmem:s9+$0x12110]  }
0x38d: {  	v6 =	vld [tilespmem:s9+$0x12120]  }
0x38e: {  	v7 =	vld [tilespmem:s9+$0x12130]  }
0x38f: {  	v8 =	vld [tilespmem:s9+$0x12140]  }
0x390: {  	v9 =	vld [tilespmem:s9+$0x12150]  }
0x391: {  	v10 =	vld [tilespmem:s9+$0x12160]  }
0x392: {  	v11 =	vld [tilespmem:s9+$0x12170]  }
0x393: {  	[tilespmem:s9+$0x6100] =	vst.add.f32.msk $0xffff, v4  }
0x394: {  	[tilespmem:s9+$0x6110] =	vst.add.f32.msk $0xffff, v5  }
0x395: {  	[tilespmem:s9+$0x6120] =	vst.add.f32.msk $0xffff, v6  }
0x396: {  	[tilespmem:s9+$0x6130] =	vst.add.f32.msk $0xffff, v7  }
0x397: {  	[tilespmem:s9+$0x6140] =	vst.add.f32.msk $0xffff, v8  }
0x398: {  	[tilespmem:s9+$0x6150] =	vst.add.f32.msk $0xffff, v9  }
0x399: {  	[tilespmem:s9+$0x6160] =	vst.add.f32.msk $0xffff, v10  }
0x39a: {  	[tilespmem:s9+$0x6170] =	vst.add.f32.msk $0xffff, v11  }
0x39b: {  	v9 =	vld [tilespmem:s21+$0x12100]  }
0x39c: {  	v10 =	vld [tilespmem:s21+$0x12110]  }
0x39d: {  	v11 =	vld [tilespmem:s21+$0x12120]  }
0x39e: {  	v12 =	vld [tilespmem:s21+$0x12130]  }
0x39f: {  	v13 =	vld [tilespmem:s21+$0x12140]  }
0x3a0: {  	v14 =	vld [tilespmem:s21+$0x12150]  }
0x3a1: {  	v15 =	vld [tilespmem:s21+$0x12160]  }
0x3a2: {  	v16 =	vld [tilespmem:s21+$0x12170]  }
0x3a3: {  	v17 =	vld [tilespmem:s0+$0x12100]  }
0x3a4: {  	v18 =	vld [tilespmem:s0+$0x12110]  }
0x3a5: {  	v8 =	vld [tilespmem:s0+$0x12120]  }
0x3a6: {  	v7 =	vld [tilespmem:s0+$0x12130]  }
0x3a7: {  	v6 =	vld [tilespmem:s0+$0x12140]  }
0x3a8: {  	v5 =	vld [tilespmem:s0+$0x12150]  }
0x3a9: {  	v4 =	vld [tilespmem:s0+$0x12160]  }
0x3aa: {  	[tilespmem:s21+$0x6100] =	vst.add.f32.msk $0xffff, v9  }
0x3ab: {  	[tilespmem:s21+$0x6110] =	vst.add.f32.msk $0xffff, v10  }
0x3ac: {  	[tilespmem:s21+$0x6120] =	vst.add.f32.msk $0xffff, v11  }
0x3ad: {  	[tilespmem:s21+$0x6130] =	vst.add.f32.msk $0xffff, v12  }
0x3ae: {  	[tilespmem:s21+$0x6140] =	vst.add.f32.msk $0xffff, v13  }
.Ltmp1:
0x3af: {  	[tilespmem:s21+$0x6150] =	vst.add.f32.msk $0xffff, v14;
	(pc) =	sbr.rel @p0 .LBB2_4-.Ltmp1, $4  }
0x3b0: {  	[tilespmem:s21+$0x6160] =	vst.add.f32.msk $0xffff, v15  }
0x3b1: {  	[tilespmem:s21+$0x6170] =	vst.add.f32.msk $0xffff, v16  }
0x3b2: {  	[tilespmem:s0+$0x6100] =	vst.add.f32.msk $0xffff, v17  }
0x3b3: {  	[tilespmem:s0+$0x6110] =	vst.add.f32.msk $0xffff, v18  }
0x3b4: {  	[tilespmem:s0+$0x6120] =	vst.add.f32.msk $0xffff, v8  }
0x3b5: {  	[tilespmem:s0+$0x6130] =	vst.add.f32.msk $0xffff, v7  }
0x3b6: {  	[tilespmem:s0+$0x6140] =	vst.add.f32.msk $0xffff, v6  }
0x3b7: {  	[tilespmem:s0+$0x6150] =	vst.add.f32.msk $0xffff, v5  }
0x3b8: {  	[tilespmem:s0+$0x6160] =	vst.add.f32.msk $0xffff, v4;
	s31 =	simm.s32 $0x0  }
0x3b9: {  	[hbm4b:s13+s31] =	stream.linear.scatter [tilespmem:s22], [sflag:$0x6], $0x6000, $0x38;
	[tilespmem:$0x18100] =	vst v63  }
0x3ba: {  	_ =	swait.ge [sflag:s29], $0x6000  }
0x3bb: {  	[sflag:s29] =	ssyncset.done $0x0  }
0x3bc: {  	s5 =	simm.s32 $0x80;
	[sflag:s29] =	ssyncadd.s32 $0xFFFFA000  }
0x3bd: {  	[tilespmem:s5], [sflag:$0x7] =	stream.linear.gather [hbm4b:s14+s31], $0x20, $0x38;
	[tilespmem:$0x18100] =	vst v63  }
0x3be: {  	_ =	swait.ge [sflag:s19], $0x20  }
0x3bf: {  	[sflag:s19] =	ssyncset.done $0x0  }
0x3c0: {  	[sflag:s19] =	ssyncadd.s32 $0xFFFFFFE0  }
0x3c1: {  	v4 =	vld [tilespmem:$0x80]  }
0x3c2: {  	v5 =	vld [tilespmem:$0x90];
	_ =	sdelay $0x3  }
0x3c3: {  	v4 =	vadd.s32 v0, v4  }
0x3c4: {  	[tilespmem:$0x80] =	vst v4;
	v4 =	vadd.s32 v0, v5  }
0x3c5: {  	[tilespmem:$0x90] =	vst v4  }
0x3c6: {  	[tilespmem:s22], [sflag:$0x4] =	stream.linear.gather [hbm4b:s15+s31], $0x6000, $0x38;
	[tilespmem:$0x18100] =	vst v63  }
0x3c7: {  	v4 =	vld [tilespmem:$0x80];
	_ =	sdelay $0x4  }
0x3c8: {  	v5 =	vshrl.u32 v4, $0x3  }
0x3c9: {  	v5 =	vmul.u32 $0x30, v5  }
0x3ca: {  	v4 =	vand.u32 $0x7, v4  }
0x3cb: {  	v4 =	vor.u32 v4, v5  }
0x3cc: {  	v5 =	vperm.xlane v4, v1;
	_ =	sdelay $0x1  }
0x3cd: {  	v5 =	vadd.s32 v2, v5;
	_ =	sdelay $0x3  }
0x3ce: {  	s8 =	simm.s32 $0x12100;
	v4 =	vperm.xlane v4, v3  }
0x3cf: {  	[tilespmem:s8], [sflag:$0x2] =	stream.indirect_vreg.gather [hbm4b:s3+s31], $0x80, v5, vm0, $0xb8;
	[tilespmem:$0x18100] =	vst v63  }
0x3d0: {  	s9 =	simm.s32 $0x12900;
	v4 =	vadd.s32 v2, v4  }
0x3d1: {  	[tilespmem:s9], [sflag:$0x2] =	stream.indirect_vreg.gather [hbm4b:s6+s31], $0x80, v5, vm0, $0xb8;
	[tilespmem:$0x18100] =	vst v63  }
0x3d2: {  	s10 =	simm.s32 $0x13100  }
0x3d3: {  	[tilespmem:s10], [sflag:$0x2] =	stream.indirect_vreg.gather [hbm4b:s7+s31], $0x80, v5, vm0, $0xb8;
	[tilespmem:$0x18100] =	vst v63  }
0x3d4: {  	s11 =	simm.s32 $0x13900  }
0x3d5: {  	[tilespmem:s11], [sflag:$0x2] =	stream.indirect_vreg.gather [hbm4b:s3+s31], $0x80, v4, vm0, $0xb8;
	[tilespmem:$0x18100] =	vst v63  }
0x3d6: {  	s12 =	simm.s32 $0x14100  }
0x3d7: {  	[tilespmem:s12], [sflag:$0x2] =	stream.indirect_vreg.gather [hbm4b:s6+s31], $0x80, v4, vm0, $0xb8;
	[tilespmem:$0x18100] =	vst v63  }
0x3d8: {  	s21 =	simm.s32 $0x14900  }
0x3d9: {  	[tilespmem:s21], [sflag:$0x2] =	stream.indirect_vreg.gather [hbm4b:s7+s31], $0x80, v4, vm0, $0xb8;
	[tilespmem:$0x18100] =	vst v63  }
0x3da: {  	v4 =	vld [tilespmem:$0x90];
	_ =	sdelay $0x4  }
0x3db: {  	v5 =	vshrl.u32 v4, $0x3  }
0x3dc: {  	v5 =	vmul.u32 $0x30, v5  }
0x3dd: {  	v4 =	vand.u32 $0x7, v4  }
0x3de: {  	v4 =	vor.u32 v4, v5  }
0x3df: {  	v5 =	vperm.xlane v4, v1;
	_ =	sdelay $0x1  }
0x3e0: {  	v5 =	vadd.s32 v2, v5;
	_ =	sdelay $0x3  }
0x3e1: {  	s23 =	simm.s32 $0x15100;
	v4 =	vperm.xlane v4, v3  }
0x3e2: {  	[tilespmem:s23], [sflag:$0x2] =	stream.indirect_vreg.gather [hbm4b:s3+s31], $0x80, v5, vm0, $0xb8;
	[tilespmem:$0x18100] =	vst v63  }
0x3e3: {  	s1 =	simm.s32 $0x15900;
	v4 =	vadd.s32 v2, v4  }
0x3e4: {  	[tilespmem:s1], [sflag:$0x2] =	stream.indirect_vreg.gather [hbm4b:s6+s31], $0x80, v5, vm0, $0xb8;
	[tilespmem:$0x18100] =	vst v63  }
0x3e5: {  	s5 =	simm.s32 $0x16100  }
0x3e6: {  	[tilespmem:s5], [sflag:$0x2] =	stream.indirect_vreg.gather [hbm4b:s7+s31], $0x80, v5, vm0, $0xb8;
	[tilespmem:$0x18100] =	vst v63  }
0x3e7: {  	s8 =	simm.s32 $0x16900  }
0x3e8: {  	[tilespmem:s8], [sflag:$0x2] =	stream.indirect_vreg.gather [hbm4b:s3+s31], $0x80, v4, vm0, $0xb8;
	[tilespmem:$0x18100] =	vst v63  }
0x3e9: {  	s9 =	simm.s32 $0x17100  }
0x3ea: {  	[tilespmem:s9], [sflag:$0x2] =	stream.indirect_vreg.gather [hbm4b:s6+s31], $0x80, v4, vm0, $0xb8;
	[tilespmem:$0x18100] =	vst v63  }
0x3eb: {  	s10 =	simm.s32 $0x17900  }
0x3ec: {  	[tilespmem:s10], [sflag:$0x2] =	stream.indirect_vreg.gather [hbm4b:s7+s31], $0x80, v4, vm0, $0xb8;
	[tilespmem:$0x18100] =	vst v63  }
0x3ed: {  	_ =	swait.ge [sflag:s24], $0x6000  }
0x3ee: {  	[sflag:s24] =	ssyncset.done $0x0  }
0x3ef: {  	s11 =	simm.s32 $0x0;
	[sflag:s24] =	ssyncadd.s32 $0xFFFFA000  }
0x3f0: {  	s0 =	smul.u32 $0x1800, s11;
	s1 =	sand.u32 $0x300, s31;
	_ =	swait.ge [sflag:s25], $0x6000  }
0x3f1: {  	s5 =	sor.u32 $0x80, s1;
	[sflag:s25] =	ssyncset.done $0x0  }
0x3f2: {  	s9 =	sor.u32 s0, s5;
	[sflag:s25] =	ssyncadd.s32 $0xFFFFA000  }
0x3f3: {  	v4 =	vld [tilespmem:s9+$0xC100]  }
0x3f4: {  	v5 =	vld [tilespmem:s9+$0xC110]  }
0x3f5: {  	v6 =	vld [tilespmem:s9+$0xC120]  }
0x3f6: {  	v7 =	vld [tilespmem:s9+$0xC130]  }
0x3f7: {  	v8 =	vld [tilespmem:s9+$0xC140]  }
0x3f8: {  	v9 =	vld [tilespmem:s9+$0xC150]  }
0x3f9: {  	v10 =	vld [tilespmem:s9+$0xC160]  }
0x3fa: {  	v11 =	vld [tilespmem:s9+$0xC170]  }
0x3fb: {  	v12 =	vld [tilespmem:s9+$0xC500]  }
0x3fc: {  	v13 =	vld [tilespmem:s9+$0xC510]  }
0x3fd: {  	v14 =	vld [tilespmem:s9+$0xC520]  }
0x3fe: {  	v15 =	vld [tilespmem:s9+$0xC530]  }
0x3ff: {  	v16 =	vld [tilespmem:s9+$0xC540]  }
0x400: {  	v17 =	vld [tilespmem:s9+$0xC550]  }
0x401: {  	v18 =	vld [tilespmem:s9+$0xC560]  }
0x402: {  	s23 =	sor.u32 s1, s0;
	v19 =	vld [tilespmem:s9+$0xC570]  }
0x403: {  	v54 =	vld [tilespmem:s23+$0xC500]  }
0x404: {  	v55 =	vld [tilespmem:s23+$0xC510]  }
0x405: {  	v56 =	vld [tilespmem:s23+$0xC520]  }
0x406: {  	v57 =	vld [tilespmem:s23+$0xC530]  }
0x407: {  	v58 =	vld [tilespmem:s23+$0xC540]  }
0x408: {  	v59 =	vld [tilespmem:s23+$0xC550]  }
0x409: {  	v60 =	vld [tilespmem:s23+$0xC560]  }
0x40a: {  	v61 =	vld [tilespmem:s23+$0xC570]  }
0x40b: {  	[tilespmem:s9+$0x100] =	vst.add.f32.msk $0xffff, v4  }
0x40c: {  	[tilespmem:s9+$0x110] =	vst.add.f32.msk $0xffff, v5  }
0x40d: {  	[tilespmem:s9+$0x120] =	vst.add.f32.msk $0xffff, v6  }
0x40e: {  	[tilespmem:s9+$0x130] =	vst.add.f32.msk $0xffff, v7  }
0x40f: {  	[tilespmem:s9+$0x140] =	vst.add.f32.msk $0xffff, v8  }
0x410: {  	[tilespmem:s9+$0x150] =	vst.add.f32.msk $0xffff, v9  }
0x411: {  	[tilespmem:s9+$0x160] =	vst.add.f32.msk $0xffff, v10  }
0x412: {  	[tilespmem:s9+$0x170] =	vst.add.f32.msk $0xffff, v11  }
0x413: {  	[tilespmem:s9+$0x500] =	vst.add.f32.msk $0xffff, v12  }
0x414: {  	[tilespmem:s9+$0x510] =	vst.add.f32.msk $0xffff, v13  }
0x415: {  	[tilespmem:s9+$0x520] =	vst.add.f32.msk $0xffff, v14  }
0x416: {  	[tilespmem:s9+$0x530] =	vst.add.f32.msk $0xffff, v15  }
0x417: {  	[tilespmem:s9+$0x540] =	vst.add.f32.msk $0xffff, v16  }
0x418: {  	[tilespmem:s9+$0x550] =	vst.add.f32.msk $0xffff, v17  }
0x419: {  	[tilespmem:s9+$0x560] =	vst.add.f32.msk $0xffff, v18  }
0x41a: {  	[tilespmem:s9+$0x570] =	vst.add.f32.msk $0xffff, v19  }
0x41b: {  	[tilespmem:s23+$0x500] =	vst.add.f32.msk $0xffff, v54  }
0x41c: {  	[tilespmem:s23+$0x510] =	vst.add.f32.msk $0xffff, v55  }
0x41d: {  	[tilespmem:s23+$0x520] =	vst.add.f32.msk $0xffff, v56  }
0x41e: {  	[tilespmem:s23+$0x530] =	vst.add.f32.msk $0xffff, v57  }
0x41f: {  	[tilespmem:s23+$0x540] =	vst.add.f32.msk $0xffff, v58  }
0x420: {  	[tilespmem:s23+$0x550] =	vst.add.f32.msk $0xffff, v59  }
0x421: {  	s8 =	sadd.s32 $0x800, s0;
	[tilespmem:s23+$0x560] =	vst.add.f32.msk $0xffff, v60  }
0x422: {  	s12 =	sor.u32 s5, s8;
	[tilespmem:s23+$0x570] =	vst.add.f32.msk $0xffff, v61  }
0x423: {  	v4 =	vld [tilespmem:s12+$0xC100]  }
0x424: {  	v5 =	vld [tilespmem:s12+$0xC110]  }
0x425: {  	v6 =	vld [tilespmem:s12+$0xC120]  }
0x426: {  	v7 =	vld [tilespmem:s12+$0xC130]  }
0x427: {  	v8 =	vld [tilespmem:s12+$0xC140]  }
0x428: {  	v9 =	vld [tilespmem:s12+$0xC150]  }
0x429: {  	v10 =	vld [tilespmem:s12+$0xC160]  }
0x42a: {  	v11 =	vld [tilespmem:s12+$0xC170]  }
0x42b: {  	[tilespmem:s12+$0x100] =	vst.add.f32.msk $0xffff, v4  }
0x42c: {  	[tilespmem:s12+$0x110] =	vst.add.f32.msk $0xffff, v5  }
0x42d: {  	[tilespmem:s12+$0x120] =	vst.add.f32.msk $0xffff, v6  }
0x42e: {  	[tilespmem:s12+$0x130] =	vst.add.f32.msk $0xffff, v7  }
0x42f: {  	[tilespmem:s12+$0x140] =	vst.add.f32.msk $0xffff, v8  }
0x430: {  	[tilespmem:s12+$0x150] =	vst.add.f32.msk $0xffff, v9  }
0x431: {  	s10 =	sadd.s32 $0xC00, s0;
	[tilespmem:s12+$0x160] =	vst.add.f32.msk $0xffff, v10  }
0x432: {  	s11 =	sor.u32 s5, s10;
	[tilespmem:s12+$0x170] =	vst.add.f32.msk $0xffff, v11  }
0x433: {  	v4 =	vld [tilespmem:s11+$0xC100]  }
0x434: {  	v5 =	vld [tilespmem:s11+$0xC110]  }
0x435: {  	v6 =	vld [tilespmem:s11+$0xC120]  }
0x436: {  	v7 =	vld [tilespmem:s11+$0xC130]  }
0x437: {  	v8 =	vld [tilespmem:s11+$0xC140]  }
0x438: {  	v9 =	vld [tilespmem:s11+$0xC150]  }
0x439: {  	v10 =	vld [tilespmem:s11+$0xC160]  }
0x43a: {  	v11 =	vld [tilespmem:s11+$0xC170]  }
0x43b: {  	[tilespmem:s11+$0x100] =	vst.add.f32.msk $0xffff, v4  }
0x43c: {  	[tilespmem:s11+$0x110] =	vst.add.f32.msk $0xffff, v5  }
0x43d: {  	[tilespmem:s11+$0x120] =	vst.add.f32.msk $0xffff, v6  }
0x43e: {  	[tilespmem:s11+$0x130] =	vst.add.f32.msk $0xffff, v7  }
0x43f: {  	[tilespmem:s11+$0x140] =	vst.add.f32.msk $0xffff, v8  }
0x440: {  	[tilespmem:s11+$0x150] =	vst.add.f32.msk $0xffff, v9  }
0x441: {  	s9 =	sadd.s32 $0x1000, s0;
	[tilespmem:s11+$0x160] =	vst.add.f32.msk $0xffff, v10  }
0x442: {  	s21 =	sor.u32 s5, s9;
	[tilespmem:s11+$0x170] =	vst.add.f32.msk $0xffff, v11  }
0x443: {  	v4 =	vld [tilespmem:s21+$0xC100]  }
0x444: {  	v5 =	vld [tilespmem:s21+$0xC110]  }
0x445: {  	v6 =	vld [tilespmem:s21+$0xC120]  }
0x446: {  	v7 =	vld [tilespmem:s21+$0xC130]  }
0x447: {  	v8 =	vld [tilespmem:s21+$0xC140]  }
0x448: {  	v9 =	vld [tilespmem:s21+$0xC150]  }
0x449: {  	v10 =	vld [tilespmem:s21+$0xC160]  }
0x44a: {  	v11 =	vld [tilespmem:s21+$0xC170]  }
0x44b: {  	[tilespmem:s21+$0x100] =	vst.add.f32.msk $0xffff, v4  }
0x44c: {  	[tilespmem:s21+$0x110] =	vst.add.f32.msk $0xffff, v5  }
0x44d: {  	[tilespmem:s21+$0x120] =	vst.add.f32.msk $0xffff, v6  }
0x44e: {  	[tilespmem:s21+$0x130] =	vst.add.f32.msk $0xffff, v7  }
0x44f: {  	[tilespmem:s21+$0x140] =	vst.add.f32.msk $0xffff, v8  }
0x450: {  	[tilespmem:s21+$0x150] =	vst.add.f32.msk $0xffff, v9  }
0x451: {  	[tilespmem:s21+$0x160] =	vst.add.f32.msk $0xffff, v10  }
0x452: {  	[tilespmem:s21+$0x170] =	vst.add.f32.msk $0xffff, v11  }
0x453: {  	v4 =	vld [tilespmem:s23+$0xC100]  }
0x454: {  	v5 =	vld [tilespmem:s23+$0xC110]  }
0x455: {  	v6 =	vld [tilespmem:s23+$0xC120]  }
0x456: {  	v7 =	vld [tilespmem:s23+$0xC130]  }
0x457: {  	v8 =	vld [tilespmem:s23+$0xC140]  }
0x458: {  	v9 =	vld [tilespmem:s23+$0xC150]  }
0x459: {  	v10 =	vld [tilespmem:s23+$0xC160];
	s21 =	sadd.s32 $0x1400, s0  }
0x45a: {  	v11 =	vld [tilespmem:s23+$0xC170];
	s0 =	sor.u32 s5, s21  }
0x45b: {  	v62 =	vld [tilespmem:s0+$0xC100]  }
0x45c: {  	v63 =	vld [tilespmem:s0+$0xC110]  }
0x45d: {  	[tilespmem:s23+$0x100] =	vst.add.f32.msk $0xffff, v4  }
0x45e: {  	[tilespmem:s23+$0x110] =	vst.add.f32.msk $0xffff, v5  }
0x45f: {  	[tilespmem:s23+$0x120] =	vst.add.f32.msk $0xffff, v6  }
0x460: {  	[tilespmem:s23+$0x130] =	vst.add.f32.msk $0xffff, v7  }
0x461: {  	[tilespmem:s23+$0x140] =	vst.add.f32.msk $0xffff, v8  }
0x462: {  	[tilespmem:s23+$0x150] =	vst.add.f32.msk $0xffff, v9  }
0x463: {  	[tilespmem:s23+$0x160] =	vst.add.f32.msk $0xffff, v10  }
0x464: {  	s8 =	sor.u32 s1, s8;
	[tilespmem:s23+$0x170] =	vst.add.f32.msk $0xffff, v11  }
0x465: {  	v4 =	vld [tilespmem:s8+$0xC100]  }
0x466: {  	v5 =	vld [tilespmem:s8+$0xC110]  }
0x467: {  	v6 =	vld [tilespmem:s8+$0xC120]  }
0x468: {  	v7 =	vld [tilespmem:s8+$0xC130]  }
0x469: {  	v8 =	vld [tilespmem:s8+$0xC140]  }
0x46a: {  	v9 =	vld [tilespmem:s8+$0xC150]  }
0x46b: {  	v10 =	vld [tilespmem:s8+$0xC160]  }
0x46c: {  	v11 =	vld [tilespmem:s8+$0xC170]  }
0x46d: {  	[tilespmem:s0+$0x100] =	vst.add.f32.msk $0xffff, v62  }
0x46e: {  	[tilespmem:s0+$0x110] =	vst.add.f32.msk $0xffff, v63  }
0x46f: {  	[tilespmem:s8+$0x100] =	vst.add.f32.msk $0xffff, v4  }
0x470: {  	[tilespmem:s8+$0x110] =	vst.add.f32.msk $0xffff, v5  }
0x471: {  	[tilespmem:s8+$0x120] =	vst.add.f32.msk $0xffff, v6  }
0x472: {  	[tilespmem:s8+$0x130] =	vst.add.f32.msk $0xffff, v7  }
0x473: {  	[tilespmem:s8+$0x140] =	vst.add.f32.msk $0xffff, v8  }
0x474: {  	[tilespmem:s8+$0x150] =	vst.add.f32.msk $0xffff, v9  }
0x475: {  	[tilespmem:s8+$0x160] =	vst.add.f32.msk $0xffff, v10  }
0x476: {  	s12 =	sor.u32 s1, s10;
	[tilespmem:s8+$0x170] =	vst.add.f32.msk $0xffff, v11  }
0x477: {  	v4 =	vld [tilespmem:s12+$0xC100]  }
0x478: {  	v5 =	vld [tilespmem:s12+$0xC110]  }
0x479: {  	v6 =	vld [tilespmem:s12+$0xC120]  }
0x47a: {  	v7 =	vld [tilespmem:s12+$0xC130]  }
0x47b: {  	v8 =	vld [tilespmem:s12+$0xC140]  }
0x47c: {  	v9 =	vld [tilespmem:s12+$0xC150]  }
0x47d: {  	v10 =	vld [tilespmem:s12+$0xC160]  }
0x47e: {  	v11 =	vld [tilespmem:s12+$0xC170]  }
0x47f: {  	[tilespmem:s12+$0x100] =	vst.add.f32.msk $0xffff, v4  }
0x480: {  	[tilespmem:s12+$0x110] =	vst.add.f32.msk $0xffff, v5  }
0x481: {  	[tilespmem:s12+$0x120] =	vst.add.f32.msk $0xffff, v6  }
0x482: {  	[tilespmem:s12+$0x130] =	vst.add.f32.msk $0xffff, v7  }
0x483: {  	[tilespmem:s12+$0x140] =	vst.add.f32.msk $0xffff, v8  }
0x484: {  	[tilespmem:s12+$0x150] =	vst.add.f32.msk $0xffff, v9  }
0x485: {  	[tilespmem:s12+$0x160] =	vst.add.f32.msk $0xffff, v10  }
0x486: {  	[tilespmem:s12+$0x170] =	vst.add.f32.msk $0xffff, v11  }
0x487: {  	s23 =	sor.u32 s1, s9;
	v4 =	vld [tilespmem:s0+$0xC170]  }
0x488: {  	v5 =	vld [tilespmem:s23+$0xC100]  }
0x489: {  	v6 =	vld [tilespmem:s23+$0xC110]  }
0x48a: {  	v7 =	vld [tilespmem:s23+$0xC120]  }
0x48b: {  	v8 =	vld [tilespmem:s23+$0xC130]  }
0x48c: {  	v9 =	vld [tilespmem:s23+$0xC140]  }
0x48d: {  	v10 =	vld [tilespmem:s23+$0xC150]  }
0x48e: {  	v11 =	vld [tilespmem:s23+$0xC160]  }
0x48f: {  	v12 =	vld [tilespmem:s23+$0xC170]  }
0x490: {  	[tilespmem:s0+$0x170] =	vst.add.f32.msk $0xffff, v4  }
0x491: {  	v4 =	vld [tilespmem:s0+$0xC160]  }
0x492: {  	[tilespmem:s23+$0x100] =	vst.add.f32.msk $0xffff, v5  }
0x493: {  	[tilespmem:s23+$0x110] =	vst.add.f32.msk $0xffff, v6  }
0x494: {  	[tilespmem:s23+$0x120] =	vst.add.f32.msk $0xffff, v7  }
0x495: {  	[tilespmem:s23+$0x130] =	vst.add.f32.msk $0xffff, v8  }
0x496: {  	[tilespmem:s23+$0x140] =	vst.add.f32.msk $0xffff, v9  }
0x497: {  	[tilespmem:s23+$0x150] =	vst.add.f32.msk $0xffff, v10  }
0x498: {  	[tilespmem:s23+$0x160] =	vst.add.f32.msk $0xffff, v11  }
0x499: {  	[tilespmem:s23+$0x170] =	vst.add.f32.msk $0xffff, v12  }
0x49a: {  	v8 =	vld [tilespmem:s0+$0xC120]  }
0x49b: {  	v7 =	vld [tilespmem:s0+$0xC130]  }
0x49c: {  	v6 =	vld [tilespmem:s0+$0xC140]  }
0x49d: {  	s1 =	sor.u32 s1, s21;
	v5 =	vld [tilespmem:s0+$0xC150]  }
0x49e: {  	v9 =	vld [tilespmem:s1+$0xC100]  }
0x49f: {  	v10 =	vld [tilespmem:s1+$0xC110]  }
0x4a0: {  	v11 =	vld [tilespmem:s1+$0xC120]  }
0x4a1: {  	v12 =	vld [tilespmem:s1+$0xC130]  }
0x4a2: {  	v13 =	vld [tilespmem:s1+$0xC140]  }
0x4a3: {  	v14 =	vld [tilespmem:s1+$0xC150]  }
0x4a4: {  	v15 =	vld [tilespmem:s1+$0xC160]  }
0x4a5: {  	v16 =	vld [tilespmem:s1+$0xC170]  }
0x4a6: {  	[tilespmem:s1+$0x100] =	vst.add.f32.msk $0xffff, v9  }
0x4a7: {  	[tilespmem:s1+$0x110] =	vst.add.f32.msk $0xffff, v10  }
0x4a8: {  	[tilespmem:s1+$0x120] =	vst.add.f32.msk $0xffff, v11  }
0x4a9: {  	[tilespmem:s1+$0x130] =	vst.add.f32.msk $0xffff, v12  }
0x4aa: {  	[tilespmem:s1+$0x140] =	vst.add.f32.msk $0xffff, v13  }
0x4ab: {  	[tilespmem:s1+$0x150] =	vst.add.f32.msk $0xffff, v14  }
0x4ac: {  	[tilespmem:s1+$0x160] =	vst.add.f32.msk $0xffff, v15  }
0x4ad: {  	s5 =	simm.s32 $0x0;
	[tilespmem:s1+$0x170] =	vst.add.f32.msk $0xffff, v16  }
.LBB2_6:
0x4ae: {  	s5 =	sadd.s32 $0x2, s5;
	[tilespmem:s0+$0x120] =	vst.add.f32.msk $0xffff, v8  }
0x4af: {  	s31 =	sadd.s32 $0x100, s31;
	s1 =	sshrl.u32 s5, $0x3;
	p0 =	slt.u32 s5, $0x1E;
	[tilespmem:s0+$0x130] =	vst.add.f32.msk $0xffff, v7  }
0x4b0: {  	s21 =	sand.u32 $0x300, s31;
	s11 =	smul.u32 $0x1800, s1;
	[tilespmem:s0+$0x140] =	vst.add.f32.msk $0xffff, v6  }
0x4b1: {  	s10 =	sor.u32 $0x80, s21;
	[tilespmem:s0+$0x150] =	vst.add.f32.msk $0xffff, v5  }
0x4b2: {  	s1 =	sor.u32 s21, s11;
	s9 =	sor.u32 s11, s10;
	[tilespmem:s0+$0x160] =	vst.add.f32.msk $0xffff, v4  }
0x4b3: {  	v4 =	vld [tilespmem:s9+$0xC100]  }
0x4b4: {  	v5 =	vld [tilespmem:s9+$0xC110]  }
0x4b5: {  	v6 =	vld [tilespmem:s9+$0xC120]  }
0x4b6: {  	v7 =	vld [tilespmem:s9+$0xC130]  }
0x4b7: {  	v8 =	vld [tilespmem:s9+$0xC140]  }
0x4b8: {  	v9 =	vld [tilespmem:s9+$0xC150]  }
0x4b9: {  	v10 =	vld [tilespmem:s9+$0xC160]  }
0x4ba: {  	v11 =	vld [tilespmem:s9+$0xC170]  }
0x4bb: {  	v12 =	vld [tilespmem:s9+$0xC500]  }
0x4bc: {  	v13 =	vld [tilespmem:s9+$0xC510]  }
0x4bd: {  	v14 =	vld [tilespmem:s9+$0xC520]  }
0x4be: {  	v15 =	vld [tilespmem:s9+$0xC530]  }
0x4bf: {  	v16 =	vld [tilespmem:s9+$0xC540]  }
0x4c0: {  	v17 =	vld [tilespmem:s9+$0xC550]  }
0x4c1: {  	v18 =	vld [tilespmem:s9+$0xC560]  }
0x4c2: {  	v19 =	vld [tilespmem:s9+$0xC570]  }
0x4c3: {  	[tilespmem:s9+$0x100] =	vst.add.f32.msk $0xffff, v4  }
0x4c4: {  	[tilespmem:s9+$0x110] =	vst.add.f32.msk $0xffff, v5  }
0x4c5: {  	[tilespmem:s9+$0x120] =	vst.add.f32.msk $0xffff, v6  }
0x4c6: {  	[tilespmem:s9+$0x130] =	vst.add.f32.msk $0xffff, v7  }
0x4c7: {  	[tilespmem:s9+$0x140] =	vst.add.f32.msk $0xffff, v8  }
0x4c8: {  	[tilespmem:s9+$0x150] =	vst.add.f32.msk $0xffff, v9  }
0x4c9: {  	[tilespmem:s9+$0x160] =	vst.add.f32.msk $0xffff, v10  }
0x4ca: {  	[tilespmem:s9+$0x170] =	vst.add.f32.msk $0xffff, v11  }
0x4cb: {  	[tilespmem:s9+$0x500] =	vst.add.f32.msk $0xffff, v12  }
0x4cc: {  	[tilespmem:s9+$0x510] =	vst.add.f32.msk $0xffff, v13  }
0x4cd: {  	[tilespmem:s9+$0x520] =	vst.add.f32.msk $0xffff, v14  }
0x4ce: {  	[tilespmem:s9+$0x530] =	vst.add.f32.msk $0xffff, v15  }
0x4cf: {  	[tilespmem:s9+$0x540] =	vst.add.f32.msk $0xffff, v16  }
0x4d0: {  	[tilespmem:s9+$0x550] =	vst.add.f32.msk $0xffff, v17  }
0x4d1: {  	s0 =	sadd.s32 $0x800, s11;
	[tilespmem:s9+$0x560] =	vst.add.f32.msk $0xffff, v18  }
0x4d2: {  	s8 =	sor.u32 s21, s0;
	s0 =	sor.u32 s10, s0;
	[tilespmem:s9+$0x570] =	vst.add.f32.msk $0xffff, v19  }
0x4d3: {  	v4 =	vld [tilespmem:s0+$0xC100]  }
0x4d4: {  	v5 =	vld [tilespmem:s0+$0xC110]  }
0x4d5: {  	v6 =	vld [tilespmem:s0+$0xC120]  }
0x4d6: {  	v7 =	vld [tilespmem:s0+$0xC130]  }
0x4d7: {  	v8 =	vld [tilespmem:s0+$0xC140]  }
0x4d8: {  	v9 =	vld [tilespmem:s0+$0xC150]  }
0x4d9: {  	v10 =	vld [tilespmem:s0+$0xC160]  }
0x4da: {  	v11 =	vld [tilespmem:s0+$0xC170]  }
0x4db: {  	[tilespmem:s0+$0x100] =	vst.add.f32.msk $0xffff, v4  }
0x4dc: {  	[tilespmem:s0+$0x110] =	vst.add.f32.msk $0xffff, v5  }
0x4dd: {  	[tilespmem:s0+$0x120] =	vst.add.f32.msk $0xffff, v6  }
0x4de: {  	[tilespmem:s0+$0x130] =	vst.add.f32.msk $0xffff, v7  }
0x4df: {  	[tilespmem:s0+$0x140] =	vst.add.f32.msk $0xffff, v8  }
0x4e0: {  	[tilespmem:s0+$0x150] =	vst.add.f32.msk $0xffff, v9  }
0x4e1: {  	s9 =	sadd.s32 $0xC00, s11;
	[tilespmem:s0+$0x160] =	vst.add.f32.msk $0xffff, v10  }
0x4e2: {  	s23 =	sor.u32 s21, s9;
	[tilespmem:s0+$0x170] =	vst.add.f32.msk $0xffff, v11;
	s0 =	sor.u32 s10, s9  }
0x4e3: {  	v4 =	vld [tilespmem:s0+$0xC100]  }
0x4e4: {  	v5 =	vld [tilespmem:s0+$0xC110]  }
0x4e5: {  	v6 =	vld [tilespmem:s0+$0xC120]  }
0x4e6: {  	v7 =	vld [tilespmem:s0+$0xC130]  }
0x4e7: {  	v8 =	vld [tilespmem:s0+$0xC140]  }
0x4e8: {  	v9 =	vld [tilespmem:s0+$0xC150]  }
0x4e9: {  	v10 =	vld [tilespmem:s0+$0xC160]  }
0x4ea: {  	v11 =	vld [tilespmem:s0+$0xC170]  }
0x4eb: {  	[tilespmem:s0+$0x100] =	vst.add.f32.msk $0xffff, v4  }
0x4ec: {  	[tilespmem:s0+$0x110] =	vst.add.f32.msk $0xffff, v5  }
0x4ed: {  	[tilespmem:s0+$0x120] =	vst.add.f32.msk $0xffff, v6  }
0x4ee: {  	[tilespmem:s0+$0x130] =	vst.add.f32.msk $0xffff, v7  }
0x4ef: {  	[tilespmem:s0+$0x140] =	vst.add.f32.msk $0xffff, v8  }
0x4f0: {  	[tilespmem:s0+$0x150] =	vst.add.f32.msk $0xffff, v9  }
0x4f1: {  	s12 =	sadd.s32 $0x1000, s11;
	[tilespmem:s0+$0x160] =	vst.add.f32.msk $0xffff, v10  }
0x4f2: {  	s9 =	sor.u32 s21, s12;
	[tilespmem:s0+$0x170] =	vst.add.f32.msk $0xffff, v11;
	s0 =	sor.u32 s10, s12  }
0x4f3: {  	v4 =	vld [tilespmem:s0+$0xC100]  }
0x4f4: {  	v5 =	vld [tilespmem:s0+$0xC110]  }
0x4f5: {  	v6 =	vld [tilespmem:s0+$0xC120]  }
0x4f6: {  	v7 =	vld [tilespmem:s0+$0xC130]  }
0x4f7: {  	v8 =	vld [tilespmem:s0+$0xC140]  }
0x4f8: {  	v9 =	vld [tilespmem:s0+$0xC150]  }
0x4f9: {  	v10 =	vld [tilespmem:s0+$0xC160]  }
0x4fa: {  	v11 =	vld [tilespmem:s0+$0xC170]  }
0x4fb: {  	[tilespmem:s0+$0x100] =	vst.add.f32.msk $0xffff, v4  }
0x4fc: {  	[tilespmem:s0+$0x110] =	vst.add.f32.msk $0xffff, v5  }
0x4fd: {  	[tilespmem:s0+$0x120] =	vst.add.f32.msk $0xffff, v6  }
0x4fe: {  	[tilespmem:s0+$0x130] =	vst.add.f32.msk $0xffff, v7  }
0x4ff: {  	[tilespmem:s0+$0x140] =	vst.add.f32.msk $0xffff, v8  }
0x500: {  	[tilespmem:s0+$0x150] =	vst.add.f32.msk $0xffff, v9  }
0x501: {  	s11 =	sadd.s32 $0x1400, s11;
	[tilespmem:s0+$0x160] =	vst.add.f32.msk $0xffff, v10  }
0x502: {  	s21 =	sor.u32 s21, s11;
	[tilespmem:s0+$0x170] =	vst.add.f32.msk $0xffff, v11;
	s0 =	sor.u32 s10, s11  }
0x503: {  	v4 =	vld [tilespmem:s0+$0xC170]  }
0x504: {  	v5 =	vld [tilespmem:s1+$0xC100]  }
0x505: {  	v6 =	vld [tilespmem:s1+$0xC110]  }
0x506: {  	v7 =	vld [tilespmem:s1+$0xC120]  }
0x507: {  	v8 =	vld [tilespmem:s1+$0xC130]  }
0x508: {  	[tilespmem:s0+$0x170] =	vst.add.f32.msk $0xffff, v4  }
0x509: {  	v4 =	vld [tilespmem:s1+$0xC140]  }
0x50a: {  	v9 =	vld [tilespmem:s1+$0xC150]  }
0x50b: {  	v10 =	vld [tilespmem:s1+$0xC160]  }
0x50c: {  	v11 =	vld [tilespmem:s1+$0xC170]  }
0x50d: {  	v12 =	vld [tilespmem:s1+$0xC500]  }
0x50e: {  	v13 =	vld [tilespmem:s1+$0xC510]  }
0x50f: {  	v14 =	vld [tilespmem:s1+$0xC520]  }
0x510: {  	v15 =	vld [tilespmem:s1+$0xC530]  }
0x511: {  	v16 =	vld [tilespmem:s1+$0xC540]  }
0x512: {  	v17 =	vld [tilespmem:s1+$0xC550]  }
0x513: {  	v18 =	vld [tilespmem:s1+$0xC560]  }
0x514: {  	v19 =	vld [tilespmem:s1+$0xC570]  }
0x515: {  	[tilespmem:s1+$0x100] =	vst.add.f32.msk $0xffff, v5  }
0x516: {  	[tilespmem:s1+$0x110] =	vst.add.f32.msk $0xffff, v6  }
0x517: {  	[tilespmem:s1+$0x120] =	vst.add.f32.msk $0xffff, v7  }
0x518: {  	[tilespmem:s1+$0x130] =	vst.add.f32.msk $0xffff, v8  }
0x519: {  	[tilespmem:s1+$0x140] =	vst.add.f32.msk $0xffff, v4  }
0x51a: {  	[tilespmem:s1+$0x150] =	vst.add.f32.msk $0xffff, v9  }
0x51b: {  	[tilespmem:s1+$0x160] =	vst.add.f32.msk $0xffff, v10  }
0x51c: {  	[tilespmem:s1+$0x170] =	vst.add.f32.msk $0xffff, v11  }
0x51d: {  	[tilespmem:s1+$0x500] =	vst.add.f32.msk $0xffff, v12  }
0x51e: {  	[tilespmem:s1+$0x510] =	vst.add.f32.msk $0xffff, v13  }
0x51f: {  	[tilespmem:s1+$0x520] =	vst.add.f32.msk $0xffff, v14  }
0x520: {  	[tilespmem:s1+$0x530] =	vst.add.f32.msk $0xffff, v15  }
0x521: {  	[tilespmem:s1+$0x540] =	vst.add.f32.msk $0xffff, v16  }
0x522: {  	[tilespmem:s1+$0x550] =	vst.add.f32.msk $0xffff, v17  }
0x523: {  	[tilespmem:s1+$0x560] =	vst.add.f32.msk $0xffff, v18  }
0x524: {  	[tilespmem:s1+$0x570] =	vst.add.f32.msk $0xffff, v19  }
0x525: {  	v4 =	vld [tilespmem:s8+$0xC100]  }
0x526: {  	v5 =	vld [tilespmem:s8+$0xC110]  }
0x527: {  	v6 =	vld [tilespmem:s8+$0xC120]  }
0x528: {  	v7 =	vld [tilespmem:s8+$0xC130]  }
0x529: {  	v8 =	vld [tilespmem:s8+$0xC140]  }
0x52a: {  	v9 =	vld [tilespmem:s8+$0xC150]  }
0x52b: {  	v10 =	vld [tilespmem:s8+$0xC160]  }
0x52c: {  	v11 =	vld [tilespmem:s8+$0xC170]  }
0x52d: {  	[tilespmem:s8+$0x100] =	vst.add.f32.msk $0xffff, v4  }
0x52e: {  	[tilespmem:s8+$0x110] =	vst.add.f32.msk $0xffff, v5  }
0x52f: {  	[tilespmem:s8+$0x120] =	vst.add.f32.msk $0xffff, v6  }
0x530: {  	[tilespmem:s8+$0x130] =	vst.add.f32.msk $0xffff, v7  }
0x531: {  	[tilespmem:s8+$0x140] =	vst.add.f32.msk $0xffff, v8  }
0x532: {  	[tilespmem:s8+$0x150] =	vst.add.f32.msk $0xffff, v9  }
0x533: {  	[tilespmem:s8+$0x160] =	vst.add.f32.msk $0xffff, v10  }
0x534: {  	[tilespmem:s8+$0x170] =	vst.add.f32.msk $0xffff, v11  }
0x535: {  	v4 =	vld [tilespmem:s23+$0xC100]  }
0x536: {  	v5 =	vld [tilespmem:s23+$0xC110]  }
0x537: {  	v6 =	vld [tilespmem:s23+$0xC120]  }
0x538: {  	v7 =	vld [tilespmem:s23+$0xC130]  }
0x539: {  	v8 =	vld [tilespmem:s23+$0xC140]  }
0x53a: {  	v9 =	vld [tilespmem:s23+$0xC150]  }
0x53b: {  	v10 =	vld [tilespmem:s23+$0xC160]  }
0x53c: {  	v11 =	vld [tilespmem:s23+$0xC170]  }
0x53d: {  	[tilespmem:s23+$0x100] =	vst.add.f32.msk $0xffff, v4  }
0x53e: {  	[tilespmem:s23+$0x110] =	vst.add.f32.msk $0xffff, v5  }
0x53f: {  	[tilespmem:s23+$0x120] =	vst.add.f32.msk $0xffff, v6  }
0x540: {  	[tilespmem:s23+$0x130] =	vst.add.f32.msk $0xffff, v7  }
0x541: {  	[tilespmem:s23+$0x140] =	vst.add.f32.msk $0xffff, v8  }
0x542: {  	[tilespmem:s23+$0x150] =	vst.add.f32.msk $0xffff, v9  }
0x543: {  	[tilespmem:s23+$0x160] =	vst.add.f32.msk $0xffff, v10  }
0x544: {  	[tilespmem:s23+$0x170] =	vst.add.f32.msk $0xffff, v11  }
0x545: {  	v4 =	vld [tilespmem:s9+$0xC100]  }
0x546: {  	v5 =	vld [tilespmem:s9+$0xC110]  }
0x547: {  	v6 =	vld [tilespmem:s9+$0xC120]  }
0x548: {  	v7 =	vld [tilespmem:s9+$0xC130]  }
0x549: {  	v8 =	vld [tilespmem:s9+$0xC140]  }
0x54a: {  	v9 =	vld [tilespmem:s9+$0xC150]  }
0x54b: {  	v10 =	vld [tilespmem:s9+$0xC160]  }
0x54c: {  	v11 =	vld [tilespmem:s9+$0xC170]  }
0x54d: {  	[tilespmem:s9+$0x100] =	vst.add.f32.msk $0xffff, v4  }
0x54e: {  	[tilespmem:s9+$0x110] =	vst.add.f32.msk $0xffff, v5  }
0x54f: {  	[tilespmem:s9+$0x120] =	vst.add.f32.msk $0xffff, v6  }
0x550: {  	[tilespmem:s9+$0x130] =	vst.add.f32.msk $0xffff, v7  }
0x551: {  	[tilespmem:s9+$0x140] =	vst.add.f32.msk $0xffff, v8  }
0x552: {  	[tilespmem:s9+$0x150] =	vst.add.f32.msk $0xffff, v9  }
0x553: {  	[tilespmem:s9+$0x160] =	vst.add.f32.msk $0xffff, v10  }
0x554: {  	[tilespmem:s9+$0x170] =	vst.add.f32.msk $0xffff, v11  }
0x555: {  	v9 =	vld [tilespmem:s21+$0xC100]  }
0x556: {  	v10 =	vld [tilespmem:s21+$0xC110]  }
0x557: {  	v11 =	vld [tilespmem:s21+$0xC120]  }
0x558: {  	v12 =	vld [tilespmem:s21+$0xC130]  }
0x559: {  	v13 =	vld [tilespmem:s21+$0xC140]  }
0x55a: {  	v14 =	vld [tilespmem:s21+$0xC150]  }
0x55b: {  	v15 =	vld [tilespmem:s21+$0xC160]  }
0x55c: {  	v16 =	vld [tilespmem:s21+$0xC170]  }
0x55d: {  	v17 =	vld [tilespmem:s0+$0xC100]  }
0x55e: {  	v18 =	vld [tilespmem:s0+$0xC110]  }
0x55f: {  	v8 =	vld [tilespmem:s0+$0xC120]  }
0x560: {  	v7 =	vld [tilespmem:s0+$0xC130]  }
0x561: {  	v6 =	vld [tilespmem:s0+$0xC140]  }
0x562: {  	v5 =	vld [tilespmem:s0+$0xC150]  }
0x563: {  	v4 =	vld [tilespmem:s0+$0xC160]  }
0x564: {  	[tilespmem:s21+$0x100] =	vst.add.f32.msk $0xffff, v9  }
0x565: {  	[tilespmem:s21+$0x110] =	vst.add.f32.msk $0xffff, v10  }
0x566: {  	[tilespmem:s21+$0x120] =	vst.add.f32.msk $0xffff, v11  }
0x567: {  	[tilespmem:s21+$0x130] =	vst.add.f32.msk $0xffff, v12  }
0x568: {  	[tilespmem:s21+$0x140] =	vst.add.f32.msk $0xffff, v13  }
.Ltmp2:
0x569: {  	[tilespmem:s21+$0x150] =	vst.add.f32.msk $0xffff, v14;
	(pc) =	sbr.rel @p0 .LBB2_6-.Ltmp2, $4  }
0x56a: {  	[tilespmem:s21+$0x160] =	vst.add.f32.msk $0xffff, v15  }
0x56b: {  	[tilespmem:s21+$0x170] =	vst.add.f32.msk $0xffff, v16  }
0x56c: {  	[tilespmem:s0+$0x100] =	vst.add.f32.msk $0xffff, v17  }
0x56d: {  	[tilespmem:s0+$0x110] =	vst.add.f32.msk $0xffff, v18  }
0x56e: {  	[tilespmem:s0+$0x120] =	vst.add.f32.msk $0xffff, v8  }
0x56f: {  	[tilespmem:s0+$0x130] =	vst.add.f32.msk $0xffff, v7  }
0x570: {  	[tilespmem:s0+$0x140] =	vst.add.f32.msk $0xffff, v6  }
0x571: {  	[tilespmem:s0+$0x150] =	vst.add.f32.msk $0xffff, v5  }
0x572: {  	[tilespmem:s0+$0x160] =	vst.add.f32.msk $0xffff, v4;
	s31 =	simm.s32 $0x0  }
0x573: {  	[hbm4b:s16+s31] =	stream.linear.scatter [tilespmem:s20], [sflag:$0x5], $0x6000, $0x38;
	[tilespmem:$0x18100] =	vst v63  }
0x574: {  	_ =	swait.ge [sflag:s28], $0x6000  }
0x575: {  	[sflag:s28] =	ssyncset.done $0x0  }
0x576: {  	s12 =	simm.s32 $0x0;
	[sflag:s28] =	ssyncadd.s32 $0xFFFFA000  }
0x577: {  	s5 =	smul.u32 $0x1800, s12;
	s1 =	sand.u32 $0x300, s31;
	_ =	swait.ge [sflag:s4], $0x6000  }
0x578: {  	s0 =	sor.u32 $0x80, s1;
	[sflag:s4] =	ssyncset.done $0x0  }
0x579: {  	s9 =	sor.u32 s5, s0;
	[sflag:s4] =	ssyncadd.s32 $0xFFFFA000  }
0x57a: {  	v4 =	vld [tilespmem:s9+$0x12100]  }
0x57b: {  	v5 =	vld [tilespmem:s9+$0x12110]  }
0x57c: {  	v6 =	vld [tilespmem:s9+$0x12120]  }
0x57d: {  	v7 =	vld [tilespmem:s9+$0x12130]  }
0x57e: {  	v8 =	vld [tilespmem:s9+$0x12140]  }
0x57f: {  	v9 =	vld [tilespmem:s9+$0x12150]  }
0x580: {  	v10 =	vld [tilespmem:s9+$0x12160]  }
0x581: {  	v11 =	vld [tilespmem:s9+$0x12170]  }
0x582: {  	v12 =	vld [tilespmem:s9+$0x12500]  }
0x583: {  	v13 =	vld [tilespmem:s9+$0x12510]  }
0x584: {  	v14 =	vld [tilespmem:s9+$0x12520]  }
0x585: {  	v15 =	vld [tilespmem:s9+$0x12530]  }
0x586: {  	v16 =	vld [tilespmem:s9+$0x12540]  }
0x587: {  	v17 =	vld [tilespmem:s9+$0x12550]  }
0x588: {  	v18 =	vld [tilespmem:s9+$0x12560]  }
0x589: {  	v19 =	vld [tilespmem:s9+$0x12570]  }
0x58a: {  	[tilespmem:s9+$0x6100] =	vst.add.f32.msk $0xffff, v4  }
0x58b: {  	[tilespmem:s9+$0x6110] =	vst.add.f32.msk $0xffff, v5  }
0x58c: {  	[tilespmem:s9+$0x6120] =	vst.add.f32.msk $0xffff, v6  }
0x58d: {  	[tilespmem:s9+$0x6130] =	vst.add.f32.msk $0xffff, v7  }
0x58e: {  	[tilespmem:s9+$0x6140] =	vst.add.f32.msk $0xffff, v8  }
0x58f: {  	[tilespmem:s9+$0x6150] =	vst.add.f32.msk $0xffff, v9  }
0x590: {  	[tilespmem:s9+$0x6160] =	vst.add.f32.msk $0xffff, v10  }
0x591: {  	[tilespmem:s9+$0x6170] =	vst.add.f32.msk $0xffff, v11  }
0x592: {  	[tilespmem:s9+$0x6500] =	vst.add.f32.msk $0xffff, v12  }
0x593: {  	[tilespmem:s9+$0x6510] =	vst.add.f32.msk $0xffff, v13  }
0x594: {  	[tilespmem:s9+$0x6520] =	vst.add.f32.msk $0xffff, v14  }
0x595: {  	[tilespmem:s9+$0x6530] =	vst.add.f32.msk $0xffff, v15  }
0x596: {  	[tilespmem:s9+$0x6540] =	vst.add.f32.msk $0xffff, v16  }
0x597: {  	[tilespmem:s9+$0x6550] =	vst.add.f32.msk $0xffff, v17  }
0x598: {  	s8 =	sadd.s32 $0x800, s5;
	[tilespmem:s9+$0x6560] =	vst.add.f32.msk $0xffff, v18  }
0x599: {  	s10 =	sor.u32 s0, s8;
	[tilespmem:s9+$0x6570] =	vst.add.f32.msk $0xffff, v19  }
0x59a: {  	v4 =	vld [tilespmem:s10+$0x12100]  }
0x59b: {  	v5 =	vld [tilespmem:s10+$0x12110]  }
0x59c: {  	v6 =	vld [tilespmem:s10+$0x12120]  }
0x59d: {  	v7 =	vld [tilespmem:s10+$0x12130]  }
0x59e: {  	v8 =	vld [tilespmem:s10+$0x12140]  }
0x59f: {  	v9 =	vld [tilespmem:s10+$0x12150]  }
0x5a0: {  	v10 =	vld [tilespmem:s10+$0x12160]  }
0x5a1: {  	v11 =	vld [tilespmem:s10+$0x12170]  }
0x5a2: {  	[tilespmem:s10+$0x6100] =	vst.add.f32.msk $0xffff, v4  }
0x5a3: {  	[tilespmem:s10+$0x6110] =	vst.add.f32.msk $0xffff, v5  }
0x5a4: {  	[tilespmem:s10+$0x6120] =	vst.add.f32.msk $0xffff, v6  }
0x5a5: {  	[tilespmem:s10+$0x6130] =	vst.add.f32.msk $0xffff, v7  }
0x5a6: {  	[tilespmem:s10+$0x6140] =	vst.add.f32.msk $0xffff, v8  }
0x5a7: {  	[tilespmem:s10+$0x6150] =	vst.add.f32.msk $0xffff, v9  }
0x5a8: {  	s21 =	sadd.s32 $0xC00, s5;
	[tilespmem:s10+$0x6160] =	vst.add.f32.msk $0xffff, v10  }
0x5a9: {  	s11 =	sor.u32 s0, s21;
	[tilespmem:s10+$0x6170] =	vst.add.f32.msk $0xffff, v11  }
0x5aa: {  	v4 =	vld [tilespmem:s11+$0x12100]  }
0x5ab: {  	v5 =	vld [tilespmem:s11+$0x12110]  }
0x5ac: {  	v6 =	vld [tilespmem:s11+$0x12120]  }
0x5ad: {  	v7 =	vld [tilespmem:s11+$0x12130]  }
0x5ae: {  	v8 =	vld [tilespmem:s11+$0x12140]  }
0x5af: {  	v9 =	vld [tilespmem:s11+$0x12150]  }
0x5b0: {  	v10 =	vld [tilespmem:s11+$0x12160]  }
0x5b1: {  	v11 =	vld [tilespmem:s11+$0x12170]  }
0x5b2: {  	[tilespmem:s11+$0x6100] =	vst.add.f32.msk $0xffff, v4  }
0x5b3: {  	[tilespmem:s11+$0x6110] =	vst.add.f32.msk $0xffff, v5  }
0x5b4: {  	[tilespmem:s11+$0x6120] =	vst.add.f32.msk $0xffff, v6  }
0x5b5: {  	[tilespmem:s11+$0x6130] =	vst.add.f32.msk $0xffff, v7  }
0x5b6: {  	[tilespmem:s11+$0x6140] =	vst.add.f32.msk $0xffff, v8  }
0x5b7: {  	[tilespmem:s11+$0x6150] =	vst.add.f32.msk $0xffff, v9  }
0x5b8: {  	s23 =	sadd.s32 $0x1000, s5;
	[tilespmem:s11+$0x6160] =	vst.add.f32.msk $0xffff, v10  }
0x5b9: {  	s12 =	sor.u32 s0, s23;
	[tilespmem:s11+$0x6170] =	vst.add.f32.msk $0xffff, v11  }
0x5ba: {  	v4 =	vld [tilespmem:s12+$0x12100]  }
0x5bb: {  	v5 =	vld [tilespmem:s12+$0x12110]  }
0x5bc: {  	v6 =	vld [tilespmem:s12+$0x12120]  }
0x5bd: {  	v7 =	vld [tilespmem:s12+$0x12130]  }
0x5be: {  	v8 =	vld [tilespmem:s12+$0x12140]  }
0x5bf: {  	v9 =	vld [tilespmem:s12+$0x12150]  }
0x5c0: {  	v10 =	vld [tilespmem:s12+$0x12160]  }
0x5c1: {  	s11 =	sadd.s32 $0x1400, s5;
	s5 =	sor.u32 s1, s5;
	v11 =	vld [tilespmem:s12+$0x12170]  }
0x5c2: {  	v54 =	vld [tilespmem:s5+$0x12500]  }
0x5c3: {  	v55 =	vld [tilespmem:s5+$0x12510]  }
0x5c4: {  	v56 =	vld [tilespmem:s5+$0x12520]  }
0x5c5: {  	v57 =	vld [tilespmem:s5+$0x12530]  }
0x5c6: {  	v58 =	vld [tilespmem:s5+$0x12540]  }
0x5c7: {  	v59 =	vld [tilespmem:s5+$0x12550]  }
0x5c8: {  	v60 =	vld [tilespmem:s5+$0x12560]  }
0x5c9: {  	v61 =	vld [tilespmem:s5+$0x12570]  }
0x5ca: {  	[tilespmem:s12+$0x6100] =	vst.add.f32.msk $0xffff, v4  }
0x5cb: {  	[tilespmem:s12+$0x6110] =	vst.add.f32.msk $0xffff, v5  }
0x5cc: {  	[tilespmem:s12+$0x6120] =	vst.add.f32.msk $0xffff, v6  }
0x5cd: {  	[tilespmem:s12+$0x6130] =	vst.add.f32.msk $0xffff, v7  }
0x5ce: {  	[tilespmem:s12+$0x6140] =	vst.add.f32.msk $0xffff, v8  }
0x5cf: {  	[tilespmem:s12+$0x6150] =	vst.add.f32.msk $0xffff, v9  }
0x5d0: {  	[tilespmem:s12+$0x6160] =	vst.add.f32.msk $0xffff, v10  }
0x5d1: {  	[tilespmem:s12+$0x6170] =	vst.add.f32.msk $0xffff, v11  }
0x5d2: {  	v5 =	vld [tilespmem:s5+$0x12100]  }
0x5d3: {  	v6 =	vld [tilespmem:s5+$0x12110]  }
0x5d4: {  	v7 =	vld [tilespmem:s5+$0x12120]  }
0x5d5: {  	v8 =	vld [tilespmem:s5+$0x12130]  }
0x5d6: {  	v9 =	vld [tilespmem:s5+$0x12150]  }
0x5d7: {  	v10 =	vld [tilespmem:s5+$0x12160]  }
0x5d8: {  	v11 =	vld [tilespmem:s5+$0x12170]  }
0x5d9: {  	[tilespmem:s5+$0x6500] =	vst.add.f32.msk $0xffff, v54  }
0x5da: {  	[tilespmem:s5+$0x6510] =	vst.add.f32.msk $0xffff, v55  }
0x5db: {  	[tilespmem:s5+$0x6520] =	vst.add.f32.msk $0xffff, v56  }
0x5dc: {  	[tilespmem:s5+$0x6530] =	vst.add.f32.msk $0xffff, v57  }
0x5dd: {  	[tilespmem:s5+$0x6540] =	vst.add.f32.msk $0xffff, v58  }
0x5de: {  	[tilespmem:s5+$0x6550] =	vst.add.f32.msk $0xffff, v59  }
0x5df: {  	[tilespmem:s5+$0x6560] =	vst.add.f32.msk $0xffff, v60  }
0x5e0: {  	s0 =	sor.u32 s0, s11;
	[tilespmem:s5+$0x6570] =	vst.add.f32.msk $0xffff, v61  }
0x5e1: {  	v4 =	vld [tilespmem:s0+$0x12170]  }
0x5e2: {  	v62 =	vld [tilespmem:s0+$0x12100]  }
0x5e3: {  	v63 =	vld [tilespmem:s0+$0x12110]  }
0x5e4: {  	[tilespmem:s5+$0x6100] =	vst.add.f32.msk $0xffff, v5  }
0x5e5: {  	[tilespmem:s5+$0x6110] =	vst.add.f32.msk $0xffff, v6  }
0x5e6: {  	[tilespmem:s5+$0x6120] =	vst.add.f32.msk $0xffff, v7  }
0x5e7: {  	[tilespmem:s5+$0x6130] =	vst.add.f32.msk $0xffff, v8  }
0x5e8: {  	[tilespmem:s5+$0x6150] =	vst.add.f32.msk $0xffff, v9  }
0x5e9: {  	[tilespmem:s0+$0x6170] =	vst.add.f32.msk $0xffff, v4  }
0x5ea: {  	v4 =	vld [tilespmem:s5+$0x12140]  }
0x5eb: {  	[tilespmem:s5+$0x6160] =	vst.add.f32.msk $0xffff, v10  }
0x5ec: {  	[tilespmem:s5+$0x6170] =	vst.add.f32.msk $0xffff, v11  }
0x5ed: {  	[tilespmem:s0+$0x6100] =	vst.add.f32.msk $0xffff, v62  }
0x5ee: {  	[tilespmem:s0+$0x6110] =	vst.add.f32.msk $0xffff, v63  }
0x5ef: {  	s8 =	sor.u32 s1, s8;
	[tilespmem:s5+$0x6140] =	vst.add.f32.msk $0xffff, v4  }
0x5f0: {  	v4 =	vld [tilespmem:s8+$0x12100]  }
0x5f1: {  	v5 =	vld [tilespmem:s8+$0x12110]  }
0x5f2: {  	v6 =	vld [tilespmem:s8+$0x12120]  }
0x5f3: {  	v7 =	vld [tilespmem:s8+$0x12130]  }
0x5f4: {  	v8 =	vld [tilespmem:s8+$0x12140]  }
0x5f5: {  	v9 =	vld [tilespmem:s8+$0x12150]  }
0x5f6: {  	v10 =	vld [tilespmem:s8+$0x12160]  }
0x5f7: {  	v11 =	vld [tilespmem:s8+$0x12170]  }
0x5f8: {  	[tilespmem:s8+$0x6100] =	vst.add.f32.msk $0xffff, v4  }
0x5f9: {  	[tilespmem:s8+$0x6110] =	vst.add.f32.msk $0xffff, v5  }
0x5fa: {  	[tilespmem:s8+$0x6120] =	vst.add.f32.msk $0xffff, v6  }
0x5fb: {  	[tilespmem:s8+$0x6130] =	vst.add.f32.msk $0xffff, v7  }
0x5fc: {  	[tilespmem:s8+$0x6140] =	vst.add.f32.msk $0xffff, v8  }
0x5fd: {  	[tilespmem:s8+$0x6150] =	vst.add.f32.msk $0xffff, v9  }
0x5fe: {  	[tilespmem:s8+$0x6160] =	vst.add.f32.msk $0xffff, v10  }
0x5ff: {  	s21 =	sor.u32 s1, s21;
	[tilespmem:s8+$0x6170] =	vst.add.f32.msk $0xffff, v11  }
0x600: {  	v4 =	vld [tilespmem:s21+$0x12100]  }
0x601: {  	v5 =	vld [tilespmem:s21+$0x12110]  }
0x602: {  	v6 =	vld [tilespmem:s21+$0x12120]  }
0x603: {  	v7 =	vld [tilespmem:s21+$0x12130]  }
0x604: {  	v8 =	vld [tilespmem:s21+$0x12140]  }
0x605: {  	v9 =	vld [tilespmem:s21+$0x12150]  }
0x606: {  	v10 =	vld [tilespmem:s21+$0x12160]  }
0x607: {  	v11 =	vld [tilespmem:s21+$0x12170]  }
0x608: {  	[tilespmem:s21+$0x6100] =	vst.add.f32.msk $0xffff, v4  }
0x609: {  	[tilespmem:s21+$0x6110] =	vst.add.f32.msk $0xffff, v5  }
0x60a: {  	[tilespmem:s21+$0x6120] =	vst.add.f32.msk $0xffff, v6  }
0x60b: {  	[tilespmem:s21+$0x6130] =	vst.add.f32.msk $0xffff, v7  }
0x60c: {  	[tilespmem:s21+$0x6140] =	vst.add.f32.msk $0xffff, v8  }
0x60d: {  	[tilespmem:s21+$0x6150] =	vst.add.f32.msk $0xffff, v9  }
0x60e: {  	[tilespmem:s21+$0x6160] =	vst.add.f32.msk $0xffff, v10  }
0x60f: {  	s23 =	sor.u32 s1, s23;
	[tilespmem:s21+$0x6170] =	vst.add.f32.msk $0xffff, v11  }
0x610: {  	v4 =	vld [tilespmem:s23+$0x12100]  }
0x611: {  	v5 =	vld [tilespmem:s23+$0x12110]  }
0x612: {  	v6 =	vld [tilespmem:s23+$0x12120]  }
0x613: {  	v7 =	vld [tilespmem:s23+$0x12130]  }
0x614: {  	v8 =	vld [tilespmem:s23+$0x12140]  }
0x615: {  	v9 =	vld [tilespmem:s23+$0x12150]  }
0x616: {  	v10 =	vld [tilespmem:s23+$0x12160]  }
0x617: {  	v11 =	vld [tilespmem:s23+$0x12170]  }
0x618: {  	[tilespmem:s23+$0x6100] =	vst.add.f32.msk $0xffff, v4  }
0x619: {  	[tilespmem:s23+$0x6110] =	vst.add.f32.msk $0xffff, v5  }
0x61a: {  	[tilespmem:s23+$0x6120] =	vst.add.f32.msk $0xffff, v6  }
0x61b: {  	[tilespmem:s23+$0x6130] =	vst.add.f32.msk $0xffff, v7  }
0x61c: {  	[tilespmem:s23+$0x6140] =	vst.add.f32.msk $0xffff, v8  }
0x61d: {  	[tilespmem:s23+$0x6150] =	vst.add.f32.msk $0xffff, v9  }
0x61e: {  	[tilespmem:s23+$0x6160] =	vst.add.f32.msk $0xffff, v10  }
0x61f: {  	[tilespmem:s23+$0x6170] =	vst.add.f32.msk $0xffff, v11  }
0x620: {  	v8 =	vld [tilespmem:s0+$0x12120]  }
0x621: {  	v7 =	vld [tilespmem:s0+$0x12130]  }
0x622: {  	v6 =	vld [tilespmem:s0+$0x12140]  }
0x623: {  	v5 =	vld [tilespmem:s0+$0x12150]  }
0x624: {  	s1 =	sor.u32 s1, s11;
	v4 =	vld [tilespmem:s0+$0x12160]  }
0x625: {  	v9 =	vld [tilespmem:s1+$0x12100]  }
0x626: {  	v10 =	vld [tilespmem:s1+$0x12110]  }
0x627: {  	v11 =	vld [tilespmem:s1+$0x12120]  }
0x628: {  	v12 =	vld [tilespmem:s1+$0x12130]  }
0x629: {  	v13 =	vld [tilespmem:s1+$0x12140]  }
0x62a: {  	v14 =	vld [tilespmem:s1+$0x12150]  }
0x62b: {  	v15 =	vld [tilespmem:s1+$0x12160]  }
0x62c: {  	v16 =	vld [tilespmem:s1+$0x12170]  }
0x62d: {  	[tilespmem:s1+$0x6100] =	vst.add.f32.msk $0xffff, v9  }
0x62e: {  	[tilespmem:s1+$0x6110] =	vst.add.f32.msk $0xffff, v10  }
0x62f: {  	[tilespmem:s1+$0x6120] =	vst.add.f32.msk $0xffff, v11  }
0x630: {  	[tilespmem:s1+$0x6130] =	vst.add.f32.msk $0xffff, v12  }
0x631: {  	[tilespmem:s1+$0x6140] =	vst.add.f32.msk $0xffff, v13  }
0x632: {  	[tilespmem:s1+$0x6150] =	vst.add.f32.msk $0xffff, v14  }
0x633: {  	[tilespmem:s1+$0x6160] =	vst.add.f32.msk $0xffff, v15  }
0x634: {  	s5 =	simm.s32 $0x0;
	[tilespmem:s1+$0x6170] =	vst.add.f32.msk $0xffff, v16  }
.LBB2_8:
0x635: {  	s5 =	sadd.s32 $0x2, s5;
	[tilespmem:s0+$0x6120] =	vst.add.f32.msk $0xffff, v8  }
0x636: {  	s31 =	sadd.s32 $0x100, s31;
	s1 =	sshrl.u32 s5, $0x3;
	p0 =	slt.u32 s5, $0x1E;
	[tilespmem:s0+$0x6130] =	vst.add.f32.msk $0xffff, v7  }
0x637: {  	s21 =	sand.u32 $0x300, s31;
	s11 =	smul.u32 $0x1800, s1;
	[tilespmem:s0+$0x6140] =	vst.add.f32.msk $0xffff, v6  }
0x638: {  	s10 =	sor.u32 $0x80, s21;
	[tilespmem:s0+$0x6150] =	vst.add.f32.msk $0xffff, v5  }
0x639: {  	s1 =	sor.u32 s21, s11;
	s9 =	sor.u32 s11, s10;
	[tilespmem:s0+$0x6160] =	vst.add.f32.msk $0xffff, v4  }
0x63a: {  	v4 =	vld [tilespmem:s9+$0x12100]  }
0x63b: {  	v5 =	vld [tilespmem:s9+$0x12110]  }
0x63c: {  	v6 =	vld [tilespmem:s9+$0x12120]  }
0x63d: {  	v7 =	vld [tilespmem:s9+$0x12130]  }
0x63e: {  	v8 =	vld [tilespmem:s9+$0x12140]  }
0x63f: {  	v9 =	vld [tilespmem:s9+$0x12150]  }
0x640: {  	v10 =	vld [tilespmem:s9+$0x12160]  }
0x641: {  	v11 =	vld [tilespmem:s9+$0x12170]  }
0x642: {  	v12 =	vld [tilespmem:s9+$0x12500]  }
0x643: {  	v13 =	vld [tilespmem:s9+$0x12510]  }
0x644: {  	v14 =	vld [tilespmem:s9+$0x12520]  }
0x645: {  	v15 =	vld [tilespmem:s9+$0x12530]  }
0x646: {  	v16 =	vld [tilespmem:s9+$0x12540]  }
0x647: {  	v17 =	vld [tilespmem:s9+$0x12550]  }
0x648: {  	v18 =	vld [tilespmem:s9+$0x12560]  }
0x649: {  	v19 =	vld [tilespmem:s9+$0x12570]  }
0x64a: {  	[tilespmem:s9+$0x6100] =	vst.add.f32.msk $0xffff, v4  }
0x64b: {  	[tilespmem:s9+$0x6110] =	vst.add.f32.msk $0xffff, v5  }
0x64c: {  	[tilespmem:s9+$0x6120] =	vst.add.f32.msk $0xffff, v6  }
0x64d: {  	[tilespmem:s9+$0x6130] =	vst.add.f32.msk $0xffff, v7  }
0x64e: {  	[tilespmem:s9+$0x6140] =	vst.add.f32.msk $0xffff, v8  }
0x64f: {  	[tilespmem:s9+$0x6150] =	vst.add.f32.msk $0xffff, v9  }
0x650: {  	[tilespmem:s9+$0x6160] =	vst.add.f32.msk $0xffff, v10  }
0x651: {  	[tilespmem:s9+$0x6170] =	vst.add.f32.msk $0xffff, v11  }
0x652: {  	[tilespmem:s9+$0x6500] =	vst.add.f32.msk $0xffff, v12  }
0x653: {  	[tilespmem:s9+$0x6510] =	vst.add.f32.msk $0xffff, v13  }
0x654: {  	[tilespmem:s9+$0x6520] =	vst.add.f32.msk $0xffff, v14  }
0x655: {  	[tilespmem:s9+$0x6530] =	vst.add.f32.msk $0xffff, v15  }
0x656: {  	[tilespmem:s9+$0x6540] =	vst.add.f32.msk $0xffff, v16  }
0x657: {  	[tilespmem:s9+$0x6550] =	vst.add.f32.msk $0xffff, v17  }
0x658: {  	s0 =	sadd.s32 $0x800, s11;
	[tilespmem:s9+$0x6560] =	vst.add.f32.msk $0xffff, v18  }
0x659: {  	s8 =	sor.u32 s21, s0;
	s0 =	sor.u32 s10, s0;
	[tilespmem:s9+$0x6570] =	vst.add.f32.msk $0xffff, v19  }
0x65a: {  	v4 =	vld [tilespmem:s0+$0x12100]  }
0x65b: {  	v5 =	vld [tilespmem:s0+$0x12110]  }
0x65c: {  	v6 =	vld [tilespmem:s0+$0x12120]  }
0x65d: {  	v7 =	vld [tilespmem:s0+$0x12130]  }
0x65e: {  	v8 =	vld [tilespmem:s0+$0x12140]  }
0x65f: {  	v9 =	vld [tilespmem:s0+$0x12150]  }
0x660: {  	v10 =	vld [tilespmem:s0+$0x12160]  }
0x661: {  	v11 =	vld [tilespmem:s0+$0x12170]  }
0x662: {  	[tilespmem:s0+$0x6100] =	vst.add.f32.msk $0xffff, v4  }
0x663: {  	[tilespmem:s0+$0x6110] =	vst.add.f32.msk $0xffff, v5  }
0x664: {  	[tilespmem:s0+$0x6120] =	vst.add.f32.msk $0xffff, v6  }
0x665: {  	[tilespmem:s0+$0x6130] =	vst.add.f32.msk $0xffff, v7  }
0x666: {  	[tilespmem:s0+$0x6140] =	vst.add.f32.msk $0xffff, v8  }
0x667: {  	[tilespmem:s0+$0x6150] =	vst.add.f32.msk $0xffff, v9  }
0x668: {  	s9 =	sadd.s32 $0xC00, s11;
	[tilespmem:s0+$0x6160] =	vst.add.f32.msk $0xffff, v10  }
0x669: {  	s23 =	sor.u32 s21, s9;
	[tilespmem:s0+$0x6170] =	vst.add.f32.msk $0xffff, v11;
	s0 =	sor.u32 s10, s9  }
0x66a: {  	v4 =	vld [tilespmem:s0+$0x12100]  }
0x66b: {  	v5 =	vld [tilespmem:s0+$0x12110]  }
0x66c: {  	v6 =	vld [tilespmem:s0+$0x12120]  }
0x66d: {  	v7 =	vld [tilespmem:s0+$0x12130]  }
0x66e: {  	v8 =	vld [tilespmem:s0+$0x12140]  }
0x66f: {  	v9 =	vld [tilespmem:s0+$0x12150]  }
0x670: {  	v10 =	vld [tilespmem:s0+$0x12160]  }
0x671: {  	v11 =	vld [tilespmem:s0+$0x12170]  }
0x672: {  	[tilespmem:s0+$0x6100] =	vst.add.f32.msk $0xffff, v4  }
0x673: {  	[tilespmem:s0+$0x6110] =	vst.add.f32.msk $0xffff, v5  }
0x674: {  	[tilespmem:s0+$0x6120] =	vst.add.f32.msk $0xffff, v6  }
0x675: {  	[tilespmem:s0+$0x6130] =	vst.add.f32.msk $0xffff, v7  }
0x676: {  	[tilespmem:s0+$0x6140] =	vst.add.f32.msk $0xffff, v8  }
0x677: {  	[tilespmem:s0+$0x6150] =	vst.add.f32.msk $0xffff, v9  }
0x678: {  	s12 =	sadd.s32 $0x1000, s11;
	[tilespmem:s0+$0x6160] =	vst.add.f32.msk $0xffff, v10  }
0x679: {  	s9 =	sor.u32 s21, s12;
	[tilespmem:s0+$0x6170] =	vst.add.f32.msk $0xffff, v11;
	s0 =	sor.u32 s10, s12  }
0x67a: {  	v4 =	vld [tilespmem:s0+$0x12100]  }
0x67b: {  	v5 =	vld [tilespmem:s0+$0x12110]  }
0x67c: {  	v6 =	vld [tilespmem:s0+$0x12120]  }
0x67d: {  	v7 =	vld [tilespmem:s0+$0x12130]  }
0x67e: {  	v8 =	vld [tilespmem:s0+$0x12140]  }
0x67f: {  	v9 =	vld [tilespmem:s0+$0x12150]  }
0x680: {  	v10 =	vld [tilespmem:s0+$0x12160]  }
0x681: {  	v11 =	vld [tilespmem:s0+$0x12170]  }
0x682: {  	[tilespmem:s0+$0x6100] =	vst.add.f32.msk $0xffff, v4  }
0x683: {  	[tilespmem:s0+$0x6110] =	vst.add.f32.msk $0xffff, v5  }
0x684: {  	[tilespmem:s0+$0x6120] =	vst.add.f32.msk $0xffff, v6  }
0x685: {  	[tilespmem:s0+$0x6130] =	vst.add.f32.msk $0xffff, v7  }
0x686: {  	[tilespmem:s0+$0x6140] =	vst.add.f32.msk $0xffff, v8  }
0x687: {  	[tilespmem:s0+$0x6150] =	vst.add.f32.msk $0xffff, v9  }
0x688: {  	s11 =	sadd.s32 $0x1400, s11;
	[tilespmem:s0+$0x6160] =	vst.add.f32.msk $0xffff, v10  }
0x689: {  	s21 =	sor.u32 s21, s11;
	[tilespmem:s0+$0x6170] =	vst.add.f32.msk $0xffff, v11;
	s0 =	sor.u32 s10, s11  }
0x68a: {  	v4 =	vld [tilespmem:s0+$0x12170]  }
0x68b: {  	v5 =	vld [tilespmem:s1+$0x12100]  }
0x68c: {  	v6 =	vld [tilespmem:s1+$0x12110]  }
0x68d: {  	v7 =	vld [tilespmem:s1+$0x12120]  }
0x68e: {  	v8 =	vld [tilespmem:s1+$0x12130]  }
0x68f: {  	[tilespmem:s0+$0x6170] =	vst.add.f32.msk $0xffff, v4  }
0x690: {  	v4 =	vld [tilespmem:s1+$0x12140]  }
0x691: {  	v9 =	vld [tilespmem:s1+$0x12150]  }
0x692: {  	v10 =	vld [tilespmem:s1+$0x12160]  }
0x693: {  	v11 =	vld [tilespmem:s1+$0x12170]  }
0x694: {  	v12 =	vld [tilespmem:s1+$0x12500]  }
0x695: {  	v13 =	vld [tilespmem:s1+$0x12510]  }
0x696: {  	v14 =	vld [tilespmem:s1+$0x12520]  }
0x697: {  	v15 =	vld [tilespmem:s1+$0x12530]  }
0x698: {  	v16 =	vld [tilespmem:s1+$0x12540]  }
0x699: {  	v17 =	vld [tilespmem:s1+$0x12550]  }
0x69a: {  	v18 =	vld [tilespmem:s1+$0x12560]  }
0x69b: {  	v19 =	vld [tilespmem:s1+$0x12570]  }
0x69c: {  	[tilespmem:s1+$0x6100] =	vst.add.f32.msk $0xffff, v5  }
0x69d: {  	[tilespmem:s1+$0x6110] =	vst.add.f32.msk $0xffff, v6  }
0x69e: {  	[tilespmem:s1+$0x6120] =	vst.add.f32.msk $0xffff, v7  }
0x69f: {  	[tilespmem:s1+$0x6130] =	vst.add.f32.msk $0xffff, v8  }
0x6a0: {  	[tilespmem:s1+$0x6140] =	vst.add.f32.msk $0xffff, v4  }
0x6a1: {  	[tilespmem:s1+$0x6150] =	vst.add.f32.msk $0xffff, v9  }
0x6a2: {  	[tilespmem:s1+$0x6160] =	vst.add.f32.msk $0xffff, v10  }
0x6a3: {  	[tilespmem:s1+$0x6170] =	vst.add.f32.msk $0xffff, v11  }
0x6a4: {  	[tilespmem:s1+$0x6500] =	vst.add.f32.msk $0xffff, v12  }
0x6a5: {  	[tilespmem:s1+$0x6510] =	vst.add.f32.msk $0xffff, v13  }
0x6a6: {  	[tilespmem:s1+$0x6520] =	vst.add.f32.msk $0xffff, v14  }
0x6a7: {  	[tilespmem:s1+$0x6530] =	vst.add.f32.msk $0xffff, v15  }
0x6a8: {  	[tilespmem:s1+$0x6540] =	vst.add.f32.msk $0xffff, v16  }
0x6a9: {  	[tilespmem:s1+$0x6550] =	vst.add.f32.msk $0xffff, v17  }
0x6aa: {  	[tilespmem:s1+$0x6560] =	vst.add.f32.msk $0xffff, v18  }
0x6ab: {  	[tilespmem:s1+$0x6570] =	vst.add.f32.msk $0xffff, v19  }
0x6ac: {  	v4 =	vld [tilespmem:s8+$0x12100]  }
0x6ad: {  	v5 =	vld [tilespmem:s8+$0x12110]  }
0x6ae: {  	v6 =	vld [tilespmem:s8+$0x12120]  }
0x6af: {  	v7 =	vld [tilespmem:s8+$0x12130]  }
0x6b0: {  	v8 =	vld [tilespmem:s8+$0x12140]  }
0x6b1: {  	v9 =	vld [tilespmem:s8+$0x12150]  }
0x6b2: {  	v10 =	vld [tilespmem:s8+$0x12160]  }
0x6b3: {  	v11 =	vld [tilespmem:s8+$0x12170]  }
0x6b4: {  	[tilespmem:s8+$0x6100] =	vst.add.f32.msk $0xffff, v4  }
0x6b5: {  	[tilespmem:s8+$0x6110] =	vst.add.f32.msk $0xffff, v5  }
0x6b6: {  	[tilespmem:s8+$0x6120] =	vst.add.f32.msk $0xffff, v6  }
0x6b7: {  	[tilespmem:s8+$0x6130] =	vst.add.f32.msk $0xffff, v7  }
0x6b8: {  	[tilespmem:s8+$0x6140] =	vst.add.f32.msk $0xffff, v8  }
0x6b9: {  	[tilespmem:s8+$0x6150] =	vst.add.f32.msk $0xffff, v9  }
0x6ba: {  	[tilespmem:s8+$0x6160] =	vst.add.f32.msk $0xffff, v10  }
0x6bb: {  	[tilespmem:s8+$0x6170] =	vst.add.f32.msk $0xffff, v11  }
0x6bc: {  	v4 =	vld [tilespmem:s23+$0x12100]  }
0x6bd: {  	v5 =	vld [tilespmem:s23+$0x12110]  }
0x6be: {  	v6 =	vld [tilespmem:s23+$0x12120]  }
0x6bf: {  	v7 =	vld [tilespmem:s23+$0x12130]  }
0x6c0: {  	v8 =	vld [tilespmem:s23+$0x12140]  }
0x6c1: {  	v9 =	vld [tilespmem:s23+$0x12150]  }
0x6c2: {  	v10 =	vld [tilespmem:s23+$0x12160]  }
0x6c3: {  	v11 =	vld [tilespmem:s23+$0x12170]  }
0x6c4: {  	[tilespmem:s23+$0x6100] =	vst.add.f32.msk $0xffff, v4  }
0x6c5: {  	[tilespmem:s23+$0x6110] =	vst.add.f32.msk $0xffff, v5  }
0x6c6: {  	[tilespmem:s23+$0x6120] =	vst.add.f32.msk $0xffff, v6  }
0x6c7: {  	[tilespmem:s23+$0x6130] =	vst.add.f32.msk $0xffff, v7  }
0x6c8: {  	[tilespmem:s23+$0x6140] =	vst.add.f32.msk $0xffff, v8  }
0x6c9: {  	[tilespmem:s23+$0x6150] =	vst.add.f32.msk $0xffff, v9  }
0x6ca: {  	[tilespmem:s23+$0x6160] =	vst.add.f32.msk $0xffff, v10  }
0x6cb: {  	[tilespmem:s23+$0x6170] =	vst.add.f32.msk $0xffff, v11  }
0x6cc: {  	v4 =	vld [tilespmem:s9+$0x12100]  }
0x6cd: {  	v5 =	vld [tilespmem:s9+$0x12110]  }
0x6ce: {  	v6 =	vld [tilespmem:s9+$0x12120]  }
0x6cf: {  	v7 =	vld [tilespmem:s9+$0x12130]  }
0x6d0: {  	v8 =	vld [tilespmem:s9+$0x12140]  }
0x6d1: {  	v9 =	vld [tilespmem:s9+$0x12150]  }
0x6d2: {  	v10 =	vld [tilespmem:s9+$0x12160]  }
0x6d3: {  	v11 =	vld [tilespmem:s9+$0x12170]  }
0x6d4: {  	[tilespmem:s9+$0x6100] =	vst.add.f32.msk $0xffff, v4  }
0x6d5: {  	[tilespmem:s9+$0x6110] =	vst.add.f32.msk $0xffff, v5  }
0x6d6: {  	[tilespmem:s9+$0x6120] =	vst.add.f32.msk $0xffff, v6  }
0x6d7: {  	[tilespmem:s9+$0x6130] =	vst.add.f32.msk $0xffff, v7  }
0x6d8: {  	[tilespmem:s9+$0x6140] =	vst.add.f32.msk $0xffff, v8  }
0x6d9: {  	[tilespmem:s9+$0x6150] =	vst.add.f32.msk $0xffff, v9  }
0x6da: {  	[tilespmem:s9+$0x6160] =	vst.add.f32.msk $0xffff, v10  }
0x6db: {  	[tilespmem:s9+$0x6170] =	vst.add.f32.msk $0xffff, v11  }
0x6dc: {  	v9 =	vld [tilespmem:s21+$0x12100]  }
0x6dd: {  	v10 =	vld [tilespmem:s21+$0x12110]  }
0x6de: {  	v11 =	vld [tilespmem:s21+$0x12120]  }
0x6df: {  	v12 =	vld [tilespmem:s21+$0x12130]  }
0x6e0: {  	v13 =	vld [tilespmem:s21+$0x12140]  }
0x6e1: {  	v14 =	vld [tilespmem:s21+$0x12150]  }
0x6e2: {  	v15 =	vld [tilespmem:s21+$0x12160]  }
0x6e3: {  	v16 =	vld [tilespmem:s21+$0x12170]  }
0x6e4: {  	v17 =	vld [tilespmem:s0+$0x12100]  }
0x6e5: {  	v18 =	vld [tilespmem:s0+$0x12110]  }
0x6e6: {  	v8 =	vld [tilespmem:s0+$0x12120]  }
0x6e7: {  	v7 =	vld [tilespmem:s0+$0x12130]  }
0x6e8: {  	v6 =	vld [tilespmem:s0+$0x12140]  }
0x6e9: {  	v5 =	vld [tilespmem:s0+$0x12150]  }
0x6ea: {  	v4 =	vld [tilespmem:s0+$0x12160]  }
0x6eb: {  	[tilespmem:s21+$0x6100] =	vst.add.f32.msk $0xffff, v9  }
0x6ec: {  	[tilespmem:s21+$0x6110] =	vst.add.f32.msk $0xffff, v10  }
0x6ed: {  	[tilespmem:s21+$0x6120] =	vst.add.f32.msk $0xffff, v11  }
0x6ee: {  	[tilespmem:s21+$0x6130] =	vst.add.f32.msk $0xffff, v12  }
0x6ef: {  	[tilespmem:s21+$0x6140] =	vst.add.f32.msk $0xffff, v13  }
.Ltmp3:
0x6f0: {  	[tilespmem:s21+$0x6150] =	vst.add.f32.msk $0xffff, v14;
	(pc) =	sbr.rel @p0 .LBB2_8-.Ltmp3, $4  }
0x6f1: {  	[tilespmem:s21+$0x6160] =	vst.add.f32.msk $0xffff, v15  }
0x6f2: {  	[tilespmem:s21+$0x6170] =	vst.add.f32.msk $0xffff, v16  }
0x6f3: {  	[tilespmem:s0+$0x6100] =	vst.add.f32.msk $0xffff, v17  }
0x6f4: {  	[tilespmem:s0+$0x6110] =	vst.add.f32.msk $0xffff, v18  }
0x6f5: {  	[tilespmem:s0+$0x6120] =	vst.add.f32.msk $0xffff, v8  }
0x6f6: {  	[tilespmem:s0+$0x6130] =	vst.add.f32.msk $0xffff, v7  }
0x6f7: {  	[tilespmem:s0+$0x6140] =	vst.add.f32.msk $0xffff, v6  }
0x6f8: {  	[tilespmem:s0+$0x6150] =	vst.add.f32.msk $0xffff, v5  }
0x6f9: {  	[tilespmem:s0+$0x6160] =	vst.add.f32.msk $0xffff, v4;
	s30 =	sadd.s32 $0x1, s30  }
0x6fa: {  	[hbm4b:s17+s2] =	stream.linear.scatter [tilespmem:s22], [sflag:$0x6], $0x6000, $0x38;
	[tilespmem:$0x18100] =	vst v63  }
0x6fb: {  	p0 =	sne.s32 s30, s18;
	_ =	swait.ge [sflag:s26], $0x6000  }
.Ltmp4:
0x6fc: {  	[sflag:s26] =	ssyncset.done $0x0;
	(pc) =	sbr.rel @p0 .LBB2_1-.Ltmp4, $4  }
0x6fd: {  	[sflag:s26] =	ssyncadd.s32 $0xFFFFA000  }
0x6fe: {  	_ =	swait.ge [sflag:s29], $0x6000  }
0x6ff: {  	[sflag:s29] =	ssyncset.done $0x0  }
0x700: {  	[sflag:s29] =	ssyncadd.s32 $0xFFFFA000  }
0x701: {  	_ =	sfence.sel $0x180000  }
0x702: {  	[bflag:$0x0] =	sbarrier.arrive $0xFFFF  }
0x703: {  	_ =	strace $0x90000047  }
0x704: {  	s0 =	stileid.u32;
	[bflag:$0x2] =	sbarrier.arrive $0xFFFF  }
0x705: {  	p0 =	sne.s32 s0, $0x0;
	s0 =	rddreg [dreg:$0x4]  }
0x706: {  	s0 =	sadd.s32 @!p0 $0x100000, s0  }
0x707: {  	[sflag:s0] =	ssyncadd.tile.s32 @!p0 $0x1;
	_ =	shalt  }
.Lfunc_end2:
_tile_overlayer_lowered:
.L_overlay_start_2:
0x708: {  	(tag) =	ssettag $0x2  }
0x709: {  	s0 =	rddreg [dreg:$0x0];
	s2 =	stileid.u32  }
0x70a: {  	s1 =	rddreg [dreg:$0x1];
	p0 =	sne.s32 s2, $0x0  }
0x70b: {  	s3 =	rddreg [dreg:$0x2];
	[bflag:$0x3] =	sbarrier.arrive $0xFFFF;
	s2 =	simm.s32 @!p0 $0x1C07  }
0x70c: {  	[timem:s3], [sflag:s2] =	dma.local @!p0 [hbm:s0], s1  }
0x70d: {  	s0 =	simm.s32 @!p0 $0x7  }
0x70e: {  	_ =	swait.ge @!p0 [sflag:s0], s1  }
0x70f: {  	s1 =	ssub.s32 @!p0 $0x0, s1;
	[sflag:s0] =	ssyncset.done @!p0 $0x0  }
0x710: {  	[sflag:s0] =	ssyncadd.s32 @!p0 s1  }
0x711: {  	[bflag:$0x3] =	sbarrier.arrive $0xFFFF  }
0x712: {  	_ =	shalt  }

</sc_bundles>
